<compile_context>
chip_gen: v7x
topology: tpu7x:2x2x1
jax: 0.10.2.dev20260603
libtpu: 0.0.44.dev20260713+nightly
codegen_flags: <defaults>
</compile_context>

<pallas_src>
import functools

import numpy as np
import jax
import jax.numpy as jnp
from jax import lax
from jax.experimental import pallas as pl
from jax.experimental.pallas import tpu as pltpu
from jax.experimental.pallas import tpu_sc as plsc

W = 512
NPIX = W * W
EPS = 1e-8

def _radius_map():
    x = np.tile(np.arange(W, dtype=np.float32), (W, 1)).astype(np.int32)
    y = x.T
    r = np.sqrt((x.astype(np.float32) - 5.0) ** 2
                + (y.astype(np.float32) - 5.0) ** 2)
    return r.astype(np.int32)

_R2D = _radius_map()
NBINS = int(_R2D.max()) + 1
NBINS_PAD = ((NBINS + 15) // 16) * 16
_BIN_COUNT_PAD = np.zeros((NBINS_PAD,), np.float32)
_BIN_COUNT_PAD[:NBINS] = np.bincount(_R2D.reshape(-1), minlength=NBINS)

_ang = -2.0 * np.pi * np.outer(np.arange(W), np.arange(W)) / W
_FR = np.cos(_ang).astype(np.float32)
_FI = np.sin(_ang).astype(np.float32)

NROWS = 264

import ml_dtypes as _mld

def _split_hl(x):
    hi = x.astype(_mld.bfloat16)
    lo = (x - hi.astype(np.float32)).astype(_mld.bfloat16)
    return hi, lo

_FRH, _FRL = _split_hl(_FR)
_FIH, _FIL = _split_hl(_FI)
_FRH_R, _FRL_R = _split_hl(_FR[:NROWS])
_FIH_R, _FIL_R = _split_hl(_FI[:NROWS])


def _dot3(xh, xl, yh, yl):
    d = functools.partial(jnp.dot, preferred_element_type=jnp.float32)
    return d(xh, yh) + d(xh, yl) + d(xl, yh)


def _split_hl_jnp(x):
    hi = x.astype(jnp.bfloat16)
    lo = (x - hi.astype(jnp.float32)).astype(jnp.bfloat16)
    return hi, lo


def _spec_body(x_ref, frh_ref, frl_ref, fih_ref, fil_ref,
               frhr_ref, frlr_ref, fihr_ref, filr_ref, o_ref):
    frh, frl = frh_ref[...], frl_ref[...]
    fih, fil = fih_ref[...], fil_ref[...]
    frhr, frlr = frhr_ref[...], frlr_ref[...]
    fihr, filr = fihr_ref[...], filr_ref[...]
    g = (0.2989 * x_ref[0, 0] + 0.587 * x_ref[0, 1] + 0.114 * x_ref[0, 2])
    gh, gl = _split_hl_jnp(g)
    a = _dot3(frhr, frlr, gh, gl)
    b = _dot3(fihr, filr, gh, gl)
    ah, al = _split_hl_jnp(a)
    bh, bl = _split_hl_jnp(b)
    re = (_dot3(ah, al, frh, frl) - _dot3(bh, bl, fih, fil)) + EPS
    im = (_dot3(ah, al, fih, fil) + _dot3(bh, bl, frh, frl)) + EPS
    o_ref[0] = jnp.log(jnp.sqrt(re * re + im * im) + EPS)


def _spectra_one(x, mats):
    return pl.pallas_call(
        _spec_body,
        grid=(16,),
        in_specs=[
            pl.BlockSpec((1, 3, W, W), lambda i: (i, 0, 0, 0)),
            pl.BlockSpec((W, W), lambda i: (0, 0)),
            pl.BlockSpec((W, W), lambda i: (0, 0)),
            pl.BlockSpec((W, W), lambda i: (0, 0)),
            pl.BlockSpec((W, W), lambda i: (0, 0)),
            pl.BlockSpec((NROWS, W), lambda i: (0, 0)),
            pl.BlockSpec((NROWS, W), lambda i: (0, 0)),
            pl.BlockSpec((NROWS, W), lambda i: (0, 0)),
            pl.BlockSpec((NROWS, W), lambda i: (0, 0)),
        ],
        out_specs=pl.BlockSpec((1, NROWS, W), lambda i: (i, 0, 0)),
        out_shape=jax.ShapeDtypeStruct((16, NROWS, W), jnp.float32),
    )(x, *mats)


_NC, _NS = 2, 16
HSTRIDE = NBINS_PAD + 1
HWORDS = 16 * HSTRIDE
_LANE = (np.arange(W)[None, :] % 16) * HSTRIDE
_RROLL = np.roll(_R2D, (W // 2, W // 2), axis=(0, 1))
_DUMMY = NBINS_PAD - 1
_MIRROR = _RROLL[(-np.arange(W)) % W][:, (-np.arange(W)) % W]

_IDX1 = np.full((NROWS, W), _DUMMY, np.int32)
_IDX1[:257] = _RROLL[:257]
_IDX2 = np.full((NROWS, W), _DUMMY, np.int32)
_IDX2[1:256] = _MIRROR[1:256]
_IDX1 = (_IDX1 + _LANE).astype(np.int32)
_IDX2 = (_IDX2 + _LANE).astype(np.int32)
_IDXP = (_IDX1 | (_IDX2 << 16)).astype(np.int32)

_KU = 8


CHUNK_ROWS2 = 8


def _hist_run(mag_hbm, img, half, out_hbm, idxp_hbm,
              ip_v, mag_v, hist_v, hsum_v, sem_i, sem_m):
    zeros16 = jnp.zeros((16,), jnp.float32)
    lo = 16 * half
    hi = 16 + 17 * half

    def zero_body(j, _):
        hist_v[pl.ds(j * 16, 16)] = zeros16
        return 0

    lax.fori_loop(0, HWORDS // 16, zero_body, 0)

    def start(c):
        slot = lax.rem(c, 2)
        rows = pl.ds(c * CHUNK_ROWS2, CHUNK_ROWS2)
        pltpu.async_copy(idxp_hbm.at[rows, :], ip_v.at[slot], sem_i)
        pltpu.async_copy(mag_hbm.at[img, rows, :], mag_v.at[slot], sem_m)

    def wait(c):
        slot = lax.rem(c, 2)
        rows = pl.ds(c * CHUNK_ROWS2, CHUNK_ROWS2)
        pltpu.make_async_copy(idxp_hbm.at[rows, :], ip_v.at[slot], sem_i).wait()
        pltpu.make_async_copy(mag_hbm.at[img, rows, :], mag_v.at[slot], sem_m).wait()

    start(lo)

    def chunk_body(c, _):
        wait(c)

        @pl.when(c + 1 < hi)
        def _():
            start(c + 1)

        slot = lax.rem(c, 2)

        def row_body(i, _):
            for jb in range(W // 16 // _KU):
                ips = [ip_v[slot, i, pl.ds((jb * _KU + u) * 16, 16)]
                       for u in range(_KU)]
                ms = [mag_v[slot, i, pl.ds((jb * _KU + u) * 16, 16)]
                      for u in range(_KU)]
                i1s = [jnp.bitwise_and(ip, 0xFFFF) for ip in ips]
                i2s = [jnp.right_shift(ip, 16) for ip in ips]
                for u in range(_KU):
                    plsc.addupdate_scatter(hist_v, [i1s[u]], ms[u])
                    plsc.addupdate_scatter(hist_v, [i2s[u]], ms[u])
            return 0

        lax.fori_loop(0, CHUNK_ROWS2, row_body, 0)
        return 0

    lax.fori_loop(lo, hi, chunk_body, 0)

    def red_body(j, _):
        acc = hist_v[pl.ds(j * 16, 16)]
        for l in range(1, 16):
            acc = acc + hist_v[pl.ds(l * HSTRIDE + j * 16, 16)]
        hsum_v[pl.ds(j * 16, 16)] = acc
        return 0

    lax.fori_loop(0, NBINS_PAD // 16, red_body, 0)
    pltpu.sync_copy(hsum_v, out_hbm.at[half, img])


@functools.cache
def _get_hist_kernel():
    @functools.partial(
        pl.kernel,
        out_type=jax.ShapeDtypeStruct((2, 16, NBINS_PAD), jnp.float32),
        mesh=plsc.VectorSubcoreMesh(core_axis_name="c", subcore_axis_name="s"),
        compiler_params=pltpu.CompilerParams(use_tc_tiling_on_sc=True,
                                             needs_layout_passes=False),
        scratch_types=[
            pltpu.VMEM((2, CHUNK_ROWS2, W), jnp.int32),
            pltpu.VMEM((2, CHUNK_ROWS2, W), jnp.float32),
            pltpu.VMEM((HWORDS,), jnp.float32),
            pltpu.VMEM((NBINS_PAD,), jnp.float32),
            pltpu.SemaphoreType.DMA,
            pltpu.SemaphoreType.DMA,
        ],
    )
    def _hist_kernel(mag_hbm, idxp_hbm, out_hbm,
                     ip_v, mag_v, hist_v, hsum_v, sem_i, sem_m):
        wid = lax.axis_index("s") * _NC + lax.axis_index("c")
        _hist_run(mag_hbm, wid >> 1, wid & 1, out_hbm, idxp_hbm,
                  ip_v, mag_v, hist_v, hsum_v, sem_i, sem_m)

    return _hist_kernel


def _loss_body(hp_ref, ht_ref, cnt_ref, out_ref):
    mask = lax.broadcasted_iota(jnp.int32, (16, NBINS_PAD), 1) < NBINS
    cnt = cnt_ref[...]

    def feat(h_ref):
        h = h_ref[0] + h_ref[1]
        f = h / (cnt + 1e-10)
        mn = jnp.min(jnp.where(mask, f, jnp.inf), axis=1, keepdims=True)
        mx = jnp.max(jnp.where(mask, f, -jnp.inf), axis=1, keepdims=True)
        return (f - mn) / (mx - mn)

    d = jnp.where(mask, feat(hp_ref) - feat(ht_ref), 0.0)
    out_ref[...] = (jnp.sum(d * d) / (16.0 * NBINS)).reshape(1, 1)


def _loss(hp, ht, cnt):
    return pl.pallas_call(
        _loss_body,
        out_shape=jax.ShapeDtypeStruct((1, 1), jnp.float32),
    )(hp, ht, cnt)


def kernel(pred, target):
    mats = [jnp.asarray(m) for m in (_FRH, _FRL, _FIH, _FIL,
                                     _FRH_R, _FRL_R, _FIH_R, _FIL_R)]
    idxp = jnp.asarray(_IDXP)
    cnt = jnp.asarray(_BIN_COUNT_PAD).reshape(1, NBINS_PAD)
    hk = _get_hist_kernel()
    magp = _spectra_one(pred, mats)
    histp = hk(magp, idxp)
    magt = _spectra_one(target, mats)
    histt = hk(magt, idxp)
    out = _loss(histp, histt, cnt)
    return out[0, 0]

# --- scband reference (transcript-rebuilt; emitter-appended) ---
"""Pipeline reference for scband-psdloss2-83081847373855 (READ-ONLY COPY).

The authoritative reference and input builder live on the scoring server;
editing this copy changes nothing except your own understanding.
"""

import jax, jax.numpy as jnp
import numpy as np

W = 512

def _make_radius(w):
    # Faithful to torch code: x_index[i,:] = arange(w), cast to int; y = x.T;
    # radius = sqrt((x - 10/2)^2 + (y - 10/2)^2) cast (trunc) to int, flattened.
    x_index = np.tile(np.arange(w, dtype=np.float32), (w, 1)).astype(np.int32)
    y_index = x_index.T
    radius = np.sqrt((x_index.astype(np.float32) - 10.0 / 2.0) ** 2 + (y_index.astype(np.float32) - 10.0 / 2.0) ** 2)
    radius = radius.astype(np.int32).reshape(-1)
    length = int(radius.max()) + 1
    return jnp.asarray(radius), length

RADIUS, NBINS = _make_radius(W)
RADIUS_BIN = jnp.bincount(RADIUS, length=NBINS).astype(jnp.float32)

def _rgb2gray(rgb):
    if rgb.shape[1] == 3:
        r, g, b = rgb[:, 0, :, :], rgb[:, 1, :, :], rgb[:, 2, :, :]
        return 0.2989 * r + 0.587 * g + 0.114 * b
    return rgb[:, 0, :, :]

def _azimuthal_avg_batch(spec):
    # spec: (N, W, W) -> (N, NBINS) via weighted histogram (bincount scatter-add)
    def one(s):
        ten_bin = jnp.bincount(RADIUS, weights=s.reshape(-1), length=NBINS)
        return ten_bin / (RADIUS_BIN + 1e-10)
    return jax.vmap(one)(spec)

def _get_fft_feature(x_rgb):
    eps = 1e-08
    gray = _rgb2gray(x_rgb)
    fft = jnp.fft.fft2(gray)
    # torch.rfft(..., onesided=False) returned [..., 2] real tensor; fft += eps adds eps
    # to BOTH real and imaginary components.
    fft = fft + (eps + 1j * eps)
    mag = jnp.log(jnp.sqrt(jnp.real(fft) ** 2 + jnp.imag(fft) ** 2) + eps)
    mag = jnp.fft.fftshift(mag, axes=(-2, -1))
    out = _azimuthal_avg_batch(mag).astype(jnp.float32)
    mn = jnp.min(out, axis=1, keepdims=True)
    mx = jnp.max(out, axis=1, keepdims=True)
    return (out - mn) / (mx - mn)

def setup_inputs(seed: int = 0) -> dict:
    key = jax.random.key(seed)
    k1, k2 = jax.random.split(key)
    pred = jax.random.uniform(k1, (16, 3, 512, 512), dtype=jnp.float32)
    target = jax.random.uniform(k2, (16, 3, 512, 512), dtype=jnp.float32)
    return {"pred": pred, "target": target}

def reference(pred, target):
    pred_psd = _get_fft_feature(pred)
    target_psd = _get_fft_feature(target)
    return jnp.mean((pred_psd - target_psd) ** 2)

if __name__ == "__main__":
    import jax
    _d = setup_inputs()
    print(jax.jit(kernel)(*tuple(_d.values())))

</pallas_src>

<mosaic_0001>
#map = affine_map<(d0, d1) -> (0, 0, 0)>
#map1 = affine_map<(d0, d1) -> (0, 0)>
module attributes {stable_mosaic.version = 14 : i64} {
  func.func @_hist_kernel(%arg0: i32, %arg1: i32, %arg2: memref<16x264x512xf32, #tpu.memory_space<hbm>>, %arg3: memref<264x512xi32, #tpu.memory_space<hbm>>, %arg4: memref<2x16x720xf32, #tpu.memory_space<hbm>>, %arg5: memref<2x8x512xi32, #tpu.memory_space<vmem>>, %arg6: memref<2x8x512xf32, #tpu.memory_space<vmem>>, %arg7: memref<11536xf32, #tpu.memory_space<vmem>>, %arg8: memref<720xf32, #tpu.memory_space<vmem>>, %arg9: memref<!tpu.dma_semaphore, #tpu.memory_space<semaphore_mem>>, %arg10: memref<!tpu.dma_semaphore, #tpu.memory_space<semaphore_mem>>) attributes {dimension_semantics = [#tpu.dimension_semantics<core_parallel>, #tpu.dimension_semantics<subcore_parallel>], iteration_bounds = array<i64: 2, 16>, scalar_prefetch = 0 : i64, scratch_operands = 6 : i64, tpu.core_type = #tpu.core_type<sc_vector_subcore>, window_params = [{transform_indices = #map}, {transform_indices = #map1}, {transform_indices = #map}]} {
    %mul3A = arith.constant 2 : i32
    %mul3A_0 = arith.muli %arg1, %mul3A : i32
    %add3A = arith.addi %mul3A_0, %arg0 : i32
    %shift_right_arithmetic3A = arith.constant 1 : i32
    %shift_right_arithmetic3A_1 = arith.shrsi %add3A, %shift_right_arithmetic3A : i32
    %and3A = arith.constant 1 : i32
    %and3A_2 = arith.andi %add3A, %and3A : i32
    %broadcast_in_dim3A = arith.constant 0.000000e+00 : f32
    %broadcast_in_dim3A_3 = vector.broadcast %broadcast_in_dim3A : f32 to vector<16xf32>
    %mul3A_4 = arith.constant 16 : i32
    %mul3A_5 = arith.muli %mul3A_4, %and3A_2 : i32
    %mul3A_6 = arith.constant 17 : i32
    %mul3A_7 = arith.muli %mul3A_6, %and3A_2 : i32
    %add3A_8 = arith.constant 16 : i32
    %add3A_9 = arith.addi %add3A_8, %mul3A_7 : i32
    %scan3A = arith.constant 0 : i32
    %scan3A_10 = arith.constant 0 : i32
    %scan3A_11 = arith.constant 721 : i32
    %scan3A_12 = arith.addi %scan3A_10, %scan3A_11 : i32
    %scan3A_13 = arith.constant 1 : i32
    %scan3A_14 = scf.for %scan3A_61 = %scan3A_10 to %scan3A_12 step %scan3A_13 iter_args(%scan3A_62 = %scan3A) -> (i32)  : i32 {
      %mul3A_63 = arith.constant 16 : i32
      %mul3A_64 = arith.muli %scan3A_61, %mul3A_63 : i32
      %swap3A = arith.index_cast %mul3A_64 : i32 to index
      %swap3A_65 = tpu.vector_load %arg7[%swap3A] {strides = array<i32>} : memref<11536xf32, #tpu.memory_space<vmem>>, vector<16xf32>,
      tpu.vector_store %arg7[%swap3A], %broadcast_in_dim3A_3 {strides = array<i32>} : memref<11536xf32, #tpu.memory_space<vmem>>, vector<16xf32>,
      %scan3A_66 = arith.constant 0 : i32
      scf.yield %scan3A_66 : i32
    }
    %scan3A_15 = arith.constant 721 : i32
    %rem3A = arith.constant 2 : i32
    %rem3A_16 = arith.remsi %mul3A_5, %rem3A : i32
    %mul3A_17 = arith.constant 8 : i32
    %mul3A_18 = arith.muli %mul3A_5, %mul3A_17 : i32
    %dma_start3A = arith.constant 0 : i32
    %dma_start3A_19 = arith.constant 0 : i32
    %dma_start3A_20 = tpu.memref_slice %arg5[%rem3A_16, %dma_start3A, %dma_start3A_19] : memref<2x8x512xi32, #tpu.memory_space<vmem>> -> memref<1x8x512xi32, #tpu.memory_space<vmem>>
    %dma_start3A_21 = tpu.memref_squeeze %dma_start3A_20 : memref<1x8x512xi32, #tpu.memory_space<vmem>> -> memref<8x512xi32, #tpu.memory_space<vmem>>
    %dma_start3A_22 = arith.constant 0 : i32
    %dma_start3A_23 = tpu.memref_slice %arg3[%mul3A_18, %dma_start3A_22] : memref<264x512xi32, #tpu.memory_space<hbm>> -> memref<8x512xi32, #tpu.memory_space<hbm>>
    %dma_start3A_24 = arith.constant 0 : i32
    %dma_start3A_25 = arith.constant 0 : i32
    %dma_start3A_26 = tpu.memref_slice %arg5[%rem3A_16, %dma_start3A_24, %dma_start3A_25] : memref<2x8x512xi32, #tpu.memory_space<vmem>> -> memref<1x8x512xi32, #tpu.memory_space<vmem>>
    %dma_start3A_27 = tpu.memref_squeeze %dma_start3A_26 : memref<1x8x512xi32, #tpu.memory_space<vmem>> -> memref<8x512xi32, #tpu.memory_space<vmem>>
    %dma_start3A_28 = arith.constant 0 : i32
    %dma_start3A_29 = tpu.memref_slice %arg3[%mul3A_18, %dma_start3A_28] : memref<264x512xi32, #tpu.memory_space<hbm>> -> memref<8x512xi32, #tpu.memory_space<hbm>>
    tpu.enqueue_dma source(%dma_start3A_29 : memref<8x512xi32, #tpu.memory_space<hbm>>) target(%dma_start3A_27 : memref<8x512xi32, #tpu.memory_space<vmem>>) target_semaphore(%arg9 : memref<!tpu.dma_semaphore, #tpu.memory_space<semaphore_mem>>)
    %dma_start3A_30 = arith.constant 0 : i32
    %dma_start3A_31 = arith.constant 0 : i32
    %dma_start3A_32 = tpu.memref_slice %arg6[%rem3A_16, %dma_start3A_30, %dma_start3A_31] : memref<2x8x512xf32, #tpu.memory_space<vmem>> -> memref<1x8x512xf32, #tpu.memory_space<vmem>>
    %dma_start3A_33 = tpu.memref_squeeze %dma_start3A_32 : memref<1x8x512xf32, #tpu.memory_space<vmem>> -> memref<8x512xf32, #tpu.memory_space<vmem>>
    %dma_start3A_34 = arith.constant 0 : i32
    %dma_start3A_35 = tpu.memref_slice %arg2[%shift_right_arithmetic3A_1, %mul3A_18, %dma_start3A_34] : memref<16x264x512xf32, #tpu.memory_space<hbm>> -> memref<1x8x512xf32, #tpu.memory_space<hbm>>
    %dma_start3A_36 = tpu.memref_squeeze %dma_start3A_35 : memref<1x8x512xf32, #tpu.memory_space<hbm>> -> memref<8x512xf32, #tpu.memory_space<hbm>>
    %dma_start3A_37 = arith.constant 0 : i32
    %dma_start3A_38 = arith.constant 0 : i32
    %dma_start3A_39 = tpu.memref_slice %arg6[%rem3A_16, %dma_start3A_37, %dma_start3A_38] : memref<2x8x512xf32, #tpu.memory_space<vmem>> -> memref<1x8x512xf32, #tpu.memory_space<vmem>>
    %dma_start3A_40 = tpu.memref_squeeze %dma_start3A_39 : memref<1x8x512xf32, #tpu.memory_space<vmem>> -> memref<8x512xf32, #tpu.memory_space<vmem>>
    %dma_start3A_41 = arith.constant 0 : i32
    %dma_start3A_42 = tpu.memref_slice %arg2[%shift_right_arithmetic3A_1, %mul3A_18, %dma_start3A_41] : memref<16x264x512xf32, #tpu.memory_space<hbm>> -> memref<1x8x512xf32, #tpu.memory_space<hbm>>
    %dma_start3A_43 = tpu.memref_squeeze %dma_start3A_42 : memref<1x8x512xf32, #tpu.memory_space<hbm>> -> memref<8x512xf32, #tpu.memory_space<hbm>>
    tpu.enqueue_dma source(%dma_start3A_43 : memref<8x512xf32, #tpu.memory_space<hbm>>) target(%dma_start3A_40 : memref<8x512xf32, #tpu.memory_space<vmem>>) target_semaphore(%arg10 : memref<!tpu.dma_semaphore, #tpu.memory_space<semaphore_mem>>)
    %while3A = arith.constant 0 : i32
    %while3A_44 = arith.subi %add3A_9, %mul3A_5 : i32
    %while3A_45 = arith.addi %mul3A_5, %while3A_44 : i32
    %while3A_46 = arith.constant 1 : i32
    %while3A_47 = arith.divsi %while3A_44, %while3A_46 : i32
    %while3A_48 = arith.muli %while3A_47, %while3A_46 : i32
    %while3A_49 = arith.addi %mul3A_5, %while3A_48 : i32
    %while3A_50 = arith.constant 1 : i32
    %while3A_51 = scf.for %while3A_61 = %mul3A_5 to %while3A_49 step %while3A_50 iter_args(%while3A_62 = %while3A) -> (i32)  : i32 {
      %rem3A_63 = arith.constant 2 : i32
      %rem3A_64 = arith.remsi %while3A_61, %rem3A_63 : i32
      %mul3A_65 = arith.constant 8 : i32
      %mul3A_66 = arith.muli %while3A_61, %mul3A_65 : i32
      %dma_wait3A = arith.constant 0 : i32
      %dma_wait3A_67 = arith.constant 0 : i32
      %dma_wait3A_68 = tpu.memref_slice %arg5[%rem3A_64, %dma_wait3A, %dma_wait3A_67] : memref<2x8x512xi32, #tpu.memory_space<vmem>> -> memref<1x8x512xi32, #tpu.memory_space<vmem>>
      %dma_wait3A_69 = tpu.memref_squeeze %dma_wait3A_68 : memref<1x8x512xi32, #tpu.memory_space<vmem>> -> memref<8x512xi32, #tpu.memory_space<vmem>>
      %dma_wait3A_70 = arith.constant 0 : i32
      %dma_wait3A_71 = tpu.memref_slice %arg3[%mul3A_66, %dma_wait3A_70] : memref<264x512xi32, #tpu.memory_space<hbm>> -> memref<8x512xi32, #tpu.memory_space<hbm>>
      %dma_wait3A_72 = arith.constant 0 : i32
      %dma_wait3A_73 = arith.constant 0 : i32
      %dma_wait3A_74 = tpu.memref_slice %arg5[%rem3A_64, %dma_wait3A_72, %dma_wait3A_73] : memref<2x8x512xi32, #tpu.memory_space<vmem>> -> memref<1x8x512xi32, #tpu.memory_space<vmem>>
      %dma_wait3A_75 = tpu.memref_squeeze %dma_wait3A_74 : memref<1x8x512xi32, #tpu.memory_space<vmem>> -> memref<8x512xi32, #tpu.memory_space<vmem>>
      %dma_wait3A_76 = arith.constant 0 : i32
      %dma_wait3A_77 = tpu.memref_slice %arg3[%mul3A_66, %dma_wait3A_76] : memref<264x512xi32, #tpu.memory_space<hbm>> -> memref<8x512xi32, #tpu.memory_space<hbm>>
      tpu.wait_dma2 semaphore(%arg9 : memref<!tpu.dma_semaphore, #tpu.memory_space<semaphore_mem>>) src(%dma_wait3A_77 : memref<8x512xi32, #tpu.memory_space<hbm>>) dst(%dma_wait3A_75 : memref<8x512xi32, #tpu.memory_space<vmem>>)
      %dma_wait3A_78 = arith.constant 0 : i32
      %dma_wait3A_79 = arith.constant 0 : i32
      %dma_wait3A_80 = tpu.memref_slice %arg6[%rem3A_64, %dma_wait3A_78, %dma_wait3A_79] : memref<2x8x512xf32, #tpu.memory_space<vmem>> -> memref<1x8x512xf32, #tpu.memory_space<vmem>>
      %dma_wait3A_81 = tpu.memref_squeeze %dma_wait3A_80 : memref<1x8x512xf32, #tpu.memory_space<vmem>> -> memref<8x512xf32, #tpu.memory_space<vmem>>
      %dma_wait3A_82 = arith.constant 0 : i32
      %dma_wait3A_83 = tpu.memref_slice %arg2[%shift_right_arithmetic3A_1, %mul3A_66, %dma_wait3A_82] : memref<16x264x512xf32, #tpu.memory_space<hbm>> -> memref<1x8x512xf32, #tpu.memory_space<hbm>>
      %dma_wait3A_84 = tpu.memref_squeeze %dma_wait3A_83 : memref<1x8x512xf32, #tpu.memory_space<hbm>> -> memref<8x512xf32, #tpu.memory_space<hbm>>
      %dma_wait3A_85 = arith.constant 0 : i32
      %dma_wait3A_86 = arith.constant 0 : i32
      %dma_wait3A_87 = tpu.memref_slice %arg6[%rem3A_64, %dma_wait3A_85, %dma_wait3A_86] : memref<2x8x512xf32, #tpu.memory_space<vmem>> -> memref<1x8x512xf32, #tpu.memory_space<vmem>>
      %dma_wait3A_88 = tpu.memref_squeeze %dma_wait3A_87 : memref<1x8x512xf32, #tpu.memory_space<vmem>> -> memref<8x512xf32, #tpu.memory_space<vmem>>
      %dma_wait3A_89 = arith.constant 0 : i32
      %dma_wait3A_90 = tpu.memref_slice %arg2[%shift_right_arithmetic3A_1, %mul3A_66, %dma_wait3A_89] : memref<16x264x512xf32, #tpu.memory_space<hbm>> -> memref<1x8x512xf32, #tpu.memory_space<hbm>>
      %dma_wait3A_91 = tpu.memref_squeeze %dma_wait3A_90 : memref<1x8x512xf32, #tpu.memory_space<hbm>> -> memref<8x512xf32, #tpu.memory_space<hbm>>
      tpu.wait_dma2 semaphore(%arg10 : memref<!tpu.dma_semaphore, #tpu.memory_space<semaphore_mem>>) src(%dma_wait3A_91 : memref<8x512xf32, #tpu.memory_space<hbm>>) dst(%dma_wait3A_88 : memref<8x512xf32, #tpu.memory_space<vmem>>)
      %add3A_92 = arith.constant 1 : i32
      %add3A_93 = arith.addi %while3A_61, %add3A_92 : i32
      %lt3A = arith.cmpi slt, %add3A_93, %add3A_9 : i32
      %convert_element_type3A = arith.extui %lt3A : i1 to i32
      %cond3A = arith.constant 0 : i32
      %cond3A_94 = arith.cmpi ne, %convert_element_type3A, %cond3A : i32
      scf.if %cond3A_94 {
        %add3A_105 = arith.constant 1 : i32
        %add3A_106 = arith.addi %while3A_61, %add3A_105 : i32
        %rem3A_107 = arith.constant 2 : i32
        %rem3A_108 = arith.remsi %add3A_106, %rem3A_107 : i32
        %mul3A_109 = arith.constant 8 : i32
        %mul3A_110 = arith.muli %add3A_106, %mul3A_109 : i32
        %dma_start3A_111 = arith.constant 0 : i32
        %dma_start3A_112 = arith.constant 0 : i32
        %dma_start3A_113 = tpu.memref_slice %arg5[%rem3A_108, %dma_start3A_111, %dma_start3A_112] : memref<2x8x512xi32, #tpu.memory_space<vmem>> -> memref<1x8x512xi32, #tpu.memory_space<vmem>>
        %dma_start3A_114 = tpu.memref_squeeze %dma_start3A_113 : memref<1x8x512xi32, #tpu.memory_space<vmem>> -> memref<8x512xi32, #tpu.memory_space<vmem>>
        %dma_start3A_115 = arith.constant 0 : i32
        %dma_start3A_116 = tpu.memref_slice %arg3[%mul3A_110, %dma_start3A_115] : memref<264x512xi32, #tpu.memory_space<hbm>> -> memref<8x512xi32, #tpu.memory_space<hbm>>
        %dma_start3A_117 = arith.constant 0 : i32
        %dma_start3A_118 = arith.constant 0 : i32
        %dma_start3A_119 = tpu.memref_slice %arg5[%rem3A_108, %dma_start3A_117, %dma_start3A_118] : memref<2x8x512xi32, #tpu.memory_space<vmem>> -> memref<1x8x512xi32, #tpu.memory_space<vmem>>
        %dma_start3A_120 = tpu.memref_squeeze %dma_start3A_119 : memref<1x8x512xi32, #tpu.memory_space<vmem>> -> memref<8x512xi32, #tpu.memory_space<vmem>>
        %dma_start3A_121 = arith.constant 0 : i32
        %dma_start3A_122 = tpu.memref_slice %arg3[%mul3A_110, %dma_start3A_121] : memref<264x512xi32, #tpu.memory_space<hbm>> -> memref<8x512xi32, #tpu.memory_space<hbm>>
        tpu.enqueue_dma source(%dma_start3A_122 : memref<8x512xi32, #tpu.memory_space<hbm>>) target(%dma_start3A_120 : memref<8x512xi32, #tpu.memory_space<vmem>>) target_semaphore(%arg9 : memref<!tpu.dma_semaphore, #tpu.memory_space<semaphore_mem>>)
        %dma_start3A_123 = arith.constant 0 : i32
        %dma_start3A_124 = arith.constant 0 : i32
        %dma_start3A_125 = tpu.memref_slice %arg6[%rem3A_108, %dma_start3A_123, %dma_start3A_124] : memref<2x8x512xf32, #tpu.memory_space<vmem>> -> memref<1x8x512xf32, #tpu.memory_space<vmem>>
        %dma_start3A_126 = tpu.memref_squeeze %dma_start3A_125 : memref<1x8x512xf32, #tpu.memory_space<vmem>> -> memref<8x512xf32, #tpu.memory_space<vmem>>
        %dma_start3A_127 = arith.constant 0 : i32
        %dma_start3A_128 = tpu.memref_slice %arg2[%shift_right_arithmetic3A_1, %mul3A_110, %dma_start3A_127] : memref<16x264x512xf32, #tpu.memory_space<hbm>> -> memref<1x8x512xf32, #tpu.memory_space<hbm>>
        %dma_start3A_129 = tpu.memref_squeeze %dma_start3A_128 : memref<1x8x512xf32, #tpu.memory_space<hbm>> -> memref<8x512xf32, #tpu.memory_space<hbm>>
        %dma_start3A_130 = arith.constant 0 : i32
        %dma_start3A_131 = arith.constant 0 : i32
        %dma_start3A_132 = tpu.memref_slice %arg6[%rem3A_108, %dma_start3A_130, %dma_start3A_131] : memref<2x8x512xf32, #tpu.memory_space<vmem>> -> memref<1x8x512xf32, #tpu.memory_space<vmem>>
        %dma_start3A_133 = tpu.memref_squeeze %dma_start3A_132 : memref<1x8x512xf32, #tpu.memory_space<vmem>> -> memref<8x512xf32, #tpu.memory_space<vmem>>
        %dma_start3A_134 = arith.constant 0 : i32
        %dma_start3A_135 = tpu.memref_slice %arg2[%shift_right_arithmetic3A_1, %mul3A_110, %dma_start3A_134] : memref<16x264x512xf32, #tpu.memory_space<hbm>> -> memref<1x8x512xf32, #tpu.memory_space<hbm>>
        %dma_start3A_136 = tpu.memref_squeeze %dma_start3A_135 : memref<1x8x512xf32, #tpu.memory_space<hbm>> -> memref<8x512xf32, #tpu.memory_space<hbm>>
        tpu.enqueue_dma source(%dma_start3A_136 : memref<8x512xf32, #tpu.memory_space<hbm>>) target(%dma_start3A_133 : memref<8x512xf32, #tpu.memory_space<vmem>>) target_semaphore(%arg10 : memref<!tpu.dma_semaphore, #tpu.memory_space<semaphore_mem>>)
      } else {
      }
      %rem3A_95 = arith.constant 2 : i32
      %rem3A_96 = arith.remsi %while3A_61, %rem3A_95 : i32
      %scan3A_97 = arith.constant 0 : i32
      %scan3A_98 = arith.constant 0 : i32
      %scan3A_99 = arith.constant 8 : i32
      %scan3A_100 = arith.addi %scan3A_98, %scan3A_99 : i32
      %scan3A_101 = arith.constant 1 : i32
      %scan3A_102 = scf.for %scan3A_105 = %scan3A_98 to %scan3A_100 step %scan3A_101 iter_args(%scan3A_106 = %scan3A_97) -> (i32)  : i32 {
        %get3A = arith.index_cast %rem3A_96 : i32 to index
        %get3A_107 = arith.index_cast %scan3A_105 : i32 to index
        %get3A_108 = arith.constant 0 : index
        %get3A_109 = tpu.vector_load %arg5[%get3A, %get3A_107, %get3A_108] {strides = array<i32>} : memref<2x8x512xi32, #tpu.memory_space<vmem>>, vector<16xi32>,
        %get3A_110 = arith.index_cast %rem3A_96 : i32 to index
        %get3A_111 = arith.index_cast %scan3A_105 : i32 to index
        %get3A_112 = arith.constant 16 : index
        %get3A_113 = tpu.vector_load %arg5[%get3A_110, %get3A_111, %get3A_112] {strides = array<i32>} : memref<2x8x512xi32, #tpu.memory_space<vmem>>, vector<16xi32>,
        %get3A_114 = arith.index_cast %rem3A_96 : i32 to index
        %get3A_115 = arith.index_cast %scan3A_105 : i32 to index
        %get3A_116 = arith.constant 32 : index
        %get3A_117 = tpu.vector_load %arg5[%get3A_114, %get3A_115, %get3A_116] {strides = array<i32>} : memref<2x8x512xi32, #tpu.memory_space<vmem>>, vector<16xi32>,
        %get3A_118 = arith.index_cast %rem3A_96 : i32 to index
        %get3A_119 = arith.index_cast %scan3A_105 : i32 to index
        %get3A_120 = arith.constant 48 : index
        %get3A_121 = tpu.vector_load %arg5[%get3A_118, %get3A_119, %get3A_120] {strides = array<i32>} : memref<2x8x512xi32, #tpu.memory_space<vmem>>, vector<16xi32>,
        %get3A_122 = arith.index_cast %rem3A_96 : i32 to index
        %get3A_123 = arith.index_cast %scan3A_105 : i32 to index
        %get3A_124 = arith.constant 64 : index
        %get3A_125 = tpu.vector_load %arg5[%get3A_122, %get3A_123, %get3A_124] {strides = array<i32>} : memref<2x8x512xi32, #tpu.memory_space<vmem>>, vector<16xi32>,
        %get3A_126 = arith.index_cast %rem3A_96 : i32 to index
        %get3A_127 = arith.index_cast %scan3A_105 : i32 to index
        %get3A_128 = arith.constant 80 : index
        %get3A_129 = tpu.vector_load %arg5[%get3A_126, %get3A_127, %get3A_128] {strides = array<i32>} : memref<2x8x512xi32, #tpu.memory_space<vmem>>, vector<16xi32>,
        %get3A_130 = arith.index_cast %rem3A_96 : i32 to index
        %get3A_131 = arith.index_cast %scan3A_105 : i32 to index
        %get3A_132 = arith.constant 96 : index
        %get3A_133 = tpu.vector_load %arg5[%get3A_130, %get3A_131, %get3A_132] {strides = array<i32>} : memref<2x8x512xi32, #tpu.memory_space<vmem>>, vector<16xi32>,
        %get3A_134 = arith.index_cast %rem3A_96 : i32 to index
        %get3A_135 = arith.index_cast %scan3A_105 : i32 to index
        %get3A_136 = arith.constant 112 : index
        %get3A_137 = tpu.vector_load %arg5[%get3A_134, %get3A_135, %get3A_136] {strides = array<i32>} : memref<2x8x512xi32, #tpu.memory_space<vmem>>, vector<16xi32>,
        %get3A_138 = arith.index_cast %rem3A_96 : i32 to index
        %get3A_139 = arith.index_cast %scan3A_105 : i32 to index
        %get3A_140 = arith.constant 0 : index
        %get3A_141 = tpu.vector_load %arg6[%get3A_138, %get3A_139, %get3A_140] {strides = array<i32>} : memref<2x8x512xf32, #tpu.memory_space<vmem>>, vector<16xf32>,
        %get3A_142 = arith.index_cast %rem3A_96 : i32 to index
        %get3A_143 = arith.index_cast %scan3A_105 : i32 to index
        %get3A_144 = arith.constant 16 : index
        %get3A_145 = tpu.vector_load %arg6[%get3A_142, %get3A_143, %get3A_144] {strides = array<i32>} : memref<2x8x512xf32, #tpu.memory_space<vmem>>, vector<16xf32>,
        %get3A_146 = arith.index_cast %rem3A_96 : i32 to index
        %get3A_147 = arith.index_cast %scan3A_105 : i32 to index
        %get3A_148 = arith.constant 32 : index
        %get3A_149 = tpu.vector_load %arg6[%get3A_146, %get3A_147, %get3A_148] {strides = array<i32>} : memref<2x8x512xf32, #tpu.memory_space<vmem>>, vector<16xf32>,
        %get3A_150 = arith.index_cast %rem3A_96 : i32 to index
        %get3A_151 = arith.index_cast %scan3A_105 : i32 to index
        %get3A_152 = arith.constant 48 : index
        %get3A_153 = tpu.vector_load %arg6[%get3A_150, %get3A_151, %get3A_152] {strides = array<i32>} : memref<2x8x512xf32, #tpu.memory_space<vmem>>, vector<16xf32>,
        %get3A_154 = arith.index_cast %rem3A_96 : i32 to index
        %get3A_155 = arith.index_cast %scan3A_105 : i32 to index
        %get3A_156 = arith.constant 64 : index
        %get3A_157 = tpu.vector_load %arg6[%get3A_154, %get3A_155, %get3A_156] {strides = array<i32>} : memref<2x8x512xf32, #tpu.memory_space<vmem>>, vector<16xf32>,
        %get3A_158 = arith.index_cast %rem3A_96 : i32 to index
        %get3A_159 = arith.index_cast %scan3A_105 : i32 to index
        %get3A_160 = arith.constant 80 : index
        %get3A_161 = tpu.vector_load %arg6[%get3A_158, %get3A_159, %get3A_160] {strides = array<i32>} : memref<2x8x512xf32, #tpu.memory_space<vmem>>, vector<16xf32>,
        %get3A_162 = arith.index_cast %rem3A_96 : i32 to index
        %get3A_163 = arith.index_cast %scan3A_105 : i32 to index
        %get3A_164 = arith.constant 96 : index
        %get3A_165 = tpu.vector_load %arg6[%get3A_162, %get3A_163, %get3A_164] {strides = array<i32>} : memref<2x8x512xf32, #tpu.memory_space<vmem>>, vector<16xf32>,
        %get3A_166 = arith.index_cast %rem3A_96 : i32 to index
        %get3A_167 = arith.index_cast %scan3A_105 : i32 to index
        %get3A_168 = arith.constant 112 : index
        %get3A_169 = tpu.vector_load %arg6[%get3A_166, %get3A_167, %get3A_168] {strides = array<i32>} : memref<2x8x512xf32, #tpu.memory_space<vmem>>, vector<16xf32>,
        %and3A_170 = arith.constant 65535 : i32
        %and3A_171 = vector.broadcast %and3A_170 : i32 to vector<16xi32>
        %and3A_172 = arith.andi %get3A_109, %and3A_171 : vector<16xi32>
        %and3A_173 = arith.constant 65535 : i32
        %and3A_174 = vector.broadcast %and3A_173 : i32 to vector<16xi32>
        %and3A_175 = arith.andi %get3A_113, %and3A_174 : vector<16xi32>
        %and3A_176 = arith.constant 65535 : i32
        %and3A_177 = vector.broadcast %and3A_176 : i32 to vector<16xi32>
        %and3A_178 = arith.andi %get3A_117, %and3A_177 : vector<16xi32>
        %and3A_179 = arith.constant 65535 : i32
        %and3A_180 = vector.broadcast %and3A_179 : i32 to vector<16xi32>
        %and3A_181 = arith.andi %get3A_121, %and3A_180 : vector<16xi32>
        %and3A_182 = arith.constant 65535 : i32
        %and3A_183 = vector.broadcast %and3A_182 : i32 to vector<16xi32>
        %and3A_184 = arith.andi %get3A_125, %and3A_183 : vector<16xi32>
        %and3A_185 = arith.constant 65535 : i32
        %and3A_186 = vector.broadcast %and3A_185 : i32 to vector<16xi32>
        %and3A_187 = arith.andi %get3A_129, %and3A_186 : vector<16xi32>
        %and3A_188 = arith.constant 65535 : i32
        %and3A_189 = vector.broadcast %and3A_188 : i32 to vector<16xi32>
        %and3A_190 = arith.andi %get3A_133, %and3A_189 : vector<16xi32>
        %and3A_191 = arith.constant 65535 : i32
        %and3A_192 = vector.broadcast %and3A_191 : i32 to vector<16xi32>
        %and3A_193 = arith.andi %get3A_137, %and3A_192 : vector<16xi32>
        %shift_right_arithmetic3A_194 = arith.constant 16 : i32
        %shift_right_arithmetic3A_195 = vector.broadcast %shift_right_arithmetic3A_194 : i32 to vector<16xi32>
        %shift_right_arithmetic3A_196 = arith.shrsi %get3A_109, %shift_right_arithmetic3A_195 : vector<16xi32>
        %shift_right_arithmetic3A_197 = arith.constant 16 : i32
        %shift_right_arithmetic3A_198 = vector.broadcast %shift_right_arithmetic3A_197 : i32 to vector<16xi32>
        %shift_right_arithmetic3A_199 = arith.shrsi %get3A_113, %shift_right_arithmetic3A_198 : vector<16xi32>
        %shift_right_arithmetic3A_200 = arith.constant 16 : i32
        %shift_right_arithmetic3A_201 = vector.broadcast %shift_right_arithmetic3A_200 : i32 to vector<16xi32>
        %shift_right_arithmetic3A_202 = arith.shrsi %get3A_117, %shift_right_arithmetic3A_201 : vector<16xi32>
        %shift_right_arithmetic3A_203 = arith.constant 16 : i32
        %shift_right_arithmetic3A_204 = vector.broadcast %shift_right_arithmetic3A_203 : i32 to vector<16xi32>
        %shift_right_arithmetic3A_205 = arith.shrsi %get3A_121, %shift_right_arithmetic3A_204 : vector<16xi32>
        %shift_right_arithmetic3A_206 = arith.constant 16 : i32
        %shift_right_arithmetic3A_207 = vector.broadcast %shift_right_arithmetic3A_206 : i32 to vector<16xi32>
        %shift_right_arithmetic3A_208 = arith.shrsi %get3A_125, %shift_right_arithmetic3A_207 : vector<16xi32>
        %shift_right_arithmetic3A_209 = arith.constant 16 : i32
        %shift_right_arithmetic3A_210 = vector.broadcast %shift_right_arithmetic3A_209 : i32 to vector<16xi32>
        %shift_right_arithmetic3A_211 = arith.shrsi %get3A_129, %shift_right_arithmetic3A_210 : vector<16xi32>
        %shift_right_arithmetic3A_212 = arith.constant 16 : i32
        %shift_right_arithmetic3A_213 = vector.broadcast %shift_right_arithmetic3A_212 : i32 to vector<16xi32>
        %shift_right_arithmetic3A_214 = arith.shrsi %get3A_133, %shift_right_arithmetic3A_213 : vector<16xi32>
        %shift_right_arithmetic3A_215 = arith.constant 16 : i32
        %shift_right_arithmetic3A_216 = vector.broadcast %shift_right_arithmetic3A_215 : i32 to vector<16xi32>
        %shift_right_arithmetic3A_217 = arith.shrsi %get3A_137, %shift_right_arithmetic3A_216 : vector<16xi32>
        tpu.vector_store_idx %arg7[%and3A_172], %get3A_141 {add = true} : memref<11536xf32, #tpu.memory_space<vmem>>[vector<16xi32>], vector<16xf32>,
        tpu.vector_store_idx %arg7[%shift_right_arithmetic3A_196], %get3A_141 {add = true} : memref<11536xf32, #tpu.memory_space<vmem>>[vector<16xi32>], vector<16xf32>,
        tpu.vector_store_idx %arg7[%and3A_175], %get3A_145 {add = true} : memref<11536xf32, #tpu.memory_space<vmem>>[vector<16xi32>], vector<16xf32>,
        tpu.vector_store_idx %arg7[%shift_right_arithmetic3A_199], %get3A_145 {add = true} : memref<11536xf32, #tpu.memory_space<vmem>>[vector<16xi32>], vector<16xf32>,
        tpu.vector_store_idx %arg7[%and3A_178], %get3A_149 {add = true} : memref<11536xf32, #tpu.memory_space<vmem>>[vector<16xi32>], vector<16xf32>,
        tpu.vector_store_idx %arg7[%shift_right_arithmetic3A_202], %get3A_149 {add = true} : memref<11536xf32, #tpu.memory_space<vmem>>[vector<16xi32>], vector<16xf32>,
        tpu.vector_store_idx %arg7[%and3A_181], %get3A_153 {add = true} : memref<11536xf32, #tpu.memory_space<vmem>>[vector<16xi32>], vector<16xf32>,
        tpu.vector_store_idx %arg7[%shift_right_arithmetic3A_205], %get3A_153 {add = true} : memref<11536xf32, #tpu.memory_space<vmem>>[vector<16xi32>], vector<16xf32>,
        tpu.vector_store_idx %arg7[%and3A_184], %get3A_157 {add = true} : memref<11536xf32, #tpu.memory_space<vmem>>[vector<16xi32>], vector<16xf32>,
        tpu.vector_store_idx %arg7[%shift_right_arithmetic3A_208], %get3A_157 {add = true} : memref<11536xf32, #tpu.memory_space<vmem>>[vector<16xi32>], vector<16xf32>,
        tpu.vector_store_idx %arg7[%and3A_187], %get3A_161 {add = true} : memref<11536xf32, #tpu.memory_space<vmem>>[vector<16xi32>], vector<16xf32>,
        tpu.vector_store_idx %arg7[%shift_right_arithmetic3A_211], %get3A_161 {add = true} : memref<11536xf32, #tpu.memory_space<vmem>>[vector<16xi32>], vector<16xf32>,
        tpu.vector_store_idx %arg7[%and3A_190], %get3A_165 {add = true} : memref<11536xf32, #tpu.memory_space<vmem>>[vector<16xi32>], vector<16xf32>,
        tpu.vector_store_idx %arg7[%shift_right_arithmetic3A_214], %get3A_165 {add = true} : memref<11536xf32, #tpu.memory_space<vmem>>[vector<16xi32>], vector<16xf32>,
        tpu.vector_store_idx %arg7[%and3A_193], %get3A_169 {add = true} : memref<11536xf32, #tpu.memory_space<vmem>>[vector<16xi32>], vector<16xf32>,
        tpu.vector_store_idx %arg7[%shift_right_arithmetic3A_217], %get3A_169 {add = true} : memref<11536xf32, #tpu.memory_space<vmem>>[vector<16xi32>], vector<16xf32>,
        %get3A_218 = arith.index_cast %rem3A_96 : i32 to index
        %get3A_219 = arith.index_cast %scan3A_105 : i32 to index
        %get3A_220 = arith.constant 128 : index
        %get3A_221 = tpu.vector_load %arg5[%get3A_218, %get3A_219, %get3A_220] {strides = array<i32>} : memref<2x8x512xi32, #tpu.memory_space<vmem>>, vector<16xi32>,
        %get3A_222 = arith.index_cast %rem3A_96 : i32 to index
        %get3A_223 = arith.index_cast %scan3A_105 : i32 to index
        %get3A_224 = arith.constant 144 : index
        %get3A_225 = tpu.vector_load %arg5[%get3A_222, %get3A_223, %get3A_224] {strides = array<i32>} : memref<2x8x512xi32, #tpu.memory_space<vmem>>, vector<16xi32>,
        %get3A_226 = arith.index_cast %rem3A_96 : i32 to index
        %get3A_227 = arith.index_cast %scan3A_105 : i32 to index
        %get3A_228 = arith.constant 160 : index
        %get3A_229 = tpu.vector_load %arg5[%get3A_226, %get3A_227, %get3A_228] {strides = array<i32>} : memref<2x8x512xi32, #tpu.memory_space<vmem>>, vector<16xi32>,
        %get3A_230 = arith.index_cast %rem3A_96 : i32 to index
        %get3A_231 = arith.index_cast %scan3A_105 : i32 to index
        %get3A_232 = arith.constant 176 : index
        %get3A_233 = tpu.vector_load %arg5[%get3A_230, %get3A_231, %get3A_232] {strides = array<i32>} : memref<2x8x512xi32, #tpu.memory_space<vmem>>, vector<16xi32>,
        %get3A_234 = arith.index_cast %rem3A_96 : i32 to index
        %get3A_235 = arith.index_cast %scan3A_105 : i32 to index
        %get3A_236 = arith.constant 192 : index
        %get3A_237 = tpu.vector_load %arg5[%get3A_234, %get3A_235, %get3A_236] {strides = array<i32>} : memref<2x8x512xi32, #tpu.memory_space<vmem>>, vector<16xi32>,
        %get3A_238 = arith.index_cast %rem3A_96 : i32 to index
        %get3A_239 = arith.index_cast %scan3A_105 : i32 to index
        %get3A_240 = arith.constant 208 : index
        %get3A_241 = tpu.vector_load %arg5[%get3A_238, %get3A_239, %get3A_240] {strides = array<i32>} : memref<2x8x512xi32, #tpu.memory_space<vmem>>, vector<16xi32>,
        %get3A_242 = arith.index_cast %rem3A_96 : i32 to index
        %get3A_243 = arith.index_cast %scan3A_105 : i32 to index
        %get3A_244 = arith.constant 224 : index
        %get3A_245 = tpu.vector_load %arg5[%get3A_242, %get3A_243, %get3A_244] {strides = array<i32>} : memref<2x8x512xi32, #tpu.memory_space<vmem>>, vector<16xi32>,
        %get3A_246 = arith.index_cast %rem3A_96 : i32 to index
        %get3A_247 = arith.index_cast %scan3A_105 : i32 to index
        %get3A_248 = arith.constant 240 : index
        %get3A_249 = tpu.vector_load %arg5[%get3A_246, %get3A_247, %get3A_248] {strides = array<i32>} : memref<2x8x512xi32, #tpu.memory_space<vmem>>, vector<16xi32>,
        %get3A_250 = arith.index_cast %rem3A_96 : i32 to index
        %get3A_251 = arith.index_cast %scan3A_105 : i32 to index
        %get3A_252 = arith.constant 128 : index
        %get3A_253 = tpu.vector_load %arg6[%get3A_250, %get3A_251, %get3A_252] {strides = array<i32>} : memref<2x8x512xf32, #tpu.memory_space<vmem>>, vector<16xf32>,
        %get3A_254 = arith.index_cast %rem3A_96 : i32 to index
        %get3A_255 = arith.index_cast %scan3A_105 : i32 to index
        %get3A_256 = arith.constant 144 : index
        %get3A_257 = tpu.vector_load %arg6[%get3A_254, %get3A_255, %get3A_256] {strides = array<i32>} : memref<2x8x512xf32, #tpu.memory_space<vmem>>, vector<16xf32>,
        %get3A_258 = arith.index_cast %rem3A_96 : i32 to index
        %get3A_259 = arith.index_cast %scan3A_105 : i32 to index
        %get3A_260 = arith.constant 160 : index
        %get3A_261 = tpu.vector_load %arg6[%get3A_258, %get3A_259, %get3A_260] {strides = array<i32>} : memref<2x8x512xf32, #tpu.memory_space<vmem>>, vector<16xf32>,
        %get3A_262 = arith.index_cast %rem3A_96 : i32 to index
        %get3A_263 = arith.index_cast %scan3A_105 : i32 to index
        %get3A_264 = arith.constant 176 : index
        %get3A_265 = tpu.vector_load %arg6[%get3A_262, %get3A_263, %get3A_264] {strides = array<i32>} : memref<2x8x512xf32, #tpu.memory_space<vmem>>, vector<16xf32>,
        %get3A_266 = arith.index_cast %rem3A_96 : i32 to index
        %get3A_267 = arith.index_cast %scan3A_105 : i32 to index
        %get3A_268 = arith.constant 192 : index
        %get3A_269 = tpu.vector_load %arg6[%get3A_266, %get3A_267, %get3A_268] {strides = array<i32>} : memref<2x8x512xf32, #tpu.memory_space<vmem>>, vector<16xf32>,
        %get3A_270 = arith.index_cast %rem3A_96 : i32 to index
        %get3A_271 = arith.index_cast %scan3A_105 : i32 to index
        %get3A_272 = arith.constant 208 : index
        %get3A_273 = tpu.vector_load %arg6[%get3A_270, %get3A_271, %get3A_272] {strides = array<i32>} : memref<2x8x512xf32, #tpu.memory_space<vmem>>, vector<16xf32>,
        %get3A_274 = arith.index_cast %rem3A_96 : i32 to index
        %get3A_275 = arith.index_cast %scan3A_105 : i32 to index
        %get3A_276 = arith.constant 224 : index
        %get3A_277 = tpu.vector_load %arg6[%get3A_274, %get3A_275, %get3A_276] {strides = array<i32>} : memref<2x8x512xf32, #tpu.memory_space<vmem>>, vector<16xf32>,
        %get3A_278 = arith.index_cast %rem3A_96 : i32 to index
        %get3A_279 = arith.index_cast %scan3A_105 : i32 to index
        %get3A_280 = arith.constant 240 : index
        %get3A_281 = tpu.vector_load %arg6[%get3A_278, %get3A_279, %get3A_280] {strides = array<i32>} : memref<2x8x512xf32, #tpu.memory_space<vmem>>, vector<16xf32>,
        %and3A_282 = arith.constant 65535 : i32
        %and3A_283 = vector.broadcast %and3A_282 : i32 to vector<16xi32>
        %and3A_284 = arith.andi %get3A_221, %and3A_283 : vector<16xi32>
        %and3A_285 = arith.constant 65535 : i32
        %and3A_286 = vector.broadcast %and3A_285 : i32 to vector<16xi32>
        %and3A_287 = arith.andi %get3A_225, %and3A_286 : vector<16xi32>
        %and3A_288 = arith.constant 65535 : i32
        %and3A_289 = vector.broadcast %and3A_288 : i32 to vector<16xi32>
        %and3A_290 = arith.andi %get3A_229, %and3A_289 : vector<16xi32>
        %and3A_291 = arith.constant 65535 : i32
        %and3A_292 = vector.broadcast %and3A_291 : i32 to vector<16xi32>
        %and3A_293 = arith.andi %get3A_233, %and3A_292 : vector<16xi32>
        %and3A_294 = arith.constant 65535 : i32
        %and3A_295 = vector.broadcast %and3A_294 : i32 to vector<16xi32>
        %and3A_296 = arith.andi %get3A_237, %and3A_295 : vector<16xi32>
        %and3A_297 = arith.constant 65535 : i32
        %and3A_298 = vector.broadcast %and3A_297 : i32 to vector<16xi32>
        %and3A_299 = arith.andi %get3A_241, %and3A_298 : vector<16xi32>
        %and3A_300 = arith.constant 65535 : i32
        %and3A_301 = vector.broadcast %and3A_300 : i32 to vector<16xi32>
        %and3A_302 = arith.andi %get3A_245, %and3A_301 : vector<16xi32>
        %and3A_303 = arith.constant 65535 : i32
        %and3A_304 = vector.broadcast %and3A_303 : i32 to vector<16xi32>
        %and3A_305 = arith.andi %get3A_249, %and3A_304 : vector<16xi32>
        %shift_right_arithmetic3A_306 = arith.constant 16 : i32
        %shift_right_arithmetic3A_307 = vector.broadcast %shift_right_arithmetic3A_306 : i32 to vector<16xi32>
        %shift_right_arithmetic3A_308 = arith.shrsi %get3A_221, %shift_right_arithmetic3A_307 : vector<16xi32>
        %shift_right_arithmetic3A_309 = arith.constant 16 : i32
        %shift_right_arithmetic3A_310 = vector.broadcast %shift_right_arithmetic3A_309 : i32 to vector<16xi32>
        %shift_right_arithmetic3A_311 = arith.shrsi %get3A_225, %shift_right_arithmetic3A_310 : vector<16xi32>
        %shift_right_arithmetic3A_312 = arith.constant 16 : i32
        %shift_right_arithmetic3A_313 = vector.broadcast %shift_right_arithmetic3A_312 : i32 to vector<16xi32>
        %shift_right_arithmetic3A_314 = arith.shrsi %get3A_229, %shift_right_arithmetic3A_313 : vector<16xi32>
        %shift_right_arithmetic3A_315 = arith.constant 16 : i32
        %shift_right_arithmetic3A_316 = vector.broadcast %shift_right_arithmetic3A_315 : i32 to vector<16xi32>
        %shift_right_arithmetic3A_317 = arith.shrsi %get3A_233, %shift_right_arithmetic3A_316 : vector<16xi32>
        %shift_right_arithmetic3A_318 = arith.constant 16 : i32
        %shift_right_arithmetic3A_319 = vector.broadcast %shift_right_arithmetic3A_318 : i32 to vector<16xi32>
        %shift_right_arithmetic3A_320 = arith.shrsi %get3A_237, %shift_right_arithmetic3A_319 : vector<16xi32>
        %shift_right_arithmetic3A_321 = arith.constant 16 : i32
        %shift_right_arithmetic3A_322 = vector.broadcast %shift_right_arithmetic3A_321 : i32 to vector<16xi32>
        %shift_right_arithmetic3A_323 = arith.shrsi %get3A_241, %shift_right_arithmetic3A_322 : vector<16xi32>
        %shift_right_arithmetic3A_324 = arith.constant 16 : i32
        %shift_right_arithmetic3A_325 = vector.broadcast %shift_right_arithmetic3A_324 : i32 to vector<16xi32>
        %shift_right_arithmetic3A_326 = arith.shrsi %get3A_245, %shift_right_arithmetic3A_325 : vector<16xi32>
        %shift_right_arithmetic3A_327 = arith.constant 16 : i32
        %shift_right_arithmetic3A_328 = vector.broadcast %shift_right_arithmetic3A_327 : i32 to vector<16xi32>
        %shift_right_arithmetic3A_329 = arith.shrsi %get3A_249, %shift_right_arithmetic3A_328 : vector<16xi32>
        tpu.vector_store_idx %arg7[%and3A_284], %get3A_253 {add = true} : memref<11536xf32, #tpu.memory_space<vmem>>[vector<16xi32>], vector<16xf32>,
        tpu.vector_store_idx %arg7[%shift_right_arithmetic3A_308], %get3A_253 {add = true} : memref<11536xf32, #tpu.memory_space<vmem>>[vector<16xi32>], vector<16xf32>,
        tpu.vector_store_idx %arg7[%and3A_287], %get3A_257 {add = true} : memref<11536xf32, #tpu.memory_space<vmem>>[vector<16xi32>], vector<16xf32>,
        tpu.vector_store_idx %arg7[%shift_right_arithmetic3A_311], %get3A_257 {add = true} : memref<11536xf32, #tpu.memory_space<vmem>>[vector<16xi32>], vector<16xf32>,
        tpu.vector_store_idx %arg7[%and3A_290], %get3A_261 {add = true} : memref<11536xf32, #tpu.memory_space<vmem>>[vector<16xi32>], vector<16xf32>,
        tpu.vector_store_idx %arg7[%shift_right_arithmetic3A_314], %get3A_261 {add = true} : memref<11536xf32, #tpu.memory_space<vmem>>[vector<16xi32>], vector<16xf32>,
        tpu.vector_store_idx %arg7[%and3A_293], %get3A_265 {add = true} : memref<11536xf32, #tpu.memory_space<vmem>>[vector<16xi32>], vector<16xf32>,
        tpu.vector_store_idx %arg7[%shift_right_arithmetic3A_317], %get3A_265 {add = true} : memref<11536xf32, #tpu.memory_space<vmem>>[vector<16xi32>], vector<16xf32>,
        tpu.vector_store_idx %arg7[%and3A_296], %get3A_269 {add = true} : memref<11536xf32, #tpu.memory_space<vmem>>[vector<16xi32>], vector<16xf32>,
        tpu.vector_store_idx %arg7[%shift_right_arithmetic3A_320], %get3A_269 {add = true} : memref<11536xf32, #tpu.memory_space<vmem>>[vector<16xi32>], vector<16xf32>,
        tpu.vector_store_idx %arg7[%and3A_299], %get3A_273 {add = true} : memref<11536xf32, #tpu.memory_space<vmem>>[vector<16xi32>], vector<16xf32>,
        tpu.vector_store_idx %arg7[%shift_right_arithmetic3A_323], %get3A_273 {add = true} : memref<11536xf32, #tpu.memory_space<vmem>>[vector<16xi32>], vector<16xf32>,
        tpu.vector_store_idx %arg7[%and3A_302], %get3A_277 {add = true} : memref<11536xf32, #tpu.memory_space<vmem>>[vector<16xi32>], vector<16xf32>,
        tpu.vector_store_idx %arg7[%shift_right_arithmetic3A_326], %get3A_277 {add = true} : memref<11536xf32, #tpu.memory_space<vmem>>[vector<16xi32>], vector<16xf32>,
        tpu.vector_store_idx %arg7[%and3A_305], %get3A_281 {add = true} : memref<11536xf32, #tpu.memory_space<vmem>>[vector<16xi32>], vector<16xf32>,
        tpu.vector_store_idx %arg7[%shift_right_arithmetic3A_329], %get3A_281 {add = true} : memref<11536xf32, #tpu.memory_space<vmem>>[vector<16xi32>], vector<16xf32>,
        %get3A_330 = arith.index_cast %rem3A_96 : i32 to index
        %get3A_331 = arith.index_cast %scan3A_105 : i32 to index
        %get3A_332 = arith.constant 256 : index
        %get3A_333 = tpu.vector_load %arg5[%get3A_330, %get3A_331, %get3A_332] {strides = array<i32>} : memref<2x8x512xi32, #tpu.memory_space<vmem>>, vector<16xi32>,
        %get3A_334 = arith.index_cast %rem3A_96 : i32 to index
        %get3A_335 = arith.index_cast %scan3A_105 : i32 to index
        %get3A_336 = arith.constant 272 : index
        %get3A_337 = tpu.vector_load %arg5[%get3A_334, %get3A_335, %get3A_336] {strides = array<i32>} : memref<2x8x512xi32, #tpu.memory_space<vmem>>, vector<16xi32>,
        %get3A_338 = arith.index_cast %rem3A_96 : i32 to index
        %get3A_339 = arith.index_cast %scan3A_105 : i32 to index
        %get3A_340 = arith.constant 288 : index
        %get3A_341 = tpu.vector_load %arg5[%get3A_338, %get3A_339, %get3A_340] {strides = array<i32>} : memref<2x8x512xi32, #tpu.memory_space<vmem>>, vector<16xi32>,
        %get3A_342 = arith.index_cast %rem3A_96 : i32 to index
        %get3A_343 = arith.index_cast %scan3A_105 : i32 to index
        %get3A_344 = arith.constant 304 : index
        %get3A_345 = tpu.vector_load %arg5[%get3A_342, %get3A_343, %get3A_344] {strides = array<i32>} : memref<2x8x512xi32, #tpu.memory_space<vmem>>, vector<16xi32>,
        %get3A_346 = arith.index_cast %rem3A_96 : i32 to index
        %get3A_347 = arith.index_cast %scan3A_105 : i32 to index
        %get3A_348 = arith.constant 320 : index
        %get3A_349 = tpu.vector_load %arg5[%get3A_346, %get3A_347, %get3A_348] {strides = array<i32>} : memref<2x8x512xi32, #tpu.memory_space<vmem>>, vector<16xi32>,
        %get3A_350 = arith.index_cast %rem3A_96 : i32 to index
        %get3A_351 = arith.index_cast %scan3A_105 : i32 to index
        %get3A_352 = arith.constant 336 : index
        %get3A_353 = tpu.vector_load %arg5[%get3A_350, %get3A_351, %get3A_352] {strides = array<i32>} : memref<2x8x512xi32, #tpu.memory_space<vmem>>, vector<16xi32>,
        %get3A_354 = arith.index_cast %rem3A_96 : i32 to index
        %get3A_355 = arith.index_cast %scan3A_105 : i32 to index
        %get3A_356 = arith.constant 352 : index
        %get3A_357 = tpu.vector_load %arg5[%get3A_354, %get3A_355, %get3A_356] {strides = array<i32>} : memref<2x8x512xi32, #tpu.memory_space<vmem>>, vector<16xi32>,
        %get3A_358 = arith.index_cast %rem3A_96 : i32 to index
        %get3A_359 = arith.index_cast %scan3A_105 : i32 to index
        %get3A_360 = arith.constant 368 : index
        %get3A_361 = tpu.vector_load %arg5[%get3A_358, %get3A_359, %get3A_360] {strides = array<i32>} : memref<2x8x512xi32, #tpu.memory_space<vmem>>, vector<16xi32>,
        %get3A_362 = arith.index_cast %rem3A_96 : i32 to index
        %get3A_363 = arith.index_cast %scan3A_105 : i32 to index
        %get3A_364 = arith.constant 256 : index
        %get3A_365 = tpu.vector_load %arg6[%get3A_362, %get3A_363, %get3A_364] {strides = array<i32>} : memref<2x8x512xf32, #tpu.memory_space<vmem>>, vector<16xf32>,
        %get3A_366 = arith.index_cast %rem3A_96 : i32 to index
        %get3A_367 = arith.index_cast %scan3A_105 : i32 to index
        %get3A_368 = arith.constant 272 : index
        %get3A_369 = tpu.vector_load %arg6[%get3A_366, %get3A_367, %get3A_368] {strides = array<i32>} : memref<2x8x512xf32, #tpu.memory_space<vmem>>, vector<16xf32>,
        %get3A_370 = arith.index_cast %rem3A_96 : i32 to index
        %get3A_371 = arith.index_cast %scan3A_105 : i32 to index
        %get3A_372 = arith.constant 288 : index
        %get3A_373 = tpu.vector_load %arg6[%get3A_370, %get3A_371, %get3A_372] {strides = array<i32>} : memref<2x8x512xf32, #tpu.memory_space<vmem>>, vector<16xf32>,
        %get3A_374 = arith.index_cast %rem3A_96 : i32 to index
        %get3A_375 = arith.index_cast %scan3A_105 : i32 to index
        %get3A_376 = arith.constant 304 : index
        %get3A_377 = tpu.vector_load %arg6[%get3A_374, %get3A_375, %get3A_376] {strides = array<i32>} : memref<2x8x512xf32, #tpu.memory_space<vmem>>, vector<16xf32>,
        %get3A_378 = arith.index_cast %rem3A_96 : i32 to index
        %get3A_379 = arith.index_cast %scan3A_105 : i32 to index
        %get3A_380 = arith.constant 320 : index
        %get3A_381 = tpu.vector_load %arg6[%get3A_378, %get3A_379, %get3A_380] {strides = array<i32>} : memref<2x8x512xf32, #tpu.memory_space<vmem>>, vector<16xf32>,
        %get3A_382 = arith.index_cast %rem3A_96 : i32 to index
        %get3A_383 = arith.index_cast %scan3A_105 : i32 to index
        %get3A_384 = arith.constant 336 : index
        %get3A_385 = tpu.vector_load %arg6[%get3A_382, %get3A_383, %get3A_384] {strides = array<i32>} : memref<2x8x512xf32, #tpu.memory_space<vmem>>, vector<16xf32>,
        %get3A_386 = arith.index_cast %rem3A_96 : i32 to index
        %get3A_387 = arith.index_cast %scan3A_105 : i32 to index
        %get3A_388 = arith.constant 352 : index
        %get3A_389 = tpu.vector_load %arg6[%get3A_386, %get3A_387, %get3A_388] {strides = array<i32>} : memref<2x8x512xf32, #tpu.memory_space<vmem>>, vector<16xf32>,
        %get3A_390 = arith.index_cast %rem3A_96 : i32 to index
        %get3A_391 = arith.index_cast %scan3A_105 : i32 to index
        %get3A_392 = arith.constant 368 : index
        %get3A_393 = tpu.vector_load %arg6[%get3A_390, %get3A_391, %get3A_392] {strides = array<i32>} : memref<2x8x512xf32, #tpu.memory_space<vmem>>, vector<16xf32>,
        %and3A_394 = arith.constant 65535 : i32
        %and3A_395 = vector.broadcast %and3A_394 : i32 to vector<16xi32>
        %and3A_396 = arith.andi %get3A_333, %and3A_395 : vector<16xi32>
        %and3A_397 = arith.constant 65535 : i32
        %and3A_398 = vector.broadcast %and3A_397 : i32 to vector<16xi32>
        %and3A_399 = arith.andi %get3A_337, %and3A_398 : vector<16xi32>
        %and3A_400 = arith.constant 65535 : i32
        %and3A_401 = vector.broadcast %and3A_400 : i32 to vector<16xi32>
        %and3A_402 = arith.andi %get3A_341, %and3A_401 : vector<16xi32>
        %and3A_403 = arith.constant 65535 : i32
        %and3A_404 = vector.broadcast %and3A_403 : i32 to vector<16xi32>
        %and3A_405 = arith.andi %get3A_345, %and3A_404 : vector<16xi32>
        %and3A_406 = arith.constant 65535 : i32
        %and3A_407 = vector.broadcast %and3A_406 : i32 to vector<16xi32>
        %and3A_408 = arith.andi %get3A_349, %and3A_407 : vector<16xi32>
        %and3A_409 = arith.constant 65535 : i32
        %and3A_410 = vector.broadcast %and3A_409 : i32 to vector<16xi32>
        %and3A_411 = arith.andi %get3A_353, %and3A_410 : vector<16xi32>
        %and3A_412 = arith.constant 65535 : i32
        %and3A_413 = vector.broadcast %and3A_412 : i32 to vector<16xi32>
        %and3A_414 = arith.andi %get3A_357, %and3A_413 : vector<16xi32>
        %and3A_415 = arith.constant 65535 : i32
        %and3A_416 = vector.broadcast %and3A_415 : i32 to vector<16xi32>
        %and3A_417 = arith.andi %get3A_361, %and3A_416 : vector<16xi32>
        %shift_right_arithmetic3A_418 = arith.constant 16 : i32
        %shift_right_arithmetic3A_419 = vector.broadcast %shift_right_arithmetic3A_418 : i32 to vector<16xi32>
        %shift_right_arithmetic3A_420 = arith.shrsi %get3A_333, %shift_right_arithmetic3A_419 : vector<16xi32>
        %shift_right_arithmetic3A_421 = arith.constant 16 : i32
        %shift_right_arithmetic3A_422 = vector.broadcast %shift_right_arithmetic3A_421 : i32 to vector<16xi32>
        %shift_right_arithmetic3A_423 = arith.shrsi %get3A_337, %shift_right_arithmetic3A_422 : vector<16xi32>
        %shift_right_arithmetic3A_424 = arith.constant 16 : i32
        %shift_right_arithmetic3A_425 = vector.broadcast %shift_right_arithmetic3A_424 : i32 to vector<16xi32>
        %shift_right_arithmetic3A_426 = arith.shrsi %get3A_341, %shift_right_arithmetic3A_425 : vector<16xi32>
        %shift_right_arithmetic3A_427 = arith.constant 16 : i32
        %shift_right_arithmetic3A_428 = vector.broadcast %shift_right_arithmetic3A_427 : i32 to vector<16xi32>
        %shift_right_arithmetic3A_429 = arith.shrsi %get3A_345, %shift_right_arithmetic3A_428 : vector<16xi32>
        %shift_right_arithmetic3A_430 = arith.constant 16 : i32
        %shift_right_arithmetic3A_431 = vector.broadcast %shift_right_arithmetic3A_430 : i32 to vector<16xi32>
        %shift_right_arithmetic3A_432 = arith.shrsi %get3A_349, %shift_right_arithmetic3A_431 : vector<16xi32>
        %shift_right_arithmetic3A_433 = arith.constant 16 : i32
        %shift_right_arithmetic3A_434 = vector.broadcast %shift_right_arithmetic3A_433 : i32 to vector<16xi32>
        %shift_right_arithmetic3A_435 = arith.shrsi %get3A_353, %shift_right_arithmetic3A_434 : vector<16xi32>
        %shift_right_arithmetic3A_436 = arith.constant 16 : i32
        %shift_right_arithmetic3A_437 = vector.broadcast %shift_right_arithmetic3A_436 : i32 to vector<16xi32>
        %shift_right_arithmetic3A_438 = arith.shrsi %get3A_357, %shift_right_arithmetic3A_437 : vector<16xi32>
        %shift_right_arithmetic3A_439 = arith.constant 16 : i32
        %shift_right_arithmetic3A_440 = vector.broadcast %shift_right_arithmetic3A_439 : i32 to vector<16xi32>
        %shift_right_arithmetic3A_441 = arith.shrsi %get3A_361, %shift_right_arithmetic3A_440 : vector<16xi32>
        tpu.vector_store_idx %arg7[%and3A_396], %get3A_365 {add = true} : memref<11536xf32, #tpu.memory_space<vmem>>[vector<16xi32>], vector<16xf32>,
        tpu.vector_store_idx %arg7[%shift_right_arithmetic3A_420], %get3A_365 {add = true} : memref<11536xf32, #tpu.memory_space<vmem>>[vector<16xi32>], vector<16xf32>,
        tpu.vector_store_idx %arg7[%and3A_399], %get3A_369 {add = true} : memref<11536xf32, #tpu.memory_space<vmem>>[vector<16xi32>], vector<16xf32>,
        tpu.vector_store_idx %arg7[%shift_right_arithmetic3A_423], %get3A_369 {add = true} : memref<11536xf32, #tpu.memory_space<vmem>>[vector<16xi32>], vector<16xf32>,
        tpu.vector_store_idx %arg7[%and3A_402], %get3A_373 {add = true} : memref<11536xf32, #tpu.memory_space<vmem>>[vector<16xi32>], vector<16xf32>,
        tpu.vector_store_idx %arg7[%shift_right_arithmetic3A_426], %get3A_373 {add = true} : memref<11536xf32, #tpu.memory_space<vmem>>[vector<16xi32>], vector<16xf32>,
        tpu.vector_store_idx %arg7[%and3A_405], %get3A_377 {add = true} : memref<11536xf32, #tpu.memory_space<vmem>>[vector<16xi32>], vector<16xf32>,
        tpu.vector_store_idx %arg7[%shift_right_arithmetic3A_429], %get3A_377 {add = true} : memref<11536xf32, #tpu.memory_space<vmem>>[vector<16xi32>], vector<16xf32>,
        tpu.vector_store_idx %arg7[%and3A_408], %get3A_381 {add = true} : memref<11536xf32, #tpu.memory_space<vmem>>[vector<16xi32>], vector<16xf32>,
        tpu.vector_store_idx %arg7[%shift_right_arithmetic3A_432], %get3A_381 {add = true} : memref<11536xf32, #tpu.memory_space<vmem>>[vector<16xi32>], vector<16xf32>,
        tpu.vector_store_idx %arg7[%and3A_411], %get3A_385 {add = true} : memref<11536xf32, #tpu.memory_space<vmem>>[vector<16xi32>], vector<16xf32>,
        tpu.vector_store_idx %arg7[%shift_right_arithmetic3A_435], %get3A_385 {add = true} : memref<11536xf32, #tpu.memory_space<vmem>>[vector<16xi32>], vector<16xf32>,
        tpu.vector_store_idx %arg7[%and3A_414], %get3A_389 {add = true} : memref<11536xf32, #tpu.memory_space<vmem>>[vector<16xi32>], vector<16xf32>,
        tpu.vector_store_idx %arg7[%shift_right_arithmetic3A_438], %get3A_389 {add = true} : memref<11536xf32, #tpu.memory_space<vmem>>[vector<16xi32>], vector<16xf32>,
        tpu.vector_store_idx %arg7[%and3A_417], %get3A_393 {add = true} : memref<11536xf32, #tpu.memory_space<vmem>>[vector<16xi32>], vector<16xf32>,
        tpu.vector_store_idx %arg7[%shift_right_arithmetic3A_441], %get3A_393 {add = true} : memref<11536xf32, #tpu.memory_space<vmem>>[vector<16xi32>], vector<16xf32>,
        %get3A_442 = arith.index_cast %rem3A_96 : i32 to index
        %get3A_443 = arith.index_cast %scan3A_105 : i32 to index
        %get3A_444 = arith.constant 384 : index
        %get3A_445 = tpu.vector_load %arg5[%get3A_442, %get3A_443, %get3A_444] {strides = array<i32>} : memref<2x8x512xi32, #tpu.memory_space<vmem>>, vector<16xi32>,
        %get3A_446 = arith.index_cast %rem3A_96 : i32 to index
        %get3A_447 = arith.index_cast %scan3A_105 : i32 to index
        %get3A_448 = arith.constant 400 : index
        %get3A_449 = tpu.vector_load %arg5[%get3A_446, %get3A_447, %get3A_448] {strides = array<i32>} : memref<2x8x512xi32, #tpu.memory_space<vmem>>, vector<16xi32>,
        %get3A_450 = arith.index_cast %rem3A_96 : i32 to index
        %get3A_451 = arith.index_cast %scan3A_105 : i32 to index
        %get3A_452 = arith.constant 416 : index
        %get3A_453 = tpu.vector_load %arg5[%get3A_450, %get3A_451, %get3A_452] {strides = array<i32>} : memref<2x8x512xi32, #tpu.memory_space<vmem>>, vector<16xi32>,
        %get3A_454 = arith.index_cast %rem3A_96 : i32 to index
        %get3A_455 = arith.index_cast %scan3A_105 : i32 to index
        %get3A_456 = arith.constant 432 : index
        %get3A_457 = tpu.vector_load %arg5[%get3A_454, %get3A_455, %get3A_456] {strides = array<i32>} : memref<2x8x512xi32, #tpu.memory_space<vmem>>, vector<16xi32>,
        %get3A_458 = arith.index_cast %rem3A_96 : i32 to index
        %get3A_459 = arith.index_cast %scan3A_105 : i32 to index
        %get3A_460 = arith.constant 448 : index
        %get3A_461 = tpu.vector_load %arg5[%get3A_458, %get3A_459, %get3A_460] {strides = array<i32>} : memref<2x8x512xi32, #tpu.memory_space<vmem>>, vector<16xi32>,
        %get3A_462 = arith.index_cast %rem3A_96 : i32 to index
        %get3A_463 = arith.index_cast %scan3A_105 : i32 to index
        %get3A_464 = arith.constant 464 : index
        %get3A_465 = tpu.vector_load %arg5[%get3A_462, %get3A_463, %get3A_464] {strides = array<i32>} : memref<2x8x512xi32, #tpu.memory_space<vmem>>, vector<16xi32>,
        %get3A_466 = arith.index_cast %rem3A_96 : i32 to index
        %get3A_467 = arith.index_cast %scan3A_105 : i32 to index
        %get3A_468 = arith.constant 480 : index
        %get3A_469 = tpu.vector_load %arg5[%get3A_466, %get3A_467, %get3A_468] {strides = array<i32>} : memref<2x8x512xi32, #tpu.memory_space<vmem>>, vector<16xi32>,
        %get3A_470 = arith.index_cast %rem3A_96 : i32 to index
        %get3A_471 = arith.index_cast %scan3A_105 : i32 to index
        %get3A_472 = arith.constant 496 : index
        %get3A_473 = tpu.vector_load %arg5[%get3A_470, %get3A_471, %get3A_472] {strides = array<i32>} : memref<2x8x512xi32, #tpu.memory_space<vmem>>, vector<16xi32>,
        %get3A_474 = arith.index_cast %rem3A_96 : i32 to index
        %get3A_475 = arith.index_cast %scan3A_105 : i32 to index
        %get3A_476 = arith.constant 384 : index
        %get3A_477 = tpu.vector_load %arg6[%get3A_474, %get3A_475, %get3A_476] {strides = array<i32>} : memref<2x8x512xf32, #tpu.memory_space<vmem>>, vector<16xf32>,
        %get3A_478 = arith.index_cast %rem3A_96 : i32 to index
        %get3A_479 = arith.index_cast %scan3A_105 : i32 to index
        %get3A_480 = arith.constant 400 : index
        %get3A_481 = tpu.vector_load %arg6[%get3A_478, %get3A_479, %get3A_480] {strides = array<i32>} : memref<2x8x512xf32, #tpu.memory_space<vmem>>, vector<16xf32>,
        %get3A_482 = arith.index_cast %rem3A_96 : i32 to index
        %get3A_483 = arith.index_cast %scan3A_105 : i32 to index
        %get3A_484 = arith.constant 416 : index
        %get3A_485 = tpu.vector_load %arg6[%get3A_482, %get3A_483, %get3A_484] {strides = array<i32>} : memref<2x8x512xf32, #tpu.memory_space<vmem>>, vector<16xf32>,
        %get3A_486 = arith.index_cast %rem3A_96 : i32 to index
        %get3A_487 = arith.index_cast %scan3A_105 : i32 to index
        %get3A_488 = arith.constant 432 : index
        %get3A_489 = tpu.vector_load %arg6[%get3A_486, %get3A_487, %get3A_488] {strides = array<i32>} : memref<2x8x512xf32, #tpu.memory_space<vmem>>, vector<16xf32>,
        %get3A_490 = arith.index_cast %rem3A_96 : i32 to index
        %get3A_491 = arith.index_cast %scan3A_105 : i32 to index
        %get3A_492 = arith.constant 448 : index
        %get3A_493 = tpu.vector_load %arg6[%get3A_490, %get3A_491, %get3A_492] {strides = array<i32>} : memref<2x8x512xf32, #tpu.memory_space<vmem>>, vector<16xf32>,
        %get3A_494 = arith.index_cast %rem3A_96 : i32 to index
        %get3A_495 = arith.index_cast %scan3A_105 : i32 to index
        %get3A_496 = arith.constant 464 : index
        %get3A_497 = tpu.vector_load %arg6[%get3A_494, %get3A_495, %get3A_496] {strides = array<i32>} : memref<2x8x512xf32, #tpu.memory_space<vmem>>, vector<16xf32>,
        %get3A_498 = arith.index_cast %rem3A_96 : i32 to index
        %get3A_499 = arith.index_cast %scan3A_105 : i32 to index
        %get3A_500 = arith.constant 480 : index
        %get3A_501 = tpu.vector_load %arg6[%get3A_498, %get3A_499, %get3A_500] {strides = array<i32>} : memref<2x8x512xf32, #tpu.memory_space<vmem>>, vector<16xf32>,
        %get3A_502 = arith.index_cast %rem3A_96 : i32 to index
        %get3A_503 = arith.index_cast %scan3A_105 : i32 to index
        %get3A_504 = arith.constant 496 : index
        %get3A_505 = tpu.vector_load %arg6[%get3A_502, %get3A_503, %get3A_504] {strides = array<i32>} : memref<2x8x512xf32, #tpu.memory_space<vmem>>, vector<16xf32>,
        %and3A_506 = arith.constant 65535 : i32
        %and3A_507 = vector.broadcast %and3A_506 : i32 to vector<16xi32>
        %and3A_508 = arith.andi %get3A_445, %and3A_507 : vector<16xi32>
        %and3A_509 = arith.constant 65535 : i32
        %and3A_510 = vector.broadcast %and3A_509 : i32 to vector<16xi32>
        %and3A_511 = arith.andi %get3A_449, %and3A_510 : vector<16xi32>
        %and3A_512 = arith.constant 65535 : i32
        %and3A_513 = vector.broadcast %and3A_512 : i32 to vector<16xi32>
        %and3A_514 = arith.andi %get3A_453, %and3A_513 : vector<16xi32>
        %and3A_515 = arith.constant 65535 : i32
        %and3A_516 = vector.broadcast %and3A_515 : i32 to vector<16xi32>
        %and3A_517 = arith.andi %get3A_457, %and3A_516 : vector<16xi32>
        %and3A_518 = arith.constant 65535 : i32
        %and3A_519 = vector.broadcast %and3A_518 : i32 to vector<16xi32>
        %and3A_520 = arith.andi %get3A_461, %and3A_519 : vector<16xi32>
        %and3A_521 = arith.constant 65535 : i32
        %and3A_522 = vector.broadcast %and3A_521 : i32 to vector<16xi32>
        %and3A_523 = arith.andi %get3A_465, %and3A_522 : vector<16xi32>
        %and3A_524 = arith.constant 65535 : i32
        %and3A_525 = vector.broadcast %and3A_524 : i32 to vector<16xi32>
        %and3A_526 = arith.andi %get3A_469, %and3A_525 : vector<16xi32>
        %and3A_527 = arith.constant 65535 : i32
        %and3A_528 = vector.broadcast %and3A_527 : i32 to vector<16xi32>
        %and3A_529 = arith.andi %get3A_473, %and3A_528 : vector<16xi32>
        %shift_right_arithmetic3A_530 = arith.constant 16 : i32
        %shift_right_arithmetic3A_531 = vector.broadcast %shift_right_arithmetic3A_530 : i32 to vector<16xi32>
        %shift_right_arithmetic3A_532 = arith.shrsi %get3A_445, %shift_right_arithmetic3A_531 : vector<16xi32>
        %shift_right_arithmetic3A_533 = arith.constant 16 : i32
        %shift_right_arithmetic3A_534 = vector.broadcast %shift_right_arithmetic3A_533 : i32 to vector<16xi32>
        %shift_right_arithmetic3A_535 = arith.shrsi %get3A_449, %shift_right_arithmetic3A_534 : vector<16xi32>
        %shift_right_arithmetic3A_536 = arith.constant 16 : i32
        %shift_right_arithmetic3A_537 = vector.broadcast %shift_right_arithmetic3A_536 : i32 to vector<16xi32>
        %shift_right_arithmetic3A_538 = arith.shrsi %get3A_453, %shift_right_arithmetic3A_537 : vector<16xi32>
        %shift_right_arithmetic3A_539 = arith.constant 16 : i32
        %shift_right_arithmetic3A_540 = vector.broadcast %shift_right_arithmetic3A_539 : i32 to vector<16xi32>
        %shift_right_arithmetic3A_541 = arith.shrsi %get3A_457, %shift_right_arithmetic3A_540 : vector<16xi32>
        %shift_right_arithmetic3A_542 = arith.constant 16 : i32
        %shift_right_arithmetic3A_543 = vector.broadcast %shift_right_arithmetic3A_542 : i32 to vector<16xi32>
        %shift_right_arithmetic3A_544 = arith.shrsi %get3A_461, %shift_right_arithmetic3A_543 : vector<16xi32>
        %shift_right_arithmetic3A_545 = arith.constant 16 : i32
        %shift_right_arithmetic3A_546 = vector.broadcast %shift_right_arithmetic3A_545 : i32 to vector<16xi32>
        %shift_right_arithmetic3A_547 = arith.shrsi %get3A_465, %shift_right_arithmetic3A_546 : vector<16xi32>
        %shift_right_arithmetic3A_548 = arith.constant 16 : i32
        %shift_right_arithmetic3A_549 = vector.broadcast %shift_right_arithmetic3A_548 : i32 to vector<16xi32>
        %shift_right_arithmetic3A_550 = arith.shrsi %get3A_469, %shift_right_arithmetic3A_549 : vector<16xi32>
        %shift_right_arithmetic3A_551 = arith.constant 16 : i32
        %shift_right_arithmetic3A_552 = vector.broadcast %shift_right_arithmetic3A_551 : i32 to vector<16xi32>
        %shift_right_arithmetic3A_553 = arith.shrsi %get3A_473, %shift_right_arithmetic3A_552 : vector<16xi32>
        tpu.vector_store_idx %arg7[%and3A_508], %get3A_477 {add = true} : memref<11536xf32, #tpu.memory_space<vmem>>[vector<16xi32>], vector<16xf32>,
        tpu.vector_store_idx %arg7[%shift_right_arithmetic3A_532], %get3A_477 {add = true} : memref<11536xf32, #tpu.memory_space<vmem>>[vector<16xi32>], vector<16xf32>,
        tpu.vector_store_idx %arg7[%and3A_511], %get3A_481 {add = true} : memref<11536xf32, #tpu.memory_space<vmem>>[vector<16xi32>], vector<16xf32>,
        tpu.vector_store_idx %arg7[%shift_right_arithmetic3A_535], %get3A_481 {add = true} : memref<11536xf32, #tpu.memory_space<vmem>>[vector<16xi32>], vector<16xf32>,
        tpu.vector_store_idx %arg7[%and3A_514], %get3A_485 {add = true} : memref<11536xf32, #tpu.memory_space<vmem>>[vector<16xi32>], vector<16xf32>,
        tpu.vector_store_idx %arg7[%shift_right_arithmetic3A_538], %get3A_485 {add = true} : memref<11536xf32, #tpu.memory_space<vmem>>[vector<16xi32>], vector<16xf32>,
        tpu.vector_store_idx %arg7[%and3A_517], %get3A_489 {add = true} : memref<11536xf32, #tpu.memory_space<vmem>>[vector<16xi32>], vector<16xf32>,
        tpu.vector_store_idx %arg7[%shift_right_arithmetic3A_541], %get3A_489 {add = true} : memref<11536xf32, #tpu.memory_space<vmem>>[vector<16xi32>], vector<16xf32>,
        tpu.vector_store_idx %arg7[%and3A_520], %get3A_493 {add = true} : memref<11536xf32, #tpu.memory_space<vmem>>[vector<16xi32>], vector<16xf32>,
        tpu.vector_store_idx %arg7[%shift_right_arithmetic3A_544], %get3A_493 {add = true} : memref<11536xf32, #tpu.memory_space<vmem>>[vector<16xi32>], vector<16xf32>,
        tpu.vector_store_idx %arg7[%and3A_523], %get3A_497 {add = true} : memref<11536xf32, #tpu.memory_space<vmem>>[vector<16xi32>], vector<16xf32>,
        tpu.vector_store_idx %arg7[%shift_right_arithmetic3A_547], %get3A_497 {add = true} : memref<11536xf32, #tpu.memory_space<vmem>>[vector<16xi32>], vector<16xf32>,
        tpu.vector_store_idx %arg7[%and3A_526], %get3A_501 {add = true} : memref<11536xf32, #tpu.memory_space<vmem>>[vector<16xi32>], vector<16xf32>,
        tpu.vector_store_idx %arg7[%shift_right_arithmetic3A_550], %get3A_501 {add = true} : memref<11536xf32, #tpu.memory_space<vmem>>[vector<16xi32>], vector<16xf32>,
        tpu.vector_store_idx %arg7[%and3A_529], %get3A_505 {add = true} : memref<11536xf32, #tpu.memory_space<vmem>>[vector<16xi32>], vector<16xf32>,
        tpu.vector_store_idx %arg7[%shift_right_arithmetic3A_553], %get3A_505 {add = true} : memref<11536xf32, #tpu.memory_space<vmem>>[vector<16xi32>], vector<16xf32>,
        %scan3A_554 = arith.constant 0 : i32
        scf.yield %scan3A_554 : i32
      }
      %scan3A_103 = arith.constant 8 : i32
      %while3A_104 = arith.constant 0 : i32
      scf.yield %while3A_104 : i32
    }
    %while3A_52 = arith.constant 1 : i32
    %while3A_53 = scf.for %while3A_61 = %while3A_49 to %while3A_45 step %while3A_52 iter_args(%while3A_62 = %while3A_51) -> (i32)  : i32 {
      %rem3A_63 = arith.constant 2 : i32
      %rem3A_64 = arith.remsi %while3A_61, %rem3A_63 : i32
      %mul3A_65 = arith.constant 8 : i32
      %mul3A_66 = arith.muli %while3A_61, %mul3A_65 : i32
      %dma_wait3A = arith.constant 0 : i32
      %dma_wait3A_67 = arith.constant 0 : i32
      %dma_wait3A_68 = tpu.memref_slice %arg5[%rem3A_64, %dma_wait3A, %dma_wait3A_67] : memref<2x8x512xi32, #tpu.memory_space<vmem>> -> memref<1x8x512xi32, #tpu.memory_space<vmem>>
      %dma_wait3A_69 = tpu.memref_squeeze %dma_wait3A_68 : memref<1x8x512xi32, #tpu.memory_space<vmem>> -> memref<8x512xi32, #tpu.memory_space<vmem>>
      %dma_wait3A_70 = arith.constant 0 : i32
      %dma_wait3A_71 = tpu.memref_slice %arg3[%mul3A_66, %dma_wait3A_70] : memref<264x512xi32, #tpu.memory_space<hbm>> -> memref<8x512xi32, #tpu.memory_space<hbm>>
      %dma_wait3A_72 = arith.constant 0 : i32
      %dma_wait3A_73 = arith.constant 0 : i32
      %dma_wait3A_74 = tpu.memref_slice %arg5[%rem3A_64, %dma_wait3A_72, %dma_wait3A_73] : memref<2x8x512xi32, #tpu.memory_space<vmem>> -> memref<1x8x512xi32, #tpu.memory_space<vmem>>
      %dma_wait3A_75 = tpu.memref_squeeze %dma_wait3A_74 : memref<1x8x512xi32, #tpu.memory_space<vmem>> -> memref<8x512xi32, #tpu.memory_space<vmem>>
      %dma_wait3A_76 = arith.constant 0 : i32
      %dma_wait3A_77 = tpu.memref_slice %arg3[%mul3A_66, %dma_wait3A_76] : memref<264x512xi32, #tpu.memory_space<hbm>> -> memref<8x512xi32, #tpu.memory_space<hbm>>
      tpu.wait_dma2 semaphore(%arg9 : memref<!tpu.dma_semaphore, #tpu.memory_space<semaphore_mem>>) src(%dma_wait3A_77 : memref<8x512xi32, #tpu.memory_space<hbm>>) dst(%dma_wait3A_75 : memref<8x512xi32, #tpu.memory_space<vmem>>)
      %dma_wait3A_78 = arith.constant 0 : i32
      %dma_wait3A_79 = arith.constant 0 : i32
      %dma_wait3A_80 = tpu.memref_slice %arg6[%rem3A_64, %dma_wait3A_78, %dma_wait3A_79] : memref<2x8x512xf32, #tpu.memory_space<vmem>> -> memref<1x8x512xf32, #tpu.memory_space<vmem>>
      %dma_wait3A_81 = tpu.memref_squeeze %dma_wait3A_80 : memref<1x8x512xf32, #tpu.memory_space<vmem>> -> memref<8x512xf32, #tpu.memory_space<vmem>>
      %dma_wait3A_82 = arith.constant 0 : i32
      %dma_wait3A_83 = tpu.memref_slice %arg2[%shift_right_arithmetic3A_1, %mul3A_66, %dma_wait3A_82] : memref<16x264x512xf32, #tpu.memory_space<hbm>> -> memref<1x8x512xf32, #tpu.memory_space<hbm>>
      %dma_wait3A_84 = tpu.memref_squeeze %dma_wait3A_83 : memref<1x8x512xf32, #tpu.memory_space<hbm>> -> memref<8x512xf32, #tpu.memory_space<hbm>>
      %dma_wait3A_85 = arith.constant 0 : i32
      %dma_wait3A_86 = arith.constant 0 : i32
      %dma_wait3A_87 = tpu.memref_slice %arg6[%rem3A_64, %dma_wait3A_85, %dma_wait3A_86] : memref<2x8x512xf32, #tpu.memory_space<vmem>> -> memref<1x8x512xf32, #tpu.memory_space<vmem>>
      %dma_wait3A_88 = tpu.memref_squeeze %dma_wait3A_87 : memref<1x8x512xf32, #tpu.memory_space<vmem>> -> memref<8x512xf32, #tpu.memory_space<vmem>>
      %dma_wait3A_89 = arith.constant 0 : i32
      %dma_wait3A_90 = tpu.memref_slice %arg2[%shift_right_arithmetic3A_1, %mul3A_66, %dma_wait3A_89] : memref<16x264x512xf32, #tpu.memory_space<hbm>> -> memref<1x8x512xf32, #tpu.memory_space<hbm>>
      %dma_wait3A_91 = tpu.memref_squeeze %dma_wait3A_90 : memref<1x8x512xf32, #tpu.memory_space<hbm>> -> memref<8x512xf32, #tpu.memory_space<hbm>>
      tpu.wait_dma2 semaphore(%arg10 : memref<!tpu.dma_semaphore, #tpu.memory_space<semaphore_mem>>) src(%dma_wait3A_91 : memref<8x512xf32, #tpu.memory_space<hbm>>) dst(%dma_wait3A_88 : memref<8x512xf32, #tpu.memory_space<vmem>>)
      %add3A_92 = arith.constant 1 : i32
      %add3A_93 = arith.addi %while3A_61, %add3A_92 : i32
      %lt3A = arith.cmpi slt, %add3A_93, %add3A_9 : i32
      %convert_element_type3A = arith.extui %lt3A : i1 to i32
      %cond3A = arith.constant 0 : i32
      %cond3A_94 = arith.cmpi ne, %convert_element_type3A, %cond3A : i32
      scf.if %cond3A_94 {
        %add3A_105 = arith.constant 1 : i32
        %add3A_106 = arith.addi %while3A_61, %add3A_105 : i32
        %rem3A_107 = arith.constant 2 : i32
        %rem3A_108 = arith.remsi %add3A_106, %rem3A_107 : i32
        %mul3A_109 = arith.constant 8 : i32
        %mul3A_110 = arith.muli %add3A_106, %mul3A_109 : i32
        %dma_start3A_111 = arith.constant 0 : i32
        %dma_start3A_112 = arith.constant 0 : i32
        %dma_start3A_113 = tpu.memref_slice %arg5[%rem3A_108, %dma_start3A_111, %dma_start3A_112] : memref<2x8x512xi32, #tpu.memory_space<vmem>> -> memref<1x8x512xi32, #tpu.memory_space<vmem>>
        %dma_start3A_114 = tpu.memref_squeeze %dma_start3A_113 : memref<1x8x512xi32, #tpu.memory_space<vmem>> -> memref<8x512xi32, #tpu.memory_space<vmem>>
        %dma_start3A_115 = arith.constant 0 : i32
        %dma_start3A_116 = tpu.memref_slice %arg3[%mul3A_110, %dma_start3A_115] : memref<264x512xi32, #tpu.memory_space<hbm>> -> memref<8x512xi32, #tpu.memory_space<hbm>>
        %dma_start3A_117 = arith.constant 0 : i32
        %dma_start3A_118 = arith.constant 0 : i32
        %dma_start3A_119 = tpu.memref_slice %arg5[%rem3A_108, %dma_start3A_117, %dma_start3A_118] : memref<2x8x512xi32, #tpu.memory_space<vmem>> -> memref<1x8x512xi32, #tpu.memory_space<vmem>>
        %dma_start3A_120 = tpu.memref_squeeze %dma_start3A_119 : memref<1x8x512xi32, #tpu.memory_space<vmem>> -> memref<8x512xi32, #tpu.memory_space<vmem>>
        %dma_start3A_121 = arith.constant 0 : i32
        %dma_start3A_122 = tpu.memref_slice %arg3[%mul3A_110, %dma_start3A_121] : memref<264x512xi32, #tpu.memory_space<hbm>> -> memref<8x512xi32, #tpu.memory_space<hbm>>
        tpu.enqueue_dma source(%dma_start3A_122 : memref<8x512xi32, #tpu.memory_space<hbm>>) target(%dma_start3A_120 : memref<8x512xi32, #tpu.memory_space<vmem>>) target_semaphore(%arg9 : memref<!tpu.dma_semaphore, #tpu.memory_space<semaphore_mem>>)
        %dma_start3A_123 = arith.constant 0 : i32
        %dma_start3A_124 = arith.constant 0 : i32
        %dma_start3A_125 = tpu.memref_slice %arg6[%rem3A_108, %dma_start3A_123, %dma_start3A_124] : memref<2x8x512xf32, #tpu.memory_space<vmem>> -> memref<1x8x512xf32, #tpu.memory_space<vmem>>
        %dma_start3A_126 = tpu.memref_squeeze %dma_start3A_125 : memref<1x8x512xf32, #tpu.memory_space<vmem>> -> memref<8x512xf32, #tpu.memory_space<vmem>>
        %dma_start3A_127 = arith.constant 0 : i32
        %dma_start3A_128 = tpu.memref_slice %arg2[%shift_right_arithmetic3A_1, %mul3A_110, %dma_start3A_127] : memref<16x264x512xf32, #tpu.memory_space<hbm>> -> memref<1x8x512xf32, #tpu.memory_space<hbm>>
        %dma_start3A_129 = tpu.memref_squeeze %dma_start3A_128 : memref<1x8x512xf32, #tpu.memory_space<hbm>> -> memref<8x512xf32, #tpu.memory_space<hbm>>
        %dma_start3A_130 = arith.constant 0 : i32
        %dma_start3A_131 = arith.constant 0 : i32
        %dma_start3A_132 = tpu.memref_slice %arg6[%rem3A_108, %dma_start3A_130, %dma_start3A_131] : memref<2x8x512xf32, #tpu.memory_space<vmem>> -> memref<1x8x512xf32, #tpu.memory_space<vmem>>
        %dma_start3A_133 = tpu.memref_squeeze %dma_start3A_132 : memref<1x8x512xf32, #tpu.memory_space<vmem>> -> memref<8x512xf32, #tpu.memory_space<vmem>>
        %dma_start3A_134 = arith.constant 0 : i32
        %dma_start3A_135 = tpu.memref_slice %arg2[%shift_right_arithmetic3A_1, %mul3A_110, %dma_start3A_134] : memref<16x264x512xf32, #tpu.memory_space<hbm>> -> memref<1x8x512xf32, #tpu.memory_space<hbm>>
        %dma_start3A_136 = tpu.memref_squeeze %dma_start3A_135 : memref<1x8x512xf32, #tpu.memory_space<hbm>> -> memref<8x512xf32, #tpu.memory_space<hbm>>
        tpu.enqueue_dma source(%dma_start3A_136 : memref<8x512xf32, #tpu.memory_space<hbm>>) target(%dma_start3A_133 : memref<8x512xf32, #tpu.memory_space<vmem>>) target_semaphore(%arg10 : memref<!tpu.dma_semaphore, #tpu.memory_space<semaphore_mem>>)
      } else {
      }
      %rem3A_95 = arith.constant 2 : i32
      %rem3A_96 = arith.remsi %while3A_61, %rem3A_95 : i32
      %scan3A_97 = arith.constant 0 : i32
      %scan3A_98 = arith.constant 0 : i32
      %scan3A_99 = arith.constant 8 : i32
      %scan3A_100 = arith.addi %scan3A_98, %scan3A_99 : i32
      %scan3A_101 = arith.constant 1 : i32
      %scan3A_102 = scf.for %scan3A_105 = %scan3A_98 to %scan3A_100 step %scan3A_101 iter_args(%scan3A_106 = %scan3A_97) -> (i32)  : i32 {
        %get3A = arith.index_cast %rem3A_96 : i32 to index
        %get3A_107 = arith.index_cast %scan3A_105 : i32 to index
        %get3A_108 = arith.constant 0 : index
        %get3A_109 = tpu.vector_load %arg5[%get3A, %get3A_107, %get3A_108] {strides = array<i32>} : memref<2x8x512xi32, #tpu.memory_space<vmem>>, vector<16xi32>,
        %get3A_110 = arith.index_cast %rem3A_96 : i32 to index
        %get3A_111 = arith.index_cast %scan3A_105 : i32 to index
        %get3A_112 = arith.constant 16 : index
        %get3A_113 = tpu.vector_load %arg5[%get3A_110, %get3A_111, %get3A_112] {strides = array<i32>} : memref<2x8x512xi32, #tpu.memory_space<vmem>>, vector<16xi32>,
        %get3A_114 = arith.index_cast %rem3A_96 : i32 to index
        %get3A_115 = arith.index_cast %scan3A_105 : i32 to index
        %get3A_116 = arith.constant 32 : index
        %get3A_117 = tpu.vector_load %arg5[%get3A_114, %get3A_115, %get3A_116] {strides = array<i32>} : memref<2x8x512xi32, #tpu.memory_space<vmem>>, vector<16xi32>,
        %get3A_118 = arith.index_cast %rem3A_96 : i32 to index
        %get3A_119 = arith.index_cast %scan3A_105 : i32 to index
        %get3A_120 = arith.constant 48 : index
        %get3A_121 = tpu.vector_load %arg5[%get3A_118, %get3A_119, %get3A_120] {strides = array<i32>} : memref<2x8x512xi32, #tpu.memory_space<vmem>>, vector<16xi32>,
        %get3A_122 = arith.index_cast %rem3A_96 : i32 to index
        %get3A_123 = arith.index_cast %scan3A_105 : i32 to index
        %get3A_124 = arith.constant 64 : index
        %get3A_125 = tpu.vector_load %arg5[%get3A_122, %get3A_123, %get3A_124] {strides = array<i32>} : memref<2x8x512xi32, #tpu.memory_space<vmem>>, vector<16xi32>,
        %get3A_126 = arith.index_cast %rem3A_96 : i32 to index
        %get3A_127 = arith.index_cast %scan3A_105 : i32 to index
        %get3A_128 = arith.constant 80 : index
        %get3A_129 = tpu.vector_load %arg5[%get3A_126, %get3A_127, %get3A_128] {strides = array<i32>} : memref<2x8x512xi32, #tpu.memory_space<vmem>>, vector<16xi32>,
        %get3A_130 = arith.index_cast %rem3A_96 : i32 to index
        %get3A_131 = arith.index_cast %scan3A_105 : i32 to index
        %get3A_132 = arith.constant 96 : index
        %get3A_133 = tpu.vector_load %arg5[%get3A_130, %get3A_131, %get3A_132] {strides = array<i32>} : memref<2x8x512xi32, #tpu.memory_space<vmem>>, vector<16xi32>,
        %get3A_134 = arith.index_cast %rem3A_96 : i32 to index
        %get3A_135 = arith.index_cast %scan3A_105 : i32 to index
        %get3A_136 = arith.constant 112 : index
        %get3A_137 = tpu.vector_load %arg5[%get3A_134, %get3A_135, %get3A_136] {strides = array<i32>} : memref<2x8x512xi32, #tpu.memory_space<vmem>>, vector<16xi32>,
        %get3A_138 = arith.index_cast %rem3A_96 : i32 to index
        %get3A_139 = arith.index_cast %scan3A_105 : i32 to index
        %get3A_140 = arith.constant 0 : index
        %get3A_141 = tpu.vector_load %arg6[%get3A_138, %get3A_139, %get3A_140] {strides = array<i32>} : memref<2x8x512xf32, #tpu.memory_space<vmem>>, vector<16xf32>,
        %get3A_142 = arith.index_cast %rem3A_96 : i32 to index
        %get3A_143 = arith.index_cast %scan3A_105 : i32 to index
        %get3A_144 = arith.constant 16 : index
        %get3A_145 = tpu.vector_load %arg6[%get3A_142, %get3A_143, %get3A_144] {strides = array<i32>} : memref<2x8x512xf32, #tpu.memory_space<vmem>>, vector<16xf32>,
        %get3A_146 = arith.index_cast %rem3A_96 : i32 to index
        %get3A_147 = arith.index_cast %scan3A_105 : i32 to index
        %get3A_148 = arith.constant 32 : index
        %get3A_149 = tpu.vector_load %arg6[%get3A_146, %get3A_147, %get3A_148] {strides = array<i32>} : memref<2x8x512xf32, #tpu.memory_space<vmem>>, vector<16xf32>,
        %get3A_150 = arith.index_cast %rem3A_96 : i32 to index
        %get3A_151 = arith.index_cast %scan3A_105 : i32 to index
        %get3A_152 = arith.constant 48 : index
        %get3A_153 = tpu.vector_load %arg6[%get3A_150, %get3A_151, %get3A_152] {strides = array<i32>} : memref<2x8x512xf32, #tpu.memory_space<vmem>>, vector<16xf32>,
        %get3A_154 = arith.index_cast %rem3A_96 : i32 to index
        %get3A_155 = arith.index_cast %scan3A_105 : i32 to index
        %get3A_156 = arith.constant 64 : index
        %get3A_157 = tpu.vector_load %arg6[%get3A_154, %get3A_155, %get3A_156] {strides = array<i32>} : memref<2x8x512xf32, #tpu.memory_space<vmem>>, vector<16xf32>,
        %get3A_158 = arith.index_cast %rem3A_96 : i32 to index
        %get3A_159 = arith.index_cast %scan3A_105 : i32 to index
        %get3A_160 = arith.constant 80 : index
        %get3A_161 = tpu.vector_load %arg6[%get3A_158, %get3A_159, %get3A_160] {strides = array<i32>} : memref<2x8x512xf32, #tpu.memory_space<vmem>>, vector<16xf32>,
        %get3A_162 = arith.index_cast %rem3A_96 : i32 to index
        %get3A_163 = arith.index_cast %scan3A_105 : i32 to index
        %get3A_164 = arith.constant 96 : index
        %get3A_165 = tpu.vector_load %arg6[%get3A_162, %get3A_163, %get3A_164] {strides = array<i32>} : memref<2x8x512xf32, #tpu.memory_space<vmem>>, vector<16xf32>,
        %get3A_166 = arith.index_cast %rem3A_96 : i32 to index
        %get3A_167 = arith.index_cast %scan3A_105 : i32 to index
        %get3A_168 = arith.constant 112 : index
        %get3A_169 = tpu.vector_load %arg6[%get3A_166, %get3A_167, %get3A_168] {strides = array<i32>} : memref<2x8x512xf32, #tpu.memory_space<vmem>>, vector<16xf32>,
        %and3A_170 = arith.constant 65535 : i32
        %and3A_171 = vector.broadcast %and3A_170 : i32 to vector<16xi32>
        %and3A_172 = arith.andi %get3A_109, %and3A_171 : vector<16xi32>
        %and3A_173 = arith.constant 65535 : i32
        %and3A_174 = vector.broadcast %and3A_173 : i32 to vector<16xi32>
        %and3A_175 = arith.andi %get3A_113, %and3A_174 : vector<16xi32>
        %and3A_176 = arith.constant 65535 : i32
        %and3A_177 = vector.broadcast %and3A_176 : i32 to vector<16xi32>
        %and3A_178 = arith.andi %get3A_117, %and3A_177 : vector<16xi32>
        %and3A_179 = arith.constant 65535 : i32
        %and3A_180 = vector.broadcast %and3A_179 : i32 to vector<16xi32>
        %and3A_181 = arith.andi %get3A_121, %and3A_180 : vector<16xi32>
        %and3A_182 = arith.constant 65535 : i32
        %and3A_183 = vector.broadcast %and3A_182 : i32 to vector<16xi32>
        %and3A_184 = arith.andi %get3A_125, %and3A_183 : vector<16xi32>
        %and3A_185 = arith.constant 65535 : i32
        %and3A_186 = vector.broadcast %and3A_185 : i32 to vector<16xi32>
        %and3A_187 = arith.andi %get3A_129, %and3A_186 : vector<16xi32>
        %and3A_188 = arith.constant 65535 : i32
        %and3A_189 = vector.broadcast %and3A_188 : i32 to vector<16xi32>
        %and3A_190 = arith.andi %get3A_133, %and3A_189 : vector<16xi32>
        %and3A_191 = arith.constant 65535 : i32
        %and3A_192 = vector.broadcast %and3A_191 : i32 to vector<16xi32>
        %and3A_193 = arith.andi %get3A_137, %and3A_192 : vector<16xi32>
        %shift_right_arithmetic3A_194 = arith.constant 16 : i32
        %shift_right_arithmetic3A_195 = vector.broadcast %shift_right_arithmetic3A_194 : i32 to vector<16xi32>
        %shift_right_arithmetic3A_196 = arith.shrsi %get3A_109, %shift_right_arithmetic3A_195 : vector<16xi32>
        %shift_right_arithmetic3A_197 = arith.constant 16 : i32
        %shift_right_arithmetic3A_198 = vector.broadcast %shift_right_arithmetic3A_197 : i32 to vector<16xi32>
        %shift_right_arithmetic3A_199 = arith.shrsi %get3A_113, %shift_right_arithmetic3A_198 : vector<16xi32>
        %shift_right_arithmetic3A_200 = arith.constant 16 : i32
        %shift_right_arithmetic3A_201 = vector.broadcast %shift_right_arithmetic3A_200 : i32 to vector<16xi32>
        %shift_right_arithmetic3A_202 = arith.shrsi %get3A_117, %shift_right_arithmetic3A_201 : vector<16xi32>
        %shift_right_arithmetic3A_203 = arith.constant 16 : i32
        %shift_right_arithmetic3A_204 = vector.broadcast %shift_right_arithmetic3A_203 : i32 to vector<16xi32>
        %shift_right_arithmetic3A_205 = arith.shrsi %get3A_121, %shift_right_arithmetic3A_204 : vector<16xi32>
        %shift_right_arithmetic3A_206 = arith.constant 16 : i32
        %shift_right_arithmetic3A_207 = vector.broadcast %shift_right_arithmetic3A_206 : i32 to vector<16xi32>
        %shift_right_arithmetic3A_208 = arith.shrsi %get3A_125, %shift_right_arithmetic3A_207 : vector<16xi32>
        %shift_right_arithmetic3A_209 = arith.constant 16 : i32
        %shift_right_arithmetic3A_210 = vector.broadcast %shift_right_arithmetic3A_209 : i32 to vector<16xi32>
        %shift_right_arithmetic3A_211 = arith.shrsi %get3A_129, %shift_right_arithmetic3A_210 : vector<16xi32>
        %shift_right_arithmetic3A_212 = arith.constant 16 : i32
        %shift_right_arithmetic3A_213 = vector.broadcast %shift_right_arithmetic3A_212 : i32 to vector<16xi32>
        %shift_right_arithmetic3A_214 = arith.shrsi %get3A_133, %shift_right_arithmetic3A_213 : vector<16xi32>
        %shift_right_arithmetic3A_215 = arith.constant 16 : i32
        %shift_right_arithmetic3A_216 = vector.broadcast %shift_right_arithmetic3A_215 : i32 to vector<16xi32>
        %shift_right_arithmetic3A_217 = arith.shrsi %get3A_137, %shift_right_arithmetic3A_216 : vector<16xi32>
        tpu.vector_store_idx %arg7[%and3A_172], %get3A_141 {add = true} : memref<11536xf32, #tpu.memory_space<vmem>>[vector<16xi32>], vector<16xf32>,
        tpu.vector_store_idx %arg7[%shift_right_arithmetic3A_196], %get3A_141 {add = true} : memref<11536xf32, #tpu.memory_space<vmem>>[vector<16xi32>], vector<16xf32>,
        tpu.vector_store_idx %arg7[%and3A_175], %get3A_145 {add = true} : memref<11536xf32, #tpu.memory_space<vmem>>[vector<16xi32>], vector<16xf32>,
        tpu.vector_store_idx %arg7[%shift_right_arithmetic3A_199], %get3A_145 {add = true} : memref<11536xf32, #tpu.memory_space<vmem>>[vector<16xi32>], vector<16xf32>,
        tpu.vector_store_idx %arg7[%and3A_178], %get3A_149 {add = true} : memref<11536xf32, #tpu.memory_space<vmem>>[vector<16xi32>], vector<16xf32>,
        tpu.vector_store_idx %arg7[%shift_right_arithmetic3A_202], %get3A_149 {add = true} : memref<11536xf32, #tpu.memory_space<vmem>>[vector<16xi32>], vector<16xf32>,
        tpu.vector_store_idx %arg7[%and3A_181], %get3A_153 {add = true} : memref<11536xf32, #tpu.memory_space<vmem>>[vector<16xi32>], vector<16xf32>,
        tpu.vector_store_idx %arg7[%shift_right_arithmetic3A_205], %get3A_153 {add = true} : memref<11536xf32, #tpu.memory_space<vmem>>[vector<16xi32>], vector<16xf32>,
        tpu.vector_store_idx %arg7[%and3A_184], %get3A_157 {add = true} : memref<11536xf32, #tpu.memory_space<vmem>>[vector<16xi32>], vector<16xf32>,
        tpu.vector_store_idx %arg7[%shift_right_arithmetic3A_208], %get3A_157 {add = true} : memref<11536xf32, #tpu.memory_space<vmem>>[vector<16xi32>], vector<16xf32>,
        tpu.vector_store_idx %arg7[%and3A_187], %get3A_161 {add = true} : memref<11536xf32, #tpu.memory_space<vmem>>[vector<16xi32>], vector<16xf32>,
        tpu.vector_store_idx %arg7[%shift_right_arithmetic3A_211], %get3A_161 {add = true} : memref<11536xf32, #tpu.memory_space<vmem>>[vector<16xi32>], vector<16xf32>,
        tpu.vector_store_idx %arg7[%and3A_190], %get3A_165 {add = true} : memref<11536xf32, #tpu.memory_space<vmem>>[vector<16xi32>], vector<16xf32>,
        tpu.vector_store_idx %arg7[%shift_right_arithmetic3A_214], %get3A_165 {add = true} : memref<11536xf32, #tpu.memory_space<vmem>>[vector<16xi32>], vector<16xf32>,
        tpu.vector_store_idx %arg7[%and3A_193], %get3A_169 {add = true} : memref<11536xf32, #tpu.memory_space<vmem>>[vector<16xi32>], vector<16xf32>,
        tpu.vector_store_idx %arg7[%shift_right_arithmetic3A_217], %get3A_169 {add = true} : memref<11536xf32, #tpu.memory_space<vmem>>[vector<16xi32>], vector<16xf32>,
        %get3A_218 = arith.index_cast %rem3A_96 : i32 to index
        %get3A_219 = arith.index_cast %scan3A_105 : i32 to index
        %get3A_220 = arith.constant 128 : index
        %get3A_221 = tpu.vector_load %arg5[%get3A_218, %get3A_219, %get3A_220] {strides = array<i32>} : memref<2x8x512xi32, #tpu.memory_space<vmem>>, vector<16xi32>,
        %get3A_222 = arith.index_cast %rem3A_96 : i32 to index
        %get3A_223 = arith.index_cast %scan3A_105 : i32 to index
        %get3A_224 = arith.constant 144 : index
        %get3A_225 = tpu.vector_load %arg5[%get3A_222, %get3A_223, %get3A_224] {strides = array<i32>} : memref<2x8x512xi32, #tpu.memory_space<vmem>>, vector<16xi32>,
        %get3A_226 = arith.index_cast %rem3A_96 : i32 to index
        %get3A_227 = arith.index_cast %scan3A_105 : i32 to index
        %get3A_228 = arith.constant 160 : index
        %get3A_229 = tpu.vector_load %arg5[%get3A_226, %get3A_227, %get3A_228] {strides = array<i32>} : memref<2x8x512xi32, #tpu.memory_space<vmem>>, vector<16xi32>,
        %get3A_230 = arith.index_cast %rem3A_96 : i32 to index
        %get3A_231 = arith.index_cast %scan3A_105 : i32 to index
        %get3A_232 = arith.constant 176 : index
        %get3A_233 = tpu.vector_load %arg5[%get3A_230, %get3A_231, %get3A_232] {strides = array<i32>} : memref<2x8x512xi32, #tpu.memory_space<vmem>>, vector<16xi32>,
        %get3A_234 = arith.index_cast %rem3A_96 : i32 to index
        %get3A_235 = arith.index_cast %scan3A_105 : i32 to index
        %get3A_236 = arith.constant 192 : index
        %get3A_237 = tpu.vector_load %arg5[%get3A_234, %get3A_235, %get3A_236] {strides = array<i32>} : memref<2x8x512xi32, #tpu.memory_space<vmem>>, vector<16xi32>,
        %get3A_238 = arith.index_cast %rem3A_96 : i32 to index
        %get3A_239 = arith.index_cast %scan3A_105 : i32 to index
        %get3A_240 = arith.constant 208 : index
        %get3A_241 = tpu.vector_load %arg5[%get3A_238, %get3A_239, %get3A_240] {strides = array<i32>} : memref<2x8x512xi32, #tpu.memory_space<vmem>>, vector<16xi32>,
        %get3A_242 = arith.index_cast %rem3A_96 : i32 to index
        %get3A_243 = arith.index_cast %scan3A_105 : i32 to index
        %get3A_244 = arith.constant 224 : index
        %get3A_245 = tpu.vector_load %arg5[%get3A_242, %get3A_243, %get3A_244] {strides = array<i32>} : memref<2x8x512xi32, #tpu.memory_space<vmem>>, vector<16xi32>,
        %get3A_246 = arith.index_cast %rem3A_96 : i32 to index
        %get3A_247 = arith.index_cast %scan3A_105 : i32 to index
        %get3A_248 = arith.constant 240 : index
        %get3A_249 = tpu.vector_load %arg5[%get3A_246, %get3A_247, %get3A_248] {strides = array<i32>} : memref<2x8x512xi32, #tpu.memory_space<vmem>>, vector<16xi32>,
        %get3A_250 = arith.index_cast %rem3A_96 : i32 to index
        %get3A_251 = arith.index_cast %scan3A_105 : i32 to index
        %get3A_252 = arith.constant 128 : index
        %get3A_253 = tpu.vector_load %arg6[%get3A_250, %get3A_251, %get3A_252] {strides = array<i32>} : memref<2x8x512xf32, #tpu.memory_space<vmem>>, vector<16xf32>,
        %get3A_254 = arith.index_cast %rem3A_96 : i32 to index
        %get3A_255 = arith.index_cast %scan3A_105 : i32 to index
        %get3A_256 = arith.constant 144 : index
        %get3A_257 = tpu.vector_load %arg6[%get3A_254, %get3A_255, %get3A_256] {strides = array<i32>} : memref<2x8x512xf32, #tpu.memory_space<vmem>>, vector<16xf32>,
        %get3A_258 = arith.index_cast %rem3A_96 : i32 to index
        %get3A_259 = arith.index_cast %scan3A_105 : i32 to index
        %get3A_260 = arith.constant 160 : index
        %get3A_261 = tpu.vector_load %arg6[%get3A_258, %get3A_259, %get3A_260] {strides = array<i32>} : memref<2x8x512xf32, #tpu.memory_space<vmem>>, vector<16xf32>,
        %get3A_262 = arith.index_cast %rem3A_96 : i32 to index
        %get3A_263 = arith.index_cast %scan3A_105 : i32 to index
        %get3A_264 = arith.constant 176 : index
        %get3A_265 = tpu.vector_load %arg6[%get3A_262, %get3A_263, %get3A_264] {strides = array<i32>} : memref<2x8x512xf32, #tpu.memory_space<vmem>>, vector<16xf32>,
        %get3A_266 = arith.index_cast %rem3A_96 : i32 to index
        %get3A_267 = arith.index_cast %scan3A_105 : i32 to index
        %get3A_268 = arith.constant 192 : index
        %get3A_269 = tpu.vector_load %arg6[%get3A_266, %get3A_267, %get3A_268] {strides = array<i32>} : memref<2x8x512xf32, #tpu.memory_space<vmem>>, vector<16xf32>,
        %get3A_270 = arith.index_cast %rem3A_96 : i32 to index
        %get3A_271 = arith.index_cast %scan3A_105 : i32 to index
        %get3A_272 = arith.constant 208 : index
        %get3A_273 = tpu.vector_load %arg6[%get3A_270, %get3A_271, %get3A_272] {strides = array<i32>} : memref<2x8x512xf32, #tpu.memory_space<vmem>>, vector<16xf32>,
        %get3A_274 = arith.index_cast %rem3A_96 : i32 to index
        %get3A_275 = arith.index_cast %scan3A_105 : i32 to index
        %get3A_276 = arith.constant 224 : index
        %get3A_277 = tpu.vector_load %arg6[%get3A_274, %get3A_275, %get3A_276] {strides = array<i32>} : memref<2x8x512xf32, #tpu.memory_space<vmem>>, vector<16xf32>,
        %get3A_278 = arith.index_cast %rem3A_96 : i32 to index
        %get3A_279 = arith.index_cast %scan3A_105 : i32 to index
        %get3A_280 = arith.constant 240 : index
        %get3A_281 = tpu.vector_load %arg6[%get3A_278, %get3A_279, %get3A_280] {strides = array<i32>} : memref<2x8x512xf32, #tpu.memory_space<vmem>>, vector<16xf32>,
        %and3A_282 = arith.constant 65535 : i32
        %and3A_283 = vector.broadcast %and3A_282 : i32 to vector<16xi32>
        %and3A_284 = arith.andi %get3A_221, %and3A_283 : vector<16xi32>
        %and3A_285 = arith.constant 65535 : i32
        %and3A_286 = vector.broadcast %and3A_285 : i32 to vector<16xi32>
        %and3A_287 = arith.andi %get3A_225, %and3A_286 : vector<16xi32>
        %and3A_288 = arith.constant 65535 : i32
        %and3A_289 = vector.broadcast %and3A_288 : i32 to vector<16xi32>
        %and3A_290 = arith.andi %get3A_229, %and3A_289 : vector<16xi32>
        %and3A_291 = arith.constant 65535 : i32
        %and3A_292 = vector.broadcast %and3A_291 : i32 to vector<16xi32>
        %and3A_293 = arith.andi %get3A_233, %and3A_292 : vector<16xi32>
        %and3A_294 = arith.constant 65535 : i32
        %and3A_295 = vector.broadcast %and3A_294 : i32 to vector<16xi32>
        %and3A_296 = arith.andi %get3A_237, %and3A_295 : vector<16xi32>
        %and3A_297 = arith.constant 65535 : i32
        %and3A_298 = vector.broadcast %and3A_297 : i32 to vector<16xi32>
        %and3A_299 = arith.andi %get3A_241, %and3A_298 : vector<16xi32>
        %and3A_300 = arith.constant 65535 : i32
        %and3A_301 = vector.broadcast %and3A_300 : i32 to vector<16xi32>
        %and3A_302 = arith.andi %get3A_245, %and3A_301 : vector<16xi32>
        %and3A_303 = arith.constant 65535 : i32
        %and3A_304 = vector.broadcast %and3A_303 : i32 to vector<16xi32>
        %and3A_305 = arith.andi %get3A_249, %and3A_304 : vector<16xi32>
        %shift_right_arithmetic3A_306 = arith.constant 16 : i32
        %shift_right_arithmetic3A_307 = vector.broadcast %shift_right_arithmetic3A_306 : i32 to vector<16xi32>
        %shift_right_arithmetic3A_308 = arith.shrsi %get3A_221, %shift_right_arithmetic3A_307 : vector<16xi32>
        %shift_right_arithmetic3A_309 = arith.constant 16 : i32
        %shift_right_arithmetic3A_310 = vector.broadcast %shift_right_arithmetic3A_309 : i32 to vector<16xi32>
        %shift_right_arithmetic3A_311 = arith.shrsi %get3A_225, %shift_right_arithmetic3A_310 : vector<16xi32>
        %shift_right_arithmetic3A_312 = arith.constant 16 : i32
        %shift_right_arithmetic3A_313 = vector.broadcast %shift_right_arithmetic3A_312 : i32 to vector<16xi32>
        %shift_right_arithmetic3A_314 = arith.shrsi %get3A_229, %shift_right_arithmetic3A_313 : vector<16xi32>
        %shift_right_arithmetic3A_315 = arith.constant 16 : i32
        %shift_right_arithmetic3A_316 = vector.broadcast %shift_right_arithmetic3A_315 : i32 to vector<16xi32>
        %shift_right_arithmetic3A_317 = arith.shrsi %get3A_233, %shift_right_arithmetic3A_316 : vector<16xi32>
        %shift_right_arithmetic3A_318 = arith.constant 16 : i32
        %shift_right_arithmetic3A_319 = vector.broadcast %shift_right_arithmetic3A_318 : i32 to vector<16xi32>
        %shift_right_arithmetic3A_320 = arith.shrsi %get3A_237, %shift_right_arithmetic3A_319 : vector<16xi32>
        %shift_right_arithmetic3A_321 = arith.constant 16 : i32
        %shift_right_arithmetic3A_322 = vector.broadcast %shift_right_arithmetic3A_321 : i32 to vector<16xi32>
        %shift_right_arithmetic3A_323 = arith.shrsi %get3A_241, %shift_right_arithmetic3A_322 : vector<16xi32>
        %shift_right_arithmetic3A_324 = arith.constant 16 : i32
        %shift_right_arithmetic3A_325 = vector.broadcast %shift_right_arithmetic3A_324 : i32 to vector<16xi32>
        %shift_right_arithmetic3A_326 = arith.shrsi %get3A_245, %shift_right_arithmetic3A_325 : vector<16xi32>
        %shift_right_arithmetic3A_327 = arith.constant 16 : i32
        %shift_right_arithmetic3A_328 = vector.broadcast %shift_right_arithmetic3A_327 : i32 to vector<16xi32>
        %shift_right_arithmetic3A_329 = arith.shrsi %get3A_249, %shift_right_arithmetic3A_328 : vector<16xi32>
        tpu.vector_store_idx %arg7[%and3A_284], %get3A_253 {add = true} : memref<11536xf32, #tpu.memory_space<vmem>>[vector<16xi32>], vector<16xf32>,
        tpu.vector_store_idx %arg7[%shift_right_arithmetic3A_308], %get3A_253 {add = true} : memref<11536xf32, #tpu.memory_space<vmem>>[vector<16xi32>], vector<16xf32>,
        tpu.vector_store_idx %arg7[%and3A_287], %get3A_257 {add = true} : memref<11536xf32, #tpu.memory_space<vmem>>[vector<16xi32>], vector<16xf32>,
        tpu.vector_store_idx %arg7[%shift_right_arithmetic3A_311], %get3A_257 {add = true} : memref<11536xf32, #tpu.memory_space<vmem>>[vector<16xi32>], vector<16xf32>,
        tpu.vector_store_idx %arg7[%and3A_290], %get3A_261 {add = true} : memref<11536xf32, #tpu.memory_space<vmem>>[vector<16xi32>], vector<16xf32>,
        tpu.vector_store_idx %arg7[%shift_right_arithmetic3A_314], %get3A_261 {add = true} : memref<11536xf32, #tpu.memory_space<vmem>>[vector<16xi32>], vector<16xf32>,
        tpu.vector_store_idx %arg7[%and3A_293], %get3A_265 {add = true} : memref<11536xf32, #tpu.memory_space<vmem>>[vector<16xi32>], vector<16xf32>,
        tpu.vector_store_idx %arg7[%shift_right_arithmetic3A_317], %get3A_265 {add = true} : memref<11536xf32, #tpu.memory_space<vmem>>[vector<16xi32>], vector<16xf32>,
        tpu.vector_store_idx %arg7[%and3A_296], %get3A_269 {add = true} : memref<11536xf32, #tpu.memory_space<vmem>>[vector<16xi32>], vector<16xf32>,
        tpu.vector_store_idx %arg7[%shift_right_arithmetic3A_320], %get3A_269 {add = true} : memref<11536xf32, #tpu.memory_space<vmem>>[vector<16xi32>], vector<16xf32>,
        tpu.vector_store_idx %arg7[%and3A_299], %get3A_273 {add = true} : memref<11536xf32, #tpu.memory_space<vmem>>[vector<16xi32>], vector<16xf32>,
        tpu.vector_store_idx %arg7[%shift_right_arithmetic3A_323], %get3A_273 {add = true} : memref<11536xf32, #tpu.memory_space<vmem>>[vector<16xi32>], vector<16xf32>,
        tpu.vector_store_idx %arg7[%and3A_302], %get3A_277 {add = true} : memref<11536xf32, #tpu.memory_space<vmem>>[vector<16xi32>], vector<16xf32>,
        tpu.vector_store_idx %arg7[%shift_right_arithmetic3A_326], %get3A_277 {add = true} : memref<11536xf32, #tpu.memory_space<vmem>>[vector<16xi32>], vector<16xf32>,
        tpu.vector_store_idx %arg7[%and3A_305], %get3A_281 {add = true} : memref<11536xf32, #tpu.memory_space<vmem>>[vector<16xi32>], vector<16xf32>,
        tpu.vector_store_idx %arg7[%shift_right_arithmetic3A_329], %get3A_281 {add = true} : memref<11536xf32, #tpu.memory_space<vmem>>[vector<16xi32>], vector<16xf32>,
        %get3A_330 = arith.index_cast %rem3A_96 : i32 to index
        %get3A_331 = arith.index_cast %scan3A_105 : i32 to index
        %get3A_332 = arith.constant 256 : index
        %get3A_333 = tpu.vector_load %arg5[%get3A_330, %get3A_331, %get3A_332] {strides = array<i32>} : memref<2x8x512xi32, #tpu.memory_space<vmem>>, vector<16xi32>,
        %get3A_334 = arith.index_cast %rem3A_96 : i32 to index
        %get3A_335 = arith.index_cast %scan3A_105 : i32 to index
        %get3A_336 = arith.constant 272 : index
        %get3A_337 = tpu.vector_load %arg5[%get3A_334, %get3A_335, %get3A_336] {strides = array<i32>} : memref<2x8x512xi32, #tpu.memory_space<vmem>>, vector<16xi32>,
        %get3A_338 = arith.index_cast %rem3A_96 : i32 to index
        %get3A_339 = arith.index_cast %scan3A_105 : i32 to index
        %get3A_340 = arith.constant 288 : index
        %get3A_341 = tpu.vector_load %arg5[%get3A_338, %get3A_339, %get3A_340] {strides = array<i32>} : memref<2x8x512xi32, #tpu.memory_space<vmem>>, vector<16xi32>,
        %get3A_342 = arith.index_cast %rem3A_96 : i32 to index
        %get3A_343 = arith.index_cast %scan3A_105 : i32 to index
        %get3A_344 = arith.constant 304 : index
        %get3A_345 = tpu.vector_load %arg5[%get3A_342, %get3A_343, %get3A_344] {strides = array<i32>} : memref<2x8x512xi32, #tpu.memory_space<vmem>>, vector<16xi32>,
        %get3A_346 = arith.index_cast %rem3A_96 : i32 to index
        %get3A_347 = arith.index_cast %scan3A_105 : i32 to index
        %get3A_348 = arith.constant 320 : index
        %get3A_349 = tpu.vector_load %arg5[%get3A_346, %get3A_347, %get3A_348] {strides = array<i32>} : memref<2x8x512xi32, #tpu.memory_space<vmem>>, vector<16xi32>,
        %get3A_350 = arith.index_cast %rem3A_96 : i32 to index
        %get3A_351 = arith.index_cast %scan3A_105 : i32 to index
        %get3A_352 = arith.constant 336 : index
        %get3A_353 = tpu.vector_load %arg5[%get3A_350, %get3A_351, %get3A_352] {strides = array<i32>} : memref<2x8x512xi32, #tpu.memory_space<vmem>>, vector<16xi32>,
        %get3A_354 = arith.index_cast %rem3A_96 : i32 to index
        %get3A_355 = arith.index_cast %scan3A_105 : i32 to index
        %get3A_356 = arith.constant 352 : index
        %get3A_357 = tpu.vector_load %arg5[%get3A_354, %get3A_355, %get3A_356] {strides = array<i32>} : memref<2x8x512xi32, #tpu.memory_space<vmem>>, vector<16xi32>,
        %get3A_358 = arith.index_cast %rem3A_96 : i32 to index
        %get3A_359 = arith.index_cast %scan3A_105 : i32 to index
        %get3A_360 = arith.constant 368 : index
        %get3A_361 = tpu.vector_load %arg5[%get3A_358, %get3A_359, %get3A_360] {strides = array<i32>} : memref<2x8x512xi32, #tpu.memory_space<vmem>>, vector<16xi32>,
        %get3A_362 = arith.index_cast %rem3A_96 : i32 to index
        %get3A_363 = arith.index_cast %scan3A_105 : i32 to index
        %get3A_364 = arith.constant 256 : index
        %get3A_365 = tpu.vector_load %arg6[%get3A_362, %get3A_363, %get3A_364] {strides = array<i32>} : memref<2x8x512xf32, #tpu.memory_space<vmem>>, vector<16xf32>,
        %get3A_366 = arith.index_cast %rem3A_96 : i32 to index
        %get3A_367 = arith.index_cast %scan3A_105 : i32 to index
        %get3A_368 = arith.constant 272 : index
        %get3A_369 = tpu.vector_load %arg6[%get3A_366, %get3A_367, %get3A_368] {strides = array<i32>} : memref<2x8x512xf32, #tpu.memory_space<vmem>>, vector<16xf32>,
        %get3A_370 = arith.index_cast %rem3A_96 : i32 to index
        %get3A_371 = arith.index_cast %scan3A_105 : i32 to index
        %get3A_372 = arith.constant 288 : index
        %get3A_373 = tpu.vector_load %arg6[%get3A_370, %get3A_371, %get3A_372] {strides = array<i32>} : memref<2x8x512xf32, #tpu.memory_space<vmem>>, vector<16xf32>,
        %get3A_374 = arith.index_cast %rem3A_96 : i32 to index
        %get3A_375 = arith.index_cast %scan3A_105 : i32 to index
        %get3A_376 = arith.constant 304 : index
        %get3A_377 = tpu.vector_load %arg6[%get3A_374, %get3A_375, %get3A_376] {strides = array<i32>} : memref<2x8x512xf32, #tpu.memory_space<vmem>>, vector<16xf32>,
        %get3A_378 = arith.index_cast %rem3A_96 : i32 to index
        %get3A_379 = arith.index_cast %scan3A_105 : i32 to index
        %get3A_380 = arith.constant 320 : index
        %get3A_381 = tpu.vector_load %arg6[%get3A_378, %get3A_379, %get3A_380] {strides = array<i32>} : memref<2x8x512xf32, #tpu.memory_space<vmem>>, vector<16xf32>,
        %get3A_382 = arith.index_cast %rem3A_96 : i32 to index
        %get3A_383 = arith.index_cast %scan3A_105 : i32 to index
        %get3A_384 = arith.constant 336 : index
        %get3A_385 = tpu.vector_load %arg6[%get3A_382, %get3A_383, %get3A_384] {strides = array<i32>} : memref<2x8x512xf32, #tpu.memory_space<vmem>>, vector<16xf32>,
        %get3A_386 = arith.index_cast %rem3A_96 : i32 to index
        %get3A_387 = arith.index_cast %scan3A_105 : i32 to index
        %get3A_388 = arith.constant 352 : index
        %get3A_389 = tpu.vector_load %arg6[%get3A_386, %get3A_387, %get3A_388] {strides = array<i32>} : memref<2x8x512xf32, #tpu.memory_space<vmem>>, vector<16xf32>,
        %get3A_390 = arith.index_cast %rem3A_96 : i32 to index
        %get3A_391 = arith.index_cast %scan3A_105 : i32 to index
        %get3A_392 = arith.constant 368 : index
        %get3A_393 = tpu.vector_load %arg6[%get3A_390, %get3A_391, %get3A_392] {strides = array<i32>} : memref<2x8x512xf32, #tpu.memory_space<vmem>>, vector<16xf32>,
        %and3A_394 = arith.constant 65535 : i32
        %and3A_395 = vector.broadcast %and3A_394 : i32 to vector<16xi32>
        %and3A_396 = arith.andi %get3A_333, %and3A_395 : vector<16xi32>
        %and3A_397 = arith.constant 65535 : i32
        %and3A_398 = vector.broadcast %and3A_397 : i32 to vector<16xi32>
        %and3A_399 = arith.andi %get3A_337, %and3A_398 : vector<16xi32>
        %and3A_400 = arith.constant 65535 : i32
        %and3A_401 = vector.broadcast %and3A_400 : i32 to vector<16xi32>
        %and3A_402 = arith.andi %get3A_341, %and3A_401 : vector<16xi32>
        %and3A_403 = arith.constant 65535 : i32
        %and3A_404 = vector.broadcast %and3A_403 : i32 to vector<16xi32>
        %and3A_405 = arith.andi %get3A_345, %and3A_404 : vector<16xi32>
        %and3A_406 = arith.constant 65535 : i32
        %and3A_407 = vector.broadcast %and3A_406 : i32 to vector<16xi32>
        %and3A_408 = arith.andi %get3A_349, %and3A_407 : vector<16xi32>
        %and3A_409 = arith.constant 65535 : i32
        %and3A_410 = vector.broadcast %and3A_409 : i32 to vector<16xi32>
        %and3A_411 = arith.andi %get3A_353, %and3A_410 : vector<16xi32>
        %and3A_412 = arith.constant 65535 : i32
        %and3A_413 = vector.broadcast %and3A_412 : i32 to vector<16xi32>
        %and3A_414 = arith.andi %get3A_357, %and3A_413 : vector<16xi32>
        %and3A_415 = arith.constant 65535 : i32
        %and3A_416 = vector.broadcast %and3A_415 : i32 to vector<16xi32>
        %and3A_417 = arith.andi %get3A_361, %and3A_416 : vector<16xi32>
        %shift_right_arithmetic3A_418 = arith.constant 16 : i32
        %shift_right_arithmetic3A_419 = vector.broadcast %shift_right_arithmetic3A_418 : i32 to vector<16xi32>
        %shift_right_arithmetic3A_420 = arith.shrsi %get3A_333, %shift_right_arithmetic3A_419 : vector<16xi32>
        %shift_right_arithmetic3A_421 = arith.constant 16 : i32
        %shift_right_arithmetic3A_422 = vector.broadcast %shift_right_arithmetic3A_421 : i32 to vector<16xi32>
        %shift_right_arithmetic3A_423 = arith.shrsi %get3A_337, %shift_right_arithmetic3A_422 : vector<16xi32>
        %shift_right_arithmetic3A_424 = arith.constant 16 : i32
        %shift_right_arithmetic3A_425 = vector.broadcast %shift_right_arithmetic3A_424 : i32 to vector<16xi32>
        %shift_right_arithmetic3A_426 = arith.shrsi %get3A_341, %shift_right_arithmetic3A_425 : vector<16xi32>
        %shift_right_arithmetic3A_427 = arith.constant 16 : i32
        %shift_right_arithmetic3A_428 = vector.broadcast %shift_right_arithmetic3A_427 : i32 to vector<16xi32>
        %shift_right_arithmetic3A_429 = arith.shrsi %get3A_345, %shift_right_arithmetic3A_428 : vector<16xi32>
        %shift_right_arithmetic3A_430 = arith.constant 16 : i32
        %shift_right_arithmetic3A_431 = vector.broadcast %shift_right_arithmetic3A_430 : i32 to vector<16xi32>
        %shift_right_arithmetic3A_432 = arith.shrsi %get3A_349, %shift_right_arithmetic3A_431 : vector<16xi32>
        %shift_right_arithmetic3A_433 = arith.constant 16 : i32
        %shift_right_arithmetic3A_434 = vector.broadcast %shift_right_arithmetic3A_433 : i32 to vector<16xi32>
        %shift_right_arithmetic3A_435 = arith.shrsi %get3A_353, %shift_right_arithmetic3A_434 : vector<16xi32>
        %shift_right_arithmetic3A_436 = arith.constant 16 : i32
        %shift_right_arithmetic3A_437 = vector.broadcast %shift_right_arithmetic3A_436 : i32 to vector<16xi32>
        %shift_right_arithmetic3A_438 = arith.shrsi %get3A_357, %shift_right_arithmetic3A_437 : vector<16xi32>
        %shift_right_arithmetic3A_439 = arith.constant 16 : i32
        %shift_right_arithmetic3A_440 = vector.broadcast %shift_right_arithmetic3A_439 : i32 to vector<16xi32>
        %shift_right_arithmetic3A_441 = arith.shrsi %get3A_361, %shift_right_arithmetic3A_440 : vector<16xi32>
        tpu.vector_store_idx %arg7[%and3A_396], %get3A_365 {add = true} : memref<11536xf32, #tpu.memory_space<vmem>>[vector<16xi32>], vector<16xf32>,
        tpu.vector_store_idx %arg7[%shift_right_arithmetic3A_420], %get3A_365 {add = true} : memref<11536xf32, #tpu.memory_space<vmem>>[vector<16xi32>], vector<16xf32>,
        tpu.vector_store_idx %arg7[%and3A_399], %get3A_369 {add = true} : memref<11536xf32, #tpu.memory_space<vmem>>[vector<16xi32>], vector<16xf32>,
        tpu.vector_store_idx %arg7[%shift_right_arithmetic3A_423], %get3A_369 {add = true} : memref<11536xf32, #tpu.memory_space<vmem>>[vector<16xi32>], vector<16xf32>,
        tpu.vector_store_idx %arg7[%and3A_402], %get3A_373 {add = true} : memref<11536xf32, #tpu.memory_space<vmem>>[vector<16xi32>], vector<16xf32>,
        tpu.vector_store_idx %arg7[%shift_right_arithmetic3A_426], %get3A_373 {add = true} : memref<11536xf32, #tpu.memory_space<vmem>>[vector<16xi32>], vector<16xf32>,
        tpu.vector_store_idx %arg7[%and3A_405], %get3A_377 {add = true} : memref<11536xf32, #tpu.memory_space<vmem>>[vector<16xi32>], vector<16xf32>,
        tpu.vector_store_idx %arg7[%shift_right_arithmetic3A_429], %get3A_377 {add = true} : memref<11536xf32, #tpu.memory_space<vmem>>[vector<16xi32>], vector<16xf32>,
        tpu.vector_store_idx %arg7[%and3A_408], %get3A_381 {add = true} : memref<11536xf32, #tpu.memory_space<vmem>>[vector<16xi32>], vector<16xf32>,
        tpu.vector_store_idx %arg7[%shift_right_arithmetic3A_432], %get3A_381 {add = true} : memref<11536xf32, #tpu.memory_space<vmem>>[vector<16xi32>], vector<16xf32>,
        tpu.vector_store_idx %arg7[%and3A_411], %get3A_385 {add = true} : memref<11536xf32, #tpu.memory_space<vmem>>[vector<16xi32>], vector<16xf32>,
        tpu.vector_store_idx %arg7[%shift_right_arithmetic3A_435], %get3A_385 {add = true} : memref<11536xf32, #tpu.memory_space<vmem>>[vector<16xi32>], vector<16xf32>,
        tpu.vector_store_idx %arg7[%and3A_414], %get3A_389 {add = true} : memref<11536xf32, #tpu.memory_space<vmem>>[vector<16xi32>], vector<16xf32>,
        tpu.vector_store_idx %arg7[%shift_right_arithmetic3A_438], %get3A_389 {add = true} : memref<11536xf32, #tpu.memory_space<vmem>>[vector<16xi32>], vector<16xf32>,
        tpu.vector_store_idx %arg7[%and3A_417], %get3A_393 {add = true} : memref<11536xf32, #tpu.memory_space<vmem>>[vector<16xi32>], vector<16xf32>,
        tpu.vector_store_idx %arg7[%shift_right_arithmetic3A_441], %get3A_393 {add = true} : memref<11536xf32, #tpu.memory_space<vmem>>[vector<16xi32>], vector<16xf32>,
        %get3A_442 = arith.index_cast %rem3A_96 : i32 to index
        %get3A_443 = arith.index_cast %scan3A_105 : i32 to index
        %get3A_444 = arith.constant 384 : index
        %get3A_445 = tpu.vector_load %arg5[%get3A_442, %get3A_443, %get3A_444] {strides = array<i32>} : memref<2x8x512xi32, #tpu.memory_space<vmem>>, vector<16xi32>,
        %get3A_446 = arith.index_cast %rem3A_96 : i32 to index
        %get3A_447 = arith.index_cast %scan3A_105 : i32 to index
        %get3A_448 = arith.constant 400 : index
        %get3A_449 = tpu.vector_load %arg5[%get3A_446, %get3A_447, %get3A_448] {strides = array<i32>} : memref<2x8x512xi32, #tpu.memory_space<vmem>>, vector<16xi32>,
        %get3A_450 = arith.index_cast %rem3A_96 : i32 to index
        %get3A_451 = arith.index_cast %scan3A_105 : i32 to index
        %get3A_452 = arith.constant 416 : index
        %get3A_453 = tpu.vector_load %arg5[%get3A_450, %get3A_451, %get3A_452] {strides = array<i32>} : memref<2x8x512xi32, #tpu.memory_space<vmem>>, vector<16xi32>,
        %get3A_454 = arith.index_cast %rem3A_96 : i32 to index
        %get3A_455 = arith.index_cast %scan3A_105 : i32 to index
        %get3A_456 = arith.constant 432 : index
        %get3A_457 = tpu.vector_load %arg5[%get3A_454, %get3A_455, %get3A_456] {strides = array<i32>} : memref<2x8x512xi32, #tpu.memory_space<vmem>>, vector<16xi32>,
        %get3A_458 = arith.index_cast %rem3A_96 : i32 to index
        %get3A_459 = arith.index_cast %scan3A_105 : i32 to index
        %get3A_460 = arith.constant 448 : index
        %get3A_461 = tpu.vector_load %arg5[%get3A_458, %get3A_459, %get3A_460] {strides = array<i32>} : memref<2x8x512xi32, #tpu.memory_space<vmem>>, vector<16xi32>,
        %get3A_462 = arith.index_cast %rem3A_96 : i32 to index
        %get3A_463 = arith.index_cast %scan3A_105 : i32 to index
        %get3A_464 = arith.constant 464 : index
        %get3A_465 = tpu.vector_load %arg5[%get3A_462, %get3A_463, %get3A_464] {strides = array<i32>} : memref<2x8x512xi32, #tpu.memory_space<vmem>>, vector<16xi32>,
        %get3A_466 = arith.index_cast %rem3A_96 : i32 to index
        %get3A_467 = arith.index_cast %scan3A_105 : i32 to index
        %get3A_468 = arith.constant 480 : index
        %get3A_469 = tpu.vector_load %arg5[%get3A_466, %get3A_467, %get3A_468] {strides = array<i32>} : memref<2x8x512xi32, #tpu.memory_space<vmem>>, vector<16xi32>,
        %get3A_470 = arith.index_cast %rem3A_96 : i32 to index
        %get3A_471 = arith.index_cast %scan3A_105 : i32 to index
        %get3A_472 = arith.constant 496 : index
        %get3A_473 = tpu.vector_load %arg5[%get3A_470, %get3A_471, %get3A_472] {strides = array<i32>} : memref<2x8x512xi32, #tpu.memory_space<vmem>>, vector<16xi32>,
        %get3A_474 = arith.index_cast %rem3A_96 : i32 to index
        %get3A_475 = arith.index_cast %scan3A_105 : i32 to index
        %get3A_476 = arith.constant 384 : index
        %get3A_477 = tpu.vector_load %arg6[%get3A_474, %get3A_475, %get3A_476] {strides = array<i32>} : memref<2x8x512xf32, #tpu.memory_space<vmem>>, vector<16xf32>,
        %get3A_478 = arith.index_cast %rem3A_96 : i32 to index
        %get3A_479 = arith.index_cast %scan3A_105 : i32 to index
        %get3A_480 = arith.constant 400 : index
        %get3A_481 = tpu.vector_load %arg6[%get3A_478, %get3A_479, %get3A_480] {strides = array<i32>} : memref<2x8x512xf32, #tpu.memory_space<vmem>>, vector<16xf32>,
        %get3A_482 = arith.index_cast %rem3A_96 : i32 to index
        %get3A_483 = arith.index_cast %scan3A_105 : i32 to index
        %get3A_484 = arith.constant 416 : index
        %get3A_485 = tpu.vector_load %arg6[%get3A_482, %get3A_483, %get3A_484] {strides = array<i32>} : memref<2x8x512xf32, #tpu.memory_space<vmem>>, vector<16xf32>,
        %get3A_486 = arith.index_cast %rem3A_96 : i32 to index
        %get3A_487 = arith.index_cast %scan3A_105 : i32 to index
        %get3A_488 = arith.constant 432 : index
        %get3A_489 = tpu.vector_load %arg6[%get3A_486, %get3A_487, %get3A_488] {strides = array<i32>} : memref<2x8x512xf32, #tpu.memory_space<vmem>>, vector<16xf32>,
        %get3A_490 = arith.index_cast %rem3A_96 : i32 to index
        %get3A_491 = arith.index_cast %scan3A_105 : i32 to index
        %get3A_492 = arith.constant 448 : index
        %get3A_493 = tpu.vector_load %arg6[%get3A_490, %get3A_491, %get3A_492] {strides = array<i32>} : memref<2x8x512xf32, #tpu.memory_space<vmem>>, vector<16xf32>,
        %get3A_494 = arith.index_cast %rem3A_96 : i32 to index
        %get3A_495 = arith.index_cast %scan3A_105 : i32 to index
        %get3A_496 = arith.constant 464 : index
        %get3A_497 = tpu.vector_load %arg6[%get3A_494, %get3A_495, %get3A_496] {strides = array<i32>} : memref<2x8x512xf32, #tpu.memory_space<vmem>>, vector<16xf32>,
        %get3A_498 = arith.index_cast %rem3A_96 : i32 to index
        %get3A_499 = arith.index_cast %scan3A_105 : i32 to index
        %get3A_500 = arith.constant 480 : index
        %get3A_501 = tpu.vector_load %arg6[%get3A_498, %get3A_499, %get3A_500] {strides = array<i32>} : memref<2x8x512xf32, #tpu.memory_space<vmem>>, vector<16xf32>,
        %get3A_502 = arith.index_cast %rem3A_96 : i32 to index
        %get3A_503 = arith.index_cast %scan3A_105 : i32 to index
        %get3A_504 = arith.constant 496 : index
        %get3A_505 = tpu.vector_load %arg6[%get3A_502, %get3A_503, %get3A_504] {strides = array<i32>} : memref<2x8x512xf32, #tpu.memory_space<vmem>>, vector<16xf32>,
        %and3A_506 = arith.constant 65535 : i32
        %and3A_507 = vector.broadcast %and3A_506 : i32 to vector<16xi32>
        %and3A_508 = arith.andi %get3A_445, %and3A_507 : vector<16xi32>
        %and3A_509 = arith.constant 65535 : i32
        %and3A_510 = vector.broadcast %and3A_509 : i32 to vector<16xi32>
        %and3A_511 = arith.andi %get3A_449, %and3A_510 : vector<16xi32>
        %and3A_512 = arith.constant 65535 : i32
        %and3A_513 = vector.broadcast %and3A_512 : i32 to vector<16xi32>
        %and3A_514 = arith.andi %get3A_453, %and3A_513 : vector<16xi32>
        %and3A_515 = arith.constant 65535 : i32
        %and3A_516 = vector.broadcast %and3A_515 : i32 to vector<16xi32>
        %and3A_517 = arith.andi %get3A_457, %and3A_516 : vector<16xi32>
        %and3A_518 = arith.constant 65535 : i32
        %and3A_519 = vector.broadcast %and3A_518 : i32 to vector<16xi32>
        %and3A_520 = arith.andi %get3A_461, %and3A_519 : vector<16xi32>
        %and3A_521 = arith.constant 65535 : i32
        %and3A_522 = vector.broadcast %and3A_521 : i32 to vector<16xi32>
        %and3A_523 = arith.andi %get3A_465, %and3A_522 : vector<16xi32>
        %and3A_524 = arith.constant 65535 : i32
        %and3A_525 = vector.broadcast %and3A_524 : i32 to vector<16xi32>
        %and3A_526 = arith.andi %get3A_469, %and3A_525 : vector<16xi32>
        %and3A_527 = arith.constant 65535 : i32
        %and3A_528 = vector.broadcast %and3A_527 : i32 to vector<16xi32>
        %and3A_529 = arith.andi %get3A_473, %and3A_528 : vector<16xi32>
        %shift_right_arithmetic3A_530 = arith.constant 16 : i32
        %shift_right_arithmetic3A_531 = vector.broadcast %shift_right_arithmetic3A_530 : i32 to vector<16xi32>
        %shift_right_arithmetic3A_532 = arith.shrsi %get3A_445, %shift_right_arithmetic3A_531 : vector<16xi32>
        %shift_right_arithmetic3A_533 = arith.constant 16 : i32
        %shift_right_arithmetic3A_534 = vector.broadcast %shift_right_arithmetic3A_533 : i32 to vector<16xi32>
        %shift_right_arithmetic3A_535 = arith.shrsi %get3A_449, %shift_right_arithmetic3A_534 : vector<16xi32>
        %shift_right_arithmetic3A_536 = arith.constant 16 : i32
        %shift_right_arithmetic3A_537 = vector.broadcast %shift_right_arithmetic3A_536 : i32 to vector<16xi32>
        %shift_right_arithmetic3A_538 = arith.shrsi %get3A_453, %shift_right_arithmetic3A_537 : vector<16xi32>
        %shift_right_arithmetic3A_539 = arith.constant 16 : i32
        %shift_right_arithmetic3A_540 = vector.broadcast %shift_right_arithmetic3A_539 : i32 to vector<16xi32>
        %shift_right_arithmetic3A_541 = arith.shrsi %get3A_457, %shift_right_arithmetic3A_540 : vector<16xi32>
        %shift_right_arithmetic3A_542 = arith.constant 16 : i32
        %shift_right_arithmetic3A_543 = vector.broadcast %shift_right_arithmetic3A_542 : i32 to vector<16xi32>
        %shift_right_arithmetic3A_544 = arith.shrsi %get3A_461, %shift_right_arithmetic3A_543 : vector<16xi32>
        %shift_right_arithmetic3A_545 = arith.constant 16 : i32
        %shift_right_arithmetic3A_546 = vector.broadcast %shift_right_arithmetic3A_545 : i32 to vector<16xi32>
        %shift_right_arithmetic3A_547 = arith.shrsi %get3A_465, %shift_right_arithmetic3A_546 : vector<16xi32>
        %shift_right_arithmetic3A_548 = arith.constant 16 : i32
        %shift_right_arithmetic3A_549 = vector.broadcast %shift_right_arithmetic3A_548 : i32 to vector<16xi32>
        %shift_right_arithmetic3A_550 = arith.shrsi %get3A_469, %shift_right_arithmetic3A_549 : vector<16xi32>
        %shift_right_arithmetic3A_551 = arith.constant 16 : i32
        %shift_right_arithmetic3A_552 = vector.broadcast %shift_right_arithmetic3A_551 : i32 to vector<16xi32>
        %shift_right_arithmetic3A_553 = arith.shrsi %get3A_473, %shift_right_arithmetic3A_552 : vector<16xi32>
        tpu.vector_store_idx %arg7[%and3A_508], %get3A_477 {add = true} : memref<11536xf32, #tpu.memory_space<vmem>>[vector<16xi32>], vector<16xf32>,
        tpu.vector_store_idx %arg7[%shift_right_arithmetic3A_532], %get3A_477 {add = true} : memref<11536xf32, #tpu.memory_space<vmem>>[vector<16xi32>], vector<16xf32>,
        tpu.vector_store_idx %arg7[%and3A_511], %get3A_481 {add = true} : memref<11536xf32, #tpu.memory_space<vmem>>[vector<16xi32>], vector<16xf32>,
        tpu.vector_store_idx %arg7[%shift_right_arithmetic3A_535], %get3A_481 {add = true} : memref<11536xf32, #tpu.memory_space<vmem>>[vector<16xi32>], vector<16xf32>,
        tpu.vector_store_idx %arg7[%and3A_514], %get3A_485 {add = true} : memref<11536xf32, #tpu.memory_space<vmem>>[vector<16xi32>], vector<16xf32>,
        tpu.vector_store_idx %arg7[%shift_right_arithmetic3A_538], %get3A_485 {add = true} : memref<11536xf32, #tpu.memory_space<vmem>>[vector<16xi32>], vector<16xf32>,
        tpu.vector_store_idx %arg7[%and3A_517], %get3A_489 {add = true} : memref<11536xf32, #tpu.memory_space<vmem>>[vector<16xi32>], vector<16xf32>,
        tpu.vector_store_idx %arg7[%shift_right_arithmetic3A_541], %get3A_489 {add = true} : memref<11536xf32, #tpu.memory_space<vmem>>[vector<16xi32>], vector<16xf32>,
        tpu.vector_store_idx %arg7[%and3A_520], %get3A_493 {add = true} : memref<11536xf32, #tpu.memory_space<vmem>>[vector<16xi32>], vector<16xf32>,
        tpu.vector_store_idx %arg7[%shift_right_arithmetic3A_544], %get3A_493 {add = true} : memref<11536xf32, #tpu.memory_space<vmem>>[vector<16xi32>], vector<16xf32>,
        tpu.vector_store_idx %arg7[%and3A_523], %get3A_497 {add = true} : memref<11536xf32, #tpu.memory_space<vmem>>[vector<16xi32>], vector<16xf32>,
        tpu.vector_store_idx %arg7[%shift_right_arithmetic3A_547], %get3A_497 {add = true} : memref<11536xf32, #tpu.memory_space<vmem>>[vector<16xi32>], vector<16xf32>,
        tpu.vector_store_idx %arg7[%and3A_526], %get3A_501 {add = true} : memref<11536xf32, #tpu.memory_space<vmem>>[vector<16xi32>], vector<16xf32>,
        tpu.vector_store_idx %arg7[%shift_right_arithmetic3A_550], %get3A_501 {add = true} : memref<11536xf32, #tpu.memory_space<vmem>>[vector<16xi32>], vector<16xf32>,
        tpu.vector_store_idx %arg7[%and3A_529], %get3A_505 {add = true} : memref<11536xf32, #tpu.memory_space<vmem>>[vector<16xi32>], vector<16xf32>,
        tpu.vector_store_idx %arg7[%shift_right_arithmetic3A_553], %get3A_505 {add = true} : memref<11536xf32, #tpu.memory_space<vmem>>[vector<16xi32>], vector<16xf32>,
        %scan3A_554 = arith.constant 0 : i32
        scf.yield %scan3A_554 : i32
      }
      %scan3A_103 = arith.constant 8 : i32
      %while3A_104 = arith.constant 0 : i32
      scf.yield %while3A_104 : i32
    }
    %scan3A_54 = arith.constant 0 : i32
    %scan3A_55 = arith.constant 0 : i32
    %scan3A_56 = arith.constant 45 : i32
    %scan3A_57 = arith.addi %scan3A_55, %scan3A_56 : i32
    %scan3A_58 = arith.constant 1 : i32
    %scan3A_59 = scf.for %scan3A_61 = %scan3A_55 to %scan3A_57 step %scan3A_58 iter_args(%scan3A_62 = %scan3A_54) -> (i32)  : i32 {
      %mul3A_63 = arith.constant 16 : i32
      %mul3A_64 = arith.muli %scan3A_61, %mul3A_63 : i32
      %get3A = arith.index_cast %mul3A_64 : i32 to index
      %get3A_65 = tpu.vector_load %arg7[%get3A] {strides = array<i32>} : memref<11536xf32, #tpu.memory_space<vmem>>, vector<16xf32>,
      %mul3A_66 = arith.constant 16 : i32
      %mul3A_67 = arith.muli %scan3A_61, %mul3A_66 : i32
      %add3A_68 = arith.constant 721 : i32
      %add3A_69 = arith.addi %add3A_68, %mul3A_67 : i32
      %get3A_70 = arith.index_cast %add3A_69 : i32 to index
      %get3A_71 = tpu.vector_load %arg7[%get3A_70] {strides = array<i32>} : memref<11536xf32, #tpu.memory_space<vmem>>, vector<16xf32>,
      %add3A_72 = arith.addf %get3A_65, %get3A_71 : vector<16xf32>
      %mul3A_73 = arith.constant 16 : i32
      %mul3A_74 = arith.muli %scan3A_61, %mul3A_73 : i32
      %add3A_75 = arith.constant 1442 : i32
      %add3A_76 = arith.addi %add3A_75, %mul3A_74 : i32
      %get3A_77 = arith.index_cast %add3A_76 : i32 to index
      %get3A_78 = tpu.vector_load %arg7[%get3A_77] {strides = array<i32>} : memref<11536xf32, #tpu.memory_space<vmem>>, vector<16xf32>,
      %add3A_79 = arith.addf %add3A_72, %get3A_78 : vector<16xf32>
      %mul3A_80 = arith.constant 16 : i32
      %mul3A_81 = arith.muli %scan3A_61, %mul3A_80 : i32
      %add3A_82 = arith.constant 2163 : i32
      %add3A_83 = arith.addi %add3A_82, %mul3A_81 : i32
      %get3A_84 = arith.index_cast %add3A_83 : i32 to index
      %get3A_85 = tpu.vector_load %arg7[%get3A_84] {strides = array<i32>} : memref<11536xf32, #tpu.memory_space<vmem>>, vector<16xf32>,
      %add3A_86 = arith.addf %add3A_79, %get3A_85 : vector<16xf32>
      %mul3A_87 = arith.constant 16 : i32
      %mul3A_88 = arith.muli %scan3A_61, %mul3A_87 : i32
      %add3A_89 = arith.constant 2884 : i32
      %add3A_90 = arith.addi %add3A_89, %mul3A_88 : i32
      %get3A_91 = arith.index_cast %add3A_90 : i32 to index
      %get3A_92 = tpu.vector_load %arg7[%get3A_91] {strides = array<i32>} : memref<11536xf32, #tpu.memory_space<vmem>>, vector<16xf32>,
      %add3A_93 = arith.addf %add3A_86, %get3A_92 : vector<16xf32>
      %mul3A_94 = arith.constant 16 : i32
      %mul3A_95 = arith.muli %scan3A_61, %mul3A_94 : i32
      %add3A_96 = arith.constant 3605 : i32
      %add3A_97 = arith.addi %add3A_96, %mul3A_95 : i32
      %get3A_98 = arith.index_cast %add3A_97 : i32 to index
      %get3A_99 = tpu.vector_load %arg7[%get3A_98] {strides = array<i32>} : memref<11536xf32, #tpu.memory_space<vmem>>, vector<16xf32>,
      %add3A_100 = arith.addf %add3A_93, %get3A_99 : vector<16xf32>
      %mul3A_101 = arith.constant 16 : i32
      %mul3A_102 = arith.muli %scan3A_61, %mul3A_101 : i32
      %add3A_103 = arith.constant 4326 : i32
      %add3A_104 = arith.addi %add3A_103, %mul3A_102 : i32
      %get3A_105 = arith.index_cast %add3A_104 : i32 to index
      %get3A_106 = tpu.vector_load %arg7[%get3A_105] {strides = array<i32>} : memref<11536xf32, #tpu.memory_space<vmem>>, vector<16xf32>,
      %add3A_107 = arith.addf %add3A_100, %get3A_106 : vector<16xf32>
      %mul3A_108 = arith.constant 16 : i32
      %mul3A_109 = arith.muli %scan3A_61, %mul3A_108 : i32
      %add3A_110 = arith.constant 5047 : i32
      %add3A_111 = arith.addi %add3A_110, %mul3A_109 : i32
      %get3A_112 = arith.index_cast %add3A_111 : i32 to index
      %get3A_113 = tpu.vector_load %arg7[%get3A_112] {strides = array<i32>} : memref<11536xf32, #tpu.memory_space<vmem>>, vector<16xf32>,
      %add3A_114 = arith.addf %add3A_107, %get3A_113 : vector<16xf32>
      %mul3A_115 = arith.constant 16 : i32
      %mul3A_116 = arith.muli %scan3A_61, %mul3A_115 : i32
      %add3A_117 = arith.constant 5768 : i32
      %add3A_118 = arith.addi %add3A_117, %mul3A_116 : i32
      %get3A_119 = arith.index_cast %add3A_118 : i32 to index
      %get3A_120 = tpu.vector_load %arg7[%get3A_119] {strides = array<i32>} : memref<11536xf32, #tpu.memory_space<vmem>>, vector<16xf32>,
      %add3A_121 = arith.addf %add3A_114, %get3A_120 : vector<16xf32>
      %mul3A_122 = arith.constant 16 : i32
      %mul3A_123 = arith.muli %scan3A_61, %mul3A_122 : i32
      %add3A_124 = arith.constant 6489 : i32
      %add3A_125 = arith.addi %add3A_124, %mul3A_123 : i32
      %get3A_126 = arith.index_cast %add3A_125 : i32 to index
      %get3A_127 = tpu.vector_load %arg7[%get3A_126] {strides = array<i32>} : memref<11536xf32, #tpu.memory_space<vmem>>, vector<16xf32>,
      %add3A_128 = arith.addf %add3A_121, %get3A_127 : vector<16xf32>
      %mul3A_129 = arith.constant 16 : i32
      %mul3A_130 = arith.muli %scan3A_61, %mul3A_129 : i32
      %add3A_131 = arith.constant 7210 : i32
      %add3A_132 = arith.addi %add3A_131, %mul3A_130 : i32
      %get3A_133 = arith.index_cast %add3A_132 : i32 to index
      %get3A_134 = tpu.vector_load %arg7[%get3A_133] {strides = array<i32>} : memref<11536xf32, #tpu.memory_space<vmem>>, vector<16xf32>,
      %add3A_135 = arith.addf %add3A_128, %get3A_134 : vector<16xf32>
      %mul3A_136 = arith.constant 16 : i32
      %mul3A_137 = arith.muli %scan3A_61, %mul3A_136 : i32
      %add3A_138 = arith.constant 7931 : i32
      %add3A_139 = arith.addi %add3A_138, %mul3A_137 : i32
      %get3A_140 = arith.index_cast %add3A_139 : i32 to index
      %get3A_141 = tpu.vector_load %arg7[%get3A_140] {strides = array<i32>} : memref<11536xf32, #tpu.memory_space<vmem>>, vector<16xf32>,
      %add3A_142 = arith.addf %add3A_135, %get3A_141 : vector<16xf32>
      %mul3A_143 = arith.constant 16 : i32
      %mul3A_144 = arith.muli %scan3A_61, %mul3A_143 : i32
      %add3A_145 = arith.constant 8652 : i32
      %add3A_146 = arith.addi %add3A_145, %mul3A_144 : i32
      %get3A_147 = arith.index_cast %add3A_146 : i32 to index
      %get3A_148 = tpu.vector_load %arg7[%get3A_147] {strides = array<i32>} : memref<11536xf32, #tpu.memory_space<vmem>>, vector<16xf32>,
      %add3A_149 = arith.addf %add3A_142, %get3A_148 : vector<16xf32>
      %mul3A_150 = arith.constant 16 : i32
      %mul3A_151 = arith.muli %scan3A_61, %mul3A_150 : i32
      %add3A_152 = arith.constant 9373 : i32
      %add3A_153 = arith.addi %add3A_152, %mul3A_151 : i32
      %get3A_154 = arith.index_cast %add3A_153 : i32 to index
      %get3A_155 = tpu.vector_load %arg7[%get3A_154] {strides = array<i32>} : memref<11536xf32, #tpu.memory_space<vmem>>, vector<16xf32>,
      %add3A_156 = arith.addf %add3A_149, %get3A_155 : vector<16xf32>
      %mul3A_157 = arith.constant 16 : i32
      %mul3A_158 = arith.muli %scan3A_61, %mul3A_157 : i32
      %add3A_159 = arith.constant 10094 : i32
      %add3A_160 = arith.addi %add3A_159, %mul3A_158 : i32
      %get3A_161 = arith.index_cast %add3A_160 : i32 to index
      %get3A_162 = tpu.vector_load %arg7[%get3A_161] {strides = array<i32>} : memref<11536xf32, #tpu.memory_space<vmem>>, vector<16xf32>,
      %add3A_163 = arith.addf %add3A_156, %get3A_162 : vector<16xf32>
      %mul3A_164 = arith.constant 16 : i32
      %mul3A_165 = arith.muli %scan3A_61, %mul3A_164 : i32
      %add3A_166 = arith.constant 10815 : i32
      %add3A_167 = arith.addi %add3A_166, %mul3A_165 : i32
      %get3A_168 = arith.index_cast %add3A_167 : i32 to index
      %get3A_169 = tpu.vector_load %arg7[%get3A_168] {strides = array<i32>} : memref<11536xf32, #tpu.memory_space<vmem>>, vector<16xf32>,
      %add3A_170 = arith.addf %add3A_163, %get3A_169 : vector<16xf32>
      %mul3A_171 = arith.constant 16 : i32
      %mul3A_172 = arith.muli %scan3A_61, %mul3A_171 : i32
      %swap3A = arith.index_cast %mul3A_172 : i32 to index
      %swap3A_173 = tpu.vector_load %arg8[%swap3A] {strides = array<i32>} : memref<720xf32, #tpu.memory_space<vmem>>, vector<16xf32>,
      tpu.vector_store %arg8[%swap3A], %add3A_170 {strides = array<i32>} : memref<720xf32, #tpu.memory_space<vmem>>, vector<16xf32>,
      %scan3A_174 = arith.constant 0 : i32
      scf.yield %scan3A_174 : i32
    }
    %scan3A_60 = arith.constant 45 : i32
    "tpu.region"() ({
      %run_scoped3A = tpu.sem_alloc : memref<!tpu.dma_semaphore, #tpu.memory_space<semaphore_mem>>
      %dma_start3A_61 = arith.constant 0 : i32
      %dma_start3A_62 = tpu.memref_slice %arg4[%and3A_2, %shift_right_arithmetic3A_1, %dma_start3A_61] : memref<2x16x720xf32, #tpu.memory_space<hbm>> -> memref<1x1x720xf32, #tpu.memory_space<hbm>>
      %dma_start3A_63 = tpu.memref_squeeze %dma_start3A_62 : memref<1x1x720xf32, #tpu.memory_space<hbm>> -> memref<720xf32, #tpu.memory_space<hbm>>
      %dma_start3A_64 = arith.constant 0 : i32
      %dma_start3A_65 = tpu.memref_slice %arg4[%and3A_2, %shift_right_arithmetic3A_1, %dma_start3A_64] : memref<2x16x720xf32, #tpu.memory_space<hbm>> -> memref<1x1x720xf32, #tpu.memory_space<hbm>>
      %dma_start3A_66 = tpu.memref_squeeze %dma_start3A_65 : memref<1x1x720xf32, #tpu.memory_space<hbm>> -> memref<720xf32, #tpu.memory_space<hbm>>
      tpu.enqueue_dma source(%arg8 : memref<720xf32, #tpu.memory_space<vmem>>) target(%dma_start3A_66 : memref<720xf32, #tpu.memory_space<hbm>>) target_semaphore(%run_scoped3A : memref<!tpu.dma_semaphore, #tpu.memory_space<semaphore_mem>>)
      %dma_wait3A = arith.constant 0 : i32
      %dma_wait3A_67 = tpu.memref_slice %arg4[%and3A_2, %shift_right_arithmetic3A_1, %dma_wait3A] : memref<2x16x720xf32, #tpu.memory_space<hbm>> -> memref<1x1x720xf32, #tpu.memory_space<hbm>>
      %dma_wait3A_68 = tpu.memref_squeeze %dma_wait3A_67 : memref<1x1x720xf32, #tpu.memory_space<hbm>> -> memref<720xf32, #tpu.memory_space<hbm>>
      %dma_wait3A_69 = arith.constant 0 : i32
      %dma_wait3A_70 = tpu.memref_slice %arg4[%and3A_2, %shift_right_arithmetic3A_1, %dma_wait3A_69] : memref<2x16x720xf32, #tpu.memory_space<hbm>> -> memref<1x1x720xf32, #tpu.memory_space<hbm>>
      %dma_wait3A_71 = tpu.memref_squeeze %dma_wait3A_70 : memref<1x1x720xf32, #tpu.memory_space<hbm>> -> memref<720xf32, #tpu.memory_space<hbm>>
      tpu.wait_dma2 semaphore(%run_scoped3A : memref<!tpu.dma_semaphore, #tpu.memory_space<semaphore_mem>>) src(%arg8 : memref<720xf32, #tpu.memory_space<vmem>>) dst(%dma_wait3A_71 : memref<720xf32, #tpu.memory_space<hbm>>)
      tpu.yield
    }) : () -> ()
    return
  }
}

#map = affine_map<(d0, d1) -> (0, 0, 0)>
#map1 = affine_map<(d0, d1) -> (0, 0)>
module attributes {stable_mosaic.version = 14 : i64} {
  func.func @_hist_kernel(%arg0: i32, %arg1: i32, %arg2: memref<16x264x512xf32, #tpu.memory_space<hbm>>, %arg3: memref<264x512xi32, #tpu.memory_space<hbm>>, %arg4: memref<2x16x720xf32, #tpu.memory_space<hbm>>, %arg5: memref<2x8x512xi32, #tpu.memory_space<vmem>>, %arg6: memref<2x8x512xf32, #tpu.memory_space<vmem>>, %arg7: memref<11536xf32, #tpu.memory_space<vmem>>, %arg8: memref<720xf32, #tpu.memory_space<vmem>>, %arg9: memref<!tpu.dma_semaphore, #tpu.memory_space<semaphore_mem>>, %arg10: memref<!tpu.dma_semaphore, #tpu.memory_space<semaphore_mem>>) attributes {dimension_semantics = [#tpu.dimension_semantics<core_parallel>, #tpu.dimension_semantics<subcore_parallel>], iteration_bounds = array<i64: 2, 16>, scalar_prefetch = 0 : i64, scratch_operands = 6 : i64, tpu.core_type = #tpu.core_type<sc_vector_subcore>, window_params = [{transform_indices = #map}, {transform_indices = #map1}, {transform_indices = #map}]} {
    %mul3A = arith.constant 2 : i32
    %mul3A_0 = arith.muli %arg1, %mul3A : i32
    %add3A = arith.addi %mul3A_0, %arg0 : i32
    %shift_right_arithmetic3A = arith.constant 1 : i32
    %shift_right_arithmetic3A_1 = arith.shrsi %add3A, %shift_right_arithmetic3A : i32
    %and3A = arith.constant 1 : i32
    %and3A_2 = arith.andi %add3A, %and3A : i32
    %broadcast_in_dim3A = arith.constant 0.000000e+00 : f32
    %broadcast_in_dim3A_3 = vector.broadcast %broadcast_in_dim3A : f32 to vector<16xf32>
    %mul3A_4 = arith.constant 16 : i32
    %mul3A_5 = arith.muli %mul3A_4, %and3A_2 : i32
    %mul3A_6 = arith.constant 17 : i32
    %mul3A_7 = arith.muli %mul3A_6, %and3A_2 : i32
    %add3A_8 = arith.constant 16 : i32
    %add3A_9 = arith.addi %add3A_8, %mul3A_7 : i32
    %scan3A = arith.constant 0 : i32
    %scan3A_10 = arith.constant 0 : i32
    %scan3A_11 = arith.constant 721 : i32
    %scan3A_12 = arith.addi %scan3A_10, %scan3A_11 : i32
    %scan3A_13 = arith.constant 1 : i32
    %scan3A_14 = scf.for %scan3A_61 = %scan3A_10 to %scan3A_12 step %scan3A_13 iter_args(%scan3A_62 = %scan3A) -> (i32)  : i32 {
      %mul3A_63 = arith.constant 16 : i32
      %mul3A_64 = arith.muli %scan3A_61, %mul3A_63 : i32
      %swap3A = arith.index_cast %mul3A_64 : i32 to index
      %swap3A_65 = tpu.vector_load %arg7[%swap3A] {strides = array<i32>} : memref<11536xf32, #tpu.memory_space<vmem>>, vector<16xf32>,
      tpu.vector_store %arg7[%swap3A], %broadcast_in_dim3A_3 {strides = array<i32>} : memref<11536xf32, #tpu.memory_space<vmem>>, vector<16xf32>,
      %scan3A_66 = arith.constant 0 : i32
      scf.yield %scan3A_66 : i32
    }
    %scan3A_15 = arith.constant 721 : i32
    %rem3A = arith.constant 2 : i32
    %rem3A_16 = arith.remsi %mul3A_5, %rem3A : i32
    %mul3A_17 = arith.constant 8 : i32
    %mul3A_18 = arith.muli %mul3A_5, %mul3A_17 : i32
    %dma_start3A = arith.constant 0 : i32
    %dma_start3A_19 = arith.constant 0 : i32
    %dma_start3A_20 = tpu.memref_slice %arg5[%rem3A_16, %dma_start3A, %dma_start3A_19] : memref<2x8x512xi32, #tpu.memory_space<vmem>> -> memref<1x8x512xi32, #tpu.memory_space<vmem>>
    %dma_start3A_21 = tpu.memref_squeeze %dma_start3A_20 : memref<1x8x512xi32, #tpu.memory_space<vmem>> -> memref<8x512xi32, #tpu.memory_space<vmem>>
    %dma_start3A_22 = arith.constant 0 : i32
    %dma_start3A_23 = tpu.memref_slice %arg3[%mul3A_18, %dma_start3A_22] : memref<264x512xi32, #tpu.memory_space<hbm>> -> memref<8x512xi32, #tpu.memory_space<hbm>>
    %dma_start3A_24 = arith.constant 0 : i32
    %dma_start3A_25 = arith.constant 0 : i32
    %dma_start3A_26 = tpu.memref_slice %arg5[%rem3A_16, %dma_start3A_24, %dma_start3A_25] : memref<2x8x512xi32, #tpu.memory_space<vmem>> -> memref<1x8x512xi32, #tpu.memory_space<vmem>>
    %dma_start3A_27 = tpu.memref_squeeze %dma_start3A_26 : memref<1x8x512xi32, #tpu.memory_space<vmem>> -> memref<8x512xi32, #tpu.memory_space<vmem>>
    %dma_start3A_28 = arith.constant 0 : i32
    %dma_start3A_29 = tpu.memref_slice %arg3[%mul3A_18, %dma_start3A_28] : memref<264x512xi32, #tpu.memory_space<hbm>> -> memref<8x512xi32, #tpu.memory_space<hbm>>
    tpu.enqueue_dma source(%dma_start3A_29 : memref<8x512xi32, #tpu.memory_space<hbm>>) target(%dma_start3A_27 : memref<8x512xi32, #tpu.memory_space<vmem>>) target_semaphore(%arg9 : memref<!tpu.dma_semaphore, #tpu.memory_space<semaphore_mem>>)
    %dma_start3A_30 = arith.constant 0 : i32
    %dma_start3A_31 = arith.constant 0 : i32
    %dma_start3A_32 = tpu.memref_slice %arg6[%rem3A_16, %dma_start3A_30, %dma_start3A_31] : memref<2x8x512xf32, #tpu.memory_space<vmem>> -> memref<1x8x512xf32, #tpu.memory_space<vmem>>
    %dma_start3A_33 = tpu.memref_squeeze %dma_start3A_32 : memref<1x8x512xf32, #tpu.memory_space<vmem>> -> memref<8x512xf32, #tpu.memory_space<vmem>>
    %dma_start3A_34 = arith.constant 0 : i32
    %dma_start3A_35 = tpu.memref_slice %arg2[%shift_right_arithmetic3A_1, %mul3A_18, %dma_start3A_34] : memref<16x264x512xf32, #tpu.memory_space<hbm>> -> memref<1x8x512xf32, #tpu.memory_space<hbm>>
    %dma_start3A_36 = tpu.memref_squeeze %dma_start3A_35 : memref<1x8x512xf32, #tpu.memory_space<hbm>> -> memref<8x512xf32, #tpu.memory_space<hbm>>
    %dma_start3A_37 = arith.constant 0 : i32
    %dma_start3A_38 = arith.constant 0 : i32
    %dma_start3A_39 = tpu.memref_slice %arg6[%rem3A_16, %dma_start3A_37, %dma_start3A_38] : memref<2x8x512xf32, #tpu.memory_space<vmem>> -> memref<1x8x512xf32, #tpu.memory_space<vmem>>
    %dma_start3A_40 = tpu.memref_squeeze %dma_start3A_39 : memref<1x8x512xf32, #tpu.memory_space<vmem>> -> memref<8x512xf32, #tpu.memory_space<vmem>>
    %dma_start3A_41 = arith.constant 0 : i32
    %dma_start3A_42 = tpu.memref_slice %arg2[%shift_right_arithmetic3A_1, %mul3A_18, %dma_start3A_41] : memref<16x264x512xf32, #tpu.memory_space<hbm>> -> memref<1x8x512xf32, #tpu.memory_space<hbm>>
    %dma_start3A_43 = tpu.memref_squeeze %dma_start3A_42 : memref<1x8x512xf32, #tpu.memory_space<hbm>> -> memref<8x512xf32, #tpu.memory_space<hbm>>
    tpu.enqueue_dma source(%dma_start3A_43 : memref<8x512xf32, #tpu.memory_space<hbm>>) target(%dma_start3A_40 : memref<8x512xf32, #tpu.memory_space<vmem>>) target_semaphore(%arg10 : memref<!tpu.dma_semaphore, #tpu.memory_space<semaphore_mem>>)
    %while3A = arith.constant 0 : i32
    %while3A_44 = arith.subi %add3A_9, %mul3A_5 : i32
    %while3A_45 = arith.addi %mul3A_5, %while3A_44 : i32
    %while3A_46 = arith.constant 1 : i32
    %while3A_47 = arith.divsi %while3A_44, %while3A_46 : i32
    %while3A_48 = arith.muli %while3A_47, %while3A_46 : i32
    %while3A_49 = arith.addi %mul3A_5, %while3A_48 : i32
    %while3A_50 = arith.constant 1 : i32
    %while3A_51 = scf.for %while3A_61 = %mul3A_5 to %while3A_49 step %while3A_50 iter_args(%while3A_62 = %while3A) -> (i32)  : i32 {
      %rem3A_63 = arith.constant 2 : i32
      %rem3A_64 = arith.remsi %while3A_61, %rem3A_63 : i32
      %mul3A_65 = arith.constant 8 : i32
      %mul3A_66 = arith.muli %while3A_61, %mul3A_65 : i32
      %dma_wait3A = arith.constant 0 : i32
      %dma_wait3A_67 = arith.constant 0 : i32
      %dma_wait3A_68 = tpu.memref_slice %arg5[%rem3A_64, %dma_wait3A, %dma_wait3A_67] : memref<2x8x512xi32, #tpu.memory_space<vmem>> -> memref<1x8x512xi32, #tpu.memory_space<vmem>>
      %dma_wait3A_69 = tpu.memref_squeeze %dma_wait3A_68 : memref<1x8x512xi32, #tpu.memory_space<vmem>> -> memref<8x512xi32, #tpu.memory_space<vmem>>
      %dma_wait3A_70 = arith.constant 0 : i32
      %dma_wait3A_71 = tpu.memref_slice %arg3[%mul3A_66, %dma_wait3A_70] : memref<264x512xi32, #tpu.memory_space<hbm>> -> memref<8x512xi32, #tpu.memory_space<hbm>>
      %dma_wait3A_72 = arith.constant 0 : i32
      %dma_wait3A_73 = arith.constant 0 : i32
      %dma_wait3A_74 = tpu.memref_slice %arg5[%rem3A_64, %dma_wait3A_72, %dma_wait3A_73] : memref<2x8x512xi32, #tpu.memory_space<vmem>> -> memref<1x8x512xi32, #tpu.memory_space<vmem>>
      %dma_wait3A_75 = tpu.memref_squeeze %dma_wait3A_74 : memref<1x8x512xi32, #tpu.memory_space<vmem>> -> memref<8x512xi32, #tpu.memory_space<vmem>>
      %dma_wait3A_76 = arith.constant 0 : i32
      %dma_wait3A_77 = tpu.memref_slice %arg3[%mul3A_66, %dma_wait3A_76] : memref<264x512xi32, #tpu.memory_space<hbm>> -> memref<8x512xi32, #tpu.memory_space<hbm>>
      tpu.wait_dma2 semaphore(%arg9 : memref<!tpu.dma_semaphore, #tpu.memory_space<semaphore_mem>>) src(%dma_wait3A_77 : memref<8x512xi32, #tpu.memory_space<hbm>>) dst(%dma_wait3A_75 : memref<8x512xi32, #tpu.memory_space<vmem>>)
      %dma_wait3A_78 = arith.constant 0 : i32
      %dma_wait3A_79 = arith.constant 0 : i32
      %dma_wait3A_80 = tpu.memref_slice %arg6[%rem3A_64, %dma_wait3A_78, %dma_wait3A_79] : memref<2x8x512xf32, #tpu.memory_space<vmem>> -> memref<1x8x512xf32, #tpu.memory_space<vmem>>
      %dma_wait3A_81 = tpu.memref_squeeze %dma_wait3A_80 : memref<1x8x512xf32, #tpu.memory_space<vmem>> -> memref<8x512xf32, #tpu.memory_space<vmem>>
      %dma_wait3A_82 = arith.constant 0 : i32
      %dma_wait3A_83 = tpu.memref_slice %arg2[%shift_right_arithmetic3A_1, %mul3A_66, %dma_wait3A_82] : memref<16x264x512xf32, #tpu.memory_space<hbm>> -> memref<1x8x512xf32, #tpu.memory_space<hbm>>
      %dma_wait3A_84 = tpu.memref_squeeze %dma_wait3A_83 : memref<1x8x512xf32, #tpu.memory_space<hbm>> -> memref<8x512xf32, #tpu.memory_space<hbm>>
      %dma_wait3A_85 = arith.constant 0 : i32
      %dma_wait3A_86 = arith.constant 0 : i32
      %dma_wait3A_87 = tpu.memref_slice %arg6[%rem3A_64, %dma_wait3A_85, %dma_wait3A_86] : memref<2x8x512xf32, #tpu.memory_space<vmem>> -> memref<1x8x512xf32, #tpu.memory_space<vmem>>
      %dma_wait3A_88 = tpu.memref_squeeze %dma_wait3A_87 : memref<1x8x512xf32, #tpu.memory_space<vmem>> -> memref<8x512xf32, #tpu.memory_space<vmem>>
      %dma_wait3A_89 = arith.constant 0 : i32
      %dma_wait3A_90 = tpu.memref_slice %arg2[%shift_right_arithmetic3A_1, %mul3A_66, %dma_wait3A_89] : memref<16x264x512xf32, #tpu.memory_space<hbm>> -> memref<1x8x512xf32, #tpu.memory_space<hbm>>
      %dma_wait3A_91 = tpu.memref_squeeze %dma_wait3A_90 : memref<1x8x512xf32, #tpu.memory_space<hbm>> -> memref<8x512xf32, #tpu.memory_space<hbm>>
      tpu.wait_dma2 semaphore(%arg10 : memref<!tpu.dma_semaphore, #tpu.memory_space<semaphore_mem>>) src(%dma_wait3A_91 : memref<8x512xf32, #tpu.memory_space<hbm>>) dst(%dma_wait3A_88 : memref<8x512xf32, #tpu.memory_space<vmem>>)
      %add3A_92 = arith.constant 1 : i32
      %add3A_93 = arith.addi %while3A_61, %add3A_92 : i32
      %lt3A = arith.cmpi slt, %add3A_93, %add3A_9 : i32
      %convert_element_type3A = arith.extui %lt3A : i1 to i32
      %cond3A = arith.constant 0 : i32
      %cond3A_94 = arith.cmpi ne, %convert_element_type3A, %cond3A : i32
      scf.if %cond3A_94 {
        %add3A_105 = arith.constant 1 : i32
        %add3A_106 = arith.addi %while3A_61, %add3A_105 : i32
        %rem3A_107 = arith.constant 2 : i32
        %rem3A_108 = arith.remsi %add3A_106, %rem3A_107 : i32
        %mul3A_109 = arith.constant 8 : i32
        %mul3A_110 = arith.muli %add3A_106, %mul3A_109 : i32
        %dma_start3A_111 = arith.constant 0 : i32
        %dma_start3A_112 = arith.constant 0 : i32
        %dma_start3A_113 = tpu.memref_slice %arg5[%rem3A_108, %dma_start3A_111, %dma_start3A_112] : memref<2x8x512xi32, #tpu.memory_space<vmem>> -> memref<1x8x512xi32, #tpu.memory_space<vmem>>
        %dma_start3A_114 = tpu.memref_squeeze %dma_start3A_113 : memref<1x8x512xi32, #tpu.memory_space<vmem>> -> memref<8x512xi32, #tpu.memory_space<vmem>>
        %dma_start3A_115 = arith.constant 0 : i32
        %dma_start3A_116 = tpu.memref_slice %arg3[%mul3A_110, %dma_start3A_115] : memref<264x512xi32, #tpu.memory_space<hbm>> -> memref<8x512xi32, #tpu.memory_space<hbm>>
        %dma_start3A_117 = arith.constant 0 : i32
        %dma_start3A_118 = arith.constant 0 : i32
        %dma_start3A_119 = tpu.memref_slice %arg5[%rem3A_108, %dma_start3A_117, %dma_start3A_118] : memref<2x8x512xi32, #tpu.memory_space<vmem>> -> memref<1x8x512xi32, #tpu.memory_space<vmem>>
        %dma_start3A_120 = tpu.memref_squeeze %dma_start3A_119 : memref<1x8x512xi32, #tpu.memory_space<vmem>> -> memref<8x512xi32, #tpu.memory_space<vmem>>
        %dma_start3A_121 = arith.constant 0 : i32
        %dma_start3A_122 = tpu.memref_slice %arg3[%mul3A_110, %dma_start3A_121] : memref<264x512xi32, #tpu.memory_space<hbm>> -> memref<8x512xi32, #tpu.memory_space<hbm>>
        tpu.enqueue_dma source(%dma_start3A_122 : memref<8x512xi32, #tpu.memory_space<hbm>>) target(%dma_start3A_120 : memref<8x512xi32, #tpu.memory_space<vmem>>) target_semaphore(%arg9 : memref<!tpu.dma_semaphore, #tpu.memory_space<semaphore_mem>>)
        %dma_start3A_123 = arith.constant 0 : i32
        %dma_start3A_124 = arith.constant 0 : i32
        %dma_start3A_125 = tpu.memref_slice %arg6[%rem3A_108, %dma_start3A_123, %dma_start3A_124] : memref<2x8x512xf32, #tpu.memory_space<vmem>> -> memref<1x8x512xf32, #tpu.memory_space<vmem>>
        %dma_start3A_126 = tpu.memref_squeeze %dma_start3A_125 : memref<1x8x512xf32, #tpu.memory_space<vmem>> -> memref<8x512xf32, #tpu.memory_space<vmem>>
        %dma_start3A_127 = arith.constant 0 : i32
        %dma_start3A_128 = tpu.memref_slice %arg2[%shift_right_arithmetic3A_1, %mul3A_110, %dma_start3A_127] : memref<16x264x512xf32, #tpu.memory_space<hbm>> -> memref<1x8x512xf32, #tpu.memory_space<hbm>>
        %dma_start3A_129 = tpu.memref_squeeze %dma_start3A_128 : memref<1x8x512xf32, #tpu.memory_space<hbm>> -> memref<8x512xf32, #tpu.memory_space<hbm>>
        %dma_start3A_130 = arith.constant 0 : i32
        %dma_start3A_131 = arith.constant 0 : i32
        %dma_start3A_132 = tpu.memref_slice %arg6[%rem3A_108, %dma_start3A_130, %dma_start3A_131] : memref<2x8x512xf32, #tpu.memory_space<vmem>> -> memref<1x8x512xf32, #tpu.memory_space<vmem>>
        %dma_start3A_133 = tpu.memref_squeeze %dma_start3A_132 : memref<1x8x512xf32, #tpu.memory_space<vmem>> -> memref<8x512xf32, #tpu.memory_space<vmem>>
        %dma_start3A_134 = arith.constant 0 : i32
        %dma_start3A_135 = tpu.memref_slice %arg2[%shift_right_arithmetic3A_1, %mul3A_110, %dma_start3A_134] : memref<16x264x512xf32, #tpu.memory_space<hbm>> -> memref<1x8x512xf32, #tpu.memory_space<hbm>>
        %dma_start3A_136 = tpu.memref_squeeze %dma_start3A_135 : memref<1x8x512xf32, #tpu.memory_space<hbm>> -> memref<8x512xf32, #tpu.memory_space<hbm>>
        tpu.enqueue_dma source(%dma_start3A_136 : memref<8x512xf32, #tpu.memory_space<hbm>>) target(%dma_start3A_133 : memref<8x512xf32, #tpu.memory_space<vmem>>) target_semaphore(%arg10 : memref<!tpu.dma_semaphore, #tpu.memory_space<semaphore_mem>>)
      } else {
      }
      %rem3A_95 = arith.constant 2 : i32
      %rem3A_96 = arith.remsi %while3A_61, %rem3A_95 : i32
      %scan3A_97 = arith.constant 0 : i32
      %scan3A_98 = arith.constant 0 : i32
      %scan3A_99 = arith.constant 8 : i32
      %scan3A_100 = arith.addi %scan3A_98, %scan3A_99 : i32
      %scan3A_101 = arith.constant 1 : i32
      %scan3A_102 = scf.for %scan3A_105 = %scan3A_98 to %scan3A_100 step %scan3A_101 iter_args(%scan3A_106 = %scan3A_97) -> (i32)  : i32 {
        %get3A = arith.index_cast %rem3A_96 : i32 to index
        %get3A_107 = arith.index_cast %scan3A_105 : i32 to index
        %get3A_108 = arith.constant 0 : index
        %get3A_109 = tpu.vector_load %arg5[%get3A, %get3A_107, %get3A_108] {strides = array<i32>} : memref<2x8x512xi32, #tpu.memory_space<vmem>>, vector<16xi32>,
        %get3A_110 = arith.index_cast %rem3A_96 : i32 to index
        %get3A_111 = arith.index_cast %scan3A_105 : i32 to index
        %get3A_112 = arith.constant 16 : index
        %get3A_113 = tpu.vector_load %arg5[%get3A_110, %get3A_111, %get3A_112] {strides = array<i32>} : memref<2x8x512xi32, #tpu.memory_space<vmem>>, vector<16xi32>,
        %get3A_114 = arith.index_cast %rem3A_96 : i32 to index
        %get3A_115 = arith.index_cast %scan3A_105 : i32 to index
        %get3A_116 = arith.constant 32 : index
        %get3A_117 = tpu.vector_load %arg5[%get3A_114, %get3A_115, %get3A_116] {strides = array<i32>} : memref<2x8x512xi32, #tpu.memory_space<vmem>>, vector<16xi32>,
        %get3A_118 = arith.index_cast %rem3A_96 : i32 to index
        %get3A_119 = arith.index_cast %scan3A_105 : i32 to index
        %get3A_120 = arith.constant 48 : index
        %get3A_121 = tpu.vector_load %arg5[%get3A_118, %get3A_119, %get3A_120] {strides = array<i32>} : memref<2x8x512xi32, #tpu.memory_space<vmem>>, vector<16xi32>,
        %get3A_122 = arith.index_cast %rem3A_96 : i32 to index
        %get3A_123 = arith.index_cast %scan3A_105 : i32 to index
        %get3A_124 = arith.constant 64 : index
        %get3A_125 = tpu.vector_load %arg5[%get3A_122, %get3A_123, %get3A_124] {strides = array<i32>} : memref<2x8x512xi32, #tpu.memory_space<vmem>>, vector<16xi32>,
        %get3A_126 = arith.index_cast %rem3A_96 : i32 to index
        %get3A_127 = arith.index_cast %scan3A_105 : i32 to index
        %get3A_128 = arith.constant 80 : index
        %get3A_129 = tpu.vector_load %arg5[%get3A_126, %get3A_127, %get3A_128] {strides = array<i32>} : memref<2x8x512xi32, #tpu.memory_space<vmem>>, vector<16xi32>,
        %get3A_130 = arith.index_cast %rem3A_96 : i32 to index
        %get3A_131 = arith.index_cast %scan3A_105 : i32 to index
        %get3A_132 = arith.constant 96 : index
        %get3A_133 = tpu.vector_load %arg5[%get3A_130, %get3A_131, %get3A_132] {strides = array<i32>} : memref<2x8x512xi32, #tpu.memory_space<vmem>>, vector<16xi32>,
        %get3A_134 = arith.index_cast %rem3A_96 : i32 to index
        %get3A_135 = arith.index_cast %scan3A_105 : i32 to index
        %get3A_136 = arith.constant 112 : index
        %get3A_137 = tpu.vector_load %arg5[%get3A_134, %get3A_135, %get3A_136] {strides = array<i32>} : memref<2x8x512xi32, #tpu.memory_space<vmem>>, vector<16xi32>,
        %get3A_138 = arith.index_cast %rem3A_96 : i32 to index
        %get3A_139 = arith.index_cast %scan3A_105 : i32 to index
        %get3A_140 = arith.constant 0 : index
        %get3A_141 = tpu.vector_load %arg6[%get3A_138, %get3A_139, %get3A_140] {strides = array<i32>} : memref<2x8x512xf32, #tpu.memory_space<vmem>>, vector<16xf32>,
        %get3A_142 = arith.index_cast %rem3A_96 : i32 to index
        %get3A_143 = arith.index_cast %scan3A_105 : i32 to index
        %get3A_144 = arith.constant 16 : index
        %get3A_145 = tpu.vector_load %arg6[%get3A_142, %get3A_143, %get3A_144] {strides = array<i32>} : memref<2x8x512xf32, #tpu.memory_space<vmem>>, vector<16xf32>,
        %get3A_146 = arith.index_cast %rem3A_96 : i32 to index
        %get3A_147 = arith.index_cast %scan3A_105 : i32 to index
        %get3A_148 = arith.constant 32 : index
        %get3A_149 = tpu.vector_load %arg6[%get3A_146, %get3A_147, %get3A_148] {strides = array<i32>} : memref<2x8x512xf32, #tpu.memory_space<vmem>>, vector<16xf32>,
        %get3A_150 = arith.index_cast %rem3A_96 : i32 to index
        %get3A_151 = arith.index_cast %scan3A_105 : i32 to index
        %get3A_152 = arith.constant 48 : index
        %get3A_153 = tpu.vector_load %arg6[%get3A_150, %get3A_151, %get3A_152] {strides = array<i32>} : memref<2x8x512xf32, #tpu.memory_space<vmem>>, vector<16xf32>,
        %get3A_154 = arith.index_cast %rem3A_96 : i32 to index
        %get3A_155 = arith.index_cast %scan3A_105 : i32 to index
        %get3A_156 = arith.constant 64 : index
        %get3A_157 = tpu.vector_load %arg6[%get3A_154, %get3A_155, %get3A_156] {strides = array<i32>} : memref<2x8x512xf32, #tpu.memory_space<vmem>>, vector<16xf32>,
        %get3A_158 = arith.index_cast %rem3A_96 : i32 to index
        %get3A_159 = arith.index_cast %scan3A_105 : i32 to index
        %get3A_160 = arith.constant 80 : index
        %get3A_161 = tpu.vector_load %arg6[%get3A_158, %get3A_159, %get3A_160] {strides = array<i32>} : memref<2x8x512xf32, #tpu.memory_space<vmem>>, vector<16xf32>,
        %get3A_162 = arith.index_cast %rem3A_96 : i32 to index
        %get3A_163 = arith.index_cast %scan3A_105 : i32 to index
        %get3A_164 = arith.constant 96 : index
        %get3A_165 = tpu.vector_load %arg6[%get3A_162, %get3A_163, %get3A_164] {strides = array<i32>} : memref<2x8x512xf32, #tpu.memory_space<vmem>>, vector<16xf32>,
        %get3A_166 = arith.index_cast %rem3A_96 : i32 to index
        %get3A_167 = arith.index_cast %scan3A_105 : i32 to index
        %get3A_168 = arith.constant 112 : index
        %get3A_169 = tpu.vector_load %arg6[%get3A_166, %get3A_167, %get3A_168] {strides = array<i32>} : memref<2x8x512xf32, #tpu.memory_space<vmem>>, vector<16xf32>,
        %and3A_170 = arith.constant 65535 : i32
        %and3A_171 = vector.broadcast %and3A_170 : i32 to vector<16xi32>
        %and3A_172 = arith.andi %get3A_109, %and3A_171 : vector<16xi32>
        %and3A_173 = arith.constant 65535 : i32
        %and3A_174 = vector.broadcast %and3A_173 : i32 to vector<16xi32>
        %and3A_175 = arith.andi %get3A_113, %and3A_174 : vector<16xi32>
        %and3A_176 = arith.constant 65535 : i32
        %and3A_177 = vector.broadcast %and3A_176 : i32 to vector<16xi32>
        %and3A_178 = arith.andi %get3A_117, %and3A_177 : vector<16xi32>
        %and3A_179 = arith.constant 65535 : i32
        %and3A_180 = vector.broadcast %and3A_179 : i32 to vector<16xi32>
        %and3A_181 = arith.andi %get3A_121, %and3A_180 : vector<16xi32>
        %and3A_182 = arith.constant 65535 : i32
        %and3A_183 = vector.broadcast %and3A_182 : i32 to vector<16xi32>
        %and3A_184 = arith.andi %get3A_125, %and3A_183 : vector<16xi32>
        %and3A_185 = arith.constant 65535 : i32
        %and3A_186 = vector.broadcast %and3A_185 : i32 to vector<16xi32>
        %and3A_187 = arith.andi %get3A_129, %and3A_186 : vector<16xi32>
        %and3A_188 = arith.constant 65535 : i32
        %and3A_189 = vector.broadcast %and3A_188 : i32 to vector<16xi32>
        %and3A_190 = arith.andi %get3A_133, %and3A_189 : vector<16xi32>
        %and3A_191 = arith.constant 65535 : i32
        %and3A_192 = vector.broadcast %and3A_191 : i32 to vector<16xi32>
        %and3A_193 = arith.andi %get3A_137, %and3A_192 : vector<16xi32>
        %shift_right_arithmetic3A_194 = arith.constant 16 : i32
        %shift_right_arithmetic3A_195 = vector.broadcast %shift_right_arithmetic3A_194 : i32 to vector<16xi32>
        %shift_right_arithmetic3A_196 = arith.shrsi %get3A_109, %shift_right_arithmetic3A_195 : vector<16xi32>
        %shift_right_arithmetic3A_197 = arith.constant 16 : i32
        %shift_right_arithmetic3A_198 = vector.broadcast %shift_right_arithmetic3A_197 : i32 to vector<16xi32>
        %shift_right_arithmetic3A_199 = arith.shrsi %get3A_113, %shift_right_arithmetic3A_198 : vector<16xi32>
        %shift_right_arithmetic3A_200 = arith.constant 16 : i32
        %shift_right_arithmetic3A_201 = vector.broadcast %shift_right_arithmetic3A_200 : i32 to vector<16xi32>
        %shift_right_arithmetic3A_202 = arith.shrsi %get3A_117, %shift_right_arithmetic3A_201 : vector<16xi32>
        %shift_right_arithmetic3A_203 = arith.constant 16 : i32
        %shift_right_arithmetic3A_204 = vector.broadcast %shift_right_arithmetic3A_203 : i32 to vector<16xi32>
        %shift_right_arithmetic3A_205 = arith.shrsi %get3A_121, %shift_right_arithmetic3A_204 : vector<16xi32>
        %shift_right_arithmetic3A_206 = arith.constant 16 : i32
        %shift_right_arithmetic3A_207 = vector.broadcast %shift_right_arithmetic3A_206 : i32 to vector<16xi32>
        %shift_right_arithmetic3A_208 = arith.shrsi %get3A_125, %shift_right_arithmetic3A_207 : vector<16xi32>
        %shift_right_arithmetic3A_209 = arith.constant 16 : i32
        %shift_right_arithmetic3A_210 = vector.broadcast %shift_right_arithmetic3A_209 : i32 to vector<16xi32>
        %shift_right_arithmetic3A_211 = arith.shrsi %get3A_129, %shift_right_arithmetic3A_210 : vector<16xi32>
        %shift_right_arithmetic3A_212 = arith.constant 16 : i32
        %shift_right_arithmetic3A_213 = vector.broadcast %shift_right_arithmetic3A_212 : i32 to vector<16xi32>
        %shift_right_arithmetic3A_214 = arith.shrsi %get3A_133, %shift_right_arithmetic3A_213 : vector<16xi32>
        %shift_right_arithmetic3A_215 = arith.constant 16 : i32
        %shift_right_arithmetic3A_216 = vector.broadcast %shift_right_arithmetic3A_215 : i32 to vector<16xi32>
        %shift_right_arithmetic3A_217 = arith.shrsi %get3A_137, %shift_right_arithmetic3A_216 : vector<16xi32>
        tpu.vector_store_idx %arg7[%and3A_172], %get3A_141 {add = true} : memref<11536xf32, #tpu.memory_space<vmem>>[vector<16xi32>], vector<16xf32>,
        tpu.vector_store_idx %arg7[%shift_right_arithmetic3A_196], %get3A_141 {add = true} : memref<11536xf32, #tpu.memory_space<vmem>>[vector<16xi32>], vector<16xf32>,
        tpu.vector_store_idx %arg7[%and3A_175], %get3A_145 {add = true} : memref<11536xf32, #tpu.memory_space<vmem>>[vector<16xi32>], vector<16xf32>,
        tpu.vector_store_idx %arg7[%shift_right_arithmetic3A_199], %get3A_145 {add = true} : memref<11536xf32, #tpu.memory_space<vmem>>[vector<16xi32>], vector<16xf32>,
        tpu.vector_store_idx %arg7[%and3A_178], %get3A_149 {add = true} : memref<11536xf32, #tpu.memory_space<vmem>>[vector<16xi32>], vector<16xf32>,
        tpu.vector_store_idx %arg7[%shift_right_arithmetic3A_202], %get3A_149 {add = true} : memref<11536xf32, #tpu.memory_space<vmem>>[vector<16xi32>], vector<16xf32>,
        tpu.vector_store_idx %arg7[%and3A_181], %get3A_153 {add = true} : memref<11536xf32, #tpu.memory_space<vmem>>[vector<16xi32>], vector<16xf32>,
        tpu.vector_store_idx %arg7[%shift_right_arithmetic3A_205], %get3A_153 {add = true} : memref<11536xf32, #tpu.memory_space<vmem>>[vector<16xi32>], vector<16xf32>,
        tpu.vector_store_idx %arg7[%and3A_184], %get3A_157 {add = true} : memref<11536xf32, #tpu.memory_space<vmem>>[vector<16xi32>], vector<16xf32>,
        tpu.vector_store_idx %arg7[%shift_right_arithmetic3A_208], %get3A_157 {add = true} : memref<11536xf32, #tpu.memory_space<vmem>>[vector<16xi32>], vector<16xf32>,
        tpu.vector_store_idx %arg7[%and3A_187], %get3A_161 {add = true} : memref<11536xf32, #tpu.memory_space<vmem>>[vector<16xi32>], vector<16xf32>,
        tpu.vector_store_idx %arg7[%shift_right_arithmetic3A_211], %get3A_161 {add = true} : memref<11536xf32, #tpu.memory_space<vmem>>[vector<16xi32>], vector<16xf32>,
        tpu.vector_store_idx %arg7[%and3A_190], %get3A_165 {add = true} : memref<11536xf32, #tpu.memory_space<vmem>>[vector<16xi32>], vector<16xf32>,
        tpu.vector_store_idx %arg7[%shift_right_arithmetic3A_214], %get3A_165 {add = true} : memref<11536xf32, #tpu.memory_space<vmem>>[vector<16xi32>], vector<16xf32>,
        tpu.vector_store_idx %arg7[%and3A_193], %get3A_169 {add = true} : memref<11536xf32, #tpu.memory_space<vmem>>[vector<16xi32>], vector<16xf32>,
        tpu.vector_store_idx %arg7[%shift_right_arithmetic3A_217], %get3A_169 {add = true} : memref<11536xf32, #tpu.memory_space<vmem>>[vector<16xi32>], vector<16xf32>,
        %get3A_218 = arith.index_cast %rem3A_96 : i32 to index
        %get3A_219 = arith.index_cast %scan3A_105 : i32 to index
        %get3A_220 = arith.constant 128 : index
        %get3A_221 = tpu.vector_load %arg5[%get3A_218, %get3A_219, %get3A_220] {strides = array<i32>} : memref<2x8x512xi32, #tpu.memory_space<vmem>>, vector<16xi32>,
        %get3A_222 = arith.index_cast %rem3A_96 : i32 to index
        %get3A_223 = arith.index_cast %scan3A_105 : i32 to index
        %get3A_224 = arith.constant 144 : index
        %get3A_225 = tpu.vector_load %arg5[%get3A_222, %get3A_223, %get3A_224] {strides = array<i32>} : memref<2x8x512xi32, #tpu.memory_space<vmem>>, vector<16xi32>,
        %get3A_226 = arith.index_cast %rem3A_96 : i32 to index
        %get3A_227 = arith.index_cast %scan3A_105 : i32 to index
        %get3A_228 = arith.constant 160 : index
        %get3A_229 = tpu.vector_load %arg5[%get3A_226, %get3A_227, %get3A_228] {strides = array<i32>} : memref<2x8x512xi32, #tpu.memory_space<vmem>>, vector<16xi32>,
        %get3A_230 = arith.index_cast %rem3A_96 : i32 to index
        %get3A_231 = arith.index_cast %scan3A_105 : i32 to index
        %get3A_232 = arith.constant 176 : index
        %get3A_233 = tpu.vector_load %arg5[%get3A_230, %get3A_231, %get3A_232] {strides = array<i32>} : memref<2x8x512xi32, #tpu.memory_space<vmem>>, vector<16xi32>,
        %get3A_234 = arith.index_cast %rem3A_96 : i32 to index
        %get3A_235 = arith.index_cast %scan3A_105 : i32 to index
        %get3A_236 = arith.constant 192 : index
        %get3A_237 = tpu.vector_load %arg5[%get3A_234, %get3A_235, %get3A_236] {strides = array<i32>} : memref<2x8x512xi32, #tpu.memory_space<vmem>>, vector<16xi32>,
        %get3A_238 = arith.index_cast %rem3A_96 : i32 to index
        %get3A_239 = arith.index_cast %scan3A_105 : i32 to index
        %get3A_240 = arith.constant 208 : index
        %get3A_241 = tpu.vector_load %arg5[%get3A_238, %get3A_239, %get3A_240] {strides = array<i32>} : memref<2x8x512xi32, #tpu.memory_space<vmem>>, vector<16xi32>,
        %get3A_242 = arith.index_cast %rem3A_96 : i32 to index
        %get3A_243 = arith.index_cast %scan3A_105 : i32 to index
        %get3A_244 = arith.constant 224 : index
        %get3A_245 = tpu.vector_load %arg5[%get3A_242, %get3A_243, %get3A_244] {strides = array<i32>} : memref<2x8x512xi32, #tpu.memory_space<vmem>>, vector<16xi32>,
        %get3A_246 = arith.index_cast %rem3A_96 : i32 to index
        %get3A_247 = arith.index_cast %scan3A_105 : i32 to index
        %get3A_248 = arith.constant 240 : index
        %get3A_249 = tpu.vector_load %arg5[%get3A_246, %get3A_247, %get3A_248] {strides = array<i32>} : memref<2x8x512xi32, #tpu.memory_space<vmem>>, vector<16xi32>,
        %get3A_250 = arith.index_cast %rem3A_96 : i32 to index
        %get3A_251 = arith.index_cast %scan3A_105 : i32 to index
        %get3A_252 = arith.constant 128 : index
        %get3A_253 = tpu.vector_load %arg6[%get3A_250, %get3A_251, %get3A_252] {strides = array<i32>} : memref<2x8x512xf32, #tpu.memory_space<vmem>>, vector<16xf32>,
        %get3A_254 = arith.index_cast %rem3A_96 : i32 to index
        %get3A_255 = arith.index_cast %scan3A_105 : i32 to index
        %get3A_256 = arith.constant 144 : index
        %get3A_257 = tpu.vector_load %arg6[%get3A_254, %get3A_255, %get3A_256] {strides = array<i32>} : memref<2x8x512xf32, #tpu.memory_space<vmem>>, vector<16xf32>,
        %get3A_258 = arith.index_cast %rem3A_96 : i32 to index
        %get3A_259 = arith.index_cast %scan3A_105 : i32 to index
        %get3A_260 = arith.constant 160 : index
        %get3A_261 = tpu.vector_load %arg6[%get3A_258, %get3A_259, %get3A_260] {strides = array<i32>} : memref<2x8x512xf32, #tpu.memory_space<vmem>>, vector<16xf32>,
        %get3A_262 = arith.index_cast %rem3A_96 : i32 to index
        %get3A_263 = arith.index_cast %scan3A_105 : i32 to index
        %get3A_264 = arith.constant 176 : index
        %get3A_265 = tpu.vector_load %arg6[%get3A_262, %get3A_263, %get3A_264] {strides = array<i32>} : memref<2x8x512xf32, #tpu.memory_space<vmem>>, vector<16xf32>,
        %get3A_266 = arith.index_cast %rem3A_96 : i32 to index
        %get3A_267 = arith.index_cast %scan3A_105 : i32 to index
        %get3A_268 = arith.constant 192 : index
        %get3A_269 = tpu.vector_load %arg6[%get3A_266, %get3A_267, %get3A_268] {strides = array<i32>} : memref<2x8x512xf32, #tpu.memory_space<vmem>>, vector<16xf32>,
        %get3A_270 = arith.index_cast %rem3A_96 : i32 to index
        %get3A_271 = arith.index_cast %scan3A_105 : i32 to index
        %get3A_272 = arith.constant 208 : index
        %get3A_273 = tpu.vector_load %arg6[%get3A_270, %get3A_271, %get3A_272] {strides = array<i32>} : memref<2x8x512xf32, #tpu.memory_space<vmem>>, vector<16xf32>,
        %get3A_274 = arith.index_cast %rem3A_96 : i32 to index
        %get3A_275 = arith.index_cast %scan3A_105 : i32 to index
        %get3A_276 = arith.constant 224 : index
        %get3A_277 = tpu.vector_load %arg6[%get3A_274, %get3A_275, %get3A_276] {strides = array<i32>} : memref<2x8x512xf32, #tpu.memory_space<vmem>>, vector<16xf32>,
        %get3A_278 = arith.index_cast %rem3A_96 : i32 to index
        %get3A_279 = arith.index_cast %scan3A_105 : i32 to index
        %get3A_280 = arith.constant 240 : index
        %get3A_281 = tpu.vector_load %arg6[%get3A_278, %get3A_279, %get3A_280] {strides = array<i32>} : memref<2x8x512xf32, #tpu.memory_space<vmem>>, vector<16xf32>,
        %and3A_282 = arith.constant 65535 : i32
        %and3A_283 = vector.broadcast %and3A_282 : i32 to vector<16xi32>
        %and3A_284 = arith.andi %get3A_221, %and3A_283 : vector<16xi32>
        %and3A_285 = arith.constant 65535 : i32
        %and3A_286 = vector.broadcast %and3A_285 : i32 to vector<16xi32>
        %and3A_287 = arith.andi %get3A_225, %and3A_286 : vector<16xi32>
        %and3A_288 = arith.constant 65535 : i32
        %and3A_289 = vector.broadcast %and3A_288 : i32 to vector<16xi32>
        %and3A_290 = arith.andi %get3A_229, %and3A_289 : vector<16xi32>
        %and3A_291 = arith.constant 65535 : i32
        %and3A_292 = vector.broadcast %and3A_291 : i32 to vector<16xi32>
        %and3A_293 = arith.andi %get3A_233, %and3A_292 : vector<16xi32>
        %and3A_294 = arith.constant 65535 : i32
        %and3A_295 = vector.broadcast %and3A_294 : i32 to vector<16xi32>
        %and3A_296 = arith.andi %get3A_237, %and3A_295 : vector<16xi32>
        %and3A_297 = arith.constant 65535 : i32
        %and3A_298 = vector.broadcast %and3A_297 : i32 to vector<16xi32>
        %and3A_299 = arith.andi %get3A_241, %and3A_298 : vector<16xi32>
        %and3A_300 = arith.constant 65535 : i32
        %and3A_301 = vector.broadcast %and3A_300 : i32 to vector<16xi32>
        %and3A_302 = arith.andi %get3A_245, %and3A_301 : vector<16xi32>
        %and3A_303 = arith.constant 65535 : i32
        %and3A_304 = vector.broadcast %and3A_303 : i32 to vector<16xi32>
        %and3A_305 = arith.andi %get3A_249, %and3A_304 : vector<16xi32>
        %shift_right_arithmetic3A_306 = arith.constant 16 : i32
        %shift_right_arithmetic3A_307 = vector.broadcast %shift_right_arithmetic3A_306 : i32 to vector<16xi32>
        %shift_right_arithmetic3A_308 = arith.shrsi %get3A_221, %shift_right_arithmetic3A_307 : vector<16xi32>
        %shift_right_arithmetic3A_309 = arith.constant 16 : i32
        %shift_right_arithmetic3A_310 = vector.broadcast %shift_right_arithmetic3A_309 : i32 to vector<16xi32>
        %shift_right_arithmetic3A_311 = arith.shrsi %get3A_225, %shift_right_arithmetic3A_310 : vector<16xi32>
        %shift_right_arithmetic3A_312 = arith.constant 16 : i32
        %shift_right_arithmetic3A_313 = vector.broadcast %shift_right_arithmetic3A_312 : i32 to vector<16xi32>
        %shift_right_arithmetic3A_314 = arith.shrsi %get3A_229, %shift_right_arithmetic3A_313 : vector<16xi32>
        %shift_right_arithmetic3A_315 = arith.constant 16 : i32
        %shift_right_arithmetic3A_316 = vector.broadcast %shift_right_arithmetic3A_315 : i32 to vector<16xi32>
        %shift_right_arithmetic3A_317 = arith.shrsi %get3A_233, %shift_right_arithmetic3A_316 : vector<16xi32>
        %shift_right_arithmetic3A_318 = arith.constant 16 : i32
        %shift_right_arithmetic3A_319 = vector.broadcast %shift_right_arithmetic3A_318 : i32 to vector<16xi32>
        %shift_right_arithmetic3A_320 = arith.shrsi %get3A_237, %shift_right_arithmetic3A_319 : vector<16xi32>
        %shift_right_arithmetic3A_321 = arith.constant 16 : i32
        %shift_right_arithmetic3A_322 = vector.broadcast %shift_right_arithmetic3A_321 : i32 to vector<16xi32>
        %shift_right_arithmetic3A_323 = arith.shrsi %get3A_241, %shift_right_arithmetic3A_322 : vector<16xi32>
        %shift_right_arithmetic3A_324 = arith.constant 16 : i32
        %shift_right_arithmetic3A_325 = vector.broadcast %shift_right_arithmetic3A_324 : i32 to vector<16xi32>
        %shift_right_arithmetic3A_326 = arith.shrsi %get3A_245, %shift_right_arithmetic3A_325 : vector<16xi32>
        %shift_right_arithmetic3A_327 = arith.constant 16 : i32
        %shift_right_arithmetic3A_328 = vector.broadcast %shift_right_arithmetic3A_327 : i32 to vector<16xi32>
        %shift_right_arithmetic3A_329 = arith.shrsi %get3A_249, %shift_right_arithmetic3A_328 : vector<16xi32>
        tpu.vector_store_idx %arg7[%and3A_284], %get3A_253 {add = true} : memref<11536xf32, #tpu.memory_space<vmem>>[vector<16xi32>], vector<16xf32>,
        tpu.vector_store_idx %arg7[%shift_right_arithmetic3A_308], %get3A_253 {add = true} : memref<11536xf32, #tpu.memory_space<vmem>>[vector<16xi32>], vector<16xf32>,
        tpu.vector_store_idx %arg7[%and3A_287], %get3A_257 {add = true} : memref<11536xf32, #tpu.memory_space<vmem>>[vector<16xi32>], vector<16xf32>,
        tpu.vector_store_idx %arg7[%shift_right_arithmetic3A_311], %get3A_257 {add = true} : memref<11536xf32, #tpu.memory_space<vmem>>[vector<16xi32>], vector<16xf32>,
        tpu.vector_store_idx %arg7[%and3A_290], %get3A_261 {add = true} : memref<11536xf32, #tpu.memory_space<vmem>>[vector<16xi32>], vector<16xf32>,
        tpu.vector_store_idx %arg7[%shift_right_arithmetic3A_314], %get3A_261 {add = true} : memref<11536xf32, #tpu.memory_space<vmem>>[vector<16xi32>], vector<16xf32>,
        tpu.vector_store_idx %arg7[%and3A_293], %get3A_265 {add = true} : memref<11536xf32, #tpu.memory_space<vmem>>[vector<16xi32>], vector<16xf32>,
        tpu.vector_store_idx %arg7[%shift_right_arithmetic3A_317], %get3A_265 {add = true} : memref<11536xf32, #tpu.memory_space<vmem>>[vector<16xi32>], vector<16xf32>,
        tpu.vector_store_idx %arg7[%and3A_296], %get3A_269 {add = true} : memref<11536xf32, #tpu.memory_space<vmem>>[vector<16xi32>], vector<16xf32>,
        tpu.vector_store_idx %arg7[%shift_right_arithmetic3A_320], %get3A_269 {add = true} : memref<11536xf32, #tpu.memory_space<vmem>>[vector<16xi32>], vector<16xf32>,
        tpu.vector_store_idx %arg7[%and3A_299], %get3A_273 {add = true} : memref<11536xf32, #tpu.memory_space<vmem>>[vector<16xi32>], vector<16xf32>,
        tpu.vector_store_idx %arg7[%shift_right_arithmetic3A_323], %get3A_273 {add = true} : memref<11536xf32, #tpu.memory_space<vmem>>[vector<16xi32>], vector<16xf32>,
        tpu.vector_store_idx %arg7[%and3A_302], %get3A_277 {add = true} : memref<11536xf32, #tpu.memory_space<vmem>>[vector<16xi32>], vector<16xf32>,
        tpu.vector_store_idx %arg7[%shift_right_arithmetic3A_326], %get3A_277 {add = true} : memref<11536xf32, #tpu.memory_space<vmem>>[vector<16xi32>], vector<16xf32>,
        tpu.vector_store_idx %arg7[%and3A_305], %get3A_281 {add = true} : memref<11536xf32, #tpu.memory_space<vmem>>[vector<16xi32>], vector<16xf32>,
        tpu.vector_store_idx %arg7[%shift_right_arithmetic3A_329], %get3A_281 {add = true} : memref<11536xf32, #tpu.memory_space<vmem>>[vector<16xi32>], vector<16xf32>,
        %get3A_330 = arith.index_cast %rem3A_96 : i32 to index
        %get3A_331 = arith.index_cast %scan3A_105 : i32 to index
        %get3A_332 = arith.constant 256 : index
        %get3A_333 = tpu.vector_load %arg5[%get3A_330, %get3A_331, %get3A_332] {strides = array<i32>} : memref<2x8x512xi32, #tpu.memory_space<vmem>>, vector<16xi32>,
        %get3A_334 = arith.index_cast %rem3A_96 : i32 to index
        %get3A_335 = arith.index_cast %scan3A_105 : i32 to index
        %get3A_336 = arith.constant 272 : index
        %get3A_337 = tpu.vector_load %arg5[%get3A_334, %get3A_335, %get3A_336] {strides = array<i32>} : memref<2x8x512xi32, #tpu.memory_space<vmem>>, vector<16xi32>,
        %get3A_338 = arith.index_cast %rem3A_96 : i32 to index
        %get3A_339 = arith.index_cast %scan3A_105 : i32 to index
        %get3A_340 = arith.constant 288 : index
        %get3A_341 = tpu.vector_load %arg5[%get3A_338, %get3A_339, %get3A_340] {strides = array<i32>} : memref<2x8x512xi32, #tpu.memory_space<vmem>>, vector<16xi32>,
        %get3A_342 = arith.index_cast %rem3A_96 : i32 to index
        %get3A_343 = arith.index_cast %scan3A_105 : i32 to index
        %get3A_344 = arith.constant 304 : index
        %get3A_345 = tpu.vector_load %arg5[%get3A_342, %get3A_343, %get3A_344] {strides = array<i32>} : memref<2x8x512xi32, #tpu.memory_space<vmem>>, vector<16xi32>,
        %get3A_346 = arith.index_cast %rem3A_96 : i32 to index
        %get3A_347 = arith.index_cast %scan3A_105 : i32 to index
        %get3A_348 = arith.constant 320 : index
        %get3A_349 = tpu.vector_load %arg5[%get3A_346, %get3A_347, %get3A_348] {strides = array<i32>} : memref<2x8x512xi32, #tpu.memory_space<vmem>>, vector<16xi32>,
        %get3A_350 = arith.index_cast %rem3A_96 : i32 to index
        %get3A_351 = arith.index_cast %scan3A_105 : i32 to index
        %get3A_352 = arith.constant 336 : index
        %get3A_353 = tpu.vector_load %arg5[%get3A_350, %get3A_351, %get3A_352] {strides = array<i32>} : memref<2x8x512xi32, #tpu.memory_space<vmem>>, vector<16xi32>,
        %get3A_354 = arith.index_cast %rem3A_96 : i32 to index
        %get3A_355 = arith.index_cast %scan3A_105 : i32 to index
        %get3A_356 = arith.constant 352 : index
        %get3A_357 = tpu.vector_load %arg5[%get3A_354, %get3A_355, %get3A_356] {strides = array<i32>} : memref<2x8x512xi32, #tpu.memory_space<vmem>>, vector<16xi32>,
        %get3A_358 = arith.index_cast %rem3A_96 : i32 to index
        %get3A_359 = arith.index_cast %scan3A_105 : i32 to index
        %get3A_360 = arith.constant 368 : index
        %get3A_361 = tpu.vector_load %arg5[%get3A_358, %get3A_359, %get3A_360] {strides = array<i32>} : memref<2x8x512xi32, #tpu.memory_space<vmem>>, vector<16xi32>,
        %get3A_362 = arith.index_cast %rem3A_96 : i32 to index
        %get3A_363 = arith.index_cast %scan3A_105 : i32 to index
        %get3A_364 = arith.constant 256 : index
        %get3A_365 = tpu.vector_load %arg6[%get3A_362, %get3A_363, %get3A_364] {strides = array<i32>} : memref<2x8x512xf32, #tpu.memory_space<vmem>>, vector<16xf32>,
        %get3A_366 = arith.index_cast %rem3A_96 : i32 to index
        %get3A_367 = arith.index_cast %scan3A_105 : i32 to index
        %get3A_368 = arith.constant 272 : index
        %get3A_369 = tpu.vector_load %arg6[%get3A_366, %get3A_367, %get3A_368] {strides = array<i32>} : memref<2x8x512xf32, #tpu.memory_space<vmem>>, vector<16xf32>,
        %get3A_370 = arith.index_cast %rem3A_96 : i32 to index
        %get3A_371 = arith.index_cast %scan3A_105 : i32 to index
        %get3A_372 = arith.constant 288 : index
        %get3A_373 = tpu.vector_load %arg6[%get3A_370, %get3A_371, %get3A_372] {strides = array<i32>} : memref<2x8x512xf32, #tpu.memory_space<vmem>>, vector<16xf32>,
        %get3A_374 = arith.index_cast %rem3A_96 : i32 to index
        %get3A_375 = arith.index_cast %scan3A_105 : i32 to index
        %get3A_376 = arith.constant 304 : index
        %get3A_377 = tpu.vector_load %arg6[%get3A_374, %get3A_375, %get3A_376] {strides = array<i32>} : memref<2x8x512xf32, #tpu.memory_space<vmem>>, vector<16xf32>,
        %get3A_378 = arith.index_cast %rem3A_96 : i32 to index
        %get3A_379 = arith.index_cast %scan3A_105 : i32 to index
        %get3A_380 = arith.constant 320 : index
        %get3A_381 = tpu.vector_load %arg6[%get3A_378, %get3A_379, %get3A_380] {strides = array<i32>} : memref<2x8x512xf32, #tpu.memory_space<vmem>>, vector<16xf32>,
        %get3A_382 = arith.index_cast %rem3A_96 : i32 to index
        %get3A_383 = arith.index_cast %scan3A_105 : i32 to index
        %get3A_384 = arith.constant 336 : index
        %get3A_385 = tpu.vector_load %arg6[%get3A_382, %get3A_383, %get3A_384] {strides = array<i32>} : memref<2x8x512xf32, #tpu.memory_space<vmem>>, vector<16xf32>,
        %get3A_386 = arith.index_cast %rem3A_96 : i32 to index
        %get3A_387 = arith.index_cast %scan3A_105 : i32 to index
        %get3A_388 = arith.constant 352 : index
        %get3A_389 = tpu.vector_load %arg6[%get3A_386, %get3A_387, %get3A_388] {strides = array<i32>} : memref<2x8x512xf32, #tpu.memory_space<vmem>>, vector<16xf32>,
        %get3A_390 = arith.index_cast %rem3A_96 : i32 to index
        %get3A_391 = arith.index_cast %scan3A_105 : i32 to index
        %get3A_392 = arith.constant 368 : index
        %get3A_393 = tpu.vector_load %arg6[%get3A_390, %get3A_391, %get3A_392] {strides = array<i32>} : memref<2x8x512xf32, #tpu.memory_space<vmem>>, vector<16xf32>,
        %and3A_394 = arith.constant 65535 : i32
        %and3A_395 = vector.broadcast %and3A_394 : i32 to vector<16xi32>
        %and3A_396 = arith.andi %get3A_333, %and3A_395 : vector<16xi32>
        %and3A_397 = arith.constant 65535 : i32
        %and3A_398 = vector.broadcast %and3A_397 : i32 to vector<16xi32>
        %and3A_399 = arith.andi %get3A_337, %and3A_398 : vector<16xi32>
        %and3A_400 = arith.constant 65535 : i32
        %and3A_401 = vector.broadcast %and3A_400 : i32 to vector<16xi32>
        %and3A_402 = arith.andi %get3A_341, %and3A_401 : vector<16xi32>
        %and3A_403 = arith.constant 65535 : i32
        %and3A_404 = vector.broadcast %and3A_403 : i32 to vector<16xi32>
        %and3A_405 = arith.andi %get3A_345, %and3A_404 : vector<16xi32>
        %and3A_406 = arith.constant 65535 : i32
        %and3A_407 = vector.broadcast %and3A_406 : i32 to vector<16xi32>
        %and3A_408 = arith.andi %get3A_349, %and3A_407 : vector<16xi32>
        %and3A_409 = arith.constant 65535 : i32
        %and3A_410 = vector.broadcast %and3A_409 : i32 to vector<16xi32>
        %and3A_411 = arith.andi %get3A_353, %and3A_410 : vector<16xi32>
        %and3A_412 = arith.constant 65535 : i32
        %and3A_413 = vector.broadcast %and3A_412 : i32 to vector<16xi32>
        %and3A_414 = arith.andi %get3A_357, %and3A_413 : vector<16xi32>
        %and3A_415 = arith.constant 65535 : i32
        %and3A_416 = vector.broadcast %and3A_415 : i32 to vector<16xi32>
        %and3A_417 = arith.andi %get3A_361, %and3A_416 : vector<16xi32>
        %shift_right_arithmetic3A_418 = arith.constant 16 : i32
        %shift_right_arithmetic3A_419 = vector.broadcast %shift_right_arithmetic3A_418 : i32 to vector<16xi32>
        %shift_right_arithmetic3A_420 = arith.shrsi %get3A_333, %shift_right_arithmetic3A_419 : vector<16xi32>
        %shift_right_arithmetic3A_421 = arith.constant 16 : i32
        %shift_right_arithmetic3A_422 = vector.broadcast %shift_right_arithmetic3A_421 : i32 to vector<16xi32>
        %shift_right_arithmetic3A_423 = arith.shrsi %get3A_337, %shift_right_arithmetic3A_422 : vector<16xi32>
        %shift_right_arithmetic3A_424 = arith.constant 16 : i32
        %shift_right_arithmetic3A_425 = vector.broadcast %shift_right_arithmetic3A_424 : i32 to vector<16xi32>
        %shift_right_arithmetic3A_426 = arith.shrsi %get3A_341, %shift_right_arithmetic3A_425 : vector<16xi32>
        %shift_right_arithmetic3A_427 = arith.constant 16 : i32
        %shift_right_arithmetic3A_428 = vector.broadcast %shift_right_arithmetic3A_427 : i32 to vector<16xi32>
        %shift_right_arithmetic3A_429 = arith.shrsi %get3A_345, %shift_right_arithmetic3A_428 : vector<16xi32>
        %shift_right_arithmetic3A_430 = arith.constant 16 : i32
        %shift_right_arithmetic3A_431 = vector.broadcast %shift_right_arithmetic3A_430 : i32 to vector<16xi32>
        %shift_right_arithmetic3A_432 = arith.shrsi %get3A_349, %shift_right_arithmetic3A_431 : vector<16xi32>
        %shift_right_arithmetic3A_433 = arith.constant 16 : i32
        %shift_right_arithmetic3A_434 = vector.broadcast %shift_right_arithmetic3A_433 : i32 to vector<16xi32>
        %shift_right_arithmetic3A_435 = arith.shrsi %get3A_353, %shift_right_arithmetic3A_434 : vector<16xi32>
        %shift_right_arithmetic3A_436 = arith.constant 16 : i32
        %shift_right_arithmetic3A_437 = vector.broadcast %shift_right_arithmetic3A_436 : i32 to vector<16xi32>
        %shift_right_arithmetic3A_438 = arith.shrsi %get3A_357, %shift_right_arithmetic3A_437 : vector<16xi32>
        %shift_right_arithmetic3A_439 = arith.constant 16 : i32
        %shift_right_arithmetic3A_440 = vector.broadcast %shift_right_arithmetic3A_439 : i32 to vector<16xi32>
        %shift_right_arithmetic3A_441 = arith.shrsi %get3A_361, %shift_right_arithmetic3A_440 : vector<16xi32>
        tpu.vector_store_idx %arg7[%and3A_396], %get3A_365 {add = true} : memref<11536xf32, #tpu.memory_space<vmem>>[vector<16xi32>], vector<16xf32>,
        tpu.vector_store_idx %arg7[%shift_right_arithmetic3A_420], %get3A_365 {add = true} : memref<11536xf32, #tpu.memory_space<vmem>>[vector<16xi32>], vector<16xf32>,
        tpu.vector_store_idx %arg7[%and3A_399], %get3A_369 {add = true} : memref<11536xf32, #tpu.memory_space<vmem>>[vector<16xi32>], vector<16xf32>,
        tpu.vector_store_idx %arg7[%shift_right_arithmetic3A_423], %get3A_369 {add = true} : memref<11536xf32, #tpu.memory_space<vmem>>[vector<16xi32>], vector<16xf32>,
        tpu.vector_store_idx %arg7[%and3A_402], %get3A_373 {add = true} : memref<11536xf32, #tpu.memory_space<vmem>>[vector<16xi32>], vector<16xf32>,
        tpu.vector_store_idx %arg7[%shift_right_arithmetic3A_426], %get3A_373 {add = true} : memref<11536xf32, #tpu.memory_space<vmem>>[vector<16xi32>], vector<16xf32>,
        tpu.vector_store_idx %arg7[%and3A_405], %get3A_377 {add = true} : memref<11536xf32, #tpu.memory_space<vmem>>[vector<16xi32>], vector<16xf32>,
        tpu.vector_store_idx %arg7[%shift_right_arithmetic3A_429], %get3A_377 {add = true} : memref<11536xf32, #tpu.memory_space<vmem>>[vector<16xi32>], vector<16xf32>,
        tpu.vector_store_idx %arg7[%and3A_408], %get3A_381 {add = true} : memref<11536xf32, #tpu.memory_space<vmem>>[vector<16xi32>], vector<16xf32>,
        tpu.vector_store_idx %arg7[%shift_right_arithmetic3A_432], %get3A_381 {add = true} : memref<11536xf32, #tpu.memory_space<vmem>>[vector<16xi32>], vector<16xf32>,
        tpu.vector_store_idx %arg7[%and3A_411], %get3A_385 {add = true} : memref<11536xf32, #tpu.memory_space<vmem>>[vector<16xi32>], vector<16xf32>,
        tpu.vector_store_idx %arg7[%shift_right_arithmetic3A_435], %get3A_385 {add = true} : memref<11536xf32, #tpu.memory_space<vmem>>[vector<16xi32>], vector<16xf32>,
        tpu.vector_store_idx %arg7[%and3A_414], %get3A_389 {add = true} : memref<11536xf32, #tpu.memory_space<vmem>>[vector<16xi32>], vector<16xf32>,
        tpu.vector_store_idx %arg7[%shift_right_arithmetic3A_438], %get3A_389 {add = true} : memref<11536xf32, #tpu.memory_space<vmem>>[vector<16xi32>], vector<16xf32>,
        tpu.vector_store_idx %arg7[%and3A_417], %get3A_393 {add = true} : memref<11536xf32, #tpu.memory_space<vmem>>[vector<16xi32>], vector<16xf32>,
        tpu.vector_store_idx %arg7[%shift_right_arithmetic3A_441], %get3A_393 {add = true} : memref<11536xf32, #tpu.memory_space<vmem>>[vector<16xi32>], vector<16xf32>,
        %get3A_442 = arith.index_cast %rem3A_96 : i32 to index
        %get3A_443 = arith.index_cast %scan3A_105 : i32 to index
        %get3A_444 = arith.constant 384 : index
        %get3A_445 = tpu.vector_load %arg5[%get3A_442, %get3A_443, %get3A_444] {strides = array<i32>} : memref<2x8x512xi32, #tpu.memory_space<vmem>>, vector<16xi32>,
        %get3A_446 = arith.index_cast %rem3A_96 : i32 to index
        %get3A_447 = arith.index_cast %scan3A_105 : i32 to index
        %get3A_448 = arith.constant 400 : index
        %get3A_449 = tpu.vector_load %arg5[%get3A_446, %get3A_447, %get3A_448] {strides = array<i32>} : memref<2x8x512xi32, #tpu.memory_space<vmem>>, vector<16xi32>,
        %get3A_450 = arith.index_cast %rem3A_96 : i32 to index
        %get3A_451 = arith.index_cast %scan3A_105 : i32 to index
        %get3A_452 = arith.constant 416 : index
        %get3A_453 = tpu.vector_load %arg5[%get3A_450, %get3A_451, %get3A_452] {strides = array<i32>} : memref<2x8x512xi32, #tpu.memory_space<vmem>>, vector<16xi32>,
        %get3A_454 = arith.index_cast %rem3A_96 : i32 to index
        %get3A_455 = arith.index_cast %scan3A_105 : i32 to index
        %get3A_456 = arith.constant 432 : index
        %get3A_457 = tpu.vector_load %arg5[%get3A_454, %get3A_455, %get3A_456] {strides = array<i32>} : memref<2x8x512xi32, #tpu.memory_space<vmem>>, vector<16xi32>,
        %get3A_458 = arith.index_cast %rem3A_96 : i32 to index
        %get3A_459 = arith.index_cast %scan3A_105 : i32 to index
        %get3A_460 = arith.constant 448 : index
        %get3A_461 = tpu.vector_load %arg5[%get3A_458, %get3A_459, %get3A_460] {strides = array<i32>} : memref<2x8x512xi32, #tpu.memory_space<vmem>>, vector<16xi32>,
        %get3A_462 = arith.index_cast %rem3A_96 : i32 to index
        %get3A_463 = arith.index_cast %scan3A_105 : i32 to index
        %get3A_464 = arith.constant 464 : index
        %get3A_465 = tpu.vector_load %arg5[%get3A_462, %get3A_463, %get3A_464] {strides = array<i32>} : memref<2x8x512xi32, #tpu.memory_space<vmem>>, vector<16xi32>,
        %get3A_466 = arith.index_cast %rem3A_96 : i32 to index
        %get3A_467 = arith.index_cast %scan3A_105 : i32 to index
        %get3A_468 = arith.constant 480 : index
        %get3A_469 = tpu.vector_load %arg5[%get3A_466, %get3A_467, %get3A_468] {strides = array<i32>} : memref<2x8x512xi32, #tpu.memory_space<vmem>>, vector<16xi32>,
        %get3A_470 = arith.index_cast %rem3A_96 : i32 to index
        %get3A_471 = arith.index_cast %scan3A_105 : i32 to index
        %get3A_472 = arith.constant 496 : index
        %get3A_473 = tpu.vector_load %arg5[%get3A_470, %get3A_471, %get3A_472] {strides = array<i32>} : memref<2x8x512xi32, #tpu.memory_space<vmem>>, vector<16xi32>,
        %get3A_474 = arith.index_cast %rem3A_96 : i32 to index
        %get3A_475 = arith.index_cast %scan3A_105 : i32 to index
        %get3A_476 = arith.constant 384 : index
        %get3A_477 = tpu.vector_load %arg6[%get3A_474, %get3A_475, %get3A_476] {strides = array<i32>} : memref<2x8x512xf32, #tpu.memory_space<vmem>>, vector<16xf32>,
        %get3A_478 = arith.index_cast %rem3A_96 : i32 to index
        %get3A_479 = arith.index_cast %scan3A_105 : i32 to index
        %get3A_480 = arith.constant 400 : index
        %get3A_481 = tpu.vector_load %arg6[%get3A_478, %get3A_479, %get3A_480] {strides = array<i32>} : memref<2x8x512xf32, #tpu.memory_space<vmem>>, vector<16xf32>,
        %get3A_482 = arith.index_cast %rem3A_96 : i32 to index
        %get3A_483 = arith.index_cast %scan3A_105 : i32 to index
        %get3A_484 = arith.constant 416 : index
        %get3A_485 = tpu.vector_load %arg6[%get3A_482, %get3A_483, %get3A_484] {strides = array<i32>} : memref<2x8x512xf32, #tpu.memory_space<vmem>>, vector<16xf32>,
        %get3A_486 = arith.index_cast %rem3A_96 : i32 to index
        %get3A_487 = arith.index_cast %scan3A_105 : i32 to index
        %get3A_488 = arith.constant 432 : index
        %get3A_489 = tpu.vector_load %arg6[%get3A_486, %get3A_487, %get3A_488] {strides = array<i32>} : memref<2x8x512xf32, #tpu.memory_space<vmem>>, vector<16xf32>,
        %get3A_490 = arith.index_cast %rem3A_96 : i32 to index
        %get3A_491 = arith.index_cast %scan3A_105 : i32 to index
        %get3A_492 = arith.constant 448 : index
        %get3A_493 = tpu.vector_load %arg6[%get3A_490, %get3A_491, %get3A_492] {strides = array<i32>} : memref<2x8x512xf32, #tpu.memory_space<vmem>>, vector<16xf32>,
        %get3A_494 = arith.index_cast %rem3A_96 : i32 to index
        %get3A_495 = arith.index_cast %scan3A_105 : i32 to index
        %get3A_496 = arith.constant 464 : index
        %get3A_497 = tpu.vector_load %arg6[%get3A_494, %get3A_495, %get3A_496] {strides = array<i32>} : memref<2x8x512xf32, #tpu.memory_space<vmem>>, vector<16xf32>,
        %get3A_498 = arith.index_cast %rem3A_96 : i32 to index
        %get3A_499 = arith.index_cast %scan3A_105 : i32 to index
        %get3A_500 = arith.constant 480 : index
        %get3A_501 = tpu.vector_load %arg6[%get3A_498, %get3A_499, %get3A_500] {strides = array<i32>} : memref<2x8x512xf32, #tpu.memory_space<vmem>>, vector<16xf32>,
        %get3A_502 = arith.index_cast %rem3A_96 : i32 to index
        %get3A_503 = arith.index_cast %scan3A_105 : i32 to index
        %get3A_504 = arith.constant 496 : index
        %get3A_505 = tpu.vector_load %arg6[%get3A_502, %get3A_503, %get3A_504] {strides = array<i32>} : memref<2x8x512xf32, #tpu.memory_space<vmem>>, vector<16xf32>,
        %and3A_506 = arith.constant 65535 : i32
        %and3A_507 = vector.broadcast %and3A_506 : i32 to vector<16xi32>
        %and3A_508 = arith.andi %get3A_445, %and3A_507 : vector<16xi32>
        %and3A_509 = arith.constant 65535 : i32
        %and3A_510 = vector.broadcast %and3A_509 : i32 to vector<16xi32>
        %and3A_511 = arith.andi %get3A_449, %and3A_510 : vector<16xi32>
        %and3A_512 = arith.constant 65535 : i32
        %and3A_513 = vector.broadcast %and3A_512 : i32 to vector<16xi32>
        %and3A_514 = arith.andi %get3A_453, %and3A_513 : vector<16xi32>
        %and3A_515 = arith.constant 65535 : i32
        %and3A_516 = vector.broadcast %and3A_515 : i32 to vector<16xi32>
        %and3A_517 = arith.andi %get3A_457, %and3A_516 : vector<16xi32>
        %and3A_518 = arith.constant 65535 : i32
        %and3A_519 = vector.broadcast %and3A_518 : i32 to vector<16xi32>
        %and3A_520 = arith.andi %get3A_461, %and3A_519 : vector<16xi32>
        %and3A_521 = arith.constant 65535 : i32
        %and3A_522 = vector.broadcast %and3A_521 : i32 to vector<16xi32>
        %and3A_523 = arith.andi %get3A_465, %and3A_522 : vector<16xi32>
        %and3A_524 = arith.constant 65535 : i32
        %and3A_525 = vector.broadcast %and3A_524 : i32 to vector<16xi32>
        %and3A_526 = arith.andi %get3A_469, %and3A_525 : vector<16xi32>
        %and3A_527 = arith.constant 65535 : i32
        %and3A_528 = vector.broadcast %and3A_527 : i32 to vector<16xi32>
        %and3A_529 = arith.andi %get3A_473, %and3A_528 : vector<16xi32>
        %shift_right_arithmetic3A_530 = arith.constant 16 : i32
        %shift_right_arithmetic3A_531 = vector.broadcast %shift_right_arithmetic3A_530 : i32 to vector<16xi32>
        %shift_right_arithmetic3A_532 = arith.shrsi %get3A_445, %shift_right_arithmetic3A_531 : vector<16xi32>
        %shift_right_arithmetic3A_533 = arith.constant 16 : i32
        %shift_right_arithmetic3A_534 = vector.broadcast %shift_right_arithmetic3A_533 : i32 to vector<16xi32>
        %shift_right_arithmetic3A_535 = arith.shrsi %get3A_449, %shift_right_arithmetic3A_534 : vector<16xi32>
        %shift_right_arithmetic3A_536 = arith.constant 16 : i32
        %shift_right_arithmetic3A_537 = vector.broadcast %shift_right_arithmetic3A_536 : i32 to vector<16xi32>
        %shift_right_arithmetic3A_538 = arith.shrsi %get3A_453, %shift_right_arithmetic3A_537 : vector<16xi32>
        %shift_right_arithmetic3A_539 = arith.constant 16 : i32
        %shift_right_arithmetic3A_540 = vector.broadcast %shift_right_arithmetic3A_539 : i32 to vector<16xi32>
        %shift_right_arithmetic3A_541 = arith.shrsi %get3A_457, %shift_right_arithmetic3A_540 : vector<16xi32>
        %shift_right_arithmetic3A_542 = arith.constant 16 : i32
        %shift_right_arithmetic3A_543 = vector.broadcast %shift_right_arithmetic3A_542 : i32 to vector<16xi32>
        %shift_right_arithmetic3A_544 = arith.shrsi %get3A_461, %shift_right_arithmetic3A_543 : vector<16xi32>
        %shift_right_arithmetic3A_545 = arith.constant 16 : i32
        %shift_right_arithmetic3A_546 = vector.broadcast %shift_right_arithmetic3A_545 : i32 to vector<16xi32>
        %shift_right_arithmetic3A_547 = arith.shrsi %get3A_465, %shift_right_arithmetic3A_546 : vector<16xi32>
        %shift_right_arithmetic3A_548 = arith.constant 16 : i32
        %shift_right_arithmetic3A_549 = vector.broadcast %shift_right_arithmetic3A_548 : i32 to vector<16xi32>
        %shift_right_arithmetic3A_550 = arith.shrsi %get3A_469, %shift_right_arithmetic3A_549 : vector<16xi32>
        %shift_right_arithmetic3A_551 = arith.constant 16 : i32
        %shift_right_arithmetic3A_552 = vector.broadcast %shift_right_arithmetic3A_551 : i32 to vector<16xi32>
        %shift_right_arithmetic3A_553 = arith.shrsi %get3A_473, %shift_right_arithmetic3A_552 : vector<16xi32>
        tpu.vector_store_idx %arg7[%and3A_508], %get3A_477 {add = true} : memref<11536xf32, #tpu.memory_space<vmem>>[vector<16xi32>], vector<16xf32>,
        tpu.vector_store_idx %arg7[%shift_right_arithmetic3A_532], %get3A_477 {add = true} : memref<11536xf32, #tpu.memory_space<vmem>>[vector<16xi32>], vector<16xf32>,
        tpu.vector_store_idx %arg7[%and3A_511], %get3A_481 {add = true} : memref<11536xf32, #tpu.memory_space<vmem>>[vector<16xi32>], vector<16xf32>,
        tpu.vector_store_idx %arg7[%shift_right_arithmetic3A_535], %get3A_481 {add = true} : memref<11536xf32, #tpu.memory_space<vmem>>[vector<16xi32>], vector<16xf32>,
        tpu.vector_store_idx %arg7[%and3A_514], %get3A_485 {add = true} : memref<11536xf32, #tpu.memory_space<vmem>>[vector<16xi32>], vector<16xf32>,
        tpu.vector_store_idx %arg7[%shift_right_arithmetic3A_538], %get3A_485 {add = true} : memref<11536xf32, #tpu.memory_space<vmem>>[vector<16xi32>], vector<16xf32>,
        tpu.vector_store_idx %arg7[%and3A_517], %get3A_489 {add = true} : memref<11536xf32, #tpu.memory_space<vmem>>[vector<16xi32>], vector<16xf32>,
        tpu.vector_store_idx %arg7[%shift_right_arithmetic3A_541], %get3A_489 {add = true} : memref<11536xf32, #tpu.memory_space<vmem>>[vector<16xi32>], vector<16xf32>,
        tpu.vector_store_idx %arg7[%and3A_520], %get3A_493 {add = true} : memref<11536xf32, #tpu.memory_space<vmem>>[vector<16xi32>], vector<16xf32>,
        tpu.vector_store_idx %arg7[%shift_right_arithmetic3A_544], %get3A_493 {add = true} : memref<11536xf32, #tpu.memory_space<vmem>>[vector<16xi32>], vector<16xf32>,
        tpu.vector_store_idx %arg7[%and3A_523], %get3A_497 {add = true} : memref<11536xf32, #tpu.memory_space<vmem>>[vector<16xi32>], vector<16xf32>,
        tpu.vector_store_idx %arg7[%shift_right_arithmetic3A_547], %get3A_497 {add = true} : memref<11536xf32, #tpu.memory_space<vmem>>[vector<16xi32>], vector<16xf32>,
        tpu.vector_store_idx %arg7[%and3A_526], %get3A_501 {add = true} : memref<11536xf32, #tpu.memory_space<vmem>>[vector<16xi32>], vector<16xf32>,
        tpu.vector_store_idx %arg7[%shift_right_arithmetic3A_550], %get3A_501 {add = true} : memref<11536xf32, #tpu.memory_space<vmem>>[vector<16xi32>], vector<16xf32>,
        tpu.vector_store_idx %arg7[%and3A_529], %get3A_505 {add = true} : memref<11536xf32, #tpu.memory_space<vmem>>[vector<16xi32>], vector<16xf32>,
        tpu.vector_store_idx %arg7[%shift_right_arithmetic3A_553], %get3A_505 {add = true} : memref<11536xf32, #tpu.memory_space<vmem>>[vector<16xi32>], vector<16xf32>,
        %scan3A_554 = arith.constant 0 : i32
        scf.yield %scan3A_554 : i32
      }
      %scan3A_103 = arith.constant 8 : i32
      %while3A_104 = arith.constant 0 : i32
      scf.yield %while3A_104 : i32
    }
    %while3A_52 = arith.constant 1 : i32
    %while3A_53 = scf.for %while3A_61 = %while3A_49 to %while3A_45 step %while3A_52 iter_args(%while3A_62 = %while3A_51) -> (i32)  : i32 {
      %rem3A_63 = arith.constant 2 : i32
      %rem3A_64 = arith.remsi %while3A_61, %rem3A_63 : i32
      %mul3A_65 = arith.constant 8 : i32
      %mul3A_66 = arith.muli %while3A_61, %mul3A_65 : i32
      %dma_wait3A = arith.constant 0 : i32
      %dma_wait3A_67 = arith.constant 0 : i32
      %dma_wait3A_68 = tpu.memref_slice %arg5[%rem3A_64, %dma_wait3A, %dma_wait3A_67] : memref<2x8x512xi32, #tpu.memory_space<vmem>> -> memref<1x8x512xi32, #tpu.memory_space<vmem>>
      %dma_wait3A_69 = tpu.memref_squeeze %dma_wait3A_68 : memref<1x8x512xi32, #tpu.memory_space<vmem>> -> memref<8x512xi32, #tpu.memory_space<vmem>>
      %dma_wait3A_70 = arith.constant 0 : i32
      %dma_wait3A_71 = tpu.memref_slice %arg3[%mul3A_66, %dma_wait3A_70] : memref<264x512xi32, #tpu.memory_space<hbm>> -> memref<8x512xi32, #tpu.memory_space<hbm>>
      %dma_wait3A_72 = arith.constant 0 : i32
      %dma_wait3A_73 = arith.constant 0 : i32
      %dma_wait3A_74 = tpu.memref_slice %arg5[%rem3A_64, %dma_wait3A_72, %dma_wait3A_73] : memref<2x8x512xi32, #tpu.memory_space<vmem>> -> memref<1x8x512xi32, #tpu.memory_space<vmem>>
      %dma_wait3A_75 = tpu.memref_squeeze %dma_wait3A_74 : memref<1x8x512xi32, #tpu.memory_space<vmem>> -> memref<8x512xi32, #tpu.memory_space<vmem>>
      %dma_wait3A_76 = arith.constant 0 : i32
      %dma_wait3A_77 = tpu.memref_slice %arg3[%mul3A_66, %dma_wait3A_76] : memref<264x512xi32, #tpu.memory_space<hbm>> -> memref<8x512xi32, #tpu.memory_space<hbm>>
      tpu.wait_dma2 semaphore(%arg9 : memref<!tpu.dma_semaphore, #tpu.memory_space<semaphore_mem>>) src(%dma_wait3A_77 : memref<8x512xi32, #tpu.memory_space<hbm>>) dst(%dma_wait3A_75 : memref<8x512xi32, #tpu.memory_space<vmem>>)
      %dma_wait3A_78 = arith.constant 0 : i32
      %dma_wait3A_79 = arith.constant 0 : i32
      %dma_wait3A_80 = tpu.memref_slice %arg6[%rem3A_64, %dma_wait3A_78, %dma_wait3A_79] : memref<2x8x512xf32, #tpu.memory_space<vmem>> -> memref<1x8x512xf32, #tpu.memory_space<vmem>>
      %dma_wait3A_81 = tpu.memref_squeeze %dma_wait3A_80 : memref<1x8x512xf32, #tpu.memory_space<vmem>> -> memref<8x512xf32, #tpu.memory_space<vmem>>
      %dma_wait3A_82 = arith.constant 0 : i32
      %dma_wait3A_83 = tpu.memref_slice %arg2[%shift_right_arithmetic3A_1, %mul3A_66, %dma_wait3A_82] : memref<16x264x512xf32, #tpu.memory_space<hbm>> -> memref<1x8x512xf32, #tpu.memory_space<hbm>>
      %dma_wait3A_84 = tpu.memref_squeeze %dma_wait3A_83 : memref<1x8x512xf32, #tpu.memory_space<hbm>> -> memref<8x512xf32, #tpu.memory_space<hbm>>
      %dma_wait3A_85 = arith.constant 0 : i32
      %dma_wait3A_86 = arith.constant 0 : i32
      %dma_wait3A_87 = tpu.memref_slice %arg6[%rem3A_64, %dma_wait3A_85, %dma_wait3A_86] : memref<2x8x512xf32, #tpu.memory_space<vmem>> -> memref<1x8x512xf32, #tpu.memory_space<vmem>>
      %dma_wait3A_88 = tpu.memref_squeeze %dma_wait3A_87 : memref<1x8x512xf32, #tpu.memory_space<vmem>> -> memref<8x512xf32, #tpu.memory_space<vmem>>
      %dma_wait3A_89 = arith.constant 0 : i32
      %dma_wait3A_90 = tpu.memref_slice %arg2[%shift_right_arithmetic3A_1, %mul3A_66, %dma_wait3A_89] : memref<16x264x512xf32, #tpu.memory_space<hbm>> -> memref<1x8x512xf32, #tpu.memory_space<hbm>>
      %dma_wait3A_91 = tpu.memref_squeeze %dma_wait3A_90 : memref<1x8x512xf32, #tpu.memory_space<hbm>> -> memref<8x512xf32, #tpu.memory_space<hbm>>
      tpu.wait_dma2 semaphore(%arg10 : memref<!tpu.dma_semaphore, #tpu.memory_space<semaphore_mem>>) src(%dma_wait3A_91 : memref<8x512xf32, #tpu.memory_space<hbm>>) dst(%dma_wait3A_88 : memref<8x512xf32, #tpu.memory_space<vmem>>)
      %add3A_92 = arith.constant 1 : i32
      %add3A_93 = arith.addi %while3A_61, %add3A_92 : i32
      %lt3A = arith.cmpi slt, %add3A_93, %add3A_9 : i32
      %convert_element_type3A = arith.extui %lt3A : i1 to i32
      %cond3A = arith.constant 0 : i32
      %cond3A_94 = arith.cmpi ne, %convert_element_type3A, %cond3A : i32
      scf.if %cond3A_94 {
        %add3A_105 = arith.constant 1 : i32
        %add3A_106 = arith.addi %while3A_61, %add3A_105 : i32
        %rem3A_107 = arith.constant 2 : i32
        %rem3A_108 = arith.remsi %add3A_106, %rem3A_107 : i32
        %mul3A_109 = arith.constant 8 : i32
        %mul3A_110 = arith.muli %add3A_106, %mul3A_109 : i32
        %dma_start3A_111 = arith.constant 0 : i32
        %dma_start3A_112 = arith.constant 0 : i32
        %dma_start3A_113 = tpu.memref_slice %arg5[%rem3A_108, %dma_start3A_111, %dma_start3A_112] : memref<2x8x512xi32, #tpu.memory_space<vmem>> -> memref<1x8x512xi32, #tpu.memory_space<vmem>>
        %dma_start3A_114 = tpu.memref_squeeze %dma_start3A_113 : memref<1x8x512xi32, #tpu.memory_space<vmem>> -> memref<8x512xi32, #tpu.memory_space<vmem>>
        %dma_start3A_115 = arith.constant 0 : i32
        %dma_start3A_116 = tpu.memref_slice %arg3[%mul3A_110, %dma_start3A_115] : memref<264x512xi32, #tpu.memory_space<hbm>> -> memref<8x512xi32, #tpu.memory_space<hbm>>
        %dma_start3A_117 = arith.constant 0 : i32
        %dma_start3A_118 = arith.constant 0 : i32
        %dma_start3A_119 = tpu.memref_slice %arg5[%rem3A_108, %dma_start3A_117, %dma_start3A_118] : memref<2x8x512xi32, #tpu.memory_space<vmem>> -> memref<1x8x512xi32, #tpu.memory_space<vmem>>
        %dma_start3A_120 = tpu.memref_squeeze %dma_start3A_119 : memref<1x8x512xi32, #tpu.memory_space<vmem>> -> memref<8x512xi32, #tpu.memory_space<vmem>>
        %dma_start3A_121 = arith.constant 0 : i32
        %dma_start3A_122 = tpu.memref_slice %arg3[%mul3A_110, %dma_start3A_121] : memref<264x512xi32, #tpu.memory_space<hbm>> -> memref<8x512xi32, #tpu.memory_space<hbm>>
        tpu.enqueue_dma source(%dma_start3A_122 : memref<8x512xi32, #tpu.memory_space<hbm>>) target(%dma_start3A_120 : memref<8x512xi32, #tpu.memory_space<vmem>>) target_semaphore(%arg9 : memref<!tpu.dma_semaphore, #tpu.memory_space<semaphore_mem>>)
        %dma_start3A_123 = arith.constant 0 : i32
        %dma_start3A_124 = arith.constant 0 : i32
        %dma_start3A_125 = tpu.memref_slice %arg6[%rem3A_108, %dma_start3A_123, %dma_start3A_124] : memref<2x8x512xf32, #tpu.memory_space<vmem>> -> memref<1x8x512xf32, #tpu.memory_space<vmem>>
        %dma_start3A_126 = tpu.memref_squeeze %dma_start3A_125 : memref<1x8x512xf32, #tpu.memory_space<vmem>> -> memref<8x512xf32, #tpu.memory_space<vmem>>
        %dma_start3A_127 = arith.constant 0 : i32
        %dma_start3A_128 = tpu.memref_slice %arg2[%shift_right_arithmetic3A_1, %mul3A_110, %dma_start3A_127] : memref<16x264x512xf32, #tpu.memory_space<hbm>> -> memref<1x8x512xf32, #tpu.memory_space<hbm>>
        %dma_start3A_129 = tpu.memref_squeeze %dma_start3A_128 : memref<1x8x512xf32, #tpu.memory_space<hbm>> -> memref<8x512xf32, #tpu.memory_space<hbm>>
        %dma_start3A_130 = arith.constant 0 : i32
        %dma_start3A_131 = arith.constant 0 : i32
        %dma_start3A_132 = tpu.memref_slice %arg6[%rem3A_108, %dma_start3A_130, %dma_start3A_131] : memref<2x8x512xf32, #tpu.memory_space<vmem>> -> memref<1x8x512xf32, #tpu.memory_space<vmem>>
        %dma_start3A_133 = tpu.memref_squeeze %dma_start3A_132 : memref<1x8x512xf32, #tpu.memory_space<vmem>> -> memref<8x512xf32, #tpu.memory_space<vmem>>
        %dma_start3A_134 = arith.constant 0 : i32
        %dma_start3A_135 = tpu.memref_slice %arg2[%shift_right_arithmetic3A_1, %mul3A_110, %dma_start3A_134] : memref<16x264x512xf32, #tpu.memory_space<hbm>> -> memref<1x8x512xf32, #tpu.memory_space<hbm>>
        %dma_start3A_136 = tpu.memref_squeeze %dma_start3A_135 : memref<1x8x512xf32, #tpu.memory_space<hbm>> -> memref<8x512xf32, #tpu.memory_space<hbm>>
        tpu.enqueue_dma source(%dma_start3A_136 : memref<8x512xf32, #tpu.memory_space<hbm>>) target(%dma_start3A_133 : memref<8x512xf32, #tpu.memory_space<vmem>>) target_semaphore(%arg10 : memref<!tpu.dma_semaphore, #tpu.memory_space<semaphore_mem>>)
      } else {
      }
      %rem3A_95 = arith.constant 2 : i32
      %rem3A_96 = arith.remsi %while3A_61, %rem3A_95 : i32
      %scan3A_97 = arith.constant 0 : i32
      %scan3A_98 = arith.constant 0 : i32
      %scan3A_99 = arith.constant 8 : i32
      %scan3A_100 = arith.addi %scan3A_98, %scan3A_99 : i32
      %scan3A_101 = arith.constant 1 : i32
      %scan3A_102 = scf.for %scan3A_105 = %scan3A_98 to %scan3A_100 step %scan3A_101 iter_args(%scan3A_106 = %scan3A_97) -> (i32)  : i32 {
        %get3A = arith.index_cast %rem3A_96 : i32 to index
        %get3A_107 = arith.index_cast %scan3A_105 : i32 to index
        %get3A_108 = arith.constant 0 : index
        %get3A_109 = tpu.vector_load %arg5[%get3A, %get3A_107, %get3A_108] {strides = array<i32>} : memref<2x8x512xi32, #tpu.memory_space<vmem>>, vector<16xi32>,
        %get3A_110 = arith.index_cast %rem3A_96 : i32 to index
        %get3A_111 = arith.index_cast %scan3A_105 : i32 to index
        %get3A_112 = arith.constant 16 : index
        %get3A_113 = tpu.vector_load %arg5[%get3A_110, %get3A_111, %get3A_112] {strides = array<i32>} : memref<2x8x512xi32, #tpu.memory_space<vmem>>, vector<16xi32>,
        %get3A_114 = arith.index_cast %rem3A_96 : i32 to index
        %get3A_115 = arith.index_cast %scan3A_105 : i32 to index
        %get3A_116 = arith.constant 32 : index
        %get3A_117 = tpu.vector_load %arg5[%get3A_114, %get3A_115, %get3A_116] {strides = array<i32>} : memref<2x8x512xi32, #tpu.memory_space<vmem>>, vector<16xi32>,
        %get3A_118 = arith.index_cast %rem3A_96 : i32 to index
        %get3A_119 = arith.index_cast %scan3A_105 : i32 to index
        %get3A_120 = arith.constant 48 : index
        %get3A_121 = tpu.vector_load %arg5[%get3A_118, %get3A_119, %get3A_120] {strides = array<i32>} : memref<2x8x512xi32, #tpu.memory_space<vmem>>, vector<16xi32>,
        %get3A_122 = arith.index_cast %rem3A_96 : i32 to index
        %get3A_123 = arith.index_cast %scan3A_105 : i32 to index
        %get3A_124 = arith.constant 64 : index
        %get3A_125 = tpu.vector_load %arg5[%get3A_122, %get3A_123, %get3A_124] {strides = array<i32>} : memref<2x8x512xi32, #tpu.memory_space<vmem>>, vector<16xi32>,
        %get3A_126 = arith.index_cast %rem3A_96 : i32 to index
        %get3A_127 = arith.index_cast %scan3A_105 : i32 to index
        %get3A_128 = arith.constant 80 : index
        %get3A_129 = tpu.vector_load %arg5[%get3A_126, %get3A_127, %get3A_128] {strides = array<i32>} : memref<2x8x512xi32, #tpu.memory_space<vmem>>, vector<16xi32>,
        %get3A_130 = arith.index_cast %rem3A_96 : i32 to index
        %get3A_131 = arith.index_cast %scan3A_105 : i32 to index
        %get3A_132 = arith.constant 96 : index
        %get3A_133 = tpu.vector_load %arg5[%get3A_130, %get3A_131, %get3A_132] {strides = array<i32>} : memref<2x8x512xi32, #tpu.memory_space<vmem>>, vector<16xi32>,
        %get3A_134 = arith.index_cast %rem3A_96 : i32 to index
        %get3A_135 = arith.index_cast %scan3A_105 : i32 to index
        %get3A_136 = arith.constant 112 : index
        %get3A_137 = tpu.vector_load %arg5[%get3A_134, %get3A_135, %get3A_136] {strides = array<i32>} : memref<2x8x512xi32, #tpu.memory_space<vmem>>, vector<16xi32>,
        %get3A_138 = arith.index_cast %rem3A_96 : i32 to index
        %get3A_139 = arith.index_cast %scan3A_105 : i32 to index
        %get3A_140 = arith.constant 0 : index
        %get3A_141 = tpu.vector_load %arg6[%get3A_138, %get3A_139, %get3A_140] {strides = array<i32>} : memref<2x8x512xf32, #tpu.memory_space<vmem>>, vector<16xf32>,
        %get3A_142 = arith.index_cast %rem3A_96 : i32 to index
        %get3A_143 = arith.index_cast %scan3A_105 : i32 to index
        %get3A_144 = arith.constant 16 : index
        %get3A_145 = tpu.vector_load %arg6[%get3A_142, %get3A_143, %get3A_144] {strides = array<i32>} : memref<2x8x512xf32, #tpu.memory_space<vmem>>, vector<16xf32>,
        %get3A_146 = arith.index_cast %rem3A_96 : i32 to index
        %get3A_147 = arith.index_cast %scan3A_105 : i32 to index
        %get3A_148 = arith.constant 32 : index
        %get3A_149 = tpu.vector_load %arg6[%get3A_146, %get3A_147, %get3A_148] {strides = array<i32>} : memref<2x8x512xf32, #tpu.memory_space<vmem>>, vector<16xf32>,
        %get3A_150 = arith.index_cast %rem3A_96 : i32 to index
        %get3A_151 = arith.index_cast %scan3A_105 : i32 to index
        %get3A_152 = arith.constant 48 : index
        %get3A_153 = tpu.vector_load %arg6[%get3A_150, %get3A_151, %get3A_152] {strides = array<i32>} : memref<2x8x512xf32, #tpu.memory_space<vmem>>, vector<16xf32>,
        %get3A_154 = arith.index_cast %rem3A_96 : i32 to index
        %get3A_155 = arith.index_cast %scan3A_105 : i32 to index
        %get3A_156 = arith.constant 64 : index
        %get3A_157 = tpu.vector_load %arg6[%get3A_154, %get3A_155, %get3A_156] {strides = array<i32>} : memref<2x8x512xf32, #tpu.memory_space<vmem>>, vector<16xf32>,
        %get3A_158 = arith.index_cast %rem3A_96 : i32 to index
        %get3A_159 = arith.index_cast %scan3A_105 : i32 to index
        %get3A_160 = arith.constant 80 : index
        %get3A_161 = tpu.vector_load %arg6[%get3A_158, %get3A_159, %get3A_160] {strides = array<i32>} : memref<2x8x512xf32, #tpu.memory_space<vmem>>, vector<16xf32>,
        %get3A_162 = arith.index_cast %rem3A_96 : i32 to index
        %get3A_163 = arith.index_cast %scan3A_105 : i32 to index
        %get3A_164 = arith.constant 96 : index
        %get3A_165 = tpu.vector_load %arg6[%get3A_162, %get3A_163, %get3A_164] {strides = array<i32>} : memref<2x8x512xf32, #tpu.memory_space<vmem>>, vector<16xf32>,
        %get3A_166 = arith.index_cast %rem3A_96 : i32 to index
        %get3A_167 = arith.index_cast %scan3A_105 : i32 to index
        %get3A_168 = arith.constant 112 : index
        %get3A_169 = tpu.vector_load %arg6[%get3A_166, %get3A_167, %get3A_168] {strides = array<i32>} : memref<2x8x512xf32, #tpu.memory_space<vmem>>, vector<16xf32>,
        %and3A_170 = arith.constant 65535 : i32
        %and3A_171 = vector.broadcast %and3A_170 : i32 to vector<16xi32>
        %and3A_172 = arith.andi %get3A_109, %and3A_171 : vector<16xi32>
        %and3A_173 = arith.constant 65535 : i32
        %and3A_174 = vector.broadcast %and3A_173 : i32 to vector<16xi32>
        %and3A_175 = arith.andi %get3A_113, %and3A_174 : vector<16xi32>
        %and3A_176 = arith.constant 65535 : i32
        %and3A_177 = vector.broadcast %and3A_176 : i32 to vector<16xi32>
        %and3A_178 = arith.andi %get3A_117, %and3A_177 : vector<16xi32>
        %and3A_179 = arith.constant 65535 : i32
        %and3A_180 = vector.broadcast %and3A_179 : i32 to vector<16xi32>
        %and3A_181 = arith.andi %get3A_121, %and3A_180 : vector<16xi32>
        %and3A_182 = arith.constant 65535 : i32
        %and3A_183 = vector.broadcast %and3A_182 : i32 to vector<16xi32>
        %and3A_184 = arith.andi %get3A_125, %and3A_183 : vector<16xi32>
        %and3A_185 = arith.constant 65535 : i32
        %and3A_186 = vector.broadcast %and3A_185 : i32 to vector<16xi32>
        %and3A_187 = arith.andi %get3A_129, %and3A_186 : vector<16xi32>
        %and3A_188 = arith.constant 65535 : i32
        %and3A_189 = vector.broadcast %and3A_188 : i32 to vector<16xi32>
        %and3A_190 = arith.andi %get3A_133, %and3A_189 : vector<16xi32>
        %and3A_191 = arith.constant 65535 : i32
        %and3A_192 = vector.broadcast %and3A_191 : i32 to vector<16xi32>
        %and3A_193 = arith.andi %get3A_137, %and3A_192 : vector<16xi32>
        %shift_right_arithmetic3A_194 = arith.constant 16 : i32
        %shift_right_arithmetic3A_195 = vector.broadcast %shift_right_arithmetic3A_194 : i32 to vector<16xi32>
        %shift_right_arithmetic3A_196 = arith.shrsi %get3A_109, %shift_right_arithmetic3A_195 : vector<16xi32>
        %shift_right_arithmetic3A_197 = arith.constant 16 : i32
        %shift_right_arithmetic3A_198 = vector.broadcast %shift_right_arithmetic3A_197 : i32 to vector<16xi32>
        %shift_right_arithmetic3A_199 = arith.shrsi %get3A_113, %shift_right_arithmetic3A_198 : vector<16xi32>
        %shift_right_arithmetic3A_200 = arith.constant 16 : i32
        %shift_right_arithmetic3A_201 = vector.broadcast %shift_right_arithmetic3A_200 : i32 to vector<16xi32>
        %shift_right_arithmetic3A_202 = arith.shrsi %get3A_117, %shift_right_arithmetic3A_201 : vector<16xi32>
        %shift_right_arithmetic3A_203 = arith.constant 16 : i32
        %shift_right_arithmetic3A_204 = vector.broadcast %shift_right_arithmetic3A_203 : i32 to vector<16xi32>
        %shift_right_arithmetic3A_205 = arith.shrsi %get3A_121, %shift_right_arithmetic3A_204 : vector<16xi32>
        %shift_right_arithmetic3A_206 = arith.constant 16 : i32
        %shift_right_arithmetic3A_207 = vector.broadcast %shift_right_arithmetic3A_206 : i32 to vector<16xi32>
        %shift_right_arithmetic3A_208 = arith.shrsi %get3A_125, %shift_right_arithmetic3A_207 : vector<16xi32>
        %shift_right_arithmetic3A_209 = arith.constant 16 : i32
        %shift_right_arithmetic3A_210 = vector.broadcast %shift_right_arithmetic3A_209 : i32 to vector<16xi32>
        %shift_right_arithmetic3A_211 = arith.shrsi %get3A_129, %shift_right_arithmetic3A_210 : vector<16xi32>
        %shift_right_arithmetic3A_212 = arith.constant 16 : i32
        %shift_right_arithmetic3A_213 = vector.broadcast %shift_right_arithmetic3A_212 : i32 to vector<16xi32>
        %shift_right_arithmetic3A_214 = arith.shrsi %get3A_133, %shift_right_arithmetic3A_213 : vector<16xi32>
        %shift_right_arithmetic3A_215 = arith.constant 16 : i32
        %shift_right_arithmetic3A_216 = vector.broadcast %shift_right_arithmetic3A_215 : i32 to vector<16xi32>
        %shift_right_arithmetic3A_217 = arith.shrsi %get3A_137, %shift_right_arithmetic3A_216 : vector<16xi32>
        tpu.vector_store_idx %arg7[%and3A_172], %get3A_141 {add = true} : memref<11536xf32, #tpu.memory_space<vmem>>[vector<16xi32>], vector<16xf32>,
        tpu.vector_store_idx %arg7[%shift_right_arithmetic3A_196], %get3A_141 {add = true} : memref<11536xf32, #tpu.memory_space<vmem>>[vector<16xi32>], vector<16xf32>,
        tpu.vector_store_idx %arg7[%and3A_175], %get3A_145 {add = true} : memref<11536xf32, #tpu.memory_space<vmem>>[vector<16xi32>], vector<16xf32>,
        tpu.vector_store_idx %arg7[%shift_right_arithmetic3A_199], %get3A_145 {add = true} : memref<11536xf32, #tpu.memory_space<vmem>>[vector<16xi32>], vector<16xf32>,
        tpu.vector_store_idx %arg7[%and3A_178], %get3A_149 {add = true} : memref<11536xf32, #tpu.memory_space<vmem>>[vector<16xi32>], vector<16xf32>,
        tpu.vector_store_idx %arg7[%shift_right_arithmetic3A_202], %get3A_149 {add = true} : memref<11536xf32, #tpu.memory_space<vmem>>[vector<16xi32>], vector<16xf32>,
        tpu.vector_store_idx %arg7[%and3A_181], %get3A_153 {add = true} : memref<11536xf32, #tpu.memory_space<vmem>>[vector<16xi32>], vector<16xf32>,
        tpu.vector_store_idx %arg7[%shift_right_arithmetic3A_205], %get3A_153 {add = true} : memref<11536xf32, #tpu.memory_space<vmem>>[vector<16xi32>], vector<16xf32>,
        tpu.vector_store_idx %arg7[%and3A_184], %get3A_157 {add = true} : memref<11536xf32, #tpu.memory_space<vmem>>[vector<16xi32>], vector<16xf32>,
        tpu.vector_store_idx %arg7[%shift_right_arithmetic3A_208], %get3A_157 {add = true} : memref<11536xf32, #tpu.memory_space<vmem>>[vector<16xi32>], vector<16xf32>,
        tpu.vector_store_idx %arg7[%and3A_187], %get3A_161 {add = true} : memref<11536xf32, #tpu.memory_space<vmem>>[vector<16xi32>], vector<16xf32>,
        tpu.vector_store_idx %arg7[%shift_right_arithmetic3A_211], %get3A_161 {add = true} : memref<11536xf32, #tpu.memory_space<vmem>>[vector<16xi32>], vector<16xf32>,
        tpu.vector_store_idx %arg7[%and3A_190], %get3A_165 {add = true} : memref<11536xf32, #tpu.memory_space<vmem>>[vector<16xi32>], vector<16xf32>,
        tpu.vector_store_idx %arg7[%shift_right_arithmetic3A_214], %get3A_165 {add = true} : memref<11536xf32, #tpu.memory_space<vmem>>[vector<16xi32>], vector<16xf32>,
        tpu.vector_store_idx %arg7[%and3A_193], %get3A_169 {add = true} : memref<11536xf32, #tpu.memory_space<vmem>>[vector<16xi32>], vector<16xf32>,
        tpu.vector_store_idx %arg7[%shift_right_arithmetic3A_217], %get3A_169 {add = true} : memref<11536xf32, #tpu.memory_space<vmem>>[vector<16xi32>], vector<16xf32>,
        %get3A_218 = arith.index_cast %rem3A_96 : i32 to index
        %get3A_219 = arith.index_cast %scan3A_105 : i32 to index
        %get3A_220 = arith.constant 128 : index
        %get3A_221 = tpu.vector_load %arg5[%get3A_218, %get3A_219, %get3A_220] {strides = array<i32>} : memref<2x8x512xi32, #tpu.memory_space<vmem>>, vector<16xi32>,
        %get3A_222 = arith.index_cast %rem3A_96 : i32 to index
        %get3A_223 = arith.index_cast %scan3A_105 : i32 to index
        %get3A_224 = arith.constant 144 : index
        %get3A_225 = tpu.vector_load %arg5[%get3A_222, %get3A_223, %get3A_224] {strides = array<i32>} : memref<2x8x512xi32, #tpu.memory_space<vmem>>, vector<16xi32>,
        %get3A_226 = arith.index_cast %rem3A_96 : i32 to index
        %get3A_227 = arith.index_cast %scan3A_105 : i32 to index
        %get3A_228 = arith.constant 160 : index
        %get3A_229 = tpu.vector_load %arg5[%get3A_226, %get3A_227, %get3A_228] {strides = array<i32>} : memref<2x8x512xi32, #tpu.memory_space<vmem>>, vector<16xi32>,
        %get3A_230 = arith.index_cast %rem3A_96 : i32 to index
        %get3A_231 = arith.index_cast %scan3A_105 : i32 to index
        %get3A_232 = arith.constant 176 : index
        %get3A_233 = tpu.vector_load %arg5[%get3A_230, %get3A_231, %get3A_232] {strides = array<i32>} : memref<2x8x512xi32, #tpu.memory_space<vmem>>, vector<16xi32>,
        %get3A_234 = arith.index_cast %rem3A_96 : i32 to index
        %get3A_235 = arith.index_cast %scan3A_105 : i32 to index
        %get3A_236 = arith.constant 192 : index
        %get3A_237 = tpu.vector_load %arg5[%get3A_234, %get3A_235, %get3A_236] {strides = array<i32>} : memref<2x8x512xi32, #tpu.memory_space<vmem>>, vector<16xi32>,
        %get3A_238 = arith.index_cast %rem3A_96 : i32 to index
        %get3A_239 = arith.index_cast %scan3A_105 : i32 to index
        %get3A_240 = arith.constant 208 : index
        %get3A_241 = tpu.vector_load %arg5[%get3A_238, %get3A_239, %get3A_240] {strides = array<i32>} : memref<2x8x512xi32, #tpu.memory_space<vmem>>, vector<16xi32>,
        %get3A_242 = arith.index_cast %rem3A_96 : i32 to index
        %get3A_243 = arith.index_cast %scan3A_105 : i32 to index
        %get3A_244 = arith.constant 224 : index
        %get3A_245 = tpu.vector_load %arg5[%get3A_242, %get3A_243, %get3A_244] {strides = array<i32>} : memref<2x8x512xi32, #tpu.memory_space<vmem>>, vector<16xi32>,
        %get3A_246 = arith.index_cast %rem3A_96 : i32 to index
        %get3A_247 = arith.index_cast %scan3A_105 : i32 to index
        %get3A_248 = arith.constant 240 : index
        %get3A_249 = tpu.vector_load %arg5[%get3A_246, %get3A_247, %get3A_248] {strides = array<i32>} : memref<2x8x512xi32, #tpu.memory_space<vmem>>, vector<16xi32>,
        %get3A_250 = arith.index_cast %rem3A_96 : i32 to index
        %get3A_251 = arith.index_cast %scan3A_105 : i32 to index
        %get3A_252 = arith.constant 128 : index
        %get3A_253 = tpu.vector_load %arg6[%get3A_250, %get3A_251, %get3A_252] {strides = array<i32>} : memref<2x8x512xf32, #tpu.memory_space<vmem>>, vector<16xf32>,
        %get3A_254 = arith.index_cast %rem3A_96 : i32 to index
        %get3A_255 = arith.index_cast %scan3A_105 : i32 to index
        %get3A_256 = arith.constant 144 : index
        %get3A_257 = tpu.vector_load %arg6[%get3A_254, %get3A_255, %get3A_256] {strides = array<i32>} : memref<2x8x512xf32, #tpu.memory_space<vmem>>, vector<16xf32>,
        %get3A_258 = arith.index_cast %rem3A_96 : i32 to index
        %get3A_259 = arith.index_cast %scan3A_105 : i32 to index
        %get3A_260 = arith.constant 160 : index
        %get3A_261 = tpu.vector_load %arg6[%get3A_258, %get3A_259, %get3A_260] {strides = array<i32>} : memref<2x8x512xf32, #tpu.memory_space<vmem>>, vector<16xf32>,
        %get3A_262 = arith.index_cast %rem3A_96 : i32 to index
        %get3A_263 = arith.index_cast %scan3A_105 : i32 to index
        %get3A_264 = arith.constant 176 : index
        %get3A_265 = tpu.vector_load %arg6[%get3A_262, %get3A_263, %get3A_264] {strides = array<i32>} : memref<2x8x512xf32, #tpu.memory_space<vmem>>, vector<16xf32>,
        %get3A_266 = arith.index_cast %rem3A_96 : i32 to index
        %get3A_267 = arith.index_cast %scan3A_105 : i32 to index
        %get3A_268 = arith.constant 192 : index
        %get3A_269 = tpu.vector_load %arg6[%get3A_266, %get3A_267, %get3A_268] {strides = array<i32>} : memref<2x8x512xf32, #tpu.memory_space<vmem>>, vector<16xf32>,
        %get3A_270 = arith.index_cast %rem3A_96 : i32 to index
        %get3A_271 = arith.index_cast %scan3A_105 : i32 to index
        %get3A_272 = arith.constant 208 : index
        %get3A_273 = tpu.vector_load %arg6[%get3A_270, %get3A_271, %get3A_272] {strides = array<i32>} : memref<2x8x512xf32, #tpu.memory_space<vmem>>, vector<16xf32>,
        %get3A_274 = arith.index_cast %rem3A_96 : i32 to index
        %get3A_275 = arith.index_cast %scan3A_105 : i32 to index
        %get3A_276 = arith.constant 224 : index
        %get3A_277 = tpu.vector_load %arg6[%get3A_274, %get3A_275, %get3A_276] {strides = array<i32>} : memref<2x8x512xf32, #tpu.memory_space<vmem>>, vector<16xf32>,
        %get3A_278 = arith.index_cast %rem3A_96 : i32 to index
        %get3A_279 = arith.index_cast %scan3A_105 : i32 to index
        %get3A_280 = arith.constant 240 : index
        %get3A_281 = tpu.vector_load %arg6[%get3A_278, %get3A_279, %get3A_280] {strides = array<i32>} : memref<2x8x512xf32, #tpu.memory_space<vmem>>, vector<16xf32>,
        %and3A_282 = arith.constant 65535 : i32
        %and3A_283 = vector.broadcast %and3A_282 : i32 to vector<16xi32>
        %and3A_284 = arith.andi %get3A_221, %and3A_283 : vector<16xi32>
        %and3A_285 = arith.constant 65535 : i32
        %and3A_286 = vector.broadcast %and3A_285 : i32 to vector<16xi32>
        %and3A_287 = arith.andi %get3A_225, %and3A_286 : vector<16xi32>
        %and3A_288 = arith.constant 65535 : i32
        %and3A_289 = vector.broadcast %and3A_288 : i32 to vector<16xi32>
        %and3A_290 = arith.andi %get3A_229, %and3A_289 : vector<16xi32>
        %and3A_291 = arith.constant 65535 : i32
        %and3A_292 = vector.broadcast %and3A_291 : i32 to vector<16xi32>
        %and3A_293 = arith.andi %get3A_233, %and3A_292 : vector<16xi32>
        %and3A_294 = arith.constant 65535 : i32
        %and3A_295 = vector.broadcast %and3A_294 : i32 to vector<16xi32>
        %and3A_296 = arith.andi %get3A_237, %and3A_295 : vector<16xi32>
        %and3A_297 = arith.constant 65535 : i32
        %and3A_298 = vector.broadcast %and3A_297 : i32 to vector<16xi32>
        %and3A_299 = arith.andi %get3A_241, %and3A_298 : vector<16xi32>
        %and3A_300 = arith.constant 65535 : i32
        %and3A_301 = vector.broadcast %and3A_300 : i32 to vector<16xi32>
        %and3A_302 = arith.andi %get3A_245, %and3A_301 : vector<16xi32>
        %and3A_303 = arith.constant 65535 : i32
        %and3A_304 = vector.broadcast %and3A_303 : i32 to vector<16xi32>
        %and3A_305 = arith.andi %get3A_249, %and3A_304 : vector<16xi32>
        %shift_right_arithmetic3A_306 = arith.constant 16 : i32
        %shift_right_arithmetic3A_307 = vector.broadcast %shift_right_arithmetic3A_306 : i32 to vector<16xi32>
        %shift_right_arithmetic3A_308 = arith.shrsi %get3A_221, %shift_right_arithmetic3A_307 : vector<16xi32>
        %shift_right_arithmetic3A_309 = arith.constant 16 : i32
        %shift_right_arithmetic3A_310 = vector.broadcast %shift_right_arithmetic3A_309 : i32 to vector<16xi32>
        %shift_right_arithmetic3A_311 = arith.shrsi %get3A_225, %shift_right_arithmetic3A_310 : vector<16xi32>
        %shift_right_arithmetic3A_312 = arith.constant 16 : i32
        %shift_right_arithmetic3A_313 = vector.broadcast %shift_right_arithmetic3A_312 : i32 to vector<16xi32>
        %shift_right_arithmetic3A_314 = arith.shrsi %get3A_229, %shift_right_arithmetic3A_313 : vector<16xi32>
        %shift_right_arithmetic3A_315 = arith.constant 16 : i32
        %shift_right_arithmetic3A_316 = vector.broadcast %shift_right_arithmetic3A_315 : i32 to vector<16xi32>
        %shift_right_arithmetic3A_317 = arith.shrsi %get3A_233, %shift_right_arithmetic3A_316 : vector<16xi32>
        %shift_right_arithmetic3A_318 = arith.constant 16 : i32
        %shift_right_arithmetic3A_319 = vector.broadcast %shift_right_arithmetic3A_318 : i32 to vector<16xi32>
        %shift_right_arithmetic3A_320 = arith.shrsi %get3A_237, %shift_right_arithmetic3A_319 : vector<16xi32>
        %shift_right_arithmetic3A_321 = arith.constant 16 : i32
        %shift_right_arithmetic3A_322 = vector.broadcast %shift_right_arithmetic3A_321 : i32 to vector<16xi32>
        %shift_right_arithmetic3A_323 = arith.shrsi %get3A_241, %shift_right_arithmetic3A_322 : vector<16xi32>
        %shift_right_arithmetic3A_324 = arith.constant 16 : i32
        %shift_right_arithmetic3A_325 = vector.broadcast %shift_right_arithmetic3A_324 : i32 to vector<16xi32>
        %shift_right_arithmetic3A_326 = arith.shrsi %get3A_245, %shift_right_arithmetic3A_325 : vector<16xi32>
        %shift_right_arithmetic3A_327 = arith.constant 16 : i32
        %shift_right_arithmetic3A_328 = vector.broadcast %shift_right_arithmetic3A_327 : i32 to vector<16xi32>
        %shift_right_arithmetic3A_329 = arith.shrsi %get3A_249, %shift_right_arithmetic3A_328 : vector<16xi32>
        tpu.vector_store_idx %arg7[%and3A_284], %get3A_253 {add = true} : memref<11536xf32, #tpu.memory_space<vmem>>[vector<16xi32>], vector<16xf32>,
        tpu.vector_store_idx %arg7[%shift_right_arithmetic3A_308], %get3A_253 {add = true} : memref<11536xf32, #tpu.memory_space<vmem>>[vector<16xi32>], vector<16xf32>,
        tpu.vector_store_idx %arg7[%and3A_287], %get3A_257 {add = true} : memref<11536xf32, #tpu.memory_space<vmem>>[vector<16xi32>], vector<16xf32>,
        tpu.vector_store_idx %arg7[%shift_right_arithmetic3A_311], %get3A_257 {add = true} : memref<11536xf32, #tpu.memory_space<vmem>>[vector<16xi32>], vector<16xf32>,
        tpu.vector_store_idx %arg7[%and3A_290], %get3A_261 {add = true} : memref<11536xf32, #tpu.memory_space<vmem>>[vector<16xi32>], vector<16xf32>,
        tpu.vector_store_idx %arg7[%shift_right_arithmetic3A_314], %get3A_261 {add = true} : memref<11536xf32, #tpu.memory_space<vmem>>[vector<16xi32>], vector<16xf32>,
        tpu.vector_store_idx %arg7[%and3A_293], %get3A_265 {add = true} : memref<11536xf32, #tpu.memory_space<vmem>>[vector<16xi32>], vector<16xf32>,
        tpu.vector_store_idx %arg7[%shift_right_arithmetic3A_317], %get3A_265 {add = true} : memref<11536xf32, #tpu.memory_space<vmem>>[vector<16xi32>], vector<16xf32>,
        tpu.vector_store_idx %arg7[%and3A_296], %get3A_269 {add = true} : memref<11536xf32, #tpu.memory_space<vmem>>[vector<16xi32>], vector<16xf32>,
        tpu.vector_store_idx %arg7[%shift_right_arithmetic3A_320], %get3A_269 {add = true} : memref<11536xf32, #tpu.memory_space<vmem>>[vector<16xi32>], vector<16xf32>,
        tpu.vector_store_idx %arg7[%and3A_299], %get3A_273 {add = true} : memref<11536xf32, #tpu.memory_space<vmem>>[vector<16xi32>], vector<16xf32>,
        tpu.vector_store_idx %arg7[%shift_right_arithmetic3A_323], %get3A_273 {add = true} : memref<11536xf32, #tpu.memory_space<vmem>>[vector<16xi32>], vector<16xf32>,
        tpu.vector_store_idx %arg7[%and3A_302], %get3A_277 {add = true} : memref<11536xf32, #tpu.memory_space<vmem>>[vector<16xi32>], vector<16xf32>,
        tpu.vector_store_idx %arg7[%shift_right_arithmetic3A_326], %get3A_277 {add = true} : memref<11536xf32, #tpu.memory_space<vmem>>[vector<16xi32>], vector<16xf32>,
        tpu.vector_store_idx %arg7[%and3A_305], %get3A_281 {add = true} : memref<11536xf32, #tpu.memory_space<vmem>>[vector<16xi32>], vector<16xf32>,
        tpu.vector_store_idx %arg7[%shift_right_arithmetic3A_329], %get3A_281 {add = true} : memref<11536xf32, #tpu.memory_space<vmem>>[vector<16xi32>], vector<16xf32>,
        %get3A_330 = arith.index_cast %rem3A_96 : i32 to index
        %get3A_331 = arith.index_cast %scan3A_105 : i32 to index
        %get3A_332 = arith.constant 256 : index
        %get3A_333 = tpu.vector_load %arg5[%get3A_330, %get3A_331, %get3A_332] {strides = array<i32>} : memref<2x8x512xi32, #tpu.memory_space<vmem>>, vector<16xi32>,
        %get3A_334 = arith.index_cast %rem3A_96 : i32 to index
        %get3A_335 = arith.index_cast %scan3A_105 : i32 to index
        %get3A_336 = arith.constant 272 : index
        %get3A_337 = tpu.vector_load %arg5[%get3A_334, %get3A_335, %get3A_336] {strides = array<i32>} : memref<2x8x512xi32, #tpu.memory_space<vmem>>, vector<16xi32>,
        %get3A_338 = arith.index_cast %rem3A_96 : i32 to index
        %get3A_339 = arith.index_cast %scan3A_105 : i32 to index
        %get3A_340 = arith.constant 288 : index
        %get3A_341 = tpu.vector_load %arg5[%get3A_338, %get3A_339, %get3A_340] {strides = array<i32>} : memref<2x8x512xi32, #tpu.memory_space<vmem>>, vector<16xi32>,
        %get3A_342 = arith.index_cast %rem3A_96 : i32 to index
        %get3A_343 = arith.index_cast %scan3A_105 : i32 to index
        %get3A_344 = arith.constant 304 : index
        %get3A_345 = tpu.vector_load %arg5[%get3A_342, %get3A_343, %get3A_344] {strides = array<i32>} : memref<2x8x512xi32, #tpu.memory_space<vmem>>, vector<16xi32>,
        %get3A_346 = arith.index_cast %rem3A_96 : i32 to index
        %get3A_347 = arith.index_cast %scan3A_105 : i32 to index
        %get3A_348 = arith.constant 320 : index
        %get3A_349 = tpu.vector_load %arg5[%get3A_346, %get3A_347, %get3A_348] {strides = array<i32>} : memref<2x8x512xi32, #tpu.memory_space<vmem>>, vector<16xi32>,
        %get3A_350 = arith.index_cast %rem3A_96 : i32 to index
        %get3A_351 = arith.index_cast %scan3A_105 : i32 to index
        %get3A_352 = arith.constant 336 : index
        %get3A_353 = tpu.vector_load %arg5[%get3A_350, %get3A_351, %get3A_352] {strides = array<i32>} : memref<2x8x512xi32, #tpu.memory_space<vmem>>, vector<16xi32>,
        %get3A_354 = arith.index_cast %rem3A_96 : i32 to index
        %get3A_355 = arith.index_cast %scan3A_105 : i32 to index
        %get3A_356 = arith.constant 352 : index
        %get3A_357 = tpu.vector_load %arg5[%get3A_354, %get3A_355, %get3A_356] {strides = array<i32>} : memref<2x8x512xi32, #tpu.memory_space<vmem>>, vector<16xi32>,
        %get3A_358 = arith.index_cast %rem3A_96 : i32 to index
        %get3A_359 = arith.index_cast %scan3A_105 : i32 to index
        %get3A_360 = arith.constant 368 : index
        %get3A_361 = tpu.vector_load %arg5[%get3A_358, %get3A_359, %get3A_360] {strides = array<i32>} : memref<2x8x512xi32, #tpu.memory_space<vmem>>, vector<16xi32>,
        %get3A_362 = arith.index_cast %rem3A_96 : i32 to index
        %get3A_363 = arith.index_cast %scan3A_105 : i32 to index
        %get3A_364 = arith.constant 256 : index
        %get3A_365 = tpu.vector_load %arg6[%get3A_362, %get3A_363, %get3A_364] {strides = array<i32>} : memref<2x8x512xf32, #tpu.memory_space<vmem>>, vector<16xf32>,
        %get3A_366 = arith.index_cast %rem3A_96 : i32 to index
        %get3A_367 = arith.index_cast %scan3A_105 : i32 to index
        %get3A_368 = arith.constant 272 : index
        %get3A_369 = tpu.vector_load %arg6[%get3A_366, %get3A_367, %get3A_368] {strides = array<i32>} : memref<2x8x512xf32, #tpu.memory_space<vmem>>, vector<16xf32>,
        %get3A_370 = arith.index_cast %rem3A_96 : i32 to index
        %get3A_371 = arith.index_cast %scan3A_105 : i32 to index
        %get3A_372 = arith.constant 288 : index
        %get3A_373 = tpu.vector_load %arg6[%get3A_370, %get3A_371, %get3A_372] {strides = array<i32>} : memref<2x8x512xf32, #tpu.memory_space<vmem>>, vector<16xf32>,
        %get3A_374 = arith.index_cast %rem3A_96 : i32 to index
        %get3A_375 = arith.index_cast %scan3A_105 : i32 to index
        %get3A_376 = arith.constant 304 : index
        %get3A_377 = tpu.vector_load %arg6[%get3A_374, %get3A_375, %get3A_376] {strides = array<i32>} : memref<2x8x512xf32, #tpu.memory_space<vmem>>, vector<16xf32>,
        %get3A_378 = arith.index_cast %rem3A_96 : i32 to index
        %get3A_379 = arith.index_cast %scan3A_105 : i32 to index
        %get3A_380 = arith.constant 320 : index
        %get3A_381 = tpu.vector_load %arg6[%get3A_378, %get3A_379, %get3A_380] {strides = array<i32>} : memref<2x8x512xf32, #tpu.memory_space<vmem>>, vector<16xf32>,
        %get3A_382 = arith.index_cast %rem3A_96 : i32 to index
        %get3A_383 = arith.index_cast %scan3A_105 : i32 to index
        %get3A_384 = arith.constant 336 : index
        %get3A_385 = tpu.vector_load %arg6[%get3A_382, %get3A_383, %get3A_384] {strides = array<i32>} : memref<2x8x512xf32, #tpu.memory_space<vmem>>, vector<16xf32>,
        %get3A_386 = arith.index_cast %rem3A_96 : i32 to index
        %get3A_387 = arith.index_cast %scan3A_105 : i32 to index
        %get3A_388 = arith.constant 352 : index
        %get3A_389 = tpu.vector_load %arg6[%get3A_386, %get3A_387, %get3A_388] {strides = array<i32>} : memref<2x8x512xf32, #tpu.memory_space<vmem>>, vector<16xf32>,
        %get3A_390 = arith.index_cast %rem3A_96 : i32 to index
        %get3A_391 = arith.index_cast %scan3A_105 : i32 to index
        %get3A_392 = arith.constant 368 : index
        %get3A_393 = tpu.vector_load %arg6[%get3A_390, %get3A_391, %get3A_392] {strides = array<i32>} : memref<2x8x512xf32, #tpu.memory_space<vmem>>, vector<16xf32>,
        %and3A_394 = arith.constant 65535 : i32
        %and3A_395 = vector.broadcast %and3A_394 : i32 to vector<16xi32>
        %and3A_396 = arith.andi %get3A_333, %and3A_395 : vector<16xi32>
        %and3A_397 = arith.constant 65535 : i32
        %and3A_398 = vector.broadcast %and3A_397 : i32 to vector<16xi32>
        %and3A_399 = arith.andi %get3A_337, %and3A_398 : vector<16xi32>
        %and3A_400 = arith.constant 65535 : i32
        %and3A_401 = vector.broadcast %and3A_400 : i32 to vector<16xi32>
        %and3A_402 = arith.andi %get3A_341, %and3A_401 : vector<16xi32>
        %and3A_403 = arith.constant 65535 : i32
        %and3A_404 = vector.broadcast %and3A_403 : i32 to vector<16xi32>
        %and3A_405 = arith.andi %get3A_345, %and3A_404 : vector<16xi32>
        %and3A_406 = arith.constant 65535 : i32
        %and3A_407 = vector.broadcast %and3A_406 : i32 to vector<16xi32>
        %and3A_408 = arith.andi %get3A_349, %and3A_407 : vector<16xi32>
        %and3A_409 = arith.constant 65535 : i32
        %and3A_410 = vector.broadcast %and3A_409 : i32 to vector<16xi32>
        %and3A_411 = arith.andi %get3A_353, %and3A_410 : vector<16xi32>
        %and3A_412 = arith.constant 65535 : i32
        %and3A_413 = vector.broadcast %and3A_412 : i32 to vector<16xi32>
        %and3A_414 = arith.andi %get3A_357, %and3A_413 : vector<16xi32>
        %and3A_415 = arith.constant 65535 : i32
        %and3A_416 = vector.broadcast %and3A_415 : i32 to vector<16xi32>
        %and3A_417 = arith.andi %get3A_361, %and3A_416 : vector<16xi32>
        %shift_right_arithmetic3A_418 = arith.constant 16 : i32
        %shift_right_arithmetic3A_419 = vector.broadcast %shift_right_arithmetic3A_418 : i32 to vector<16xi32>
        %shift_right_arithmetic3A_420 = arith.shrsi %get3A_333, %shift_right_arithmetic3A_419 : vector<16xi32>
        %shift_right_arithmetic3A_421 = arith.constant 16 : i32
        %shift_right_arithmetic3A_422 = vector.broadcast %shift_right_arithmetic3A_421 : i32 to vector<16xi32>
        %shift_right_arithmetic3A_423 = arith.shrsi %get3A_337, %shift_right_arithmetic3A_422 : vector<16xi32>
        %shift_right_arithmetic3A_424 = arith.constant 16 : i32
        %shift_right_arithmetic3A_425 = vector.broadcast %shift_right_arithmetic3A_424 : i32 to vector<16xi32>
        %shift_right_arithmetic3A_426 = arith.shrsi %get3A_341, %shift_right_arithmetic3A_425 : vector<16xi32>
        %shift_right_arithmetic3A_427 = arith.constant 16 : i32
        %shift_right_arithmetic3A_428 = vector.broadcast %shift_right_arithmetic3A_427 : i32 to vector<16xi32>
        %shift_right_arithmetic3A_429 = arith.shrsi %get3A_345, %shift_right_arithmetic3A_428 : vector<16xi32>
        %shift_right_arithmetic3A_430 = arith.constant 16 : i32
        %shift_right_arithmetic3A_431 = vector.broadcast %shift_right_arithmetic3A_430 : i32 to vector<16xi32>
        %shift_right_arithmetic3A_432 = arith.shrsi %get3A_349, %shift_right_arithmetic3A_431 : vector<16xi32>
        %shift_right_arithmetic3A_433 = arith.constant 16 : i32
        %shift_right_arithmetic3A_434 = vector.broadcast %shift_right_arithmetic3A_433 : i32 to vector<16xi32>
        %shift_right_arithmetic3A_435 = arith.shrsi %get3A_353, %shift_right_arithmetic3A_434 : vector<16xi32>
        %shift_right_arithmetic3A_436 = arith.constant 16 : i32
        %shift_right_arithmetic3A_437 = vector.broadcast %shift_right_arithmetic3A_436 : i32 to vector<16xi32>
        %shift_right_arithmetic3A_438 = arith.shrsi %get3A_357, %shift_right_arithmetic3A_437 : vector<16xi32>
        %shift_right_arithmetic3A_439 = arith.constant 16 : i32
        %shift_right_arithmetic3A_440 = vector.broadcast %shift_right_arithmetic3A_439 : i32 to vector<16xi32>
        %shift_right_arithmetic3A_441 = arith.shrsi %get3A_361, %shift_right_arithmetic3A_440 : vector<16xi32>
        tpu.vector_store_idx %arg7[%and3A_396], %get3A_365 {add = true} : memref<11536xf32, #tpu.memory_space<vmem>>[vector<16xi32>], vector<16xf32>,
        tpu.vector_store_idx %arg7[%shift_right_arithmetic3A_420], %get3A_365 {add = true} : memref<11536xf32, #tpu.memory_space<vmem>>[vector<16xi32>], vector<16xf32>,
        tpu.vector_store_idx %arg7[%and3A_399], %get3A_369 {add = true} : memref<11536xf32, #tpu.memory_space<vmem>>[vector<16xi32>], vector<16xf32>,
        tpu.vector_store_idx %arg7[%shift_right_arithmetic3A_423], %get3A_369 {add = true} : memref<11536xf32, #tpu.memory_space<vmem>>[vector<16xi32>], vector<16xf32>,
        tpu.vector_store_idx %arg7[%and3A_402], %get3A_373 {add = true} : memref<11536xf32, #tpu.memory_space<vmem>>[vector<16xi32>], vector<16xf32>,
        tpu.vector_store_idx %arg7[%shift_right_arithmetic3A_426], %get3A_373 {add = true} : memref<11536xf32, #tpu.memory_space<vmem>>[vector<16xi32>], vector<16xf32>,
        tpu.vector_store_idx %arg7[%and3A_405], %get3A_377 {add = true} : memref<11536xf32, #tpu.memory_space<vmem>>[vector<16xi32>], vector<16xf32>,
        tpu.vector_store_idx %arg7[%shift_right_arithmetic3A_429], %get3A_377 {add = true} : memref<11536xf32, #tpu.memory_space<vmem>>[vector<16xi32>], vector<16xf32>,
        tpu.vector_store_idx %arg7[%and3A_408], %get3A_381 {add = true} : memref<11536xf32, #tpu.memory_space<vmem>>[vector<16xi32>], vector<16xf32>,
        tpu.vector_store_idx %arg7[%shift_right_arithmetic3A_432], %get3A_381 {add = true} : memref<11536xf32, #tpu.memory_space<vmem>>[vector<16xi32>], vector<16xf32>,
        tpu.vector_store_idx %arg7[%and3A_411], %get3A_385 {add = true} : memref<11536xf32, #tpu.memory_space<vmem>>[vector<16xi32>], vector<16xf32>,
        tpu.vector_store_idx %arg7[%shift_right_arithmetic3A_435], %get3A_385 {add = true} : memref<11536xf32, #tpu.memory_space<vmem>>[vector<16xi32>], vector<16xf32>,
        tpu.vector_store_idx %arg7[%and3A_414], %get3A_389 {add = true} : memref<11536xf32, #tpu.memory_space<vmem>>[vector<16xi32>], vector<16xf32>,
        tpu.vector_store_idx %arg7[%shift_right_arithmetic3A_438], %get3A_389 {add = true} : memref<11536xf32, #tpu.memory_space<vmem>>[vector<16xi32>], vector<16xf32>,
        tpu.vector_store_idx %arg7[%and3A_417], %get3A_393 {add = true} : memref<11536xf32, #tpu.memory_space<vmem>>[vector<16xi32>], vector<16xf32>,
        tpu.vector_store_idx %arg7[%shift_right_arithmetic3A_441], %get3A_393 {add = true} : memref<11536xf32, #tpu.memory_space<vmem>>[vector<16xi32>], vector<16xf32>,
        %get3A_442 = arith.index_cast %rem3A_96 : i32 to index
        %get3A_443 = arith.index_cast %scan3A_105 : i32 to index
        %get3A_444 = arith.constant 384 : index
        %get3A_445 = tpu.vector_load %arg5[%get3A_442, %get3A_443, %get3A_444] {strides = array<i32>} : memref<2x8x512xi32, #tpu.memory_space<vmem>>, vector<16xi32>,
        %get3A_446 = arith.index_cast %rem3A_96 : i32 to index
        %get3A_447 = arith.index_cast %scan3A_105 : i32 to index
        %get3A_448 = arith.constant 400 : index
        %get3A_449 = tpu.vector_load %arg5[%get3A_446, %get3A_447, %get3A_448] {strides = array<i32>} : memref<2x8x512xi32, #tpu.memory_space<vmem>>, vector<16xi32>,
        %get3A_450 = arith.index_cast %rem3A_96 : i32 to index
        %get3A_451 = arith.index_cast %scan3A_105 : i32 to index
        %get3A_452 = arith.constant 416 : index
        %get3A_453 = tpu.vector_load %arg5[%get3A_450, %get3A_451, %get3A_452] {strides = array<i32>} : memref<2x8x512xi32, #tpu.memory_space<vmem>>, vector<16xi32>,
        %get3A_454 = arith.index_cast %rem3A_96 : i32 to index
        %get3A_455 = arith.index_cast %scan3A_105 : i32 to index
        %get3A_456 = arith.constant 432 : index
        %get3A_457 = tpu.vector_load %arg5[%get3A_454, %get3A_455, %get3A_456] {strides = array<i32>} : memref<2x8x512xi32, #tpu.memory_space<vmem>>, vector<16xi32>,
        %get3A_458 = arith.index_cast %rem3A_96 : i32 to index
        %get3A_459 = arith.index_cast %scan3A_105 : i32 to index
        %get3A_460 = arith.constant 448 : index
        %get3A_461 = tpu.vector_load %arg5[%get3A_458, %get3A_459, %get3A_460] {strides = array<i32>} : memref<2x8x512xi32, #tpu.memory_space<vmem>>, vector<16xi32>,
        %get3A_462 = arith.index_cast %rem3A_96 : i32 to index
        %get3A_463 = arith.index_cast %scan3A_105 : i32 to index
        %get3A_464 = arith.constant 464 : index
        %get3A_465 = tpu.vector_load %arg5[%get3A_462, %get3A_463, %get3A_464] {strides = array<i32>} : memref<2x8x512xi32, #tpu.memory_space<vmem>>, vector<16xi32>,
        %get3A_466 = arith.index_cast %rem3A_96 : i32 to index
        %get3A_467 = arith.index_cast %scan3A_105 : i32 to index
        %get3A_468 = arith.constant 480 : index
        %get3A_469 = tpu.vector_load %arg5[%get3A_466, %get3A_467, %get3A_468] {strides = array<i32>} : memref<2x8x512xi32, #tpu.memory_space<vmem>>, vector<16xi32>,
        %get3A_470 = arith.index_cast %rem3A_96 : i32 to index
        %get3A_471 = arith.index_cast %scan3A_105 : i32 to index
        %get3A_472 = arith.constant 496 : index
        %get3A_473 = tpu.vector_load %arg5[%get3A_470, %get3A_471, %get3A_472] {strides = array<i32>} : memref<2x8x512xi32, #tpu.memory_space<vmem>>, vector<16xi32>,
        %get3A_474 = arith.index_cast %rem3A_96 : i32 to index
        %get3A_475 = arith.index_cast %scan3A_105 : i32 to index
        %get3A_476 = arith.constant 384 : index
        %get3A_477 = tpu.vector_load %arg6[%get3A_474, %get3A_475, %get3A_476] {strides = array<i32>} : memref<2x8x512xf32, #tpu.memory_space<vmem>>, vector<16xf32>,
        %get3A_478 = arith.index_cast %rem3A_96 : i32 to index
        %get3A_479 = arith.index_cast %scan3A_105 : i32 to index
        %get3A_480 = arith.constant 400 : index
        %get3A_481 = tpu.vector_load %arg6[%get3A_478, %get3A_479, %get3A_480] {strides = array<i32>} : memref<2x8x512xf32, #tpu.memory_space<vmem>>, vector<16xf32>,
        %get3A_482 = arith.index_cast %rem3A_96 : i32 to index
        %get3A_483 = arith.index_cast %scan3A_105 : i32 to index
        %get3A_484 = arith.constant 416 : index
        %get3A_485 = tpu.vector_load %arg6[%get3A_482, %get3A_483, %get3A_484] {strides = array<i32>} : memref<2x8x512xf32, #tpu.memory_space<vmem>>, vector<16xf32>,
        %get3A_486 = arith.index_cast %rem3A_96 : i32 to index
        %get3A_487 = arith.index_cast %scan3A_105 : i32 to index
        %get3A_488 = arith.constant 432 : index
        %get3A_489 = tpu.vector_load %arg6[%get3A_486, %get3A_487, %get3A_488] {strides = array<i32>} : memref<2x8x512xf32, #tpu.memory_space<vmem>>, vector<16xf32>,
        %get3A_490 = arith.index_cast %rem3A_96 : i32 to index
        %get3A_491 = arith.index_cast %scan3A_105 : i32 to index
        %get3A_492 = arith.constant 448 : index
        %get3A_493 = tpu.vector_load %arg6[%get3A_490, %get3A_491, %get3A_492] {strides = array<i32>} : memref<2x8x512xf32, #tpu.memory_space<vmem>>, vector<16xf32>,
        %get3A_494 = arith.index_cast %rem3A_96 : i32 to index
        %get3A_495 = arith.index_cast %scan3A_105 : i32 to index
        %get3A_496 = arith.constant 464 : index
        %get3A_497 = tpu.vector_load %arg6[%get3A_494, %get3A_495, %get3A_496] {strides = array<i32>} : memref<2x8x512xf32, #tpu.memory_space<vmem>>, vector<16xf32>,
        %get3A_498 = arith.index_cast %rem3A_96 : i32 to index
        %get3A_499 = arith.index_cast %scan3A_105 : i32 to index
        %get3A_500 = arith.constant 480 : index
        %get3A_501 = tpu.vector_load %arg6[%get3A_498, %get3A_499, %get3A_500] {strides = array<i32>} : memref<2x8x512xf32, #tpu.memory_space<vmem>>, vector<16xf32>,
        %get3A_502 = arith.index_cast %rem3A_96 : i32 to index
        %get3A_503 = arith.index_cast %scan3A_105 : i32 to index
        %get3A_504 = arith.constant 496 : index
        %get3A_505 = tpu.vector_load %arg6[%get3A_502, %get3A_503, %get3A_504] {strides = array<i32>} : memref<2x8x512xf32, #tpu.memory_space<vmem>>, vector<16xf32>,
        %and3A_506 = arith.constant 65535 : i32
        %and3A_507 = vector.broadcast %and3A_506 : i32 to vector<16xi32>
        %and3A_508 = arith.andi %get3A_445, %and3A_507 : vector<16xi32>
        %and3A_509 = arith.constant 65535 : i32
        %and3A_510 = vector.broadcast %and3A_509 : i32 to vector<16xi32>
        %and3A_511 = arith.andi %get3A_449, %and3A_510 : vector<16xi32>
        %and3A_512 = arith.constant 65535 : i32
        %and3A_513 = vector.broadcast %and3A_512 : i32 to vector<16xi32>
        %and3A_514 = arith.andi %get3A_453, %and3A_513 : vector<16xi32>
        %and3A_515 = arith.constant 65535 : i32
        %and3A_516 = vector.broadcast %and3A_515 : i32 to vector<16xi32>
        %and3A_517 = arith.andi %get3A_457, %and3A_516 : vector<16xi32>
        %and3A_518 = arith.constant 65535 : i32
        %and3A_519 = vector.broadcast %and3A_518 : i32 to vector<16xi32>
        %and3A_520 = arith.andi %get3A_461, %and3A_519 : vector<16xi32>
        %and3A_521 = arith.constant 65535 : i32
        %and3A_522 = vector.broadcast %and3A_521 : i32 to vector<16xi32>
        %and3A_523 = arith.andi %get3A_465, %and3A_522 : vector<16xi32>
        %and3A_524 = arith.constant 65535 : i32
        %and3A_525 = vector.broadcast %and3A_524 : i32 to vector<16xi32>
        %and3A_526 = arith.andi %get3A_469, %and3A_525 : vector<16xi32>
        %and3A_527 = arith.constant 65535 : i32
        %and3A_528 = vector.broadcast %and3A_527 : i32 to vector<16xi32>
        %and3A_529 = arith.andi %get3A_473, %and3A_528 : vector<16xi32>
        %shift_right_arithmetic3A_530 = arith.constant 16 : i32
        %shift_right_arithmetic3A_531 = vector.broadcast %shift_right_arithmetic3A_530 : i32 to vector<16xi32>
        %shift_right_arithmetic3A_532 = arith.shrsi %get3A_445, %shift_right_arithmetic3A_531 : vector<16xi32>
        %shift_right_arithmetic3A_533 = arith.constant 16 : i32
        %shift_right_arithmetic3A_534 = vector.broadcast %shift_right_arithmetic3A_533 : i32 to vector<16xi32>
        %shift_right_arithmetic3A_535 = arith.shrsi %get3A_449, %shift_right_arithmetic3A_534 : vector<16xi32>
        %shift_right_arithmetic3A_536 = arith.constant 16 : i32
        %shift_right_arithmetic3A_537 = vector.broadcast %shift_right_arithmetic3A_536 : i32 to vector<16xi32>
        %shift_right_arithmetic3A_538 = arith.shrsi %get3A_453, %shift_right_arithmetic3A_537 : vector<16xi32>
        %shift_right_arithmetic3A_539 = arith.constant 16 : i32
        %shift_right_arithmetic3A_540 = vector.broadcast %shift_right_arithmetic3A_539 : i32 to vector<16xi32>
        %shift_right_arithmetic3A_541 = arith.shrsi %get3A_457, %shift_right_arithmetic3A_540 : vector<16xi32>
        %shift_right_arithmetic3A_542 = arith.constant 16 : i32
        %shift_right_arithmetic3A_543 = vector.broadcast %shift_right_arithmetic3A_542 : i32 to vector<16xi32>
        %shift_right_arithmetic3A_544 = arith.shrsi %get3A_461, %shift_right_arithmetic3A_543 : vector<16xi32>
        %shift_right_arithmetic3A_545 = arith.constant 16 : i32
        %shift_right_arithmetic3A_546 = vector.broadcast %shift_right_arithmetic3A_545 : i32 to vector<16xi32>
        %shift_right_arithmetic3A_547 = arith.shrsi %get3A_465, %shift_right_arithmetic3A_546 : vector<16xi32>
        %shift_right_arithmetic3A_548 = arith.constant 16 : i32
        %shift_right_arithmetic3A_549 = vector.broadcast %shift_right_arithmetic3A_548 : i32 to vector<16xi32>
        %shift_right_arithmetic3A_550 = arith.shrsi %get3A_469, %shift_right_arithmetic3A_549 : vector<16xi32>
        %shift_right_arithmetic3A_551 = arith.constant 16 : i32
        %shift_right_arithmetic3A_552 = vector.broadcast %shift_right_arithmetic3A_551 : i32 to vector<16xi32>
        %shift_right_arithmetic3A_553 = arith.shrsi %get3A_473, %shift_right_arithmetic3A_552 : vector<16xi32>
        tpu.vector_store_idx %arg7[%and3A_508], %get3A_477 {add = true} : memref<11536xf32, #tpu.memory_space<vmem>>[vector<16xi32>], vector<16xf32>,
        tpu.vector_store_idx %arg7[%shift_right_arithmetic3A_532], %get3A_477 {add = true} : memref<11536xf32, #tpu.memory_space<vmem>>[vector<16xi32>], vector<16xf32>,
        tpu.vector_store_idx %arg7[%and3A_511], %get3A_481 {add = true} : memref<11536xf32, #tpu.memory_space<vmem>>[vector<16xi32>], vector<16xf32>,
        tpu.vector_store_idx %arg7[%shift_right_arithmetic3A_535], %get3A_481 {add = true} : memref<11536xf32, #tpu.memory_space<vmem>>[vector<16xi32>], vector<16xf32>,
        tpu.vector_store_idx %arg7[%and3A_514], %get3A_485 {add = true} : memref<11536xf32, #tpu.memory_space<vmem>>[vector<16xi32>], vector<16xf32>,
        tpu.vector_store_idx %arg7[%shift_right_arithmetic3A_538], %get3A_485 {add = true} : memref<11536xf32, #tpu.memory_space<vmem>>[vector<16xi32>], vector<16xf32>,
        tpu.vector_store_idx %arg7[%and3A_517], %get3A_489 {add = true} : memref<11536xf32, #tpu.memory_space<vmem>>[vector<16xi32>], vector<16xf32>,
        tpu.vector_store_idx %arg7[%shift_right_arithmetic3A_541], %get3A_489 {add = true} : memref<11536xf32, #tpu.memory_space<vmem>>[vector<16xi32>], vector<16xf32>,
        tpu.vector_store_idx %arg7[%and3A_520], %get3A_493 {add = true} : memref<11536xf32, #tpu.memory_space<vmem>>[vector<16xi32>], vector<16xf32>,
        tpu.vector_store_idx %arg7[%shift_right_arithmetic3A_544], %get3A_493 {add = true} : memref<11536xf32, #tpu.memory_space<vmem>>[vector<16xi32>], vector<16xf32>,
        tpu.vector_store_idx %arg7[%and3A_523], %get3A_497 {add = true} : memref<11536xf32, #tpu.memory_space<vmem>>[vector<16xi32>], vector<16xf32>,
        tpu.vector_store_idx %arg7[%shift_right_arithmetic3A_547], %get3A_497 {add = true} : memref<11536xf32, #tpu.memory_space<vmem>>[vector<16xi32>], vector<16xf32>,
        tpu.vector_store_idx %arg7[%and3A_526], %get3A_501 {add = true} : memref<11536xf32, #tpu.memory_space<vmem>>[vector<16xi32>], vector<16xf32>,
        tpu.vector_store_idx %arg7[%shift_right_arithmetic3A_550], %get3A_501 {add = true} : memref<11536xf32, #tpu.memory_space<vmem>>[vector<16xi32>], vector<16xf32>,
        tpu.vector_store_idx %arg7[%and3A_529], %get3A_505 {add = true} : memref<11536xf32, #tpu.memory_space<vmem>>[vector<16xi32>], vector<16xf32>,
        tpu.vector_store_idx %arg7[%shift_right_arithmetic3A_553], %get3A_505 {add = true} : memref<11536xf32, #tpu.memory_space<vmem>>[vector<16xi32>], vector<16xf32>,
        %scan3A_554 = arith.constant 0 : i32
        scf.yield %scan3A_554 : i32
      }
      %scan3A_103 = arith.constant 8 : i32
      %while3A_104 = arith.constant 0 : i32
      scf.yield %while3A_104 : i32
    }
    %scan3A_54 = arith.constant 0 : i32
    %scan3A_55 = arith.constant 0 : i32
    %scan3A_56 = arith.constant 45 : i32
    %scan3A_57 = arith.addi %scan3A_55, %scan3A_56 : i32
    %scan3A_58 = arith.constant 1 : i32
    %scan3A_59 = scf.for %scan3A_61 = %scan3A_55 to %scan3A_57 step %scan3A_58 iter_args(%scan3A_62 = %scan3A_54) -> (i32)  : i32 {
      %mul3A_63 = arith.constant 16 : i32
      %mul3A_64 = arith.muli %scan3A_61, %mul3A_63 : i32
      %get3A = arith.index_cast %mul3A_64 : i32 to index
      %get3A_65 = tpu.vector_load %arg7[%get3A] {strides = array<i32>} : memref<11536xf32, #tpu.memory_space<vmem>>, vector<16xf32>,
      %mul3A_66 = arith.constant 16 : i32
      %mul3A_67 = arith.muli %scan3A_61, %mul3A_66 : i32
      %add3A_68 = arith.constant 721 : i32
      %add3A_69 = arith.addi %add3A_68, %mul3A_67 : i32
      %get3A_70 = arith.index_cast %add3A_69 : i32 to index
      %get3A_71 = tpu.vector_load %arg7[%get3A_70] {strides = array<i32>} : memref<11536xf32, #tpu.memory_space<vmem>>, vector<16xf32>,
      %add3A_72 = arith.addf %get3A_65, %get3A_71 : vector<16xf32>
      %mul3A_73 = arith.constant 16 : i32
      %mul3A_74 = arith.muli %scan3A_61, %mul3A_73 : i32
      %add3A_75 = arith.constant 1442 : i32
      %add3A_76 = arith.addi %add3A_75, %mul3A_74 : i32
      %get3A_77 = arith.index_cast %add3A_76 : i32 to index
      %get3A_78 = tpu.vector_load %arg7[%get3A_77] {strides = array<i32>} : memref<11536xf32, #tpu.memory_space<vmem>>, vector<16xf32>,
      %add3A_79 = arith.addf %add3A_72, %get3A_78 : vector<16xf32>
      %mul3A_80 = arith.constant 16 : i32
      %mul3A_81 = arith.muli %scan3A_61, %mul3A_80 : i32
      %add3A_82 = arith.constant 2163 : i32
      %add3A_83 = arith.addi %add3A_82, %mul3A_81 : i32
      %get3A_84 = arith.index_cast %add3A_83 : i32 to index
      %get3A_85 = tpu.vector_load %arg7[%get3A_84] {strides = array<i32>} : memref<11536xf32, #tpu.memory_space<vmem>>, vector<16xf32>,
      %add3A_86 = arith.addf %add3A_79, %get3A_85 : vector<16xf32>
      %mul3A_87 = arith.constant 16 : i32
      %mul3A_88 = arith.muli %scan3A_61, %mul3A_87 : i32
      %add3A_89 = arith.constant 2884 : i32
      %add3A_90 = arith.addi %add3A_89, %mul3A_88 : i32
      %get3A_91 = arith.index_cast %add3A_90 : i32 to index
      %get3A_92 = tpu.vector_load %arg7[%get3A_91] {strides = array<i32>} : memref<11536xf32, #tpu.memory_space<vmem>>, vector<16xf32>,
      %add3A_93 = arith.addf %add3A_86, %get3A_92 : vector<16xf32>
      %mul3A_94 = arith.constant 16 : i32
      %mul3A_95 = arith.muli %scan3A_61, %mul3A_94 : i32
      %add3A_96 = arith.constant 3605 : i32
      %add3A_97 = arith.addi %add3A_96, %mul3A_95 : i32
      %get3A_98 = arith.index_cast %add3A_97 : i32 to index
      %get3A_99 = tpu.vector_load %arg7[%get3A_98] {strides = array<i32>} : memref<11536xf32, #tpu.memory_space<vmem>>, vector<16xf32>,
      %add3A_100 = arith.addf %add3A_93, %get3A_99 : vector<16xf32>
      %mul3A_101 = arith.constant 16 : i32
      %mul3A_102 = arith.muli %scan3A_61, %mul3A_101 : i32
      %add3A_103 = arith.constant 4326 : i32
      %add3A_104 = arith.addi %add3A_103, %mul3A_102 : i32
      %get3A_105 = arith.index_cast %add3A_104 : i32 to index
      %get3A_106 = tpu.vector_load %arg7[%get3A_105] {strides = array<i32>} : memref<11536xf32, #tpu.memory_space<vmem>>, vector<16xf32>,
      %add3A_107 = arith.addf %add3A_100, %get3A_106 : vector<16xf32>
      %mul3A_108 = arith.constant 16 : i32
      %mul3A_109 = arith.muli %scan3A_61, %mul3A_108 : i32
      %add3A_110 = arith.constant 5047 : i32
      %add3A_111 = arith.addi %add3A_110, %mul3A_109 : i32
      %get3A_112 = arith.index_cast %add3A_111 : i32 to index
      %get3A_113 = tpu.vector_load %arg7[%get3A_112] {strides = array<i32>} : memref<11536xf32, #tpu.memory_space<vmem>>, vector<16xf32>,
      %add3A_114 = arith.addf %add3A_107, %get3A_113 : vector<16xf32>
      %mul3A_115 = arith.constant 16 : i32
      %mul3A_116 = arith.muli %scan3A_61, %mul3A_115 : i32
      %add3A_117 = arith.constant 5768 : i32
      %add3A_118 = arith.addi %add3A_117, %mul3A_116 : i32
      %get3A_119 = arith.index_cast %add3A_118 : i32 to index
      %get3A_120 = tpu.vector_load %arg7[%get3A_119] {strides = array<i32>} : memref<11536xf32, #tpu.memory_space<vmem>>, vector<16xf32>,
      %add3A_121 = arith.addf %add3A_114, %get3A_120 : vector<16xf32>
      %mul3A_122 = arith.constant 16 : i32
      %mul3A_123 = arith.muli %scan3A_61, %mul3A_122 : i32
      %add3A_124 = arith.constant 6489 : i32
      %add3A_125 = arith.addi %add3A_124, %mul3A_123 : i32
      %get3A_126 = arith.index_cast %add3A_125 : i32 to index
      %get3A_127 = tpu.vector_load %arg7[%get3A_126] {strides = array<i32>} : memref<11536xf32, #tpu.memory_space<vmem>>, vector<16xf32>,
      %add3A_128 = arith.addf %add3A_121, %get3A_127 : vector<16xf32>
      %mul3A_129 = arith.constant 16 : i32
      %mul3A_130 = arith.muli %scan3A_61, %mul3A_129 : i32
      %add3A_131 = arith.constant 7210 : i32
      %add3A_132 = arith.addi %add3A_131, %mul3A_130 : i32
      %get3A_133 = arith.index_cast %add3A_132 : i32 to index
      %get3A_134 = tpu.vector_load %arg7[%get3A_133] {strides = array<i32>} : memref<11536xf32, #tpu.memory_space<vmem>>, vector<16xf32>,
      %add3A_135 = arith.addf %add3A_128, %get3A_134 : vector<16xf32>
      %mul3A_136 = arith.constant 16 : i32
      %mul3A_137 = arith.muli %scan3A_61, %mul3A_136 : i32
      %add3A_138 = arith.constant 7931 : i32
      %add3A_139 = arith.addi %add3A_138, %mul3A_137 : i32
      %get3A_140 = arith.index_cast %add3A_139 : i32 to index
      %get3A_141 = tpu.vector_load %arg7[%get3A_140] {strides = array<i32>} : memref<11536xf32, #tpu.memory_space<vmem>>, vector<16xf32>,
      %add3A_142 = arith.addf %add3A_135, %get3A_141 : vector<16xf32>
      %mul3A_143 = arith.constant 16 : i32
      %mul3A_144 = arith.muli %scan3A_61, %mul3A_143 : i32
      %add3A_145 = arith.constant 8652 : i32
      %add3A_146 = arith.addi %add3A_145, %mul3A_144 : i32
      %get3A_147 = arith.index_cast %add3A_146 : i32 to index
      %get3A_148 = tpu.vector_load %arg7[%get3A_147] {strides = array<i32>} : memref<11536xf32, #tpu.memory_space<vmem>>, vector<16xf32>,
      %add3A_149 = arith.addf %add3A_142, %get3A_148 : vector<16xf32>
      %mul3A_150 = arith.constant 16 : i32
      %mul3A_151 = arith.muli %scan3A_61, %mul3A_150 : i32
      %add3A_152 = arith.constant 9373 : i32
      %add3A_153 = arith.addi %add3A_152, %mul3A_151 : i32
      %get3A_154 = arith.index_cast %add3A_153 : i32 to index
      %get3A_155 = tpu.vector_load %arg7[%get3A_154] {strides = array<i32>} : memref<11536xf32, #tpu.memory_space<vmem>>, vector<16xf32>,
      %add3A_156 = arith.addf %add3A_149, %get3A_155 : vector<16xf32>
      %mul3A_157 = arith.constant 16 : i32
      %mul3A_158 = arith.muli %scan3A_61, %mul3A_157 : i32
      %add3A_159 = arith.constant 10094 : i32
      %add3A_160 = arith.addi %add3A_159, %mul3A_158 : i32
      %get3A_161 = arith.index_cast %add3A_160 : i32 to index
      %get3A_162 = tpu.vector_load %arg7[%get3A_161] {strides = array<i32>} : memref<11536xf32, #tpu.memory_space<vmem>>, vector<16xf32>,
      %add3A_163 = arith.addf %add3A_156, %get3A_162 : vector<16xf32>
      %mul3A_164 = arith.constant 16 : i32
      %mul3A_165 = arith.muli %scan3A_61, %mul3A_164 : i32
      %add3A_166 = arith.constant 10815 : i32
      %add3A_167 = arith.addi %add3A_166, %mul3A_165 : i32
      %get3A_168 = arith.index_cast %add3A_167 : i32 to index
      %get3A_169 = tpu.vector_load %arg7[%get3A_168] {strides = array<i32>} : memref<11536xf32, #tpu.memory_space<vmem>>, vector<16xf32>,
      %add3A_170 = arith.addf %add3A_163, %get3A_169 : vector<16xf32>
      %mul3A_171 = arith.constant 16 : i32
      %mul3A_172 = arith.muli %scan3A_61, %mul3A_171 : i32
      %swap3A = arith.index_cast %mul3A_172 : i32 to index
      %swap3A_173 = tpu.vector_load %arg8[%swap3A] {strides = array<i32>} : memref<720xf32, #tpu.memory_space<vmem>>, vector<16xf32>,
      tpu.vector_store %arg8[%swap3A], %add3A_170 {strides = array<i32>} : memref<720xf32, #tpu.memory_space<vmem>>, vector<16xf32>,
      %scan3A_174 = arith.constant 0 : i32
      scf.yield %scan3A_174 : i32
    }
    %scan3A_60 = arith.constant 45 : i32
    "tpu.region"() ({
      %run_scoped3A = tpu.sem_alloc : memref<!tpu.dma_semaphore, #tpu.memory_space<semaphore_mem>>
      %dma_start3A_61 = arith.constant 0 : i32
      %dma_start3A_62 = tpu.memref_slice %arg4[%and3A_2, %shift_right_arithmetic3A_1, %dma_start3A_61] : memref<2x16x720xf32, #tpu.memory_space<hbm>> -> memref<1x1x720xf32, #tpu.memory_space<hbm>>
      %dma_start3A_63 = tpu.memref_squeeze %dma_start3A_62 : memref<1x1x720xf32, #tpu.memory_space<hbm>> -> memref<720xf32, #tpu.memory_space<hbm>>
      %dma_start3A_64 = arith.constant 0 : i32
      %dma_start3A_65 = tpu.memref_slice %arg4[%and3A_2, %shift_right_arithmetic3A_1, %dma_start3A_64] : memref<2x16x720xf32, #tpu.memory_space<hbm>> -> memref<1x1x720xf32, #tpu.memory_space<hbm>>
      %dma_start3A_66 = tpu.memref_squeeze %dma_start3A_65 : memref<1x1x720xf32, #tpu.memory_space<hbm>> -> memref<720xf32, #tpu.memory_space<hbm>>
      tpu.enqueue_dma source(%arg8 : memref<720xf32, #tpu.memory_space<vmem>>) target(%dma_start3A_66 : memref<720xf32, #tpu.memory_space<hbm>>) target_semaphore(%run_scoped3A : memref<!tpu.dma_semaphore, #tpu.memory_space<semaphore_mem>>)
      %dma_wait3A = arith.constant 0 : i32
      %dma_wait3A_67 = tpu.memref_slice %arg4[%and3A_2, %shift_right_arithmetic3A_1, %dma_wait3A] : memref<2x16x720xf32, #tpu.memory_space<hbm>> -> memref<1x1x720xf32, #tpu.memory_space<hbm>>
      %dma_wait3A_68 = tpu.memref_squeeze %dma_wait3A_67 : memref<1x1x720xf32, #tpu.memory_space<hbm>> -> memref<720xf32, #tpu.memory_space<hbm>>
      %dma_wait3A_69 = arith.constant 0 : i32
      %dma_wait3A_70 = tpu.memref_slice %arg4[%and3A_2, %shift_right_arithmetic3A_1, %dma_wait3A_69] : memref<2x16x720xf32, #tpu.memory_space<hbm>> -> memref<1x1x720xf32, #tpu.memory_space<hbm>>
      %dma_wait3A_71 = tpu.memref_squeeze %dma_wait3A_70 : memref<1x1x720xf32, #tpu.memory_space<hbm>> -> memref<720xf32, #tpu.memory_space<hbm>>
      tpu.wait_dma2 semaphore(%run_scoped3A : memref<!tpu.dma_semaphore, #tpu.memory_space<semaphore_mem>>) src(%arg8 : memref<720xf32, #tpu.memory_space<vmem>>) dst(%dma_wait3A_71 : memref<720xf32, #tpu.memory_space<hbm>>)
      tpu.yield
    }) : () -> ()
    return
  }
}

module attributes {stable_mosaic.version = 14 : i64} {
  func.func @_spec_body(%arg0: i32, %arg1: memref<1x3x512x512xf32, #tpu.memory_space<vmem>>, %arg2: memref<512x512xbf16, #tpu.memory_space<vmem>>, %arg3: memref<512x512xbf16, #tpu.memory_space<vmem>>, %arg4: memref<512x512xbf16, #tpu.memory_space<vmem>>, %arg5: memref<512x512xbf16, #tpu.memory_space<vmem>>, %arg6: memref<264x512xbf16, #tpu.memory_space<vmem>>, %arg7: memref<264x512xbf16, #tpu.memory_space<vmem>>, %arg8: memref<264x512xbf16, #tpu.memory_space<vmem>>, %arg9: memref<264x512xbf16, #tpu.memory_space<vmem>>, %arg10: memref<1x264x512xf32, #tpu.memory_space<vmem>>) attributes {dimension_semantics = [#tpu.dimension_semantics<arbitrary>], iteration_bounds = array<i64: 16>, scalar_prefetch = 0 : i64, scratch_operands = 0 : i64, tpu.core_type = #tpu.core_type<tc>, window_params = [{transform_indices = @transform_0, window_bounds = array<i64: 1, 3, 512, 512>}, {pipeline_mode = #tpu.pipeline_mode<synchronous>, transform_indices = @transform_1, window_bounds = array<i64: 512, 512>}, {pipeline_mode = #tpu.pipeline_mode<synchronous>, transform_indices = @transform_2, window_bounds = array<i64: 512, 512>}, {pipeline_mode = #tpu.pipeline_mode<synchronous>, transform_indices = @transform_3, window_bounds = array<i64: 512, 512>}, {pipeline_mode = #tpu.pipeline_mode<synchronous>, transform_indices = @transform_4, window_bounds = array<i64: 512, 512>}, {pipeline_mode = #tpu.pipeline_mode<synchronous>, transform_indices = @transform_5, window_bounds = array<i64: 264, 512>}, {pipeline_mode = #tpu.pipeline_mode<synchronous>, transform_indices = @transform_6, window_bounds = array<i64: 264, 512>}, {pipeline_mode = #tpu.pipeline_mode<synchronous>, transform_indices = @transform_7, window_bounds = array<i64: 264, 512>}, {pipeline_mode = #tpu.pipeline_mode<synchronous>, transform_indices = @transform_8, window_bounds = array<i64: 264, 512>}, {transform_indices = @transform_9, window_bounds = array<i64: 1, 264, 512>}]} {
    %get3A = arith.constant 0 : index
    %get3A_0 = arith.constant 0 : index
    %get3A_1 = vector.load %arg2[%get3A, %get3A_0] : memref<512x512xbf16, #tpu.memory_space<vmem>>, vector<512x512xbf16>
    %get3A_2 = arith.constant 0 : index
    %get3A_3 = arith.constant 0 : index
    %get3A_4 = vector.load %arg3[%get3A_2, %get3A_3] : memref<512x512xbf16, #tpu.memory_space<vmem>>, vector<512x512xbf16>
    %get3A_5 = arith.constant 0 : index
    %get3A_6 = arith.constant 0 : index
    %get3A_7 = vector.load %arg4[%get3A_5, %get3A_6] : memref<512x512xbf16, #tpu.memory_space<vmem>>, vector<512x512xbf16>
    %get3A_8 = arith.constant 0 : index
    %get3A_9 = arith.constant 0 : index
    %get3A_10 = vector.load %arg5[%get3A_8, %get3A_9] : memref<512x512xbf16, #tpu.memory_space<vmem>>, vector<512x512xbf16>
    %get3A_11 = arith.constant 0 : index
    %get3A_12 = arith.constant 0 : index
    %get3A_13 = vector.load %arg6[%get3A_11, %get3A_12] : memref<264x512xbf16, #tpu.memory_space<vmem>>, vector<264x512xbf16>
    %get3A_14 = arith.constant 0 : index
    %get3A_15 = arith.constant 0 : index
    %get3A_16 = vector.load %arg7[%get3A_14, %get3A_15] : memref<264x512xbf16, #tpu.memory_space<vmem>>, vector<264x512xbf16>
    %get3A_17 = arith.constant 0 : index
    %get3A_18 = arith.constant 0 : index
    %get3A_19 = vector.load %arg8[%get3A_17, %get3A_18] : memref<264x512xbf16, #tpu.memory_space<vmem>>, vector<264x512xbf16>
    %get3A_20 = arith.constant 0 : index
    %get3A_21 = arith.constant 0 : index
    %get3A_22 = vector.load %arg9[%get3A_20, %get3A_21] : memref<264x512xbf16, #tpu.memory_space<vmem>>, vector<264x512xbf16>
    %get3A_23 = arith.constant 0 : index
    %get3A_24 = arith.constant 0 : index
    %get3A_25 = arith.constant 0 : index
    %get3A_26 = arith.constant 0 : index
    %get3A_27 = vector.load %arg1[%get3A_23, %get3A_24, %get3A_25, %get3A_26] : memref<1x3x512x512xf32, #tpu.memory_space<vmem>>, vector<1x1x512x512xf32>
    %get3A_28 = vector.shape_cast %get3A_27 : vector<1x1x512x512xf32> to vector<512x512xf32>
    %mul3A = arith.constant 2.989000e-01 : f32
    %mul3A_29 = vector.broadcast %mul3A : f32 to vector<512x512xf32>
    %mul3A_30 = arith.mulf %mul3A_29, %get3A_28 : vector<512x512xf32>
    %get3A_31 = arith.constant 0 : index
    %get3A_32 = arith.constant 1 : index
    %get3A_33 = arith.constant 0 : index
    %get3A_34 = arith.constant 0 : index
    %get3A_35 = vector.load %arg1[%get3A_31, %get3A_32, %get3A_33, %get3A_34] : memref<1x3x512x512xf32, #tpu.memory_space<vmem>>, vector<1x1x512x512xf32>
    %get3A_36 = vector.shape_cast %get3A_35 : vector<1x1x512x512xf32> to vector<512x512xf32>
    %mul3A_37 = arith.constant 5.870000e-01 : f32
    %mul3A_38 = vector.broadcast %mul3A_37 : f32 to vector<512x512xf32>
    %mul3A_39 = arith.mulf %mul3A_38, %get3A_36 : vector<512x512xf32>
    %add3A = arith.addf %mul3A_30, %mul3A_39 : vector<512x512xf32>
    %get3A_40 = arith.constant 0 : index
    %get3A_41 = arith.constant 2 : index
    %get3A_42 = arith.constant 0 : index
    %get3A_43 = arith.constant 0 : index
    %get3A_44 = vector.load %arg1[%get3A_40, %get3A_41, %get3A_42, %get3A_43] : memref<1x3x512x512xf32, #tpu.memory_space<vmem>>, vector<1x1x512x512xf32>
    %get3A_45 = vector.shape_cast %get3A_44 : vector<1x1x512x512xf32> to vector<512x512xf32>
    %mul3A_46 = arith.constant 1.140000e-01 : f32
    %mul3A_47 = vector.broadcast %mul3A_46 : f32 to vector<512x512xf32>
    %mul3A_48 = arith.mulf %mul3A_47, %get3A_45 : vector<512x512xf32>
    %add3A_49 = arith.addf %add3A, %mul3A_48 : vector<512x512xf32>
    %convert_element_type3A = arith.truncf %add3A_49 : vector<512x512xf32> to vector<512x512xbf16>
    %convert_element_type3A_50 = arith.extf %convert_element_type3A : vector<512x512xbf16> to vector<512x512xf32>
    %sub3A = arith.subf %add3A_49, %convert_element_type3A_50 : vector<512x512xf32>
    %convert_element_type3A_51 = arith.truncf %sub3A : vector<512x512xf32> to vector<512x512xbf16>
    %dot_general3A = arith.constant dense<0.000000e+00> : vector<264x512xf32>
    %dot_general3A_52 = tpu.matmul %get3A_13, %convert_element_type3A, %dot_general3A {dimension_numbers = #tpu.dot_dimension_numbers<[1], [0], [0], [1], [0, 0, 1, 1], [], []>, transpose_lhs_hint = false} : vector<264x512xbf16>, vector<512x512xbf16>, vector<264x512xf32> -> vector<264x512xf32>
    %dot_general3A_53 = arith.constant dense<0.000000e+00> : vector<264x512xf32>
    %dot_general3A_54 = tpu.matmul %get3A_13, %convert_element_type3A_51, %dot_general3A_53 {dimension_numbers = #tpu.dot_dimension_numbers<[1], [0], [0], [1], [0, 0, 1, 1], [], []>, transpose_lhs_hint = false} : vector<264x512xbf16>, vector<512x512xbf16>, vector<264x512xf32> -> vector<264x512xf32>
    %add3A_55 = arith.addf %dot_general3A_52, %dot_general3A_54 : vector<264x512xf32>
    %dot_general3A_56 = arith.constant dense<0.000000e+00> : vector<264x512xf32>
    %dot_general3A_57 = tpu.matmul %get3A_16, %convert_element_type3A, %dot_general3A_56 {dimension_numbers = #tpu.dot_dimension_numbers<[1], [0], [0], [1], [0, 0, 1, 1], [], []>, transpose_lhs_hint = false} : vector<264x512xbf16>, vector<512x512xbf16>, vector<264x512xf32> -> vector<264x512xf32>
    %add3A_58 = arith.addf %add3A_55, %dot_general3A_57 : vector<264x512xf32>
    %dot_general3A_59 = arith.constant dense<0.000000e+00> : vector<264x512xf32>
    %dot_general3A_60 = tpu.matmul %get3A_19, %convert_element_type3A, %dot_general3A_59 {dimension_numbers = #tpu.dot_dimension_numbers<[1], [0], [0], [1], [0, 0, 1, 1], [], []>, transpose_lhs_hint = false} : vector<264x512xbf16>, vector<512x512xbf16>, vector<264x512xf32> -> vector<264x512xf32>
    %dot_general3A_61 = arith.constant dense<0.000000e+00> : vector<264x512xf32>
    %dot_general3A_62 = tpu.matmul %get3A_19, %convert_element_type3A_51, %dot_general3A_61 {dimension_numbers = #tpu.dot_dimension_numbers<[1], [0], [0], [1], [0, 0, 1, 1], [], []>, transpose_lhs_hint = false} : vector<264x512xbf16>, vector<512x512xbf16>, vector<264x512xf32> -> vector<264x512xf32>
    %add3A_63 = arith.addf %dot_general3A_60, %dot_general3A_62 : vector<264x512xf32>
    %dot_general3A_64 = arith.constant dense<0.000000e+00> : vector<264x512xf32>
    %dot_general3A_65 = tpu.matmul %get3A_22, %convert_element_type3A, %dot_general3A_64 {dimension_numbers = #tpu.dot_dimension_numbers<[1], [0], [0], [1], [0, 0, 1, 1], [], []>, transpose_lhs_hint = false} : vector<264x512xbf16>, vector<512x512xbf16>, vector<264x512xf32> -> vector<264x512xf32>
    %add3A_66 = arith.addf %add3A_63, %dot_general3A_65 : vector<264x512xf32>
    %convert_element_type3A_67 = arith.truncf %add3A_58 : vector<264x512xf32> to vector<264x512xbf16>
    %convert_element_type3A_68 = arith.extf %convert_element_type3A_67 : vector<264x512xbf16> to vector<264x512xf32>
    %sub3A_69 = arith.subf %add3A_58, %convert_element_type3A_68 : vector<264x512xf32>
    %convert_element_type3A_70 = arith.truncf %sub3A_69 : vector<264x512xf32> to vector<264x512xbf16>
    %convert_element_type3A_71 = arith.truncf %add3A_66 : vector<264x512xf32> to vector<264x512xbf16>
    %convert_element_type3A_72 = arith.extf %convert_element_type3A_71 : vector<264x512xbf16> to vector<264x512xf32>
    %sub3A_73 = arith.subf %add3A_66, %convert_element_type3A_72 : vector<264x512xf32>
    %convert_element_type3A_74 = arith.truncf %sub3A_73 : vector<264x512xf32> to vector<264x512xbf16>
    %dot_general3A_75 = arith.constant dense<0.000000e+00> : vector<264x512xf32>
    %dot_general3A_76 = tpu.matmul %convert_element_type3A_67, %get3A_1, %dot_general3A_75 {dimension_numbers = #tpu.dot_dimension_numbers<[1], [0], [0], [1], [0, 0, 1, 1], [], []>, transpose_lhs_hint = false} : vector<264x512xbf16>, vector<512x512xbf16>, vector<264x512xf32> -> vector<264x512xf32>
    %dot_general3A_77 = arith.constant dense<0.000000e+00> : vector<264x512xf32>
    %dot_general3A_78 = tpu.matmul %convert_element_type3A_67, %get3A_4, %dot_general3A_77 {dimension_numbers = #tpu.dot_dimension_numbers<[1], [0], [0], [1], [0, 0, 1, 1], [], []>, transpose_lhs_hint = false} : vector<264x512xbf16>, vector<512x512xbf16>, vector<264x512xf32> -> vector<264x512xf32>
    %add3A_79 = arith.addf %dot_general3A_76, %dot_general3A_78 : vector<264x512xf32>
    %dot_general3A_80 = arith.constant dense<0.000000e+00> : vector<264x512xf32>
    %dot_general3A_81 = tpu.matmul %convert_element_type3A_70, %get3A_1, %dot_general3A_80 {dimension_numbers = #tpu.dot_dimension_numbers<[1], [0], [0], [1], [0, 0, 1, 1], [], []>, transpose_lhs_hint = false} : vector<264x512xbf16>, vector<512x512xbf16>, vector<264x512xf32> -> vector<264x512xf32>
    %add3A_82 = arith.addf %add3A_79, %dot_general3A_81 : vector<264x512xf32>
    %dot_general3A_83 = arith.constant dense<0.000000e+00> : vector<264x512xf32>
    %dot_general3A_84 = tpu.matmul %convert_element_type3A_71, %get3A_7, %dot_general3A_83 {dimension_numbers = #tpu.dot_dimension_numbers<[1], [0], [0], [1], [0, 0, 1, 1], [], []>, transpose_lhs_hint = false} : vector<264x512xbf16>, vector<512x512xbf16>, vector<264x512xf32> -> vector<264x512xf32>
    %dot_general3A_85 = arith.constant dense<0.000000e+00> : vector<264x512xf32>
    %dot_general3A_86 = tpu.matmul %convert_element_type3A_71, %get3A_10, %dot_general3A_85 {dimension_numbers = #tpu.dot_dimension_numbers<[1], [0], [0], [1], [0, 0, 1, 1], [], []>, transpose_lhs_hint = false} : vector<264x512xbf16>, vector<512x512xbf16>, vector<264x512xf32> -> vector<264x512xf32>
    %add3A_87 = arith.addf %dot_general3A_84, %dot_general3A_86 : vector<264x512xf32>
    %dot_general3A_88 = arith.constant dense<0.000000e+00> : vector<264x512xf32>
    %dot_general3A_89 = tpu.matmul %convert_element_type3A_74, %get3A_7, %dot_general3A_88 {dimension_numbers = #tpu.dot_dimension_numbers<[1], [0], [0], [1], [0, 0, 1, 1], [], []>, transpose_lhs_hint = false} : vector<264x512xbf16>, vector<512x512xbf16>, vector<264x512xf32> -> vector<264x512xf32>
    %add3A_90 = arith.addf %add3A_87, %dot_general3A_89 : vector<264x512xf32>
    %sub3A_91 = arith.subf %add3A_82, %add3A_90 : vector<264x512xf32>
    %add3A_92 = arith.constant 9.99999993E-9 : f32
    %add3A_93 = vector.broadcast %add3A_92 : f32 to vector<264x512xf32>
    %add3A_94 = arith.addf %sub3A_91, %add3A_93 : vector<264x512xf32>
    %dot_general3A_95 = arith.constant dense<0.000000e+00> : vector<264x512xf32>
    %dot_general3A_96 = tpu.matmul %convert_element_type3A_67, %get3A_7, %dot_general3A_95 {dimension_numbers = #tpu.dot_dimension_numbers<[1], [0], [0], [1], [0, 0, 1, 1], [], []>, transpose_lhs_hint = false} : vector<264x512xbf16>, vector<512x512xbf16>, vector<264x512xf32> -> vector<264x512xf32>
    %dot_general3A_97 = arith.constant dense<0.000000e+00> : vector<264x512xf32>
    %dot_general3A_98 = tpu.matmul %convert_element_type3A_67, %get3A_10, %dot_general3A_97 {dimension_numbers = #tpu.dot_dimension_numbers<[1], [0], [0], [1], [0, 0, 1, 1], [], []>, transpose_lhs_hint = false} : vector<264x512xbf16>, vector<512x512xbf16>, vector<264x512xf32> -> vector<264x512xf32>
    %add3A_99 = arith.addf %dot_general3A_96, %dot_general3A_98 : vector<264x512xf32>
    %dot_general3A_100 = arith.constant dense<0.000000e+00> : vector<264x512xf32>
    %dot_general3A_101 = tpu.matmul %convert_element_type3A_70, %get3A_7, %dot_general3A_100 {dimension_numbers = #tpu.dot_dimension_numbers<[1], [0], [0], [1], [0, 0, 1, 1], [], []>, transpose_lhs_hint = false} : vector<264x512xbf16>, vector<512x512xbf16>, vector<264x512xf32> -> vector<264x512xf32>
    %add3A_102 = arith.addf %add3A_99, %dot_general3A_101 : vector<264x512xf32>
    %dot_general3A_103 = arith.constant dense<0.000000e+00> : vector<264x512xf32>
    %dot_general3A_104 = tpu.matmul %convert_element_type3A_71, %get3A_1, %dot_general3A_103 {dimension_numbers = #tpu.dot_dimension_numbers<[1], [0], [0], [1], [0, 0, 1, 1], [], []>, transpose_lhs_hint = false} : vector<264x512xbf16>, vector<512x512xbf16>, vector<264x512xf32> -> vector<264x512xf32>
    %dot_general3A_105 = arith.constant dense<0.000000e+00> : vector<264x512xf32>
    %dot_general3A_106 = tpu.matmul %convert_element_type3A_71, %get3A_4, %dot_general3A_105 {dimension_numbers = #tpu.dot_dimension_numbers<[1], [0], [0], [1], [0, 0, 1, 1], [], []>, transpose_lhs_hint = false} : vector<264x512xbf16>, vector<512x512xbf16>, vector<264x512xf32> -> vector<264x512xf32>
    %add3A_107 = arith.addf %dot_general3A_104, %dot_general3A_106 : vector<264x512xf32>
    %dot_general3A_108 = arith.constant dense<0.000000e+00> : vector<264x512xf32>
    %dot_general3A_109 = tpu.matmul %convert_element_type3A_74, %get3A_1, %dot_general3A_108 {dimension_numbers = #tpu.dot_dimension_numbers<[1], [0], [0], [1], [0, 0, 1, 1], [], []>, transpose_lhs_hint = false} : vector<264x512xbf16>, vector<512x512xbf16>, vector<264x512xf32> -> vector<264x512xf32>
    %add3A_110 = arith.addf %add3A_107, %dot_general3A_109 : vector<264x512xf32>
    %add3A_111 = arith.addf %add3A_102, %add3A_110 : vector<264x512xf32>
    %add3A_112 = arith.constant 9.99999993E-9 : f32
    %add3A_113 = vector.broadcast %add3A_112 : f32 to vector<264x512xf32>
    %add3A_114 = arith.addf %add3A_111, %add3A_113 : vector<264x512xf32>
    %mul3A_115 = arith.mulf %add3A_94, %add3A_94 : vector<264x512xf32>
    %mul3A_116 = arith.mulf %add3A_114, %add3A_114 : vector<264x512xf32>
    %add3A_117 = arith.addf %mul3A_115, %mul3A_116 : vector<264x512xf32>
    %sqrt3A = math.sqrt %add3A_117 : vector<264x512xf32>
    %add3A_118 = arith.constant 9.99999993E-9 : f32
    %add3A_119 = vector.broadcast %add3A_118 : f32 to vector<264x512xf32>
    %add3A_120 = arith.addf %sqrt3A, %add3A_119 : vector<264x512xf32>
    %log3A = math.log %add3A_120 : vector<264x512xf32>
    %swap3A = arith.constant 0 : index
    %swap3A_121 = arith.constant 0 : index
    %swap3A_122 = arith.constant 0 : index
    %swap3A_123 = vector.load %arg10[%swap3A, %swap3A_121, %swap3A_122] : memref<1x264x512xf32, #tpu.memory_space<vmem>>, vector<1x264x512xf32>
    %swap3A_124 = vector.shape_cast %swap3A_123 : vector<1x264x512xf32> to vector<264x512xf32>
    %swap3A_125 = vector.shape_cast %log3A : vector<264x512xf32> to vector<1x264x512xf32>
    tpu.vector_store %arg10[%swap3A, %swap3A_121, %swap3A_122], %swap3A_125 {strides = array<i32>} : memref<1x264x512xf32, #tpu.memory_space<vmem>>, vector<1x264x512xf32>,
    return
  }
  func.func @transform_0(%arg0: i32) -> (i32, i32, i32, i32) {
    %c0_i32 = arith.constant 0 : i32
    %c0_i32_0 = arith.constant 0 : i32
    %c0_i32_1 = arith.constant 0 : i32
    %c0_i32_2 = arith.constant 0 : i32
    return %arg0, %c0_i32, %c0_i32_0, %c0_i32_1 : i32, i32, i32, i32
  }
  func.func @transform_1(%arg0: i32) -> (i32, i32) {
    %c0_i32 = arith.constant 0 : i32
    %c0_i32_0 = arith.constant 0 : i32
    %c0_i32_1 = arith.constant 0 : i32
    return %c0_i32, %c0_i32_0 : i32, i32
  }
  func.func @transform_2(%arg0: i32) -> (i32, i32) {
    %c0_i32 = arith.constant 0 : i32
    %c0_i32_0 = arith.constant 0 : i32
    %c0_i32_1 = arith.constant 0 : i32
    return %c0_i32, %c0_i32_0 : i32, i32
  }
  func.func @transform_3(%arg0: i32) -> (i32, i32) {
    %c0_i32 = arith.constant 0 : i32
    %c0_i32_0 = arith.constant 0 : i32
    %c0_i32_1 = arith.constant 0 : i32
    return %c0_i32, %c0_i32_0 : i32, i32
  }
  func.func @transform_4(%arg0: i32) -> (i32, i32) {
    %c0_i32 = arith.constant 0 : i32
    %c0_i32_0 = arith.constant 0 : i32
    %c0_i32_1 = arith.constant 0 : i32
    return %c0_i32, %c0_i32_0 : i32, i32
  }
  func.func @transform_5(%arg0: i32) -> (i32, i32) {
    %c0_i32 = arith.constant 0 : i32
    %c0_i32_0 = arith.constant 0 : i32
    %c0_i32_1 = arith.constant 0 : i32
    return %c0_i32, %c0_i32_0 : i32, i32
  }
  func.func @transform_6(%arg0: i32) -> (i32, i32) {
    %c0_i32 = arith.constant 0 : i32
    %c0_i32_0 = arith.constant 0 : i32
    %c0_i32_1 = arith.constant 0 : i32
    return %c0_i32, %c0_i32_0 : i32, i32
  }
  func.func @transform_7(%arg0: i32) -> (i32, i32) {
    %c0_i32 = arith.constant 0 : i32
    %c0_i32_0 = arith.constant 0 : i32
    %c0_i32_1 = arith.constant 0 : i32
    return %c0_i32, %c0_i32_0 : i32, i32
  }
  func.func @transform_8(%arg0: i32) -> (i32, i32) {
    %c0_i32 = arith.constant 0 : i32
    %c0_i32_0 = arith.constant 0 : i32
    %c0_i32_1 = arith.constant 0 : i32
    return %c0_i32, %c0_i32_0 : i32, i32
  }
  func.func @transform_9(%arg0: i32) -> (i32, i32, i32) {
    %c0_i32 = arith.constant 0 : i32
    %c0_i32_0 = arith.constant 0 : i32
    %c0_i32_1 = arith.constant 0 : i32
    return %arg0, %c0_i32, %c0_i32_0 : i32, i32, i32
  }
}

module attributes {stable_mosaic.version = 14 : i64} {
  func.func @_loss_body(%arg0: memref<2x16x720xf32, #tpu.memory_space<vmem>>, %arg1: memref<2x16x720xf32, #tpu.memory_space<vmem>>, %arg2: memref<1x720xf32, #tpu.memory_space<vmem>>, %arg3: memref<1x1xf32, #tpu.memory_space<vmem>>) attributes {dimension_semantics = [], scalar_prefetch = 0 : i64, scratch_operands = 0 : i64, tpu.core_type = #tpu.core_type<tc>} {
    %iota3A = tpu.iota {dimensions = array<i32: 1>} : vector<16x720xi32>
    %lt3A = arith.constant 716 : i32
    %lt3A_0 = vector.broadcast %lt3A : i32 to vector<16x720xi32>
    %lt3A_1 = arith.cmpi slt, %iota3A, %lt3A_0 : vector<16x720xi32>
    %get3A = arith.constant 0 : index
    %get3A_2 = arith.constant 0 : index
    %get3A_3 = vector.load %arg2[%get3A, %get3A_2] : memref<1x720xf32, #tpu.memory_space<vmem>>, vector<1x720xf32>
    %get3A_4 = arith.constant 0 : index
    %get3A_5 = arith.constant 0 : index
    %get3A_6 = arith.constant 0 : index
    %get3A_7 = vector.load %arg0[%get3A_4, %get3A_5, %get3A_6] : memref<2x16x720xf32, #tpu.memory_space<vmem>>, vector<1x16x720xf32>
    %get3A_8 = vector.shape_cast %get3A_7 : vector<1x16x720xf32> to vector<16x720xf32>
    %get3A_9 = arith.constant 1 : index
    %get3A_10 = arith.constant 0 : index
    %get3A_11 = arith.constant 0 : index
    %get3A_12 = vector.load %arg0[%get3A_9, %get3A_10, %get3A_11] : memref<2x16x720xf32, #tpu.memory_space<vmem>>, vector<1x16x720xf32>
    %get3A_13 = vector.shape_cast %get3A_12 : vector<1x16x720xf32> to vector<16x720xf32>
    %add3A = arith.addf %get3A_8, %get3A_13 : vector<16x720xf32>
    %add3A_14 = arith.constant 1.000000e-10 : f32
    %add3A_15 = vector.broadcast %add3A_14 : f32 to vector<1x720xf32>
    %add3A_16 = arith.addf %get3A_3, %add3A_15 : vector<1x720xf32>
    %div3A = vector.broadcast %add3A_16 : vector<1x720xf32> to vector<16x720xf32>
    %div3A_17 = arith.divf %add3A, %div3A : vector<16x720xf32>
    %jit3A = arith.constant 0x7F800000 : f32
    %broadcast_in_dim3A = vector.broadcast %jit3A : f32 to vector<16x720xf32>
    %select_n3A = arith.select %lt3A_1, %div3A_17, %broadcast_in_dim3A : vector<16x720xi1>, vector<16x720xf32>
    %reduce_min3A = arith.constant dense<0x7F800000> : vector<16xf32>
    %reduce_min3A_18 = vector.multi_reduction <minimumf>, %select_n3A, %reduce_min3A [1] : vector<16x720xf32> to vector<16xf32>
    %broadcast_in_dim3A_19 = vector.shape_cast %reduce_min3A_18 : vector<16xf32> to vector<16x1xf32>
    %jit3A_20 = arith.constant 0xFF800000 : f32
    %broadcast_in_dim3A_21 = vector.broadcast %jit3A_20 : f32 to vector<16x720xf32>
    %select_n3A_22 = arith.select %lt3A_1, %div3A_17, %broadcast_in_dim3A_21 : vector<16x720xi1>, vector<16x720xf32>
    %reduce_max3A = arith.constant dense<0xFF800000> : vector<16xf32>
    %reduce_max3A_23 = vector.multi_reduction <maximumf>, %select_n3A_22, %reduce_max3A [1] : vector<16x720xf32> to vector<16xf32>
    %broadcast_in_dim3A_24 = vector.shape_cast %reduce_max3A_23 : vector<16xf32> to vector<16x1xf32>
    %sub3A = vector.broadcast %broadcast_in_dim3A_19 : vector<16x1xf32> to vector<16x720xf32>
    %sub3A_25 = arith.subf %div3A_17, %sub3A : vector<16x720xf32>
    %sub3A_26 = arith.subf %broadcast_in_dim3A_24, %broadcast_in_dim3A_19 : vector<16x1xf32>
    %div3A_27 = vector.broadcast %sub3A_26 : vector<16x1xf32> to vector<16x720xf32>
    %div3A_28 = arith.divf %sub3A_25, %div3A_27 : vector<16x720xf32>
    %get3A_29 = arith.constant 0 : index
    %get3A_30 = arith.constant 0 : index
    %get3A_31 = arith.constant 0 : index
    %get3A_32 = vector.load %arg1[%get3A_29, %get3A_30, %get3A_31] : memref<2x16x720xf32, #tpu.memory_space<vmem>>, vector<1x16x720xf32>
    %get3A_33 = vector.shape_cast %get3A_32 : vector<1x16x720xf32> to vector<16x720xf32>
    %get3A_34 = arith.constant 1 : index
    %get3A_35 = arith.constant 0 : index
    %get3A_36 = arith.constant 0 : index
    %get3A_37 = vector.load %arg1[%get3A_34, %get3A_35, %get3A_36] : memref<2x16x720xf32, #tpu.memory_space<vmem>>, vector<1x16x720xf32>
    %get3A_38 = vector.shape_cast %get3A_37 : vector<1x16x720xf32> to vector<16x720xf32>
    %add3A_39 = arith.addf %get3A_33, %get3A_38 : vector<16x720xf32>
    %add3A_40 = arith.constant 1.000000e-10 : f32
    %add3A_41 = vector.broadcast %add3A_40 : f32 to vector<1x720xf32>
    %add3A_42 = arith.addf %get3A_3, %add3A_41 : vector<1x720xf32>
    %div3A_43 = vector.broadcast %add3A_42 : vector<1x720xf32> to vector<16x720xf32>
    %div3A_44 = arith.divf %add3A_39, %div3A_43 : vector<16x720xf32>
    %jit3A_45 = arith.constant 0x7F800000 : f32
    %broadcast_in_dim3A_46 = vector.broadcast %jit3A_45 : f32 to vector<16x720xf32>
    %select_n3A_47 = arith.select %lt3A_1, %div3A_44, %broadcast_in_dim3A_46 : vector<16x720xi1>, vector<16x720xf32>
    %reduce_min3A_48 = arith.constant dense<0x7F800000> : vector<16xf32>
    %reduce_min3A_49 = vector.multi_reduction <minimumf>, %select_n3A_47, %reduce_min3A_48 [1] : vector<16x720xf32> to vector<16xf32>
    %broadcast_in_dim3A_50 = vector.shape_cast %reduce_min3A_49 : vector<16xf32> to vector<16x1xf32>
    %jit3A_51 = arith.constant 0xFF800000 : f32
    %broadcast_in_dim3A_52 = vector.broadcast %jit3A_51 : f32 to vector<16x720xf32>
    %select_n3A_53 = arith.select %lt3A_1, %div3A_44, %broadcast_in_dim3A_52 : vector<16x720xi1>, vector<16x720xf32>
    %reduce_max3A_54 = arith.constant dense<0xFF800000> : vector<16xf32>
    %reduce_max3A_55 = vector.multi_reduction <maximumf>, %select_n3A_53, %reduce_max3A_54 [1] : vector<16x720xf32> to vector<16xf32>
    %broadcast_in_dim3A_56 = vector.shape_cast %reduce_max3A_55 : vector<16xf32> to vector<16x1xf32>
    %sub3A_57 = vector.broadcast %broadcast_in_dim3A_50 : vector<16x1xf32> to vector<16x720xf32>
    %sub3A_58 = arith.subf %div3A_44, %sub3A_57 : vector<16x720xf32>
    %sub3A_59 = arith.subf %broadcast_in_dim3A_56, %broadcast_in_dim3A_50 : vector<16x1xf32>
    %div3A_60 = vector.broadcast %sub3A_59 : vector<16x1xf32> to vector<16x720xf32>
    %div3A_61 = arith.divf %sub3A_58, %div3A_60 : vector<16x720xf32>
    %sub3A_62 = arith.subf %div3A_28, %div3A_61 : vector<16x720xf32>
    %jit3A_63 = arith.constant 0.000000e+00 : f32
    %broadcast_in_dim3A_64 = vector.broadcast %jit3A_63 : f32 to vector<16x720xf32>
    %select_n3A_65 = arith.select %lt3A_1, %sub3A_62, %broadcast_in_dim3A_64 : vector<16x720xi1>, vector<16x720xf32>
    %mul3A = arith.mulf %select_n3A_65, %select_n3A_65 : vector<16x720xf32>
    %reduce_sum3A = vector.shape_cast %mul3A : vector<16x720xf32> to vector<1x16x720xf32>
    %reduce_sum3A_66 = arith.constant dense<0.000000e+00> : vector<1xf32>
    %reduce_sum3A_67 = vector.multi_reduction <add>, %reduce_sum3A, %reduce_sum3A_66 [1, 2] : vector<1x16x720xf32> to vector<1xf32>
    %reduce_sum3A_68 = vector.shape_cast %reduce_sum3A_67 : vector<1xf32> to vector<1x1x1xf32>
    %reduce_sum3A_69 = vector.extract %reduce_sum3A_68[0, 0, 0] : f32 from vector<1x1x1xf32>
    %div3A_70 = arith.constant 1.145600e+04 : f32
    %div3A_71 = arith.divf %reduce_sum3A_69, %div3A_70 : f32
    %reshape3A = vector.broadcast %div3A_71 : f32 to vector<1x1xf32>
    %swap3A = arith.constant 0 : index
    %swap3A_72 = arith.constant 0 : index
    %swap3A_73 = vector.load %arg3[%swap3A, %swap3A_72] : memref<1x1xf32, #tpu.memory_space<vmem>>, vector<1x1xf32>
    tpu.vector_store %arg3[%swap3A, %swap3A_72], %reshape3A {strides = array<i32>} : memref<1x1xf32, #tpu.memory_space<vmem>>, vector<1x1xf32>,
    return
  }
}

</mosaic_0001>

<sc_bundles>
// kernel: kernel.10.cloned.1.call-start
scs
__scs_entry_jumppad:
0x0: {  	(pc) =	sbr.rel $0x88, $3  }
0x1: {  	(tag) =	ssettag $0x0;
	lr =	simm.s32 $0x1  }
0x2: {  	[smem:$0x3F9F] =	sst lr;
	_ =	strace $0xD0000000  }
0x3: {  	_ = 	snop  }
0x4: {  	_ = 	snop  }
0x5: {  	_ = 	snop  }
0x6: {  	_ = 	snop  }
0x7: {  	_ = 	snop  }
__scs_overlays_trampoline_lowered:
0x8: {  	[smem:$0x3FAE] =	sst s0  }
0x9: {  	[smem:$0x3FAF] =	sst s1  }
0xa: {  	[smem:$0x3FB0] =	sst s2  }
0xb: {  	[smem:$0x3FB1] =	sst s3  }
0xc: {  	[smem:$0x3FB2] =	sst s4  }
0xd: {  	[smem:$0x3FB3] =	sst s5  }
0xe: {  	[smem:$0x3FB4] =	sst s6  }
0xf: {  	[smem:$0x3FB5] =	sst s7  }
0x10: {  	[smem:$0x3FB6] =	sst s8  }
0x11: {  	[smem:$0x3FB7] =	sst s9;
	s0 =	simm.s32 @!p0 $0x0  }
0x12: {  	s1 =	sld [smem:$0x3F9D];
	s0 =	simm.s32 @p0 $0x1  }
0x13: {  	[smem:$0x3FB8] =	sst s0;
	s0 =	simm.s32 @!p1 $0x0  }
0x14: {  	s2 =	sld [smem:$0x3F9C];
	s0 =	simm.s32 @p1 $0x1  }
0x15: {  	[smem:$0x3FB9] =	sst s0;
	s0 =	simm.s32 @!p2 $0x0  }
0x16: {  	s3 =	sld [smem:$0x3FDB];
	s0 =	simm.s32 @p2 $0x1  }
0x17: {  	s4 =	simm.s32 $0x1BF5;
	[smem:$0x3FBB] =	sst s0  }
0x18: {  	s0 =	sld [smem:$0x3F9E];
	_ =	swait.ge [sflag:s4], $0x0  }
0x19: {  	s7 =	sld [smem:$0x3F9F]  }
0x1a: {  	s8 =	sadd.s32 $0xFFFFE003, lr  }
0x1b: {  	s9 =	sadd.s32 $0xFFFFFEF7, lr;
	s5 =	simm.s32 $0xFFFFFFFF;
	p2 =	slt.u32 s8, $0xFFFFF086  }
0x1c: {  	p1 =	slt.u32 s9, $0xF7A;
	s5 =	simm.s32 @!p2 $0x0  }
0x1d: {  	s5 =	simm.s32 @p1 $0x1;
	p0 =	seq.s32 s7, s2  }
0x1e: {  	s7 =	smul.u32 @!p0 $0xF7A, s2;
	p2 =	seq.s32 @!p0 s5, $0x0  }
0x1f: {  	s9 =	smul.u32 $0xF7A, s1;
	s8 =	simm.s32 @!p0 $0x1BF5;
	p2 =	por !p2, p0  }
0x20: {  	[sflag:s8] =	ssyncset.s32 @!p0 $0xFFFFF086;
	s6 =	sadd.s32 @!p0 s3, s7;
	s7 =	simm.s32 @!p0 $0x108  }
0x21: {  	s3 =	sadd.s32 s3, s9;
	s6 =	sadd.s32 @!p0 $0x88, s6;
	s7 =	simm.s32 @p2 $0x1082  }
0x22: {  	[simem:s7], [sflag:s8] =	dma.local @!p0 [hbm:s6], $0xF7A  }
0x23: {  	s9 =	sor.u32 $0xD0000000, s2;
	s6 =	simm.s32 $0x108;
	_ =	swait.ge @!p0 [sflag:s8], $0x0  }
0x24: {  	s3 =	sadd.s32 $0x88, s3;
	s6 =	simm.s32 @!p1 $0x1082;
	[sflag:s4] =	ssyncset.s32 $0xFFFFF086  }
0x25: {  	[simem:s6], [sflag:s4] =	dma.local [hbm:s3], $0xF7A  }
0x26: {  	[smem:$0x3F9F] =	sst s1;
	(tag) =	ssettag s2;
	_ =	strace s9  }
0x27: {  	s1 =	sld [smem:$0x3FAF]  }
0x28: {  	s2 =	sld [smem:$0x3FB0]  }
0x29: {  	s4 =	sld [smem:$0x3FB2]  }
0x2a: {  	p0 =	seq.s32 s5, $0x0;
	s5 =	sld [smem:$0x3FB3]  }
0x2b: {  	s6 =	sld [smem:$0x3FB4]  }
0x2c: {  	s7 =	sld [smem:$0x3FB5]  }
0x2d: {  	s3 =	simm.s32 $0x108;
	s8 =	sld [smem:$0x3FB6]  }
0x2e: {  	s3 =	simm.s32 @!p0 $0x1082;
	s9 =	sld [smem:$0x3FB7]  }
0x2f: {  	lr =	sadd.s32 s0, s3;
	s0 =	sld [smem:$0x3FAE]  }
0x30: {  	s3 =	sld [smem:$0x3FB1]  }
0x31: {  	[smem:$0x3FBA] =	sst s10  }
0x32: {  	s10 =	sld [smem:$0x3FB8];
	_ =	sdelay $0x3  }
0x33: {  	p0 =	seq.s32 s10, $0x1;
	s10 =	sld [smem:$0x3FBA];
	_ =	sdelay $0x3  }
0x34: {  	[smem:$0x3FBA] =	sst s10  }
0x35: {  	s10 =	sld [smem:$0x3FB9];
	_ =	sdelay $0x3  }
0x36: {  	p1 =	seq.s32 s10, $0x1;
	s10 =	sld [smem:$0x3FBA];
	_ =	sdelay $0x3  }
0x37: {  	[smem:$0x3FBA] =	sst s10  }
0x38: {  	s10 =	sld [smem:$0x3FBB]  }
0x39: {  	_ = 	snop;
	(pc) =	sbr.ind lr, $3  }
0x3a: {  	_ = 	snop  }
0x3b: {  	_ = 	snop  }
0x3c: {  	p2 =	seq.s32 s10, $0x1;
	s10 =	sld [smem:$0x3FBA]  }
0x3d: {  	_ =	shalt  }
0x3e: {  	_ =	shalt  }
0x3f: {  	_ =	shalt  }
0x40: {  	_ =	shalt  }
0x41: {  	_ =	shalt  }
0x42: {  	_ =	shalt  }
0x43: {  	_ =	shalt  }
0x44: {  	_ =	shalt  }
0x45: {  	_ =	shalt  }
0x46: {  	_ =	shalt  }
0x47: {  	_ =	shalt  }
0x48: {  	_ =	shalt  }
0x49: {  	_ =	shalt  }
0x4a: {  	_ =	shalt  }
0x4b: {  	_ =	shalt  }
0x4c: {  	_ =	shalt  }
0x4d: {  	_ =	shalt  }
0x4e: {  	_ =	shalt  }
0x4f: {  	_ =	shalt  }
0x50: {  	_ =	shalt  }
0x51: {  	_ =	shalt  }
0x52: {  	_ =	shalt  }
0x53: {  	_ =	shalt  }
0x54: {  	_ =	shalt  }
0x55: {  	_ =	shalt  }
0x56: {  	_ =	shalt  }
0x57: {  	_ =	shalt  }
0x58: {  	_ =	shalt  }
0x59: {  	_ =	shalt  }
0x5a: {  	_ =	shalt  }
0x5b: {  	_ =	shalt  }
0x5c: {  	_ =	shalt  }
0x5d: {  	_ =	shalt  }
0x5e: {  	_ =	shalt  }
0x5f: {  	_ =	shalt  }
0x60: {  	_ =	shalt  }
0x61: {  	_ =	shalt  }
0x62: {  	_ =	shalt  }
0x63: {  	_ =	shalt  }
0x64: {  	_ =	shalt  }
0x65: {  	_ =	shalt  }
0x66: {  	_ =	shalt  }
0x67: {  	_ =	shalt  }
0x68: {  	_ =	shalt  }
0x69: {  	_ =	shalt  }
0x6a: {  	_ =	shalt  }
0x6b: {  	_ =	shalt  }
0x6c: {  	_ =	shalt  }
0x6d: {  	_ =	shalt  }
0x6e: {  	_ =	shalt  }
0x6f: {  	_ =	shalt  }
0x70: {  	_ =	shalt  }
0x71: {  	_ =	shalt  }
0x72: {  	_ =	shalt  }
0x73: {  	_ =	shalt  }
0x74: {  	_ =	shalt  }
0x75: {  	_ =	shalt  }
0x76: {  	_ =	shalt  }
0x77: {  	_ =	shalt  }
0x78: {  	_ =	shalt  }
0x79: {  	_ =	shalt  }
0x7a: {  	_ =	shalt  }
0x7b: {  	_ =	shalt  }
0x7c: {  	_ =	shalt  }
0x7d: {  	_ =	shalt  }
0x7e: {  	_ =	shalt  }
0x7f: {  	_ =	shalt  }
0x80: {  	_ =	shalt  }
0x81: {  	_ =	shalt  }
0x82: {  	_ =	shalt  }
0x83: {  	_ =	shalt  }
0x84: {  	_ =	shalt  }
0x85: {  	_ =	shalt  }
0x86: {  	_ =	shalt  }
0x87: {  	_ =	shalt  }
.Lfunc_end0:
.L_simem_size_0:
called_computation.1_lowered:
.L_overlay_start_0:
0x88: {  	s2 =	sld [smem:$0x3FD9]  }
0x89: {  	s3 =	sld [smem:$0x3FFE];
	_ =	sdelay $0x1  }
0x8a: {  	s1 =	srdreg.scid  }
0x8b: {  	s0 =	sand.u32 $0x1, s1  }
0x8c: {  	s16 =	sshll.u32 s0, $0xA;
	s2 =	sadd.s32 s3, s2  }
0x8d: {  	s2 =	sadd.s32 s2, s16  }
0x8e: {  	[smem:$0x3FC6] =	sst s2  }
0x8f: {  	_ = 	snop  }
0x90: {  	(tm) =	ssettm $0x1  }
0x91: {  	s17 =	sld [smem:$0x3FFB];
	_ =	sdelay $0x3  }
0x92: {  	_ =	strace s17  }
0x93: {  	s2 =	sld [smem:$0x3FFC];
	_ =	sdelay $0x3  }
0x94: {  	_ =	strace s2  }
0x95: {  	s2 =	sld [smem:$0x3FFD];
	_ =	sdelay $0x3  }
0x96: {  	_ =	strace s2  }
0x97: {  	_ =	strace $0x8FFFFFFF  }
0x98: {  	s18 =	sld [smem:$0x3FDB];
	_ =	sdelay $0x1  }
0x99: {  	s19 =	simm.s32 $_scs_section_size  }
0x9a: {  	s4 =	simm.s32 $_size__tile_overlayer_lowered;
	s5 =	simm.s32 $_tile_overlayer_lowered  }
0x9b: {  	s22 =	simm.s32 $0x1BFF;
	s21 =	sshll.u32 s5, $0x1;
	s2 =	sadd.s32 s19, s18  }
0x9c: {  	s6 =	simm.s32 $0x0;
	s20 =	sshll.u32 s4, $0x1;
	s4 =	sadd.s32 s21, s2  }
0x9d: {  	[timem:s6], [sflag:s22] =	dma.local [hbm:s4], s20  }
0x9e: {  	_ =	swait.ge [sflag:s22], s20  }
0x9f: {  	s3 =	ssub.s32 $0x0, s20;
	[sflag:s22] =	ssyncset.done $0x0  }
0xa0: {  	[sflag:s22] =	ssyncadd.s32 s3;
	_ =	sdelay $0x1  }
0xa1: {  	s23 =	simm.s32 $0x1B8B  }
0xa2: {  	_ =	swait.ge [sflag:s23], $0x1  }
0xa3: {  	[sflag:s23] =	ssyncset.done $0x0  }
0xa4: {  	s25 =	simm.s32 $0x1B8E;
	s24 =	sld [smem:$0x3FFE];
	[sflag:s23] =	ssyncadd.s32 $0xFFFFFFFF  }
0xa5: {  	s26 =	simm.s32 $execute0_lowered;
	[smem:$0x3FD2] =	sst s25  }
0xa6: {  	s4 =	sshll.u32 s26, $0x1;
	_ =	strace $0x80000046;
	[dreg:$0x1] =	wrdreg $0xFFFFFFFF  }
0xa7: {  	s28 =	simm.s32 $_size_execute0_lowered;
	s2 =	sadd.s32 s2, s4;
	[dreg:$0x0] =	wrdreg $0x0  }
0xa8: {  	s4 =	sshll.u32 s28, $0x1;
	[dreg:$0x2] =	wrdreg s2  }
0xa9: {  	[dreg:$0x3] =	wrdreg s4  }
0xaa: {  	[dreg:$0x4] =	wrdreg $0xC0  }
0xab: {  	_ =	task [dreg:s6], $0x5FFFF  }
0xac: {  	[dreg:$0x1] =	wrdreg $0xFFFFFFFF  }
0xad: {  	[dreg:$0x0] =	wrdreg $0x60  }
0xae: {  	[dreg:$0x2] =	wrdreg s24  }
0xaf: {  	[dreg:$0x3] =	wrdreg $0xA  }
0xb0: {  	_ =	task.clear_ibuf [dreg:s6], $0x4FFFF;
	_ =	strace $0x90000046  }
0xb1: {  	s29 =	simm.s32 $0xA;
	_ =	strace $0x80000048  }
0xb2: {  	_ =	swait.ge [sflag:s29], $0x1  }
0xb3: {  	[sflag:s29] =	ssyncadd.s32 $0xFFFFFFFF  }
0xb4: {  	_ =	strace $0x90000048  }
0xb5: {  	_ =	sfence  }
0xb6: {  	s30 =	sld [smem:$0x0];
	_ =	sdelay $0x2  }
0xb7: {  	s31 =	sshll.u32 s1, $0xD;
	s1 =	sshrl.u32 s1, $0x2  }
0xb8: {  	s3 =	sand.u32 $0x4000, s31;
	s1 =	sadd.s32 s1, s30  }
0xb9: {  	s0 =	sor.u32 s3, s0;
	s1 =	sshll.u32 s1, $0x11  }
0xba: {  	s0 =	sor.u32 s1, s0  }
0xbb: {  	s0 =	sadd.s32 $0x8F2B, s0  }
0xbc: {  	[sflag:s0] =	ssyncadd.remote.s32 $0x1  }
0xbd: {  	_ =	sfence.sel $0xFFFF  }
0xbe: {  	[dreg:$0x0] =	wrdreg $0xFFFFFFFF;
	(pc) =	sbr.abs _section_cstart, $3  }
0xbf: {  	[dreg:$0x1] =	wrdreg $0xFFFFFFFF  }
0xc0: {  	_ =	task.clear_ibuf [dreg:s6], $0x2FFFF;
	_ =	strace $0x9FFFFFFF  }
0xc1: {  	(tm) =	ssettm $0x7FFFFFFF  }
tec
execute0_lowered:
.L_overlay_start_1:
0x0: {  	(tag) =	ssettag $0x1  }
0x1: {  	s1 =	srdreg.scid;
	s0 =	stileid.u32  }
0x2: {  	s6 =	rddreg [dreg:$0x0];
	s2 =	simm.s32 $0x0;
	s14 =	simm.s32 $0x2  }
0x3: {  	s15 =	simm.s32 $0x4000;
	s16 =	simm.s32 $0x80;
	s17 =	simm.s32 $0x400  }
0x4: {  	s18 =	simm.s32 $0x6D80;
	s19 =	simm.s32 $0x3;
	s20 =	simm.s32 $0x0  }
0x5: {  	s7 =	sand.u32 $0x1, s1;
	s4 =	sshrl.u32 s0, $0x3;
	s1 =	rddreg [dreg:$0x1]  }
0x6: {  	[smem:$0x7FF] =	sst s2;
	s5 =	sshll.u32 s0, $0x7;
	s3 =	smul.u32 $0x3000, s7  }
0x7: {  	s4 =	smul.u32 $0x1800, s4;
	_ =	strace $0x80000047;
	s5 =	sand.u32 $0x380, s5  }
0x8: {  	s9 =	ssub.s32 $0x2, s7;
	s30 =	sshll.u32 s7, $0x10;
	s31 =	smul.u32 $0x11, s7  }
0x9: {  	s12 =	sshll.u32 s7, $0xD;
	s29 =	sshrl.u32 s9, $0x1;
	s8 =	sadd.s32 s3, s4  }
0xa: {  	s3 =	sadd.s32 $0x1C00, s6;
	s4 =	sadd.s32 $0x47E00, s6;
	s5 =	sor.u32 s5, s8  }
0xb: {  	s11 =	ssub.s32 s9, s29;
	s8 =	sshrl.u32 s5, $0x3;
	s5 =	smul.u32 $0x21000, s0  }
0xc: {  	s11 =	smax.u32 s11, $0x1;
	s10 =	sadd.s32 s8, s6;
	s6 =	sshll.u32 s7, $0x4  }
0xd: {  	s7 =	sadd.s32 $0x10, s31;
	s8 =	sadd.s32 s30, s5;
	s10 =	sadd.s32 $0x4C000, s10  }
0xe: {  	p0 =	slt.u32 s6, s7;
	s13 =	sshrl.u32 s8, $0x3;
	s8 =	sadd.s32 s4, s12  }
0xf: {  	v0 =	vimm.f32 $0.0e+00;
	s12 =	simm.s32 $0x2000;
	s9 =	sadd.s32 s3, s13;
	s13 =	simm.s32 $0x1  }
.LBB2_1:
0x10: {  	s21 =	simm.s32 $0x40;
	s22 =	simm.s32 $0x0  }
.LBB2_2:
0x11: {  	p1 =	sne.s32 s21, $0xB400;
	[tilespmem:s22+$0x4000] =	vst v0;
	s22 =	smov.u32 s21;
	s21 =	sadd.s32 $0x40, s21  }
.Ltmp0:
0x12: {  	(pc) =	sbr.rel @p1 .LBB2_2-.Ltmp0, $2  }
0x13: {  	_ =	sdelay $0x2  }
0x14: {  	s22 =	sshra.s32 s22, $0x2  }
.Ltmp1:
0x15: {  	(pc) =	sbr.rel @!p0 .LBB2_4-.Ltmp1, $4  }
0x16: {  	[tilespmem:s22+$0x4000] =	vst v0  }
0x17: {  	[tilespmem:s2], [sflag:$0x1] =	stream.linear.gather [hbm4b:s8+s2], $0x1000, $0x38;
	[tilespmem:$0x7080] =	vst v63  }
0x18: {  	p1 =	por $0x0, $0x0;
	s21 =	smov.u32 s6  }
0x19: {  	[tilespmem:s12], [sflag:$0x2] =	stream.linear.gather [hbm4b:s9+s2], $0x1000, $0x38;
	[tilespmem:$0x7080] =	vst v63  }
.LBB2_9:
0x1a: {  	_ =	swait.ge [sflag:s13], $0x1000  }
0x1b: {  	s22 =	simm.s32 $0x1;
	s21 =	sadd.s32 $0x1, s21;
	[sflag:s13] =	ssyncset.done $0x0  }
0x1c: {  	s22 =	simm.s32 @!p1 $0x0;
	p2 =	sge.u32 s21, s7;
	[sflag:s13] =	ssyncadd.s32 $0xFFFFF000  }
0x1d: {  	s22 =	sshll.u32 s22, $0xC;
	s24 =	sshll.u32 @!p2 s21, $0xC;
	s25 =	sshll.u32 @!p2 s21, $0x9  }
0x1e: {  	s28 =	simm.s32 @!p2 $0x0;
	_ =	swait.ge [sflag:s14], $0x1000;
	s23 =	sor.u32 $0x2800, s22  }
0x1f: {  	s26 =	sand.u32 @!p2 $0x1000, s24;
	s24 =	sadd.s32 @!p2 s5, s24;
	[sflag:s14] =	ssyncset.done $0x0;
	v1 =	vmov s23  }
0x20: {  	s25 =	sadd.s32 @!p2 s4, s25;
	v2 =	vmov s22;
	s23 =	sshrl.u32 @!p2 s24, $0x3;
	[sflag:s14] =	ssyncadd.s32 $0xFFFFF000  }
0x21: {  	[tilespmem:s26], [sflag:$0x1] =	stream.linear.gather @!p2 [hbm4b:s25+s28], $0x1000, $0x38;
	[tilespmem:$0x7080] =	vst v63  }
0x22: {  	s31 =	simm.s32 $0x0;
	s22 =	sor.u32 @!p2 $0x2000, s26;
	s23 =	sadd.s32 @!p2 s3, s23  }
0x23: {  	[tilespmem:s22], [sflag:$0x2] =	stream.linear.gather @!p2 [hbm4b:s23+s28], $0x1000, $0x38;
	[tilespmem:$0x7080] =	vst v63  }
0x24: {  	v3 =	vld.idx.msk [tilespmem:v1+s31+$0xFFFFF800 ss:$0x1], $0xffff  }
0x25: {  	v4 =	vld.idx.msk [tilespmem:v2+s31+$0x10 ss:$0x1], $0xffff  }
0x26: {  	v5 =	vld.idx.msk [tilespmem:v1+s31+$0xFFFFF810 ss:$0x1], $0xffff  }
0x27: {  	v6 =	vld.idx.msk [tilespmem:v2+s31+$0x20 ss:$0x1], $0xffff  }
0x28: {  	v7 =	vld.idx.msk [tilespmem:v2+s31+$0x40 ss:$0x1], $0xffff  }
0x29: {  	v8 =	vld.idx.msk [tilespmem:v2+s31+$0x0 ss:$0x1], $0xffff  }
0x2a: {  	v9 =	vld.idx.msk [tilespmem:v2+s31+$0x30 ss:$0x1], $0xffff  }
0x2b: {  	v10 =	vld.idx.msk [tilespmem:v1+s31+$0xFFFFF840 ss:$0x1], $0xffff  }
0x2c: {  	v11 =	vld.idx.msk [tilespmem:v2+s31+$0x70 ss:$0x1], $0xffff  }
0x2d: {  	v12 =	vld.idx.msk [tilespmem:v1+s31+$0xFFFFF820 ss:$0x1], $0xffff  }
0x2e: {  	v13 =	vld.idx.msk [tilespmem:v2+s31+$0x50 ss:$0x1], $0xffff  }
0x2f: {  	v14 =	vld.idx.msk [tilespmem:v1+s31+$0xFFFFF850 ss:$0x1], $0xffff;
	v15 =	vand.u32 $0xFFFF, v8  }
0x30: {  	v16 =	vld.idx.msk [tilespmem:v2+s31+$0x60 ss:$0x1], $0xffff;
	v8 =	vshra.s32 v8, $0x10  }
0x31: {  	v18 =	vld.idx.msk [tilespmem:v1+s31+$0xFFFFF830 ss:$0x1], $0xffff;
	v17 =	vand.u32 $0xFFFF, v4  }
0x32: {  	v19 =	vld.idx.msk [tilespmem:v1+s31+$0xFFFFF860 ss:$0x1], $0xffff;
	v4 =	vshra.s32 v4, $0x10  }
0x33: {  	v21 =	vld.idx.msk [tilespmem:v1+s31+$0xFFFFF870 ss:$0x1], $0xffff;
	v20 =	vand.u32 $0xFFFF, v6  }
0x34: {  	v6 =	vshra.s32 v6, $0x10;
	[tilespmem:v15+s15+$0x0] =	vst.idx.add.f32.msk $0xffff, v3  }
0x35: {  	v33 =	vand.u32 $0xFFFF, v9;
	[tilespmem:v8+s15+$0x0] =	vst.idx.add.f32.msk $0xffff, v3  }
0x36: {  	v3 =	vshra.s32 v9, $0x10;
	[tilespmem:v17+s15+$0x0] =	vst.idx.add.f32.msk $0xffff, v5  }
0x37: {  	v34 =	vand.u32 $0xFFFF, v7;
	[tilespmem:v4+s15+$0x0] =	vst.idx.add.f32.msk $0xffff, v5  }
0x38: {  	v4 =	vshra.s32 v7, $0x10;
	[tilespmem:v20+s15+$0x0] =	vst.idx.add.f32.msk $0xffff, v12  }
0x39: {  	v5 =	vand.u32 $0xFFFF, v13;
	[tilespmem:v6+s15+$0x0] =	vst.idx.add.f32.msk $0xffff, v12  }
0x3a: {  	v6 =	vshra.s32 v13, $0x10;
	[tilespmem:v33+s15+$0x0] =	vst.idx.add.f32.msk $0xffff, v18  }
0x3b: {  	v7 =	vand.u32 $0xFFFF, v16;
	[tilespmem:v3+s15+$0x0] =	vst.idx.add.f32.msk $0xffff, v18  }
0x3c: {  	v3 =	vshra.s32 v16, $0x10;
	[tilespmem:v34+s15+$0x0] =	vst.idx.add.f32.msk $0xffff, v10  }
0x3d: {  	[tilespmem:v4+s15+$0x0] =	vst.idx.add.f32.msk $0xffff, v10;
	v4 =	vand.u32 $0xFFFF, v11  }
0x3e: {  	v35 =	vshra.s32 v11, $0x10;
	[tilespmem:v5+s15+$0x0] =	vst.idx.add.f32.msk $0xffff, v14  }
0x3f: {  	[tilespmem:v6+s15+$0x0] =	vst.idx.add.f32.msk $0xffff, v14  }
0x40: {  	[tilespmem:v7+s15+$0x0] =	vst.idx.add.f32.msk $0xffff, v19  }
0x41: {  	[tilespmem:v3+s15+$0x0] =	vst.idx.add.f32.msk $0xffff, v19  }
0x42: {  	[tilespmem:v4+s15+$0x0] =	vst.idx.add.f32.msk $0xffff, v21  }
0x43: {  	[tilespmem:v35+s15+$0x0] =	vst.idx.add.f32.msk $0xffff, v21  }
0x44: {  	v3 =	vld.idx.msk [tilespmem:v2+s31+$0x430 ss:$0x1], $0xffff  }
0x45: {  	v4 =	vld.idx.msk [tilespmem:v1+s31+$0xFFFFFC00 ss:$0x1], $0xffff  }
0x46: {  	v5 =	vld.idx.msk [tilespmem:v2+s31+$0x420 ss:$0x1], $0xffff  }
0x47: {  	v6 =	vld.idx.msk [tilespmem:v1+s31+$0xFFFFFC10 ss:$0x1], $0xffff  }
0x48: {  	v7 =	vld.idx.msk [tilespmem:v2+s31+$0x440 ss:$0x1], $0xffff  }
0x49: {  	v8 =	vld.idx.msk [tilespmem:v2+s31+$0x400 ss:$0x1], $0xffff  }
0x4a: {  	v36 =	vld.idx.msk [tilespmem:v2+s31+$0x410 ss:$0x1], $0xffff  }
0x4b: {  	v10 =	vld.idx.msk [tilespmem:v1+s31+$0xFFFFFC50 ss:$0x1], $0xffff  }
0x4c: {  	v37 =	vld.idx.msk [tilespmem:v1+s31+$0xFFFFFC40 ss:$0x1], $0xffff  }
0x4d: {  	v12 =	vld.idx.msk [tilespmem:v1+s31+$0xFFFFFC20 ss:$0x1], $0xffff  }
0x4e: {  	v38 =	vld.idx.msk [tilespmem:v1+s31+$0xFFFFFC30 ss:$0x1], $0xffff  }
0x4f: {  	v14 =	vld.idx.msk [tilespmem:v2+s31+$0x450 ss:$0x1], $0xffff;
	v39 =	vand.u32 $0xFFFF, v8  }
0x50: {  	v40 =	vld.idx.msk [tilespmem:v2+s31+$0x460 ss:$0x1], $0xffff;
	v8 =	vshra.s32 v8, $0x10  }
0x51: {  	v18 =	vld.idx.msk [tilespmem:v2+s31+$0x470 ss:$0x1], $0xffff;
	v41 =	vand.u32 $0xFFFF, v36  }
0x52: {  	v19 =	vld.idx.msk [tilespmem:v1+s31+$0xFFFFFC60 ss:$0x1], $0xffff;
	v9 =	vshra.s32 v36, $0x10  }
0x53: {  	v21 =	vld.idx.msk [tilespmem:v1+s31+$0xFFFFFC70 ss:$0x1], $0xffff;
	v42 =	vand.u32 $0xFFFF, v5  }
0x54: {  	v5 =	vshra.s32 v5, $0x10;
	[tilespmem:v39+s15+$0x0] =	vst.idx.add.f32.msk $0xffff, v4  }
0x55: {  	v43 =	vand.u32 $0xFFFF, v3;
	[tilespmem:v8+s15+$0x0] =	vst.idx.add.f32.msk $0xffff, v4  }
0x56: {  	v3 =	vshra.s32 v3, $0x10;
	[tilespmem:v41+s15+$0x0] =	vst.idx.add.f32.msk $0xffff, v6  }
0x57: {  	v4 =	vand.u32 $0xFFFF, v7;
	[tilespmem:v9+s15+$0x0] =	vst.idx.add.f32.msk $0xffff, v6  }
0x58: {  	v6 =	vshra.s32 v7, $0x10;
	[tilespmem:v42+s15+$0x0] =	vst.idx.add.f32.msk $0xffff, v12  }
0x59: {  	v7 =	vand.u32 $0xFFFF, v14;
	[tilespmem:v5+s15+$0x0] =	vst.idx.add.f32.msk $0xffff, v12  }
0x5a: {  	v5 =	vshra.s32 v14, $0x10;
	[tilespmem:v43+s15+$0x0] =	vst.idx.add.f32.msk $0xffff, v38  }
0x5b: {  	v44 =	vand.u32 $0xFFFF, v40;
	[tilespmem:v3+s15+$0x0] =	vst.idx.add.f32.msk $0xffff, v38  }
0x5c: {  	v3 =	vshra.s32 v40, $0x10;
	[tilespmem:v4+s15+$0x0] =	vst.idx.add.f32.msk $0xffff, v37  }
0x5d: {  	v4 =	vand.u32 $0xFFFF, v18;
	[tilespmem:v6+s15+$0x0] =	vst.idx.add.f32.msk $0xffff, v37  }
0x5e: {  	v6 =	vshra.s32 v18, $0x10;
	[tilespmem:v7+s15+$0x0] =	vst.idx.add.f32.msk $0xffff, v10  }
0x5f: {  	[tilespmem:v5+s15+$0x0] =	vst.idx.add.f32.msk $0xffff, v10  }
0x60: {  	[tilespmem:v44+s15+$0x0] =	vst.idx.add.f32.msk $0xffff, v19  }
0x61: {  	[tilespmem:v3+s15+$0x0] =	vst.idx.add.f32.msk $0xffff, v19  }
0x62: {  	[tilespmem:v4+s15+$0x0] =	vst.idx.add.f32.msk $0xffff, v21  }
0x63: {  	[tilespmem:v6+s15+$0x0] =	vst.idx.add.f32.msk $0xffff, v21  }
0x64: {  	v3 =	vld.idx.msk [tilespmem:v1+s31+$0x20 ss:$0x1], $0xffff  }
0x65: {  	v4 =	vld.idx.msk [tilespmem:v2+s31+$0x830 ss:$0x1], $0xffff  }
0x66: {  	v5 =	vld.idx.msk [tilespmem:v1+s31+$0x0 ss:$0x1], $0xffff  }
0x67: {  	v6 =	vld.idx.msk [tilespmem:v2+s31+$0x820 ss:$0x1], $0xffff  }
0x68: {  	v7 =	vld.idx.msk [tilespmem:v2+s31+$0x810 ss:$0x1], $0xffff  }
0x69: {  	v8 =	vld.idx.msk [tilespmem:v2+s31+$0x800 ss:$0x1], $0xffff  }
0x6a: {  	v9 =	vld.idx.msk [tilespmem:v1+s31+$0x30 ss:$0x1], $0xffff  }
0x6b: {  	v10 =	vld.idx.msk [tilespmem:v1+s31+$0x10 ss:$0x1], $0xffff  }
0x6c: {  	v11 =	vld.idx.msk [tilespmem:v2+s31+$0x840 ss:$0x1], $0xffff  }
0x6d: {  	v12 =	vld.idx.msk [tilespmem:v2+s31+$0x850 ss:$0x1], $0xffff  }
0x6e: {  	v13 =	vld.idx.msk [tilespmem:v2+s31+$0x860 ss:$0x1], $0xffff  }
0x6f: {  	v45 =	vld.idx.msk [tilespmem:v2+s31+$0x870 ss:$0x1], $0xffff;
	v46 =	vand.u32 $0xFFFF, v8  }
0x70: {  	v47 =	vld.idx.msk [tilespmem:v1+s31+$0x60 ss:$0x1], $0xffff;
	v8 =	vshra.s32 v8, $0x10  }
0x71: {  	v49 =	vld.idx.msk [tilespmem:v1+s31+$0x50 ss:$0x1], $0xffff;
	v48 =	vand.u32 $0xFFFF, v7  }
0x72: {  	v19 =	vld.idx.msk [tilespmem:v1+s31+$0x40 ss:$0x1], $0xffff;
	v7 =	vshra.s32 v7, $0x10  }
0x73: {  	v21 =	vld.idx.msk [tilespmem:v1+s31+$0x70 ss:$0x1], $0xffff;
	v50 =	vand.u32 $0xFFFF, v6  }
0x74: {  	v6 =	vshra.s32 v6, $0x10;
	[tilespmem:v46+s15+$0x0] =	vst.idx.add.f32.msk $0xffff, v5  }
0x75: {  	[tilespmem:v8+s15+$0x0] =	vst.idx.add.f32.msk $0xffff, v5;
	v5 =	vand.u32 $0xFFFF, v4  }
0x76: {  	v4 =	vshra.s32 v4, $0x10;
	[tilespmem:v48+s15+$0x0] =	vst.idx.add.f32.msk $0xffff, v10  }
0x77: {  	v51 =	vand.u32 $0xFFFF, v11;
	[tilespmem:v7+s15+$0x0] =	vst.idx.add.f32.msk $0xffff, v10  }
0x78: {  	v7 =	vshra.s32 v11, $0x10;
	[tilespmem:v50+s15+$0x0] =	vst.idx.add.f32.msk $0xffff, v3  }
0x79: {  	v52 =	vand.u32 $0xFFFF, v12;
	[tilespmem:v6+s15+$0x0] =	vst.idx.add.f32.msk $0xffff, v3  }
0x7a: {  	v3 =	vshra.s32 v12, $0x10;
	[tilespmem:v5+s15+$0x0] =	vst.idx.add.f32.msk $0xffff, v9  }
0x7b: {  	[tilespmem:v4+s15+$0x0] =	vst.idx.add.f32.msk $0xffff, v9;
	v4 =	vand.u32 $0xFFFF, v13  }
0x7c: {  	v5 =	vshra.s32 v13, $0x10;
	[tilespmem:v51+s15+$0x0] =	vst.idx.add.f32.msk $0xffff, v19  }
0x7d: {  	v6 =	vand.u32 $0xFFFF, v45;
	[tilespmem:v7+s15+$0x0] =	vst.idx.add.f32.msk $0xffff, v19  }
0x7e: {  	v7 =	vshra.s32 v45, $0x10;
	[tilespmem:v52+s15+$0x0] =	vst.idx.add.f32.msk $0xffff, v49  }
0x7f: {  	[tilespmem:v3+s15+$0x0] =	vst.idx.add.f32.msk $0xffff, v49  }
0x80: {  	[tilespmem:v4+s15+$0x0] =	vst.idx.add.f32.msk $0xffff, v47  }
0x81: {  	[tilespmem:v5+s15+$0x0] =	vst.idx.add.f32.msk $0xffff, v47  }
0x82: {  	[tilespmem:v6+s15+$0x0] =	vst.idx.add.f32.msk $0xffff, v21  }
0x83: {  	[tilespmem:v7+s15+$0x0] =	vst.idx.add.f32.msk $0xffff, v21  }
0x84: {  	v4 =	vld.idx.msk [tilespmem:v1+s31+$0x410 ss:$0x1], $0xffff  }
0x85: {  	v5 =	vld.idx.msk [tilespmem:v1+s31+$0x400 ss:$0x1], $0xffff  }
0x86: {  	v3 =	vld.idx.msk [tilespmem:v2+s31+$0xC10 ss:$0x1], $0xffff  }
0x87: {  	v6 =	vld.idx.msk [tilespmem:v2+s31+$0xC20 ss:$0x1], $0xffff  }
0x88: {  	v7 =	vld.idx.msk [tilespmem:v2+s31+$0xC30 ss:$0x1], $0xffff  }
0x89: {  	v8 =	vld.idx.msk [tilespmem:v2+s31+$0xC00 ss:$0x1], $0xffff  }
0x8a: {  	v9 =	vld.idx.msk [tilespmem:v2+s31+$0xC40 ss:$0x1], $0xffff  }
0x8b: {  	v10 =	vld.idx.msk [tilespmem:v1+s31+$0x420 ss:$0x1], $0xffff  }
0x8c: {  	v53 =	vld.idx.msk [tilespmem:v2+s31+$0xC50 ss:$0x1], $0xffff  }
0x8d: {  	v54 =	vld.idx.msk [tilespmem:v2+s31+$0xC60 ss:$0x1], $0xffff  }
0x8e: {  	v55 =	vld.idx.msk [tilespmem:v1+s31+$0x430 ss:$0x1], $0xffff  }
0x8f: {  	v56 =	vld.idx.msk [tilespmem:v2+s31+$0xC70 ss:$0x1], $0xffff;
	v57 =	vand.u32 $0xFFFF, v8  }
0x90: {  	v16 =	vld.idx.msk [tilespmem:v1+s31+$0x440 ss:$0x1], $0xffff;
	v8 =	vshra.s32 v8, $0x10  }
0x91: {  	v18 =	vld.idx.msk [tilespmem:v1+s31+$0x450 ss:$0x1], $0xffff;
	v58 =	vand.u32 $0xFFFF, v3  }
0x92: {  	v20 =	vld.idx.msk [tilespmem:v1+s31+$0x460 ss:$0x1], $0xffff;
	v59 =	vshra.s32 v3, $0x10  }
0x93: {  	v60 =	vand.u32 $0xFFFF, v6;
	v3 =	vld.idx.msk [tilespmem:v1+s31+$0x470 ss:$0x1], $0xffff  }
0x94: {  	v6 =	vshra.s32 v6, $0x10;
	[tilespmem:v57+s15+$0x0] =	vst.idx.add.f32.msk $0xffff, v5  }
0x95: {  	[tilespmem:v8+s15+$0x0] =	vst.idx.add.f32.msk $0xffff, v5;
	v5 =	vand.u32 $0xFFFF, v7  }
0x96: {  	v7 =	vshra.s32 v7, $0x10;
	[tilespmem:v58+s15+$0x0] =	vst.idx.add.f32.msk $0xffff, v4  }
0x97: {  	v61 =	vand.u32 $0xFFFF, v9;
	[tilespmem:v59+s15+$0x0] =	vst.idx.add.f32.msk $0xffff, v4  }
0x98: {  	v4 =	vshra.s32 v9, $0x10;
	[tilespmem:v60+s15+$0x0] =	vst.idx.add.f32.msk $0xffff, v10  }
0x99: {  	v62 =	vand.u32 $0xFFFF, v53;
	[tilespmem:v6+s15+$0x0] =	vst.idx.add.f32.msk $0xffff, v10  }
0x9a: {  	v6 =	vshra.s32 v53, $0x10;
	[tilespmem:v5+s15+$0x0] =	vst.idx.add.f32.msk $0xffff, v55  }
0x9b: {  	v5 =	vand.u32 $0xFFFF, v54;
	[tilespmem:v7+s15+$0x0] =	vst.idx.add.f32.msk $0xffff, v55  }
0x9c: {  	v7 =	vshra.s32 v54, $0x10;
	[tilespmem:v61+s15+$0x0] =	vst.idx.add.f32.msk $0xffff, v16  }
0x9d: {  	v63 =	vand.u32 $0xFFFF, v56;
	[tilespmem:v4+s15+$0x0] =	vst.idx.add.f32.msk $0xffff, v16  }
0x9e: {  	v4 =	vshra.s32 v56, $0x10;
	[tilespmem:v62+s15+$0x0] =	vst.idx.add.f32.msk $0xffff, v18  }
0x9f: {  	[tilespmem:v6+s15+$0x0] =	vst.idx.add.f32.msk $0xffff, v18  }
0xa0: {  	[tilespmem:v5+s15+$0x0] =	vst.idx.add.f32.msk $0xffff, v20  }
0xa1: {  	[tilespmem:v7+s15+$0x0] =	vst.idx.add.f32.msk $0xffff, v20  }
0xa2: {  	s22 =	simm.s32 $0x200;
	[tilespmem:v63+s15+$0x0] =	vst.idx.add.f32.msk $0xffff, v3  }
.LBB2_10:
0xa3: {  	s23 =	sshra.s32 s22, $0x2;
	p2 =	seq.s32 s22, $0xE00;
	s22 =	sadd.s32 $0x200, s22;
	[tilespmem:v4+s15+$0x0] =	vst.idx.add.f32.msk $0xffff, v3  }
0xa4: {  	v3 =	vld.idx.msk [tilespmem:v1+s23+$0xFFFFF800 ss:$0x1], $0xffff  }
0xa5: {  	v4 =	vld.idx.msk [tilespmem:v2+s23+$0x10 ss:$0x1], $0xffff  }
0xa6: {  	v5 =	vld.idx.msk [tilespmem:v1+s23+$0xFFFFF810 ss:$0x1], $0xffff  }
0xa7: {  	v6 =	vld.idx.msk [tilespmem:v2+s23+$0x20 ss:$0x1], $0xffff  }
0xa8: {  	v7 =	vld.idx.msk [tilespmem:v2+s23+$0x40 ss:$0x1], $0xffff  }
0xa9: {  	v8 =	vld.idx.msk [tilespmem:v2+s23+$0x0 ss:$0x1], $0xffff  }
0xaa: {  	v9 =	vld.idx.msk [tilespmem:v2+s23+$0x30 ss:$0x1], $0xffff  }
0xab: {  	v10 =	vld.idx.msk [tilespmem:v1+s23+$0xFFFFF840 ss:$0x1], $0xffff  }
0xac: {  	v12 =	vand.u32 $0xFFFF, v4;
	v11 =	vld.idx.msk [tilespmem:v2+s23+$0x70 ss:$0x1], $0xffff  }
0xad: {  	v4 =	vshra.s32 v4, $0x10;
	v13 =	vld.idx.msk [tilespmem:v1+s23+$0xFFFFF820 ss:$0x1], $0xffff  }
0xae: {  	v14 =	vld.idx.msk [tilespmem:v2+s23+$0x50 ss:$0x1], $0xffff  }
0xaf: {  	v16 =	vand.u32 $0xFFFF, v8;
	v15 =	vld.idx.msk [tilespmem:v1+s23+$0xFFFFF850 ss:$0x1], $0xffff  }
0xb0: {  	v8 =	vshra.s32 v8, $0x10;
	v18 =	vand.u32 $0xFFFF, v9;
	v17 =	vld.idx.msk [tilespmem:v2+s23+$0x60 ss:$0x1], $0xffff  }
0xb1: {  	v9 =	vshra.s32 v9, $0x10;
	v19 =	vld.idx.msk [tilespmem:v1+s23+$0xFFFFF830 ss:$0x1], $0xffff  }
0xb2: {  	v21 =	vand.u32 $0xFFFF, v6;
	v22 =	vand.u32 $0xFFFF, v7;
	v20 =	vld.idx.msk [tilespmem:v1+s23+$0xFFFFF860 ss:$0x1], $0xffff  }
0xb3: {  	v6 =	vshra.s32 v6, $0x10;
	v7 =	vshra.s32 v7, $0x10;
	v23 =	vld.idx.msk [tilespmem:v1+s23+$0xFFFFF870 ss:$0x1], $0xffff  }
0xb4: {  	[tilespmem:v16+s15+$0x0] =	vst.idx.add.f32.msk $0xffff, v3;
	v16 =	vand.u32 $0xFFFF, v14  }
0xb5: {  	v14 =	vshra.s32 v14, $0x10;
	[tilespmem:v8+s15+$0x0] =	vst.idx.add.f32.msk $0xffff, v3  }
0xb6: {  	v3 =	vand.u32 $0xFFFF, v17;
	[tilespmem:v12+s15+$0x0] =	vst.idx.add.f32.msk $0xffff, v5  }
0xb7: {  	[tilespmem:v4+s15+$0x0] =	vst.idx.add.f32.msk $0xffff, v5  }
0xb8: {  	[tilespmem:v21+s15+$0x0] =	vst.idx.add.f32.msk $0xffff, v13  }
0xb9: {  	[tilespmem:v6+s15+$0x0] =	vst.idx.add.f32.msk $0xffff, v13  }
0xba: {  	[tilespmem:v18+s15+$0x0] =	vst.idx.add.f32.msk $0xffff, v19  }
0xbb: {  	v4 =	vshra.s32 v17, $0x10;
	[tilespmem:v9+s15+$0x0] =	vst.idx.add.f32.msk $0xffff, v19  }
0xbc: {  	[tilespmem:v22+s15+$0x0] =	vst.idx.add.f32.msk $0xffff, v10  }
0xbd: {  	v5 =	vand.u32 $0xFFFF, v11;
	[tilespmem:v7+s15+$0x0] =	vst.idx.add.f32.msk $0xffff, v10  }
0xbe: {  	v6 =	vshra.s32 v11, $0x10;
	[tilespmem:v16+s15+$0x0] =	vst.idx.add.f32.msk $0xffff, v15  }
0xbf: {  	[tilespmem:v14+s15+$0x0] =	vst.idx.add.f32.msk $0xffff, v15  }
0xc0: {  	[tilespmem:v3+s15+$0x0] =	vst.idx.add.f32.msk $0xffff, v20  }
0xc1: {  	[tilespmem:v4+s15+$0x0] =	vst.idx.add.f32.msk $0xffff, v20  }
0xc2: {  	[tilespmem:v5+s15+$0x0] =	vst.idx.add.f32.msk $0xffff, v23  }
0xc3: {  	[tilespmem:v6+s15+$0x0] =	vst.idx.add.f32.msk $0xffff, v23  }
0xc4: {  	v3 =	vld.idx.msk [tilespmem:v2+s23+$0x430 ss:$0x1], $0xffff  }
0xc5: {  	v4 =	vld.idx.msk [tilespmem:v1+s23+$0xFFFFFC00 ss:$0x1], $0xffff  }
0xc6: {  	v5 =	vld.idx.msk [tilespmem:v2+s23+$0x420 ss:$0x1], $0xffff  }
0xc7: {  	v6 =	vld.idx.msk [tilespmem:v1+s23+$0xFFFFFC10 ss:$0x1], $0xffff  }
0xc8: {  	v7 =	vld.idx.msk [tilespmem:v2+s23+$0x440 ss:$0x1], $0xffff  }
0xc9: {  	v8 =	vld.idx.msk [tilespmem:v2+s23+$0x400 ss:$0x1], $0xffff  }
0xca: {  	v9 =	vld.idx.msk [tilespmem:v2+s23+$0x410 ss:$0x1], $0xffff  }
0xcb: {  	v10 =	vld.idx.msk [tilespmem:v1+s23+$0xFFFFFC50 ss:$0x1], $0xffff  }
0xcc: {  	v11 =	vld.idx.msk [tilespmem:v1+s23+$0xFFFFFC40 ss:$0x1], $0xffff  }
0xcd: {  	v12 =	vld.idx.msk [tilespmem:v1+s23+$0xFFFFFC20 ss:$0x1], $0xffff  }
0xce: {  	v14 =	vand.u32 $0xFFFF, v5;
	v13 =	vld.idx.msk [tilespmem:v1+s23+$0xFFFFFC30 ss:$0x1], $0xffff  }
0xcf: {  	v16 =	vshra.s32 v8, $0x10;
	v8 =	vand.u32 $0xFFFF, v8;
	v15 =	vld.idx.msk [tilespmem:v2+s23+$0x450 ss:$0x1], $0xffff  }
0xd0: {  	v19 =	vand.u32 $0xFFFF, v3;
	v5 =	vshra.s32 v5, $0x10;
	v18 =	vand.u32 $0xFFFF, v9;
	v17 =	vld.idx.msk [tilespmem:v2+s23+$0x460 ss:$0x1], $0xffff  }
0xd1: {  	v9 =	vshra.s32 v9, $0x10;
	v20 =	vld.idx.msk [tilespmem:v2+s23+$0x470 ss:$0x1], $0xffff  }
0xd2: {  	v3 =	vshra.s32 v3, $0x10;
	v21 =	vld.idx.msk [tilespmem:v1+s23+$0xFFFFFC60 ss:$0x1], $0xffff  }
0xd3: {  	v22 =	vld.idx.msk [tilespmem:v1+s23+$0xFFFFFC70 ss:$0x1], $0xffff  }
0xd4: {  	[tilespmem:v8+s15+$0x0] =	vst.idx.add.f32.msk $0xffff, v4  }
0xd5: {  	[tilespmem:v16+s15+$0x0] =	vst.idx.add.f32.msk $0xffff, v4  }
0xd6: {  	v4 =	vand.u32 $0xFFFF, v15;
	[tilespmem:v18+s15+$0x0] =	vst.idx.add.f32.msk $0xffff, v6  }
0xd7: {  	v8 =	vshra.s32 v15, $0x10;
	[tilespmem:v9+s15+$0x0] =	vst.idx.add.f32.msk $0xffff, v6;
	v6 =	vand.u32 $0xFFFF, v7  }
0xd8: {  	v7 =	vshra.s32 v7, $0x10;
	v9 =	vand.u32 $0xFFFF, v17;
	[tilespmem:v14+s15+$0x0] =	vst.idx.add.f32.msk $0xffff, v12  }
0xd9: {  	v14 =	vshra.s32 v17, $0x10;
	[tilespmem:v5+s15+$0x0] =	vst.idx.add.f32.msk $0xffff, v12  }
0xda: {  	[tilespmem:v19+s15+$0x0] =	vst.idx.add.f32.msk $0xffff, v13  }
0xdb: {  	[tilespmem:v3+s15+$0x0] =	vst.idx.add.f32.msk $0xffff, v13;
	v3 =	vand.u32 $0xFFFF, v20  }
0xdc: {  	[tilespmem:v6+s15+$0x0] =	vst.idx.add.f32.msk $0xffff, v11  }
0xdd: {  	v5 =	vshra.s32 v20, $0x10;
	[tilespmem:v7+s15+$0x0] =	vst.idx.add.f32.msk $0xffff, v11  }
0xde: {  	[tilespmem:v4+s15+$0x0] =	vst.idx.add.f32.msk $0xffff, v10  }
0xdf: {  	[tilespmem:v8+s15+$0x0] =	vst.idx.add.f32.msk $0xffff, v10  }
0xe0: {  	[tilespmem:v9+s15+$0x0] =	vst.idx.add.f32.msk $0xffff, v21  }
0xe1: {  	[tilespmem:v14+s15+$0x0] =	vst.idx.add.f32.msk $0xffff, v21  }
0xe2: {  	[tilespmem:v3+s15+$0x0] =	vst.idx.add.f32.msk $0xffff, v22  }
0xe3: {  	[tilespmem:v5+s15+$0x0] =	vst.idx.add.f32.msk $0xffff, v22  }
0xe4: {  	v3 =	vld.idx.msk [tilespmem:v1+s23+$0x20 ss:$0x1], $0xffff  }
0xe5: {  	v4 =	vld.idx.msk [tilespmem:v2+s23+$0x830 ss:$0x1], $0xffff  }
0xe6: {  	v5 =	vld.idx.msk [tilespmem:v1+s23+$0x0 ss:$0x1], $0xffff  }
0xe7: {  	v6 =	vld.idx.msk [tilespmem:v2+s23+$0x820 ss:$0x1], $0xffff  }
0xe8: {  	v7 =	vld.idx.msk [tilespmem:v2+s23+$0x810 ss:$0x1], $0xffff  }
0xe9: {  	v8 =	vld.idx.msk [tilespmem:v2+s23+$0x800 ss:$0x1], $0xffff  }
0xea: {  	v9 =	vld.idx.msk [tilespmem:v1+s23+$0x30 ss:$0x1], $0xffff  }
0xeb: {  	v10 =	vld.idx.msk [tilespmem:v1+s23+$0x10 ss:$0x1], $0xffff  }
0xec: {  	v11 =	vld.idx.msk [tilespmem:v2+s23+$0x840 ss:$0x1], $0xffff  }
0xed: {  	v12 =	vld.idx.msk [tilespmem:v2+s23+$0x850 ss:$0x1], $0xffff  }
0xee: {  	v14 =	vshra.s32 v7, $0x10;
	v13 =	vld.idx.msk [tilespmem:v2+s23+$0x860 ss:$0x1], $0xffff  }
0xef: {  	v16 =	vand.u32 $0xFFFF, v8;
	v15 =	vld.idx.msk [tilespmem:v2+s23+$0x870 ss:$0x1], $0xffff  }
0xf0: {  	v7 =	vand.u32 $0xFFFF, v7;
	v8 =	vshra.s32 v8, $0x10;
	v17 =	vld.idx.msk [tilespmem:v1+s23+$0x60 ss:$0x1], $0xffff  }
0xf1: {  	v18 =	vld.idx.msk [tilespmem:v1+s23+$0x50 ss:$0x1], $0xffff  }
0xf2: {  	v20 =	vand.u32 $0xFFFF, v6;
	v19 =	vld.idx.msk [tilespmem:v1+s23+$0x40 ss:$0x1], $0xffff  }
0xf3: {  	v21 =	vld.idx.msk [tilespmem:v1+s23+$0x70 ss:$0x1], $0xffff  }
0xf4: {  	v6 =	vshra.s32 v6, $0x10;
	[tilespmem:v16+s15+$0x0] =	vst.idx.add.f32.msk $0xffff, v5  }
0xf5: {  	[tilespmem:v8+s15+$0x0] =	vst.idx.add.f32.msk $0xffff, v5;
	v5 =	vand.u32 $0xFFFF, v4  }
0xf6: {  	v4 =	vshra.s32 v4, $0x10;
	[tilespmem:v7+s15+$0x0] =	vst.idx.add.f32.msk $0xffff, v10;
	v7 =	vand.u32 $0xFFFF, v11  }
0xf7: {  	v8 =	vshra.s32 v11, $0x10;
	[tilespmem:v14+s15+$0x0] =	vst.idx.add.f32.msk $0xffff, v10  }
0xf8: {  	v10 =	vand.u32 $0xFFFF, v12;
	[tilespmem:v20+s15+$0x0] =	vst.idx.add.f32.msk $0xffff, v3  }
0xf9: {  	[tilespmem:v6+s15+$0x0] =	vst.idx.add.f32.msk $0xffff, v3  }
0xfa: {  	v3 =	vshra.s32 v12, $0x10;
	[tilespmem:v5+s15+$0x0] =	vst.idx.add.f32.msk $0xffff, v9  }
0xfb: {  	[tilespmem:v4+s15+$0x0] =	vst.idx.add.f32.msk $0xffff, v9;
	v4 =	vand.u32 $0xFFFF, v13  }
0xfc: {  	v5 =	vshra.s32 v13, $0x10;
	[tilespmem:v7+s15+$0x0] =	vst.idx.add.f32.msk $0xffff, v19  }
0xfd: {  	v6 =	vand.u32 $0xFFFF, v15;
	[tilespmem:v8+s15+$0x0] =	vst.idx.add.f32.msk $0xffff, v19  }
0xfe: {  	v7 =	vshra.s32 v15, $0x10;
	[tilespmem:v10+s15+$0x0] =	vst.idx.add.f32.msk $0xffff, v18  }
0xff: {  	[tilespmem:v3+s15+$0x0] =	vst.idx.add.f32.msk $0xffff, v18  }
0x100: {  	[tilespmem:v4+s15+$0x0] =	vst.idx.add.f32.msk $0xffff, v17  }
0x101: {  	[tilespmem:v5+s15+$0x0] =	vst.idx.add.f32.msk $0xffff, v17  }
0x102: {  	[tilespmem:v6+s15+$0x0] =	vst.idx.add.f32.msk $0xffff, v21  }
0x103: {  	[tilespmem:v7+s15+$0x0] =	vst.idx.add.f32.msk $0xffff, v21  }
0x104: {  	v4 =	vld.idx.msk [tilespmem:v1+s23+$0x410 ss:$0x1], $0xffff  }
0x105: {  	v5 =	vld.idx.msk [tilespmem:v1+s23+$0x400 ss:$0x1], $0xffff  }
0x106: {  	v3 =	vld.idx.msk [tilespmem:v2+s23+$0xC10 ss:$0x1], $0xffff  }
0x107: {  	v6 =	vld.idx.msk [tilespmem:v2+s23+$0xC20 ss:$0x1], $0xffff  }
0x108: {  	v7 =	vld.idx.msk [tilespmem:v2+s23+$0xC30 ss:$0x1], $0xffff  }
0x109: {  	v8 =	vld.idx.msk [tilespmem:v2+s23+$0xC00 ss:$0x1], $0xffff  }
0x10a: {  	v9 =	vld.idx.msk [tilespmem:v2+s23+$0xC40 ss:$0x1], $0xffff  }
0x10b: {  	v10 =	vld.idx.msk [tilespmem:v1+s23+$0x420 ss:$0x1], $0xffff  }
0x10c: {  	v11 =	vld.idx.msk [tilespmem:v2+s23+$0xC50 ss:$0x1], $0xffff  }
0x10d: {  	v13 =	vshra.s32 v3, $0x10;
	v12 =	vld.idx.msk [tilespmem:v2+s23+$0xC60 ss:$0x1], $0xffff  }
0x10e: {  	v15 =	vand.u32 $0xFFFF, v6;
	v14 =	vld.idx.msk [tilespmem:v1+s23+$0x430 ss:$0x1], $0xffff  }
0x10f: {  	v6 =	vshra.s32 v6, $0x10;
	v17 =	vand.u32 $0xFFFF, v8;
	v16 =	vld.idx.msk [tilespmem:v2+s23+$0xC70 ss:$0x1], $0xffff  }
0x110: {  	v19 =	vand.u32 $0xFFFF, v3;
	v8 =	vshra.s32 v8, $0x10;
	v18 =	vld.idx.msk [tilespmem:v1+s23+$0x440 ss:$0x1], $0xffff  }
0x111: {  	v21 =	vshra.s32 v7, $0x10;
	v20 =	vld.idx.msk [tilespmem:v1+s23+$0x450 ss:$0x1], $0xffff  }
0x112: {  	v23 =	vand.u32 $0xFFFF, v9;
	v22 =	vld.idx.msk [tilespmem:v1+s23+$0x460 ss:$0x1], $0xffff  }
0x113: {  	v9 =	vshra.s32 v9, $0x10;
	v3 =	vld.idx.msk [tilespmem:v1+s23+$0x470 ss:$0x1], $0xffff  }
0x114: {  	[tilespmem:v17+s15+$0x0] =	vst.idx.add.f32.msk $0xffff, v5  }
0x115: {  	[tilespmem:v8+s15+$0x0] =	vst.idx.add.f32.msk $0xffff, v5;
	v5 =	vand.u32 $0xFFFF, v7  }
0x116: {  	[tilespmem:v19+s15+$0x0] =	vst.idx.add.f32.msk $0xffff, v4  }
0x117: {  	[tilespmem:v13+s15+$0x0] =	vst.idx.add.f32.msk $0xffff, v4  }
0x118: {  	v7 =	vand.u32 $0xFFFF, v11;
	[tilespmem:v15+s15+$0x0] =	vst.idx.add.f32.msk $0xffff, v10  }
0x119: {  	[tilespmem:v6+s15+$0x0] =	vst.idx.add.f32.msk $0xffff, v10  }
0x11a: {  	v6 =	vshra.s32 v11, $0x10;
	[tilespmem:v5+s15+$0x0] =	vst.idx.add.f32.msk $0xffff, v14  }
0x11b: {  	v5 =	vand.u32 $0xFFFF, v12;
	[tilespmem:v21+s15+$0x0] =	vst.idx.add.f32.msk $0xffff, v14  }
0x11c: {  	v8 =	vshra.s32 v12, $0x10;
	[tilespmem:v23+s15+$0x0] =	vst.idx.add.f32.msk $0xffff, v18  }
0x11d: {  	[tilespmem:v9+s15+$0x0] =	vst.idx.add.f32.msk $0xffff, v18;
	v9 =	vand.u32 $0xFFFF, v16  }
.Ltmp2:
0x11e: {  	v4 =	vshra.s32 v16, $0x10;
	[tilespmem:v7+s15+$0x0] =	vst.idx.add.f32.msk $0xffff, v20;
	(pc) =	sbr.rel @!p2 .LBB2_10-.Ltmp2, $4  }
0x11f: {  	[tilespmem:v6+s15+$0x0] =	vst.idx.add.f32.msk $0xffff, v20  }
0x120: {  	[tilespmem:v5+s15+$0x0] =	vst.idx.add.f32.msk $0xffff, v22  }
0x121: {  	[tilespmem:v8+s15+$0x0] =	vst.idx.add.f32.msk $0xffff, v22  }
0x122: {  	[tilespmem:v9+s15+$0x0] =	vst.idx.add.f32.msk $0xffff, v3  }
0x123: {  	_ =	sdelay $0x3  }
0x124: {  	[tilespmem:v4+s15+$0x0] =	vst.idx.add.f32.msk $0xffff, v3  }
0x125: {  	p2 =	seq.s32 s21, s7  }
.Ltmp3:
0x126: {  	_ = 	snop;
	(pc) =	sbr.rel @!p2 .LBB2_9-.Ltmp3, $2  }
0x127: {  	_ =	sdelay $0x2  }
0x128: {  	p1 =	por !p1, !p1  }
.LBB2_4:
0x129: {  	s22 =	simm.s32 $0x0  }
0x12a: {  	v1 =	vld [tilespmem:s22+$0x4000]  }
0x12b: {  	v2 =	vld [tilespmem:s22+$0x42D1];
	_ =	sdelay $0x1  }
0x12c: {  	v3 =	vld [tilespmem:s22+$0x45A2];
	_ =	sdelay $0x1  }
0x12d: {  	v4 =	vld [tilespmem:s22+$0x4873]  }
0x12e: {  	v1 =	vadd.f32 v2, v1  }
0x12f: {  	v2 =	vld [tilespmem:s22+$0x4B44]  }
0x130: {  	v1 =	vadd.f32 v3, v1  }
0x131: {  	v3 =	vld [tilespmem:s22+$0x4E15]  }
0x132: {  	v1 =	vadd.f32 v4, v1  }
0x133: {  	v4 =	vld [tilespmem:s22+$0x50E6]  }
0x134: {  	v1 =	vadd.f32 v2, v1  }
0x135: {  	v2 =	vld [tilespmem:s22+$0x53B7]  }
0x136: {  	s21 =	simm.s32 $0x10;
	v5 =	vld [tilespmem:s22+$0x5688];
	v1 =	vadd.f32 v3, v1  }
0x137: {  	v6 =	vld [tilespmem:s21+$0x4000]  }
0x138: {  	v3 =	vld [tilespmem:s22+$0x5959];
	v1 =	vadd.f32 v4, v1  }
0x139: {  	v4 =	vld [tilespmem:s21+$0x42D1]  }
0x13a: {  	v7 =	vld [tilespmem:s21+$0x45A2];
	v1 =	vadd.f32 v2, v1  }
0x13b: {  	v2 =	vld [tilespmem:s22+$0x5C2A]  }
0x13c: {  	v8 =	vld [tilespmem:s21+$0x4873];
	v1 =	vadd.f32 v5, v1  }
0x13d: {  	v5 =	vld [tilespmem:s22+$0x5EFB]  }
0x13e: {  	v4 =	vadd.f32 v4, v6;
	v6 =	vld [tilespmem:s21+$0x4B44];
	v1 =	vadd.f32 v3, v1  }
0x13f: {  	v3 =	vld [tilespmem:s22+$0x61CC]  }
0x140: {  	v4 =	vadd.f32 v7, v4;
	v7 =	vld [tilespmem:s21+$0x4E15];
	v1 =	vadd.f32 v2, v1  }
0x141: {  	v2 =	vld [tilespmem:s22+$0x649D]  }
0x142: {  	v9 =	vld [tilespmem:s21+$0x50E6];
	v4 =	vadd.f32 v8, v4;
	v1 =	vadd.f32 v5, v1  }
0x143: {  	v8 =	vld [tilespmem:s22+$0x676E]  }
0x144: {  	v5 =	vadd.f32 v6, v4;
	v4 =	vld [tilespmem:s21+$0x53B7];
	v6 =	vadd.f32 v3, v1  }
0x145: {  	v3 =	vld [tilespmem:s22+$0x6A3F]  }
0x146: {  	v1 =	vld [tilespmem:s21+$0x5959];
	v7 =	vadd.f32 v7, v5;
	v10 =	vadd.f32 v2, v6  }
0x147: {  	s23 =	simm.s32 $0x20;
	v5 =	vld [tilespmem:s21+$0x5688]  }
0x148: {  	s24 =	simm.s32 $0xC0;
	v2 =	vld [tilespmem:s23+$0x4000];
	v6 =	vadd.f32 v9, v7;
	v7 =	vadd.f32 v8, v10  }
.LBB2_5:
0x149: {  	p1 =	sne.s32 s24, $0xB00;
	v8 =	vld [tilespmem:s23+$0x42D1]  }
0x14a: {  	v4 =	vadd.f32 v4, v6;
	v6 =	vld [tilespmem:s21+$0x5C2A];
	v3 =	vadd.f32 v3, v7  }
0x14b: {  	v7 =	vld [tilespmem:s23+$0x45A2]  }
0x14c: {  	v4 =	vadd.f32 v5, v4;
	v5 =	vld [tilespmem:s21+$0x5EFB];
	[tilespmem:s22+$0x6D80] =	vst v3;
	s22 =	smov.u32 s21;
	s21 =	smov.u32 s23  }
0x14d: {  	v3 =	vld [tilespmem:s21+$0x4873]  }
0x14e: {  	v2 =	vadd.f32 v8, v2;
	v1 =	vadd.f32 v1, v4;
	v4 =	vld [tilespmem:s22+$0x61CC]  }
0x14f: {  	v8 =	vld [tilespmem:s21+$0x4B44]  }
0x150: {  	v2 =	vadd.f32 v7, v2;
	v1 =	vadd.f32 v6, v1;
	v6 =	vld [tilespmem:s22+$0x649D]  }
0x151: {  	v7 =	vld [tilespmem:s21+$0x4E15]  }
0x152: {  	v2 =	vadd.f32 v3, v2;
	v1 =	vadd.f32 v5, v1;
	v9 =	vld [tilespmem:s22+$0x676E]  }
0x153: {  	v10 =	vld [tilespmem:s21+$0x50E6]  }
.Ltmp4:
0x154: {  	v2 =	vadd.f32 v8, v2;
	v5 =	vadd.f32 v4, v1;
	v3 =	vld [tilespmem:s22+$0x6A3F];
	(pc) =	sbr.rel @p1 .LBB2_5-.Ltmp4, $4  }
0x155: {  	v4 =	vld [tilespmem:s21+$0x53B7]  }
0x156: {  	v7 =	vadd.f32 v7, v2;
	v1 =	vld [tilespmem:s21+$0x5959];
	v8 =	vadd.f32 v6, v5  }
0x157: {  	s23 =	sshra.s32 s24, $0x2;
	v5 =	vld [tilespmem:s21+$0x5688]  }
0x158: {  	s24 =	sadd.s32 $0x40, s24;
	v2 =	vld [tilespmem:s23+$0x4000];
	v6 =	vadd.f32 v10, v7;
	v7 =	vadd.f32 v9, v8  }
0x159: {  	v8 =	vld [tilespmem:s23+$0x42D1]  }
0x15a: {  	v9 =	vld [tilespmem:s21+$0x5C2A];
	v3 =	vadd.f32 v3, v7  }
0x15b: {  	v52 =	vld [tilespmem:s23+$0x45A2]  }
0x15c: {  	v10 =	vld [tilespmem:s21+$0x5EFB];
	v4 =	vadd.f32 v4, v6;
	[tilespmem:s22+$0x6D80] =	vst v3  }
0x15d: {  	v3 =	vld [tilespmem:s23+$0x4873]  }
0x15e: {  	v4 =	vadd.f32 v5, v4;
	v2 =	vadd.f32 v8, v2  }
0x15f: {  	v53 =	vld [tilespmem:s23+$0x4B44]  }
0x160: {  	v54 =	vld [tilespmem:s21+$0x61CC];
	v1 =	vadd.f32 v1, v4;
	v2 =	vadd.f32 v52, v2  }
0x161: {  	v55 =	vld [tilespmem:s23+$0x4E15]  }
0x162: {  	v56 =	vld [tilespmem:s21+$0x649D];
	v1 =	vadd.f32 v9, v1;
	v2 =	vadd.f32 v3, v2  }
0x163: {  	v3 =	vld [tilespmem:s23+$0x50E6]  }
0x164: {  	v57 =	vld [tilespmem:s21+$0x676E];
	v1 =	vadd.f32 v10, v1;
	v2 =	vadd.f32 v53, v2  }
0x165: {  	v58 =	vld [tilespmem:s23+$0x53B7]  }
0x166: {  	v59 =	vld [tilespmem:s21+$0x6A3F];
	v1 =	vadd.f32 v54, v1;
	v2 =	vadd.f32 v55, v2  }
0x167: {  	v60 =	vld [tilespmem:s23+$0x5688]  }
0x168: {  	v1 =	vadd.f32 v56, v1;
	v2 =	vadd.f32 v3, v2  }
0x169: {  	v3 =	vld [tilespmem:s23+$0x5959]  }
0x16a: {  	v1 =	vadd.f32 v57, v1;
	v2 =	vadd.f32 v58, v2  }
0x16b: {  	v61 =	vld [tilespmem:s23+$0x5C2A]  }
0x16c: {  	v1 =	vadd.f32 v59, v1;
	v2 =	vadd.f32 v60, v2  }
0x16d: {  	v62 =	vld [tilespmem:s23+$0x5EFB]  }
0x16e: {  	[tilespmem:s21+$0x6D80] =	vst v1;
	v1 =	vadd.f32 v3, v2  }
0x16f: {  	v2 =	vld [tilespmem:s23+$0x61CC]  }
0x170: {  	v1 =	vadd.f32 v61, v1  }
0x171: {  	v3 =	vld [tilespmem:s23+$0x649D]  }
0x172: {  	v1 =	vadd.f32 v62, v1  }
0x173: {  	v63 =	vld [tilespmem:s23+$0x676E]  }
0x174: {  	v1 =	vadd.f32 v2, v1  }
0x175: {  	v2 =	vld [tilespmem:s23+$0x6A3F]  }
0x176: {  	v1 =	vadd.f32 v3, v1;
	_ =	sdelay $0x1  }
0x177: {  	v1 =	vadd.f32 v63, v1;
	_ =	sdelay $0x1  }
0x178: {  	s20 =	sadd.s32 $0x1, s20;
	v1 =	vadd.f32 v2, v1  }
0x179: {  	p1 =	sne.s32 s20, s11  }
.Ltmp5:
0x17a: {  	[tilespmem:s23+$0x6D80] =	vst v1;
	(pc) =	sbr.rel @p1 .LBB2_1-.Ltmp5, $4  }
0x17b: {  	[hbm4b:s10+s16] =	stream.strided.scatter [tilespmem:s18], [sflag:$0x3], $0x300, s17, s16, $0x38;
	[tilespmem:$0x7080] =	vst v63  }
0x17c: {  	_ =	swait.ge [sflag:s19], $0x300  }
0x17d: {  	[sflag:s19] =	ssyncset.done $0x0  }
0x17e: {  	[sflag:s19] =	ssyncadd.s32 $0xFFFFFD00  }
0x17f: {  	_ =	sfence.sel $0x180000  }
0x180: {  	[bflag:$0x0] =	sbarrier.arrive $0xFFFF  }
0x181: {  	p0 =	sne.s32 s0, $0x0;
	_ =	strace $0x90000047  }
0x182: {  	s0 =	sadd.s32 @!p0 $0x100000, s1;
	[bflag:$0x2] =	sbarrier.arrive $0xFFFF  }
0x183: {  	[sflag:s0] =	ssyncadd.tile.s32 @!p0 $0x1;
	_ =	shalt  }
.Lfunc_end2:
_tile_overlayer_lowered:
.L_overlay_start_2:
0x184: {  	(tag) =	ssettag $0x2  }
0x185: {  	s0 =	rddreg [dreg:$0x0];
	s2 =	stileid.u32  }
0x186: {  	s1 =	rddreg [dreg:$0x1];
	p0 =	sne.s32 s2, $0x0  }
0x187: {  	s3 =	rddreg [dreg:$0x2];
	[bflag:$0x3] =	sbarrier.arrive $0xFFFF;
	s2 =	simm.s32 @!p0 $0x1C03  }
0x188: {  	[timem:s3], [sflag:s2] =	dma.local @!p0 [hbm:s0], s1  }
0x189: {  	s0 =	simm.s32 @!p0 $0x3  }
0x18a: {  	_ =	swait.ge @!p0 [sflag:s0], s1  }
0x18b: {  	s1 =	ssub.s32 @!p0 $0x0, s1;
	[sflag:s0] =	ssyncset.done @!p0 $0x0  }
0x18c: {  	[sflag:s0] =	ssyncadd.s32 @!p0 s1  }
0x18d: {  	[bflag:$0x3] =	sbarrier.arrive $0xFFFF  }
0x18e: {  	_ =	shalt  }

// kernel: kernel.7.cloned.1.call-start
scs
__scs_entry_jumppad:
0x0: {  	(pc) =	sbr.rel $0x88, $3  }
0x1: {  	(tag) =	ssettag $0x0;
	lr =	simm.s32 $0x1  }
0x2: {  	[smem:$0x3F9F] =	sst lr;
	_ =	strace $0xD0000000  }
0x3: {  	_ = 	snop  }
0x4: {  	_ = 	snop  }
0x5: {  	_ = 	snop  }
0x6: {  	_ = 	snop  }
0x7: {  	_ = 	snop  }
__scs_overlays_trampoline_lowered:
0x8: {  	[smem:$0x3FAE] =	sst s0  }
0x9: {  	[smem:$0x3FAF] =	sst s1  }
0xa: {  	[smem:$0x3FB0] =	sst s2  }
0xb: {  	[smem:$0x3FB1] =	sst s3  }
0xc: {  	[smem:$0x3FB2] =	sst s4  }
0xd: {  	[smem:$0x3FB3] =	sst s5  }
0xe: {  	[smem:$0x3FB4] =	sst s6  }
0xf: {  	[smem:$0x3FB5] =	sst s7  }
0x10: {  	[smem:$0x3FB6] =	sst s8  }
0x11: {  	[smem:$0x3FB7] =	sst s9;
	s0 =	simm.s32 @!p0 $0x0  }
0x12: {  	s1 =	sld [smem:$0x3F9D];
	s0 =	simm.s32 @p0 $0x1  }
0x13: {  	[smem:$0x3FB8] =	sst s0;
	s0 =	simm.s32 @!p1 $0x0  }
0x14: {  	s2 =	sld [smem:$0x3F9C];
	s0 =	simm.s32 @p1 $0x1  }
0x15: {  	[smem:$0x3FB9] =	sst s0;
	s0 =	simm.s32 @!p2 $0x0  }
0x16: {  	s3 =	sld [smem:$0x3FDB];
	s0 =	simm.s32 @p2 $0x1  }
0x17: {  	s4 =	simm.s32 $0x1BF5;
	[smem:$0x3FBB] =	sst s0  }
0x18: {  	s0 =	sld [smem:$0x3F9E];
	_ =	swait.ge [sflag:s4], $0x0  }
0x19: {  	s7 =	sld [smem:$0x3F9F]  }
0x1a: {  	s8 =	sadd.s32 $0xFFFFE003, lr  }
0x1b: {  	s9 =	sadd.s32 $0xFFFFFEF7, lr;
	s5 =	simm.s32 $0xFFFFFFFF;
	p2 =	slt.u32 s8, $0xFFFFF086  }
0x1c: {  	p1 =	slt.u32 s9, $0xF7A;
	s5 =	simm.s32 @!p2 $0x0  }
0x1d: {  	s5 =	simm.s32 @p1 $0x1;
	p0 =	seq.s32 s7, s2  }
0x1e: {  	s7 =	smul.u32 @!p0 $0xF7A, s2;
	p2 =	seq.s32 @!p0 s5, $0x0  }
0x1f: {  	s9 =	smul.u32 $0xF7A, s1;
	s8 =	simm.s32 @!p0 $0x1BF5;
	p2 =	por !p2, p0  }
0x20: {  	[sflag:s8] =	ssyncset.s32 @!p0 $0xFFFFF086;
	s6 =	sadd.s32 @!p0 s3, s7;
	s7 =	simm.s32 @!p0 $0x108  }
0x21: {  	s3 =	sadd.s32 s3, s9;
	s6 =	sadd.s32 @!p0 $0x88, s6;
	s7 =	simm.s32 @p2 $0x1082  }
0x22: {  	[simem:s7], [sflag:s8] =	dma.local @!p0 [hbm:s6], $0xF7A  }
0x23: {  	s9 =	sor.u32 $0xD0000000, s2;
	s6 =	simm.s32 $0x108;
	_ =	swait.ge @!p0 [sflag:s8], $0x0  }
0x24: {  	s3 =	sadd.s32 $0x88, s3;
	s6 =	simm.s32 @!p1 $0x1082;
	[sflag:s4] =	ssyncset.s32 $0xFFFFF086  }
0x25: {  	[simem:s6], [sflag:s4] =	dma.local [hbm:s3], $0xF7A  }
0x26: {  	[smem:$0x3F9F] =	sst s1;
	(tag) =	ssettag s2;
	_ =	strace s9  }
0x27: {  	s1 =	sld [smem:$0x3FAF]  }
0x28: {  	s2 =	sld [smem:$0x3FB0]  }
0x29: {  	s4 =	sld [smem:$0x3FB2]  }
0x2a: {  	p0 =	seq.s32 s5, $0x0;
	s5 =	sld [smem:$0x3FB3]  }
0x2b: {  	s6 =	sld [smem:$0x3FB4]  }
0x2c: {  	s7 =	sld [smem:$0x3FB5]  }
0x2d: {  	s3 =	simm.s32 $0x108;
	s8 =	sld [smem:$0x3FB6]  }
0x2e: {  	s3 =	simm.s32 @!p0 $0x1082;
	s9 =	sld [smem:$0x3FB7]  }
0x2f: {  	lr =	sadd.s32 s0, s3;
	s0 =	sld [smem:$0x3FAE]  }
0x30: {  	s3 =	sld [smem:$0x3FB1]  }
0x31: {  	[smem:$0x3FBA] =	sst s10  }
0x32: {  	s10 =	sld [smem:$0x3FB8];
	_ =	sdelay $0x3  }
0x33: {  	p0 =	seq.s32 s10, $0x1;
	s10 =	sld [smem:$0x3FBA];
	_ =	sdelay $0x3  }
0x34: {  	[smem:$0x3FBA] =	sst s10  }
0x35: {  	s10 =	sld [smem:$0x3FB9];
	_ =	sdelay $0x3  }
0x36: {  	p1 =	seq.s32 s10, $0x1;
	s10 =	sld [smem:$0x3FBA];
	_ =	sdelay $0x3  }
0x37: {  	[smem:$0x3FBA] =	sst s10  }
0x38: {  	s10 =	sld [smem:$0x3FBB]  }
0x39: {  	_ = 	snop;
	(pc) =	sbr.ind lr, $3  }
0x3a: {  	_ = 	snop  }
0x3b: {  	_ = 	snop  }
0x3c: {  	p2 =	seq.s32 s10, $0x1;
	s10 =	sld [smem:$0x3FBA]  }
0x3d: {  	_ =	shalt  }
0x3e: {  	_ =	shalt  }
0x3f: {  	_ =	shalt  }
0x40: {  	_ =	shalt  }
0x41: {  	_ =	shalt  }
0x42: {  	_ =	shalt  }
0x43: {  	_ =	shalt  }
0x44: {  	_ =	shalt  }
0x45: {  	_ =	shalt  }
0x46: {  	_ =	shalt  }
0x47: {  	_ =	shalt  }
0x48: {  	_ =	shalt  }
0x49: {  	_ =	shalt  }
0x4a: {  	_ =	shalt  }
0x4b: {  	_ =	shalt  }
0x4c: {  	_ =	shalt  }
0x4d: {  	_ =	shalt  }
0x4e: {  	_ =	shalt  }
0x4f: {  	_ =	shalt  }
0x50: {  	_ =	shalt  }
0x51: {  	_ =	shalt  }
0x52: {  	_ =	shalt  }
0x53: {  	_ =	shalt  }
0x54: {  	_ =	shalt  }
0x55: {  	_ =	shalt  }
0x56: {  	_ =	shalt  }
0x57: {  	_ =	shalt  }
0x58: {  	_ =	shalt  }
0x59: {  	_ =	shalt  }
0x5a: {  	_ =	shalt  }
0x5b: {  	_ =	shalt  }
0x5c: {  	_ =	shalt  }
0x5d: {  	_ =	shalt  }
0x5e: {  	_ =	shalt  }
0x5f: {  	_ =	shalt  }
0x60: {  	_ =	shalt  }
0x61: {  	_ =	shalt  }
0x62: {  	_ =	shalt  }
0x63: {  	_ =	shalt  }
0x64: {  	_ =	shalt  }
0x65: {  	_ =	shalt  }
0x66: {  	_ =	shalt  }
0x67: {  	_ =	shalt  }
0x68: {  	_ =	shalt  }
0x69: {  	_ =	shalt  }
0x6a: {  	_ =	shalt  }
0x6b: {  	_ =	shalt  }
0x6c: {  	_ =	shalt  }
0x6d: {  	_ =	shalt  }
0x6e: {  	_ =	shalt  }
0x6f: {  	_ =	shalt  }
0x70: {  	_ =	shalt  }
0x71: {  	_ =	shalt  }
0x72: {  	_ =	shalt  }
0x73: {  	_ =	shalt  }
0x74: {  	_ =	shalt  }
0x75: {  	_ =	shalt  }
0x76: {  	_ =	shalt  }
0x77: {  	_ =	shalt  }
0x78: {  	_ =	shalt  }
0x79: {  	_ =	shalt  }
0x7a: {  	_ =	shalt  }
0x7b: {  	_ =	shalt  }
0x7c: {  	_ =	shalt  }
0x7d: {  	_ =	shalt  }
0x7e: {  	_ =	shalt  }
0x7f: {  	_ =	shalt  }
0x80: {  	_ =	shalt  }
0x81: {  	_ =	shalt  }
0x82: {  	_ =	shalt  }
0x83: {  	_ =	shalt  }
0x84: {  	_ =	shalt  }
0x85: {  	_ =	shalt  }
0x86: {  	_ =	shalt  }
0x87: {  	_ =	shalt  }
.Lfunc_end0:
.L_simem_size_0:
called_computation_lowered:
.L_overlay_start_0:
0x88: {  	s2 =	sld [smem:$0x3FD9]  }
0x89: {  	s3 =	sld [smem:$0x3FFE];
	_ =	sdelay $0x1  }
0x8a: {  	s1 =	srdreg.scid  }
0x8b: {  	s0 =	sand.u32 $0x1, s1  }
0x8c: {  	s17 =	sshll.u32 s0, $0xA;
	s2 =	sadd.s32 s3, s2  }
0x8d: {  	s2 =	sadd.s32 s2, s17  }
0x8e: {  	[smem:$0x3FC6] =	sst s2  }
0x8f: {  	_ = 	snop  }
0x90: {  	(tm) =	ssettm $0x1  }
0x91: {  	s18 =	sld [smem:$0x3FFB];
	_ =	sdelay $0x3  }
0x92: {  	_ =	strace s18  }
0x93: {  	s2 =	sld [smem:$0x3FFC];
	_ =	sdelay $0x3  }
0x94: {  	_ =	strace s2  }
0x95: {  	s2 =	sld [smem:$0x3FFD];
	_ =	sdelay $0x3  }
0x96: {  	_ =	strace s2  }
0x97: {  	_ =	strace $0x8FFFFFFF  }
0x98: {  	s19 =	sld [smem:$0x3FDB];
	_ =	sdelay $0x1  }
0x99: {  	s20 =	simm.s32 $_scs_section_size  }
0x9a: {  	s4 =	simm.s32 $_size__tile_overlayer_lowered;
	s5 =	simm.s32 $_tile_overlayer_lowered  }
0x9b: {  	s6 =	simm.s32 $0x1BFF;
	s21 =	sshll.u32 s5, $0x1;
	s3 =	sadd.s32 s20, s19  }
0x9c: {  	s22 =	simm.s32 $0x0;
	s4 =	sshll.u32 s4, $0x1;
	s5 =	sadd.s32 s21, s3  }
0x9d: {  	[timem:s22], [sflag:s6] =	dma.local [hbm:s5], s4  }
0x9e: {  	_ =	swait.ge [sflag:s6], s4  }
0x9f: {  	s4 =	ssub.s32 $0x0, s4;
	[sflag:s6] =	ssyncset.done $0x0  }
0xa0: {  	[sflag:s6] =	ssyncadd.s32 s4;
	_ =	sdelay $0x1  }
0xa1: {  	s23 =	simm.s32 $0x1B8B  }
0xa2: {  	_ =	swait.ge [sflag:s23], $0x1  }
0xa3: {  	[sflag:s23] =	ssyncset.done $0x0  }
0xa4: {  	[sflag:s23] =	ssyncadd.s32 $0xFFFFFFFF  }
0xa5: {  	s4 =	sld [smem:$0x0]  }
0xa6: {  	s5 =	sand.u32 $0xFFFFFFFE, s1  }
0xa7: {  	p0 =	sne.s32 s1, s5  }
0xa8: {  	s5 =	sshll.u32 @p0 s5, $0xE  }
0xa9: {  	s5 =	sadd.s32 @p0 $0x11B8D, s5;
	s6 =	sshll.u32 @p0 s4, $0x11  }
0xaa: {  	s5 =	sor.u32 @p0 s6, s5  }
0xab: {  	[sflag:s5] =	ssyncadd.remote.s32 @p0 $0x1;
	_ =	sdelay $0x1  }
0xac: {  	s5 =	simm.s32 @p0 $0x1B8D  }
0xad: {  	_ =	swait.eq @p0 [sflag:s5], $0x1  }
0xae: {  	[sflag:s5] =	ssyncadd.s32 @p0 $0xFFFFFFFF  }
0xaf: {  	s6 =	sshll.u32 @!p0 s1, $0xE  }
0xb0: {  	s6 =	sor.u32 @!p0 $0x4000, s6;
	s5 =	simm.s32 @!p0 $0x1B8D  }
0xb1: {  	s4 =	sshll.u32 @!p0 s4, $0x11;
	s6 =	sadd.s32 @!p0 $0x11B8D, s6;
	_ =	swait.eq @!p0 [sflag:s5], $0x1  }
0xb2: {  	s4 =	sor.u32 @!p0 s4, s6;
	[sflag:s5] =	ssyncadd.s32 @!p0 $0xFFFFFFFF  }
0xb3: {  	s25 =	simm.s32 $0x1B8E;
	s24 =	sld [smem:$0x3FFE];
	[sflag:s4] =	ssyncadd.remote.s32 @!p0 $0x1  }
0xb4: {  	s26 =	simm.s32 $execute0_lowered;
	[smem:$0x3FD2] =	sst s25  }
0xb5: {  	s5 =	sshll.u32 s26, $0x1;
	_ =	strace $0x80000049;
	[dreg:$0x1] =	wrdreg $0xFFFFFFFF  }
0xb6: {  	s28 =	simm.s32 $_size_execute0_lowered;
	s3 =	sadd.s32 s3, s5;
	[dreg:$0x0] =	wrdreg $0x0  }
0xb7: {  	s5 =	sshll.u32 s28, $0x1;
	[dreg:$0x2] =	wrdreg s3  }
0xb8: {  	[dreg:$0x3] =	wrdreg s5  }
0xb9: {  	[dreg:$0x4] =	wrdreg $0xC0  }
0xba: {  	_ =	task [dreg:s22], $0x5FFFF  }
0xbb: {  	[dreg:$0x1] =	wrdreg $0xFFFFFFFF  }
0xbc: {  	[dreg:$0x0] =	wrdreg $0x60  }
0xbd: {  	[dreg:$0x2] =	wrdreg s24  }
0xbe: {  	[dreg:$0x3] =	wrdreg $0x9  }
0xbf: {  	_ =	task.clear_ibuf [dreg:s22], $0x4FFFF;
	_ =	strace $0x90000049  }
0xc0: {  	s29 =	simm.s32 $0x9;
	_ =	strace $0x8000004B  }
0xc1: {  	_ =	swait.ge [sflag:s29], $0x1  }
0xc2: {  	[sflag:s29] =	ssyncadd.s32 $0xFFFFFFFF  }
0xc3: {  	_ =	strace $0x9000004B  }
0xc4: {  	_ =	sfence  }
0xc5: {  	s30 =	sld [smem:$0x0];
	_ =	sdelay $0x2  }
0xc6: {  	s31 =	sshll.u32 s1, $0xD;
	s1 =	sshrl.u32 s1, $0x2  }
0xc7: {  	s4 =	sand.u32 $0x4000, s31;
	s1 =	sadd.s32 s1, s30  }
0xc8: {  	s0 =	sor.u32 s4, s0;
	s1 =	sshll.u32 s1, $0x11  }
0xc9: {  	s0 =	sor.u32 s1, s0  }
0xca: {  	s0 =	sadd.s32 $0x8F2B, s0  }
0xcb: {  	[sflag:s0] =	ssyncadd.remote.s32 $0x1  }
0xcc: {  	_ =	sfence.sel $0xFFFF  }
0xcd: {  	[dreg:$0x0] =	wrdreg $0xFFFFFFFF;
	(pc) =	sbr.abs _section_cstart, $3  }
0xce: {  	[dreg:$0x1] =	wrdreg $0xFFFFFFFF  }
0xcf: {  	_ =	task.clear_ibuf [dreg:s22], $0x2FFFF;
	_ =	strace $0x9FFFFFFF  }
0xd0: {  	(tm) =	ssettm $0x7FFFFFFF  }
0xd1: {  	_ =	shalt  }
tec
execute0_lowered:
.L_overlay_start_1:
0x0: {  	(tag) =	ssettag $0x1  }
0x1: {  	s1 =	srdreg.scid;
	s0 =	stileid.u32  }
0x2: {  	s6 =	rddreg [dreg:$0x0];
	s2 =	simm.s32 $0x0;
	s14 =	simm.s32 $0x2  }
0x3: {  	s15 =	simm.s32 $0x4000;
	s16 =	simm.s32 $0x80;
	s17 =	simm.s32 $0x400  }
0x4: {  	s18 =	simm.s32 $0x6D80;
	s19 =	simm.s32 $0x3;
	s20 =	simm.s32 $0x0  }
0x5: {  	s7 =	sand.u32 $0x1, s1;
	s4 =	sshrl.u32 s0, $0x3;
	s1 =	rddreg [dreg:$0x1]  }
0x6: {  	[smem:$0x7FF] =	sst s2;
	s5 =	sshll.u32 s0, $0x7;
	s3 =	smul.u32 $0x3000, s7  }
0x7: {  	s4 =	smul.u32 $0x1800, s4;
	_ =	strace $0x8000004A;
	s5 =	sand.u32 $0x380, s5  }
0x8: {  	s9 =	ssub.s32 $0x2, s7;
	s30 =	sshll.u32 s7, $0x10;
	s31 =	smul.u32 $0x11, s7  }
0x9: {  	s12 =	sshll.u32 s7, $0xD;
	s29 =	sshrl.u32 s9, $0x1;
	s8 =	sadd.s32 s3, s4  }
0xa: {  	s3 =	sadd.s32 $0x4CC00, s6;
	s4 =	sadd.s32 $0x43C00, s6;
	s5 =	sor.u32 s5, s8  }
0xb: {  	s11 =	ssub.s32 s9, s29;
	s8 =	sshrl.u32 s5, $0x3;
	s5 =	smul.u32 $0x21000, s0  }
0xc: {  	s11 =	smax.u32 s11, $0x1;
	s10 =	sadd.s32 s8, s6;
	s6 =	sshll.u32 s7, $0x4  }
0xd: {  	s7 =	sadd.s32 $0x10, s31;
	s8 =	sadd.s32 s30, s5;
	s10 =	sadd.s32 $0x8EC00, s10  }
0xe: {  	p0 =	slt.u32 s6, s7;
	s13 =	sshrl.u32 s8, $0x3;
	s8 =	sadd.s32 s4, s12  }
0xf: {  	v0 =	vimm.f32 $0.0e+00;
	s12 =	simm.s32 $0x2000;
	s9 =	sadd.s32 s3, s13;
	s13 =	simm.s32 $0x1  }
.LBB2_1:
0x10: {  	s21 =	simm.s32 $0x40;
	s22 =	simm.s32 $0x0  }
.LBB2_2:
0x11: {  	p1 =	sne.s32 s21, $0xB400;
	[tilespmem:s22+$0x4000] =	vst v0;
	s22 =	smov.u32 s21;
	s21 =	sadd.s32 $0x40, s21  }
.Ltmp0:
0x12: {  	(pc) =	sbr.rel @p1 .LBB2_2-.Ltmp0, $2  }
0x13: {  	_ =	sdelay $0x2  }
0x14: {  	s22 =	sshra.s32 s22, $0x2  }
.Ltmp1:
0x15: {  	(pc) =	sbr.rel @!p0 .LBB2_4-.Ltmp1, $4  }
0x16: {  	[tilespmem:s22+$0x4000] =	vst v0  }
0x17: {  	[tilespmem:s2], [sflag:$0x1] =	stream.linear.gather [hbm4b:s8+s2], $0x1000, $0x38;
	[tilespmem:$0x7080] =	vst v63  }
0x18: {  	p1 =	por $0x0, $0x0;
	s21 =	smov.u32 s6  }
0x19: {  	[tilespmem:s12], [sflag:$0x2] =	stream.linear.gather [hbm4b:s9+s2], $0x1000, $0x38;
	[tilespmem:$0x7080] =	vst v63  }
.LBB2_9:
0x1a: {  	_ =	swait.ge [sflag:s13], $0x1000  }
0x1b: {  	s22 =	simm.s32 $0x1;
	s21 =	sadd.s32 $0x1, s21;
	[sflag:s13] =	ssyncset.done $0x0  }
0x1c: {  	s22 =	simm.s32 @!p1 $0x0;
	p2 =	sge.u32 s21, s7;
	[sflag:s13] =	ssyncadd.s32 $0xFFFFF000  }
0x1d: {  	s22 =	sshll.u32 s22, $0xC;
	s24 =	sshll.u32 @!p2 s21, $0xC;
	s25 =	sshll.u32 @!p2 s21, $0x9  }
0x1e: {  	s28 =	simm.s32 @!p2 $0x0;
	_ =	swait.ge [sflag:s14], $0x1000;
	s23 =	sor.u32 $0x2800, s22  }
0x1f: {  	s26 =	sand.u32 @!p2 $0x1000, s24;
	s24 =	sadd.s32 @!p2 s5, s24;
	[sflag:s14] =	ssyncset.done $0x0;
	v1 =	vmov s23  }
0x20: {  	s25 =	sadd.s32 @!p2 s4, s25;
	v2 =	vmov s22;
	s23 =	sshrl.u32 @!p2 s24, $0x3;
	[sflag:s14] =	ssyncadd.s32 $0xFFFFF000  }
0x21: {  	[tilespmem:s26], [sflag:$0x1] =	stream.linear.gather @!p2 [hbm4b:s25+s28], $0x1000, $0x38;
	[tilespmem:$0x7080] =	vst v63  }
0x22: {  	s31 =	simm.s32 $0x0;
	s22 =	sor.u32 @!p2 $0x2000, s26;
	s23 =	sadd.s32 @!p2 s3, s23  }
0x23: {  	[tilespmem:s22], [sflag:$0x2] =	stream.linear.gather @!p2 [hbm4b:s23+s28], $0x1000, $0x38;
	[tilespmem:$0x7080] =	vst v63  }
0x24: {  	v3 =	vld.idx.msk [tilespmem:v1+s31+$0xFFFFF800 ss:$0x1], $0xffff  }
0x25: {  	v4 =	vld.idx.msk [tilespmem:v2+s31+$0x10 ss:$0x1], $0xffff  }
0x26: {  	v5 =	vld.idx.msk [tilespmem:v1+s31+$0xFFFFF810 ss:$0x1], $0xffff  }
0x27: {  	v6 =	vld.idx.msk [tilespmem:v2+s31+$0x20 ss:$0x1], $0xffff  }
0x28: {  	v7 =	vld.idx.msk [tilespmem:v2+s31+$0x40 ss:$0x1], $0xffff  }
0x29: {  	v8 =	vld.idx.msk [tilespmem:v2+s31+$0x0 ss:$0x1], $0xffff  }
0x2a: {  	v9 =	vld.idx.msk [tilespmem:v2+s31+$0x30 ss:$0x1], $0xffff  }
0x2b: {  	v10 =	vld.idx.msk [tilespmem:v1+s31+$0xFFFFF840 ss:$0x1], $0xffff  }
0x2c: {  	v11 =	vld.idx.msk [tilespmem:v2+s31+$0x70 ss:$0x1], $0xffff  }
0x2d: {  	v12 =	vld.idx.msk [tilespmem:v1+s31+$0xFFFFF820 ss:$0x1], $0xffff  }
0x2e: {  	v13 =	vld.idx.msk [tilespmem:v2+s31+$0x50 ss:$0x1], $0xffff  }
0x2f: {  	v14 =	vld.idx.msk [tilespmem:v1+s31+$0xFFFFF850 ss:$0x1], $0xffff;
	v15 =	vand.u32 $0xFFFF, v8  }
0x30: {  	v16 =	vld.idx.msk [tilespmem:v2+s31+$0x60 ss:$0x1], $0xffff;
	v8 =	vshra.s32 v8, $0x10  }
0x31: {  	v18 =	vld.idx.msk [tilespmem:v1+s31+$0xFFFFF830 ss:$0x1], $0xffff;
	v17 =	vand.u32 $0xFFFF, v4  }
0x32: {  	v19 =	vld.idx.msk [tilespmem:v1+s31+$0xFFFFF860 ss:$0x1], $0xffff;
	v4 =	vshra.s32 v4, $0x10  }
0x33: {  	v21 =	vld.idx.msk [tilespmem:v1+s31+$0xFFFFF870 ss:$0x1], $0xffff;
	v20 =	vand.u32 $0xFFFF, v6  }
0x34: {  	v6 =	vshra.s32 v6, $0x10;
	[tilespmem:v15+s15+$0x0] =	vst.idx.add.f32.msk $0xffff, v3  }
0x35: {  	v33 =	vand.u32 $0xFFFF, v9;
	[tilespmem:v8+s15+$0x0] =	vst.idx.add.f32.msk $0xffff, v3  }
0x36: {  	v3 =	vshra.s32 v9, $0x10;
	[tilespmem:v17+s15+$0x0] =	vst.idx.add.f32.msk $0xffff, v5  }
0x37: {  	v34 =	vand.u32 $0xFFFF, v7;
	[tilespmem:v4+s15+$0x0] =	vst.idx.add.f32.msk $0xffff, v5  }
0x38: {  	v4 =	vshra.s32 v7, $0x10;
	[tilespmem:v20+s15+$0x0] =	vst.idx.add.f32.msk $0xffff, v12  }
0x39: {  	v5 =	vand.u32 $0xFFFF, v13;
	[tilespmem:v6+s15+$0x0] =	vst.idx.add.f32.msk $0xffff, v12  }
0x3a: {  	v6 =	vshra.s32 v13, $0x10;
	[tilespmem:v33+s15+$0x0] =	vst.idx.add.f32.msk $0xffff, v18  }
0x3b: {  	v7 =	vand.u32 $0xFFFF, v16;
	[tilespmem:v3+s15+$0x0] =	vst.idx.add.f32.msk $0xffff, v18  }
0x3c: {  	v3 =	vshra.s32 v16, $0x10;
	[tilespmem:v34+s15+$0x0] =	vst.idx.add.f32.msk $0xffff, v10  }
0x3d: {  	[tilespmem:v4+s15+$0x0] =	vst.idx.add.f32.msk $0xffff, v10;
	v4 =	vand.u32 $0xFFFF, v11  }
0x3e: {  	v35 =	vshra.s32 v11, $0x10;
	[tilespmem:v5+s15+$0x0] =	vst.idx.add.f32.msk $0xffff, v14  }
0x3f: {  	[tilespmem:v6+s15+$0x0] =	vst.idx.add.f32.msk $0xffff, v14  }
0x40: {  	[tilespmem:v7+s15+$0x0] =	vst.idx.add.f32.msk $0xffff, v19  }
0x41: {  	[tilespmem:v3+s15+$0x0] =	vst.idx.add.f32.msk $0xffff, v19  }
0x42: {  	[tilespmem:v4+s15+$0x0] =	vst.idx.add.f32.msk $0xffff, v21  }
0x43: {  	[tilespmem:v35+s15+$0x0] =	vst.idx.add.f32.msk $0xffff, v21  }
0x44: {  	v3 =	vld.idx.msk [tilespmem:v2+s31+$0x430 ss:$0x1], $0xffff  }
0x45: {  	v4 =	vld.idx.msk [tilespmem:v1+s31+$0xFFFFFC00 ss:$0x1], $0xffff  }
0x46: {  	v5 =	vld.idx.msk [tilespmem:v2+s31+$0x420 ss:$0x1], $0xffff  }
0x47: {  	v6 =	vld.idx.msk [tilespmem:v1+s31+$0xFFFFFC10 ss:$0x1], $0xffff  }
0x48: {  	v7 =	vld.idx.msk [tilespmem:v2+s31+$0x440 ss:$0x1], $0xffff  }
0x49: {  	v8 =	vld.idx.msk [tilespmem:v2+s31+$0x400 ss:$0x1], $0xffff  }
0x4a: {  	v36 =	vld.idx.msk [tilespmem:v2+s31+$0x410 ss:$0x1], $0xffff  }
0x4b: {  	v10 =	vld.idx.msk [tilespmem:v1+s31+$0xFFFFFC50 ss:$0x1], $0xffff  }
0x4c: {  	v37 =	vld.idx.msk [tilespmem:v1+s31+$0xFFFFFC40 ss:$0x1], $0xffff  }
0x4d: {  	v12 =	vld.idx.msk [tilespmem:v1+s31+$0xFFFFFC20 ss:$0x1], $0xffff  }
0x4e: {  	v38 =	vld.idx.msk [tilespmem:v1+s31+$0xFFFFFC30 ss:$0x1], $0xffff  }
0x4f: {  	v14 =	vld.idx.msk [tilespmem:v2+s31+$0x450 ss:$0x1], $0xffff;
	v39 =	vand.u32 $0xFFFF, v8  }
0x50: {  	v40 =	vld.idx.msk [tilespmem:v2+s31+$0x460 ss:$0x1], $0xffff;
	v8 =	vshra.s32 v8, $0x10  }
0x51: {  	v18 =	vld.idx.msk [tilespmem:v2+s31+$0x470 ss:$0x1], $0xffff;
	v41 =	vand.u32 $0xFFFF, v36  }
0x52: {  	v19 =	vld.idx.msk [tilespmem:v1+s31+$0xFFFFFC60 ss:$0x1], $0xffff;
	v9 =	vshra.s32 v36, $0x10  }
0x53: {  	v21 =	vld.idx.msk [tilespmem:v1+s31+$0xFFFFFC70 ss:$0x1], $0xffff;
	v42 =	vand.u32 $0xFFFF, v5  }
0x54: {  	v5 =	vshra.s32 v5, $0x10;
	[tilespmem:v39+s15+$0x0] =	vst.idx.add.f32.msk $0xffff, v4  }
0x55: {  	v43 =	vand.u32 $0xFFFF, v3;
	[tilespmem:v8+s15+$0x0] =	vst.idx.add.f32.msk $0xffff, v4  }
0x56: {  	v3 =	vshra.s32 v3, $0x10;
	[tilespmem:v41+s15+$0x0] =	vst.idx.add.f32.msk $0xffff, v6  }
0x57: {  	v4 =	vand.u32 $0xFFFF, v7;
	[tilespmem:v9+s15+$0x0] =	vst.idx.add.f32.msk $0xffff, v6  }
0x58: {  	v6 =	vshra.s32 v7, $0x10;
	[tilespmem:v42+s15+$0x0] =	vst.idx.add.f32.msk $0xffff, v12  }
0x59: {  	v7 =	vand.u32 $0xFFFF, v14;
	[tilespmem:v5+s15+$0x0] =	vst.idx.add.f32.msk $0xffff, v12  }
0x5a: {  	v5 =	vshra.s32 v14, $0x10;
	[tilespmem:v43+s15+$0x0] =	vst.idx.add.f32.msk $0xffff, v38  }
0x5b: {  	v44 =	vand.u32 $0xFFFF, v40;
	[tilespmem:v3+s15+$0x0] =	vst.idx.add.f32.msk $0xffff, v38  }
0x5c: {  	v3 =	vshra.s32 v40, $0x10;
	[tilespmem:v4+s15+$0x0] =	vst.idx.add.f32.msk $0xffff, v37  }
0x5d: {  	v4 =	vand.u32 $0xFFFF, v18;
	[tilespmem:v6+s15+$0x0] =	vst.idx.add.f32.msk $0xffff, v37  }
0x5e: {  	v6 =	vshra.s32 v18, $0x10;
	[tilespmem:v7+s15+$0x0] =	vst.idx.add.f32.msk $0xffff, v10  }
0x5f: {  	[tilespmem:v5+s15+$0x0] =	vst.idx.add.f32.msk $0xffff, v10  }
0x60: {  	[tilespmem:v44+s15+$0x0] =	vst.idx.add.f32.msk $0xffff, v19  }
0x61: {  	[tilespmem:v3+s15+$0x0] =	vst.idx.add.f32.msk $0xffff, v19  }
0x62: {  	[tilespmem:v4+s15+$0x0] =	vst.idx.add.f32.msk $0xffff, v21  }
0x63: {  	[tilespmem:v6+s15+$0x0] =	vst.idx.add.f32.msk $0xffff, v21  }
0x64: {  	v3 =	vld.idx.msk [tilespmem:v1+s31+$0x20 ss:$0x1], $0xffff  }
0x65: {  	v4 =	vld.idx.msk [tilespmem:v2+s31+$0x830 ss:$0x1], $0xffff  }
0x66: {  	v5 =	vld.idx.msk [tilespmem:v1+s31+$0x0 ss:$0x1], $0xffff  }
0x67: {  	v6 =	vld.idx.msk [tilespmem:v2+s31+$0x820 ss:$0x1], $0xffff  }
0x68: {  	v7 =	vld.idx.msk [tilespmem:v2+s31+$0x810 ss:$0x1], $0xffff  }
0x69: {  	v8 =	vld.idx.msk [tilespmem:v2+s31+$0x800 ss:$0x1], $0xffff  }
0x6a: {  	v9 =	vld.idx.msk [tilespmem:v1+s31+$0x30 ss:$0x1], $0xffff  }
0x6b: {  	v10 =	vld.idx.msk [tilespmem:v1+s31+$0x10 ss:$0x1], $0xffff  }
0x6c: {  	v11 =	vld.idx.msk [tilespmem:v2+s31+$0x840 ss:$0x1], $0xffff  }
0x6d: {  	v12 =	vld.idx.msk [tilespmem:v2+s31+$0x850 ss:$0x1], $0xffff  }
0x6e: {  	v13 =	vld.idx.msk [tilespmem:v2+s31+$0x860 ss:$0x1], $0xffff  }
0x6f: {  	v45 =	vld.idx.msk [tilespmem:v2+s31+$0x870 ss:$0x1], $0xffff;
	v46 =	vand.u32 $0xFFFF, v8  }
0x70: {  	v47 =	vld.idx.msk [tilespmem:v1+s31+$0x60 ss:$0x1], $0xffff;
	v8 =	vshra.s32 v8, $0x10  }
0x71: {  	v49 =	vld.idx.msk [tilespmem:v1+s31+$0x50 ss:$0x1], $0xffff;
	v48 =	vand.u32 $0xFFFF, v7  }
0x72: {  	v19 =	vld.idx.msk [tilespmem:v1+s31+$0x40 ss:$0x1], $0xffff;
	v7 =	vshra.s32 v7, $0x10  }
0x73: {  	v21 =	vld.idx.msk [tilespmem:v1+s31+$0x70 ss:$0x1], $0xffff;
	v50 =	vand.u32 $0xFFFF, v6  }
0x74: {  	v6 =	vshra.s32 v6, $0x10;
	[tilespmem:v46+s15+$0x0] =	vst.idx.add.f32.msk $0xffff, v5  }
0x75: {  	[tilespmem:v8+s15+$0x0] =	vst.idx.add.f32.msk $0xffff, v5;
	v5 =	vand.u32 $0xFFFF, v4  }
0x76: {  	v4 =	vshra.s32 v4, $0x10;
	[tilespmem:v48+s15+$0x0] =	vst.idx.add.f32.msk $0xffff, v10  }
0x77: {  	v51 =	vand.u32 $0xFFFF, v11;
	[tilespmem:v7+s15+$0x0] =	vst.idx.add.f32.msk $0xffff, v10  }
0x78: {  	v7 =	vshra.s32 v11, $0x10;
	[tilespmem:v50+s15+$0x0] =	vst.idx.add.f32.msk $0xffff, v3  }
0x79: {  	v52 =	vand.u32 $0xFFFF, v12;
	[tilespmem:v6+s15+$0x0] =	vst.idx.add.f32.msk $0xffff, v3  }
0x7a: {  	v3 =	vshra.s32 v12, $0x10;
	[tilespmem:v5+s15+$0x0] =	vst.idx.add.f32.msk $0xffff, v9  }
0x7b: {  	[tilespmem:v4+s15+$0x0] =	vst.idx.add.f32.msk $0xffff, v9;
	v4 =	vand.u32 $0xFFFF, v13  }
0x7c: {  	v5 =	vshra.s32 v13, $0x10;
	[tilespmem:v51+s15+$0x0] =	vst.idx.add.f32.msk $0xffff, v19  }
0x7d: {  	v6 =	vand.u32 $0xFFFF, v45;
	[tilespmem:v7+s15+$0x0] =	vst.idx.add.f32.msk $0xffff, v19  }
0x7e: {  	v7 =	vshra.s32 v45, $0x10;
	[tilespmem:v52+s15+$0x0] =	vst.idx.add.f32.msk $0xffff, v49  }
0x7f: {  	[tilespmem:v3+s15+$0x0] =	vst.idx.add.f32.msk $0xffff, v49  }
0x80: {  	[tilespmem:v4+s15+$0x0] =	vst.idx.add.f32.msk $0xffff, v47  }
0x81: {  	[tilespmem:v5+s15+$0x0] =	vst.idx.add.f32.msk $0xffff, v47  }
0x82: {  	[tilespmem:v6+s15+$0x0] =	vst.idx.add.f32.msk $0xffff, v21  }
0x83: {  	[tilespmem:v7+s15+$0x0] =	vst.idx.add.f32.msk $0xffff, v21  }
0x84: {  	v4 =	vld.idx.msk [tilespmem:v1+s31+$0x410 ss:$0x1], $0xffff  }
0x85: {  	v5 =	vld.idx.msk [tilespmem:v1+s31+$0x400 ss:$0x1], $0xffff  }
0x86: {  	v3 =	vld.idx.msk [tilespmem:v2+s31+$0xC10 ss:$0x1], $0xffff  }
0x87: {  	v6 =	vld.idx.msk [tilespmem:v2+s31+$0xC20 ss:$0x1], $0xffff  }
0x88: {  	v7 =	vld.idx.msk [tilespmem:v2+s31+$0xC30 ss:$0x1], $0xffff  }
0x89: {  	v8 =	vld.idx.msk [tilespmem:v2+s31+$0xC00 ss:$0x1], $0xffff  }
0x8a: {  	v9 =	vld.idx.msk [tilespmem:v2+s31+$0xC40 ss:$0x1], $0xffff  }
0x8b: {  	v10 =	vld.idx.msk [tilespmem:v1+s31+$0x420 ss:$0x1], $0xffff  }
0x8c: {  	v53 =	vld.idx.msk [tilespmem:v2+s31+$0xC50 ss:$0x1], $0xffff  }
0x8d: {  	v54 =	vld.idx.msk [tilespmem:v2+s31+$0xC60 ss:$0x1], $0xffff  }
0x8e: {  	v55 =	vld.idx.msk [tilespmem:v1+s31+$0x430 ss:$0x1], $0xffff  }
0x8f: {  	v56 =	vld.idx.msk [tilespmem:v2+s31+$0xC70 ss:$0x1], $0xffff;
	v57 =	vand.u32 $0xFFFF, v8  }
0x90: {  	v16 =	vld.idx.msk [tilespmem:v1+s31+$0x440 ss:$0x1], $0xffff;
	v8 =	vshra.s32 v8, $0x10  }
0x91: {  	v18 =	vld.idx.msk [tilespmem:v1+s31+$0x450 ss:$0x1], $0xffff;
	v58 =	vand.u32 $0xFFFF, v3  }
0x92: {  	v20 =	vld.idx.msk [tilespmem:v1+s31+$0x460 ss:$0x1], $0xffff;
	v59 =	vshra.s32 v3, $0x10  }
0x93: {  	v60 =	vand.u32 $0xFFFF, v6;
	v3 =	vld.idx.msk [tilespmem:v1+s31+$0x470 ss:$0x1], $0xffff  }
0x94: {  	v6 =	vshra.s32 v6, $0x10;
	[tilespmem:v57+s15+$0x0] =	vst.idx.add.f32.msk $0xffff, v5  }
0x95: {  	[tilespmem:v8+s15+$0x0] =	vst.idx.add.f32.msk $0xffff, v5;
	v5 =	vand.u32 $0xFFFF, v7  }
0x96: {  	v7 =	vshra.s32 v7, $0x10;
	[tilespmem:v58+s15+$0x0] =	vst.idx.add.f32.msk $0xffff, v4  }
0x97: {  	v61 =	vand.u32 $0xFFFF, v9;
	[tilespmem:v59+s15+$0x0] =	vst.idx.add.f32.msk $0xffff, v4  }
0x98: {  	v4 =	vshra.s32 v9, $0x10;
	[tilespmem:v60+s15+$0x0] =	vst.idx.add.f32.msk $0xffff, v10  }
0x99: {  	v62 =	vand.u32 $0xFFFF, v53;
	[tilespmem:v6+s15+$0x0] =	vst.idx.add.f32.msk $0xffff, v10  }
0x9a: {  	v6 =	vshra.s32 v53, $0x10;
	[tilespmem:v5+s15+$0x0] =	vst.idx.add.f32.msk $0xffff, v55  }
0x9b: {  	v5 =	vand.u32 $0xFFFF, v54;
	[tilespmem:v7+s15+$0x0] =	vst.idx.add.f32.msk $0xffff, v55  }
0x9c: {  	v7 =	vshra.s32 v54, $0x10;
	[tilespmem:v61+s15+$0x0] =	vst.idx.add.f32.msk $0xffff, v16  }
0x9d: {  	v63 =	vand.u32 $0xFFFF, v56;
	[tilespmem:v4+s15+$0x0] =	vst.idx.add.f32.msk $0xffff, v16  }
0x9e: {  	v4 =	vshra.s32 v56, $0x10;
	[tilespmem:v62+s15+$0x0] =	vst.idx.add.f32.msk $0xffff, v18  }
0x9f: {  	[tilespmem:v6+s15+$0x0] =	vst.idx.add.f32.msk $0xffff, v18  }
0xa0: {  	[tilespmem:v5+s15+$0x0] =	vst.idx.add.f32.msk $0xffff, v20  }
0xa1: {  	[tilespmem:v7+s15+$0x0] =	vst.idx.add.f32.msk $0xffff, v20  }
0xa2: {  	s22 =	simm.s32 $0x200;
	[tilespmem:v63+s15+$0x0] =	vst.idx.add.f32.msk $0xffff, v3  }
.LBB2_10:
0xa3: {  	s23 =	sshra.s32 s22, $0x2;
	p2 =	seq.s32 s22, $0xE00;
	s22 =	sadd.s32 $0x200, s22;
	[tilespmem:v4+s15+$0x0] =	vst.idx.add.f32.msk $0xffff, v3  }
0xa4: {  	v3 =	vld.idx.msk [tilespmem:v1+s23+$0xFFFFF800 ss:$0x1], $0xffff  }
0xa5: {  	v4 =	vld.idx.msk [tilespmem:v2+s23+$0x10 ss:$0x1], $0xffff  }
0xa6: {  	v5 =	vld.idx.msk [tilespmem:v1+s23+$0xFFFFF810 ss:$0x1], $0xffff  }
0xa7: {  	v6 =	vld.idx.msk [tilespmem:v2+s23+$0x20 ss:$0x1], $0xffff  }
0xa8: {  	v7 =	vld.idx.msk [tilespmem:v2+s23+$0x40 ss:$0x1], $0xffff  }
0xa9: {  	v8 =	vld.idx.msk [tilespmem:v2+s23+$0x0 ss:$0x1], $0xffff  }
0xaa: {  	v9 =	vld.idx.msk [tilespmem:v2+s23+$0x30 ss:$0x1], $0xffff  }
0xab: {  	v10 =	vld.idx.msk [tilespmem:v1+s23+$0xFFFFF840 ss:$0x1], $0xffff  }
0xac: {  	v12 =	vand.u32 $0xFFFF, v4;
	v11 =	vld.idx.msk [tilespmem:v2+s23+$0x70 ss:$0x1], $0xffff  }
0xad: {  	v4 =	vshra.s32 v4, $0x10;
	v13 =	vld.idx.msk [tilespmem:v1+s23+$0xFFFFF820 ss:$0x1], $0xffff  }
0xae: {  	v14 =	vld.idx.msk [tilespmem:v2+s23+$0x50 ss:$0x1], $0xffff  }
0xaf: {  	v16 =	vand.u32 $0xFFFF, v8;
	v15 =	vld.idx.msk [tilespmem:v1+s23+$0xFFFFF850 ss:$0x1], $0xffff  }
0xb0: {  	v8 =	vshra.s32 v8, $0x10;
	v18 =	vand.u32 $0xFFFF, v9;
	v17 =	vld.idx.msk [tilespmem:v2+s23+$0x60 ss:$0x1], $0xffff  }
0xb1: {  	v9 =	vshra.s32 v9, $0x10;
	v19 =	vld.idx.msk [tilespmem:v1+s23+$0xFFFFF830 ss:$0x1], $0xffff  }
0xb2: {  	v21 =	vand.u32 $0xFFFF, v6;
	v22 =	vand.u32 $0xFFFF, v7;
	v20 =	vld.idx.msk [tilespmem:v1+s23+$0xFFFFF860 ss:$0x1], $0xffff  }
0xb3: {  	v6 =	vshra.s32 v6, $0x10;
	v7 =	vshra.s32 v7, $0x10;
	v23 =	vld.idx.msk [tilespmem:v1+s23+$0xFFFFF870 ss:$0x1], $0xffff  }
0xb4: {  	[tilespmem:v16+s15+$0x0] =	vst.idx.add.f32.msk $0xffff, v3;
	v16 =	vand.u32 $0xFFFF, v14  }
0xb5: {  	v14 =	vshra.s32 v14, $0x10;
	[tilespmem:v8+s15+$0x0] =	vst.idx.add.f32.msk $0xffff, v3  }
0xb6: {  	v3 =	vand.u32 $0xFFFF, v17;
	[tilespmem:v12+s15+$0x0] =	vst.idx.add.f32.msk $0xffff, v5  }
0xb7: {  	[tilespmem:v4+s15+$0x0] =	vst.idx.add.f32.msk $0xffff, v5  }
0xb8: {  	[tilespmem:v21+s15+$0x0] =	vst.idx.add.f32.msk $0xffff, v13  }
0xb9: {  	[tilespmem:v6+s15+$0x0] =	vst.idx.add.f32.msk $0xffff, v13  }
0xba: {  	[tilespmem:v18+s15+$0x0] =	vst.idx.add.f32.msk $0xffff, v19  }
0xbb: {  	v4 =	vshra.s32 v17, $0x10;
	[tilespmem:v9+s15+$0x0] =	vst.idx.add.f32.msk $0xffff, v19  }
0xbc: {  	[tilespmem:v22+s15+$0x0] =	vst.idx.add.f32.msk $0xffff, v10  }
0xbd: {  	v5 =	vand.u32 $0xFFFF, v11;
	[tilespmem:v7+s15+$0x0] =	vst.idx.add.f32.msk $0xffff, v10  }
0xbe: {  	v6 =	vshra.s32 v11, $0x10;
	[tilespmem:v16+s15+$0x0] =	vst.idx.add.f32.msk $0xffff, v15  }
0xbf: {  	[tilespmem:v14+s15+$0x0] =	vst.idx.add.f32.msk $0xffff, v15  }
0xc0: {  	[tilespmem:v3+s15+$0x0] =	vst.idx.add.f32.msk $0xffff, v20  }
0xc1: {  	[tilespmem:v4+s15+$0x0] =	vst.idx.add.f32.msk $0xffff, v20  }
0xc2: {  	[tilespmem:v5+s15+$0x0] =	vst.idx.add.f32.msk $0xffff, v23  }
0xc3: {  	[tilespmem:v6+s15+$0x0] =	vst.idx.add.f32.msk $0xffff, v23  }
0xc4: {  	v3 =	vld.idx.msk [tilespmem:v2+s23+$0x430 ss:$0x1], $0xffff  }
0xc5: {  	v4 =	vld.idx.msk [tilespmem:v1+s23+$0xFFFFFC00 ss:$0x1], $0xffff  }
0xc6: {  	v5 =	vld.idx.msk [tilespmem:v2+s23+$0x420 ss:$0x1], $0xffff  }
0xc7: {  	v6 =	vld.idx.msk [tilespmem:v1+s23+$0xFFFFFC10 ss:$0x1], $0xffff  }
0xc8: {  	v7 =	vld.idx.msk [tilespmem:v2+s23+$0x440 ss:$0x1], $0xffff  }
0xc9: {  	v8 =	vld.idx.msk [tilespmem:v2+s23+$0x400 ss:$0x1], $0xffff  }
0xca: {  	v9 =	vld.idx.msk [tilespmem:v2+s23+$0x410 ss:$0x1], $0xffff  }
0xcb: {  	v10 =	vld.idx.msk [tilespmem:v1+s23+$0xFFFFFC50 ss:$0x1], $0xffff  }
0xcc: {  	v11 =	vld.idx.msk [tilespmem:v1+s23+$0xFFFFFC40 ss:$0x1], $0xffff  }
0xcd: {  	v12 =	vld.idx.msk [tilespmem:v1+s23+$0xFFFFFC20 ss:$0x1], $0xffff  }
0xce: {  	v14 =	vand.u32 $0xFFFF, v5;
	v13 =	vld.idx.msk [tilespmem:v1+s23+$0xFFFFFC30 ss:$0x1], $0xffff  }
0xcf: {  	v16 =	vshra.s32 v8, $0x10;
	v8 =	vand.u32 $0xFFFF, v8;
	v15 =	vld.idx.msk [tilespmem:v2+s23+$0x450 ss:$0x1], $0xffff  }
0xd0: {  	v19 =	vand.u32 $0xFFFF, v3;
	v5 =	vshra.s32 v5, $0x10;
	v18 =	vand.u32 $0xFFFF, v9;
	v17 =	vld.idx.msk [tilespmem:v2+s23+$0x460 ss:$0x1], $0xffff  }
0xd1: {  	v9 =	vshra.s32 v9, $0x10;
	v20 =	vld.idx.msk [tilespmem:v2+s23+$0x470 ss:$0x1], $0xffff  }
0xd2: {  	v3 =	vshra.s32 v3, $0x10;
	v21 =	vld.idx.msk [tilespmem:v1+s23+$0xFFFFFC60 ss:$0x1], $0xffff  }
0xd3: {  	v22 =	vld.idx.msk [tilespmem:v1+s23+$0xFFFFFC70 ss:$0x1], $0xffff  }
0xd4: {  	[tilespmem:v8+s15+$0x0] =	vst.idx.add.f32.msk $0xffff, v4  }
0xd5: {  	[tilespmem:v16+s15+$0x0] =	vst.idx.add.f32.msk $0xffff, v4  }
0xd6: {  	v4 =	vand.u32 $0xFFFF, v15;
	[tilespmem:v18+s15+$0x0] =	vst.idx.add.f32.msk $0xffff, v6  }
0xd7: {  	v8 =	vshra.s32 v15, $0x10;
	[tilespmem:v9+s15+$0x0] =	vst.idx.add.f32.msk $0xffff, v6;
	v6 =	vand.u32 $0xFFFF, v7  }
0xd8: {  	v7 =	vshra.s32 v7, $0x10;
	v9 =	vand.u32 $0xFFFF, v17;
	[tilespmem:v14+s15+$0x0] =	vst.idx.add.f32.msk $0xffff, v12  }
0xd9: {  	v14 =	vshra.s32 v17, $0x10;
	[tilespmem:v5+s15+$0x0] =	vst.idx.add.f32.msk $0xffff, v12  }
0xda: {  	[tilespmem:v19+s15+$0x0] =	vst.idx.add.f32.msk $0xffff, v13  }
0xdb: {  	[tilespmem:v3+s15+$0x0] =	vst.idx.add.f32.msk $0xffff, v13;
	v3 =	vand.u32 $0xFFFF, v20  }
0xdc: {  	[tilespmem:v6+s15+$0x0] =	vst.idx.add.f32.msk $0xffff, v11  }
0xdd: {  	v5 =	vshra.s32 v20, $0x10;
	[tilespmem:v7+s15+$0x0] =	vst.idx.add.f32.msk $0xffff, v11  }
0xde: {  	[tilespmem:v4+s15+$0x0] =	vst.idx.add.f32.msk $0xffff, v10  }
0xdf: {  	[tilespmem:v8+s15+$0x0] =	vst.idx.add.f32.msk $0xffff, v10  }
0xe0: {  	[tilespmem:v9+s15+$0x0] =	vst.idx.add.f32.msk $0xffff, v21  }
0xe1: {  	[tilespmem:v14+s15+$0x0] =	vst.idx.add.f32.msk $0xffff, v21  }
0xe2: {  	[tilespmem:v3+s15+$0x0] =	vst.idx.add.f32.msk $0xffff, v22  }
0xe3: {  	[tilespmem:v5+s15+$0x0] =	vst.idx.add.f32.msk $0xffff, v22  }
0xe4: {  	v3 =	vld.idx.msk [tilespmem:v1+s23+$0x20 ss:$0x1], $0xffff  }
0xe5: {  	v4 =	vld.idx.msk [tilespmem:v2+s23+$0x830 ss:$0x1], $0xffff  }
0xe6: {  	v5 =	vld.idx.msk [tilespmem:v1+s23+$0x0 ss:$0x1], $0xffff  }
0xe7: {  	v6 =	vld.idx.msk [tilespmem:v2+s23+$0x820 ss:$0x1], $0xffff  }
0xe8: {  	v7 =	vld.idx.msk [tilespmem:v2+s23+$0x810 ss:$0x1], $0xffff  }
0xe9: {  	v8 =	vld.idx.msk [tilespmem:v2+s23+$0x800 ss:$0x1], $0xffff  }
0xea: {  	v9 =	vld.idx.msk [tilespmem:v1+s23+$0x30 ss:$0x1], $0xffff  }
0xeb: {  	v10 =	vld.idx.msk [tilespmem:v1+s23+$0x10 ss:$0x1], $0xffff  }
0xec: {  	v11 =	vld.idx.msk [tilespmem:v2+s23+$0x840 ss:$0x1], $0xffff  }
0xed: {  	v12 =	vld.idx.msk [tilespmem:v2+s23+$0x850 ss:$0x1], $0xffff  }
0xee: {  	v14 =	vshra.s32 v7, $0x10;
	v13 =	vld.idx.msk [tilespmem:v2+s23+$0x860 ss:$0x1], $0xffff  }
0xef: {  	v16 =	vand.u32 $0xFFFF, v8;
	v15 =	vld.idx.msk [tilespmem:v2+s23+$0x870 ss:$0x1], $0xffff  }
0xf0: {  	v7 =	vand.u32 $0xFFFF, v7;
	v8 =	vshra.s32 v8, $0x10;
	v17 =	vld.idx.msk [tilespmem:v1+s23+$0x60 ss:$0x1], $0xffff  }
0xf1: {  	v18 =	vld.idx.msk [tilespmem:v1+s23+$0x50 ss:$0x1], $0xffff  }
0xf2: {  	v20 =	vand.u32 $0xFFFF, v6;
	v19 =	vld.idx.msk [tilespmem:v1+s23+$0x40 ss:$0x1], $0xffff  }
0xf3: {  	v21 =	vld.idx.msk [tilespmem:v1+s23+$0x70 ss:$0x1], $0xffff  }
0xf4: {  	v6 =	vshra.s32 v6, $0x10;
	[tilespmem:v16+s15+$0x0] =	vst.idx.add.f32.msk $0xffff, v5  }
0xf5: {  	[tilespmem:v8+s15+$0x0] =	vst.idx.add.f32.msk $0xffff, v5;
	v5 =	vand.u32 $0xFFFF, v4  }
0xf6: {  	v4 =	vshra.s32 v4, $0x10;
	[tilespmem:v7+s15+$0x0] =	vst.idx.add.f32.msk $0xffff, v10;
	v7 =	vand.u32 $0xFFFF, v11  }
0xf7: {  	v8 =	vshra.s32 v11, $0x10;
	[tilespmem:v14+s15+$0x0] =	vst.idx.add.f32.msk $0xffff, v10  }
0xf8: {  	v10 =	vand.u32 $0xFFFF, v12;
	[tilespmem:v20+s15+$0x0] =	vst.idx.add.f32.msk $0xffff, v3  }
0xf9: {  	[tilespmem:v6+s15+$0x0] =	vst.idx.add.f32.msk $0xffff, v3  }
0xfa: {  	v3 =	vshra.s32 v12, $0x10;
	[tilespmem:v5+s15+$0x0] =	vst.idx.add.f32.msk $0xffff, v9  }
0xfb: {  	[tilespmem:v4+s15+$0x0] =	vst.idx.add.f32.msk $0xffff, v9;
	v4 =	vand.u32 $0xFFFF, v13  }
0xfc: {  	v5 =	vshra.s32 v13, $0x10;
	[tilespmem:v7+s15+$0x0] =	vst.idx.add.f32.msk $0xffff, v19  }
0xfd: {  	v6 =	vand.u32 $0xFFFF, v15;
	[tilespmem:v8+s15+$0x0] =	vst.idx.add.f32.msk $0xffff, v19  }
0xfe: {  	v7 =	vshra.s32 v15, $0x10;
	[tilespmem:v10+s15+$0x0] =	vst.idx.add.f32.msk $0xffff, v18  }
0xff: {  	[tilespmem:v3+s15+$0x0] =	vst.idx.add.f32.msk $0xffff, v18  }
0x100: {  	[tilespmem:v4+s15+$0x0] =	vst.idx.add.f32.msk $0xffff, v17  }
0x101: {  	[tilespmem:v5+s15+$0x0] =	vst.idx.add.f32.msk $0xffff, v17  }
0x102: {  	[tilespmem:v6+s15+$0x0] =	vst.idx.add.f32.msk $0xffff, v21  }
0x103: {  	[tilespmem:v7+s15+$0x0] =	vst.idx.add.f32.msk $0xffff, v21  }
0x104: {  	v4 =	vld.idx.msk [tilespmem:v1+s23+$0x410 ss:$0x1], $0xffff  }
0x105: {  	v5 =	vld.idx.msk [tilespmem:v1+s23+$0x400 ss:$0x1], $0xffff  }
0x106: {  	v3 =	vld.idx.msk [tilespmem:v2+s23+$0xC10 ss:$0x1], $0xffff  }
0x107: {  	v6 =	vld.idx.msk [tilespmem:v2+s23+$0xC20 ss:$0x1], $0xffff  }
0x108: {  	v7 =	vld.idx.msk [tilespmem:v2+s23+$0xC30 ss:$0x1], $0xffff  }
0x109: {  	v8 =	vld.idx.msk [tilespmem:v2+s23+$0xC00 ss:$0x1], $0xffff  }
0x10a: {  	v9 =	vld.idx.msk [tilespmem:v2+s23+$0xC40 ss:$0x1], $0xffff  }
0x10b: {  	v10 =	vld.idx.msk [tilespmem:v1+s23+$0x420 ss:$0x1], $0xffff  }
0x10c: {  	v11 =	vld.idx.msk [tilespmem:v2+s23+$0xC50 ss:$0x1], $0xffff  }
0x10d: {  	v13 =	vshra.s32 v3, $0x10;
	v12 =	vld.idx.msk [tilespmem:v2+s23+$0xC60 ss:$0x1], $0xffff  }
0x10e: {  	v15 =	vand.u32 $0xFFFF, v6;
	v14 =	vld.idx.msk [tilespmem:v1+s23+$0x430 ss:$0x1], $0xffff  }
0x10f: {  	v6 =	vshra.s32 v6, $0x10;
	v17 =	vand.u32 $0xFFFF, v8;
	v16 =	vld.idx.msk [tilespmem:v2+s23+$0xC70 ss:$0x1], $0xffff  }
0x110: {  	v19 =	vand.u32 $0xFFFF, v3;
	v8 =	vshra.s32 v8, $0x10;
	v18 =	vld.idx.msk [tilespmem:v1+s23+$0x440 ss:$0x1], $0xffff  }
0x111: {  	v21 =	vshra.s32 v7, $0x10;
	v20 =	vld.idx.msk [tilespmem:v1+s23+$0x450 ss:$0x1], $0xffff  }
0x112: {  	v23 =	vand.u32 $0xFFFF, v9;
	v22 =	vld.idx.msk [tilespmem:v1+s23+$0x460 ss:$0x1], $0xffff  }
0x113: {  	v9 =	vshra.s32 v9, $0x10;
	v3 =	vld.idx.msk [tilespmem:v1+s23+$0x470 ss:$0x1], $0xffff  }
0x114: {  	[tilespmem:v17+s15+$0x0] =	vst.idx.add.f32.msk $0xffff, v5  }
0x115: {  	[tilespmem:v8+s15+$0x0] =	vst.idx.add.f32.msk $0xffff, v5;
	v5 =	vand.u32 $0xFFFF, v7  }
0x116: {  	[tilespmem:v19+s15+$0x0] =	vst.idx.add.f32.msk $0xffff, v4  }
0x117: {  	[tilespmem:v13+s15+$0x0] =	vst.idx.add.f32.msk $0xffff, v4  }
0x118: {  	v7 =	vand.u32 $0xFFFF, v11;
	[tilespmem:v15+s15+$0x0] =	vst.idx.add.f32.msk $0xffff, v10  }
0x119: {  	[tilespmem:v6+s15+$0x0] =	vst.idx.add.f32.msk $0xffff, v10  }
0x11a: {  	v6 =	vshra.s32 v11, $0x10;
	[tilespmem:v5+s15+$0x0] =	vst.idx.add.f32.msk $0xffff, v14  }
0x11b: {  	v5 =	vand.u32 $0xFFFF, v12;
	[tilespmem:v21+s15+$0x0] =	vst.idx.add.f32.msk $0xffff, v14  }
0x11c: {  	v8 =	vshra.s32 v12, $0x10;
	[tilespmem:v23+s15+$0x0] =	vst.idx.add.f32.msk $0xffff, v18  }
0x11d: {  	[tilespmem:v9+s15+$0x0] =	vst.idx.add.f32.msk $0xffff, v18;
	v9 =	vand.u32 $0xFFFF, v16  }
.Ltmp2:
0x11e: {  	v4 =	vshra.s32 v16, $0x10;
	[tilespmem:v7+s15+$0x0] =	vst.idx.add.f32.msk $0xffff, v20;
	(pc) =	sbr.rel @!p2 .LBB2_10-.Ltmp2, $4  }
0x11f: {  	[tilespmem:v6+s15+$0x0] =	vst.idx.add.f32.msk $0xffff, v20  }
0x120: {  	[tilespmem:v5+s15+$0x0] =	vst.idx.add.f32.msk $0xffff, v22  }
0x121: {  	[tilespmem:v8+s15+$0x0] =	vst.idx.add.f32.msk $0xffff, v22  }
0x122: {  	[tilespmem:v9+s15+$0x0] =	vst.idx.add.f32.msk $0xffff, v3  }
0x123: {  	_ =	sdelay $0x3  }
0x124: {  	[tilespmem:v4+s15+$0x0] =	vst.idx.add.f32.msk $0xffff, v3  }
0x125: {  	p2 =	seq.s32 s21, s7  }
.Ltmp3:
0x126: {  	_ = 	snop;
	(pc) =	sbr.rel @!p2 .LBB2_9-.Ltmp3, $2  }
0x127: {  	_ =	sdelay $0x2  }
0x128: {  	p1 =	por !p1, !p1  }
.LBB2_4:
0x129: {  	s22 =	simm.s32 $0x0  }
0x12a: {  	v1 =	vld [tilespmem:s22+$0x4000]  }
0x12b: {  	v2 =	vld [tilespmem:s22+$0x42D1];
	_ =	sdelay $0x1  }
0x12c: {  	v3 =	vld [tilespmem:s22+$0x45A2];
	_ =	sdelay $0x1  }
0x12d: {  	v4 =	vld [tilespmem:s22+$0x4873]  }
0x12e: {  	v1 =	vadd.f32 v2, v1  }
0x12f: {  	v2 =	vld [tilespmem:s22+$0x4B44]  }
0x130: {  	v1 =	vadd.f32 v3, v1  }
0x131: {  	v3 =	vld [tilespmem:s22+$0x4E15]  }
0x132: {  	v1 =	vadd.f32 v4, v1  }
0x133: {  	v4 =	vld [tilespmem:s22+$0x50E6]  }
0x134: {  	v1 =	vadd.f32 v2, v1  }
0x135: {  	v2 =	vld [tilespmem:s22+$0x53B7]  }
0x136: {  	s21 =	simm.s32 $0x10;
	v5 =	vld [tilespmem:s22+$0x5688];
	v1 =	vadd.f32 v3, v1  }
0x137: {  	v6 =	vld [tilespmem:s21+$0x4000]  }
0x138: {  	v3 =	vld [tilespmem:s22+$0x5959];
	v1 =	vadd.f32 v4, v1  }
0x139: {  	v4 =	vld [tilespmem:s21+$0x42D1]  }
0x13a: {  	v7 =	vld [tilespmem:s21+$0x45A2];
	v1 =	vadd.f32 v2, v1  }
0x13b: {  	v2 =	vld [tilespmem:s22+$0x5C2A]  }
0x13c: {  	v8 =	vld [tilespmem:s21+$0x4873];
	v1 =	vadd.f32 v5, v1  }
0x13d: {  	v5 =	vld [tilespmem:s22+$0x5EFB]  }
0x13e: {  	v4 =	vadd.f32 v4, v6;
	v6 =	vld [tilespmem:s21+$0x4B44];
	v1 =	vadd.f32 v3, v1  }
0x13f: {  	v3 =	vld [tilespmem:s22+$0x61CC]  }
0x140: {  	v4 =	vadd.f32 v7, v4;
	v7 =	vld [tilespmem:s21+$0x4E15];
	v1 =	vadd.f32 v2, v1  }
0x141: {  	v2 =	vld [tilespmem:s22+$0x649D]  }
0x142: {  	v9 =	vld [tilespmem:s21+$0x50E6];
	v4 =	vadd.f32 v8, v4;
	v1 =	vadd.f32 v5, v1  }
0x143: {  	v8 =	vld [tilespmem:s22+$0x676E]  }
0x144: {  	v5 =	vadd.f32 v6, v4;
	v4 =	vld [tilespmem:s21+$0x53B7];
	v6 =	vadd.f32 v3, v1  }
0x145: {  	v3 =	vld [tilespmem:s22+$0x6A3F]  }
0x146: {  	v1 =	vld [tilespmem:s21+$0x5959];
	v7 =	vadd.f32 v7, v5;
	v10 =	vadd.f32 v2, v6  }
0x147: {  	s23 =	simm.s32 $0x20;
	v5 =	vld [tilespmem:s21+$0x5688]  }
0x148: {  	s24 =	simm.s32 $0xC0;
	v2 =	vld [tilespmem:s23+$0x4000];
	v6 =	vadd.f32 v9, v7;
	v7 =	vadd.f32 v8, v10  }
.LBB2_5:
0x149: {  	p1 =	sne.s32 s24, $0xB00;
	v8 =	vld [tilespmem:s23+$0x42D1]  }
0x14a: {  	v4 =	vadd.f32 v4, v6;
	v6 =	vld [tilespmem:s21+$0x5C2A];
	v3 =	vadd.f32 v3, v7  }
0x14b: {  	v7 =	vld [tilespmem:s23+$0x45A2]  }
0x14c: {  	v4 =	vadd.f32 v5, v4;
	v5 =	vld [tilespmem:s21+$0x5EFB];
	[tilespmem:s22+$0x6D80] =	vst v3;
	s22 =	smov.u32 s21;
	s21 =	smov.u32 s23  }
0x14d: {  	v3 =	vld [tilespmem:s21+$0x4873]  }
0x14e: {  	v2 =	vadd.f32 v8, v2;
	v1 =	vadd.f32 v1, v4;
	v4 =	vld [tilespmem:s22+$0x61CC]  }
0x14f: {  	v8 =	vld [tilespmem:s21+$0x4B44]  }
0x150: {  	v2 =	vadd.f32 v7, v2;
	v1 =	vadd.f32 v6, v1;
	v6 =	vld [tilespmem:s22+$0x649D]  }
0x151: {  	v7 =	vld [tilespmem:s21+$0x4E15]  }
0x152: {  	v2 =	vadd.f32 v3, v2;
	v1 =	vadd.f32 v5, v1;
	v9 =	vld [tilespmem:s22+$0x676E]  }
0x153: {  	v10 =	vld [tilespmem:s21+$0x50E6]  }
.Ltmp4:
0x154: {  	v2 =	vadd.f32 v8, v2;
	v5 =	vadd.f32 v4, v1;
	v3 =	vld [tilespmem:s22+$0x6A3F];
	(pc) =	sbr.rel @p1 .LBB2_5-.Ltmp4, $4  }
0x155: {  	v4 =	vld [tilespmem:s21+$0x53B7]  }
0x156: {  	v7 =	vadd.f32 v7, v2;
	v1 =	vld [tilespmem:s21+$0x5959];
	v8 =	vadd.f32 v6, v5  }
0x157: {  	s23 =	sshra.s32 s24, $0x2;
	v5 =	vld [tilespmem:s21+$0x5688]  }
0x158: {  	s24 =	sadd.s32 $0x40, s24;
	v2 =	vld [tilespmem:s23+$0x4000];
	v6 =	vadd.f32 v10, v7;
	v7 =	vadd.f32 v9, v8  }
0x159: {  	v8 =	vld [tilespmem:s23+$0x42D1]  }
0x15a: {  	v9 =	vld [tilespmem:s21+$0x5C2A];
	v3 =	vadd.f32 v3, v7  }
0x15b: {  	v52 =	vld [tilespmem:s23+$0x45A2]  }
0x15c: {  	v10 =	vld [tilespmem:s21+$0x5EFB];
	v4 =	vadd.f32 v4, v6;
	[tilespmem:s22+$0x6D80] =	vst v3  }
0x15d: {  	v3 =	vld [tilespmem:s23+$0x4873]  }
0x15e: {  	v4 =	vadd.f32 v5, v4;
	v2 =	vadd.f32 v8, v2  }
0x15f: {  	v53 =	vld [tilespmem:s23+$0x4B44]  }
0x160: {  	v54 =	vld [tilespmem:s21+$0x61CC];
	v1 =	vadd.f32 v1, v4;
	v2 =	vadd.f32 v52, v2  }
0x161: {  	v55 =	vld [tilespmem:s23+$0x4E15]  }
0x162: {  	v56 =	vld [tilespmem:s21+$0x649D];
	v1 =	vadd.f32 v9, v1;
	v2 =	vadd.f32 v3, v2  }
0x163: {  	v3 =	vld [tilespmem:s23+$0x50E6]  }
0x164: {  	v57 =	vld [tilespmem:s21+$0x676E];
	v1 =	vadd.f32 v10, v1;
	v2 =	vadd.f32 v53, v2  }
0x165: {  	v58 =	vld [tilespmem:s23+$0x53B7]  }
0x166: {  	v59 =	vld [tilespmem:s21+$0x6A3F];
	v1 =	vadd.f32 v54, v1;
	v2 =	vadd.f32 v55, v2  }
0x167: {  	v60 =	vld [tilespmem:s23+$0x5688]  }
0x168: {  	v1 =	vadd.f32 v56, v1;
	v2 =	vadd.f32 v3, v2  }
0x169: {  	v3 =	vld [tilespmem:s23+$0x5959]  }
0x16a: {  	v1 =	vadd.f32 v57, v1;
	v2 =	vadd.f32 v58, v2  }
0x16b: {  	v61 =	vld [tilespmem:s23+$0x5C2A]  }
0x16c: {  	v1 =	vadd.f32 v59, v1;
	v2 =	vadd.f32 v60, v2  }
0x16d: {  	v62 =	vld [tilespmem:s23+$0x5EFB]  }
0x16e: {  	[tilespmem:s21+$0x6D80] =	vst v1;
	v1 =	vadd.f32 v3, v2  }
0x16f: {  	v2 =	vld [tilespmem:s23+$0x61CC]  }
0x170: {  	v1 =	vadd.f32 v61, v1  }
0x171: {  	v3 =	vld [tilespmem:s23+$0x649D]  }
0x172: {  	v1 =	vadd.f32 v62, v1  }
0x173: {  	v63 =	vld [tilespmem:s23+$0x676E]  }
0x174: {  	v1 =	vadd.f32 v2, v1  }
0x175: {  	v2 =	vld [tilespmem:s23+$0x6A3F]  }
0x176: {  	v1 =	vadd.f32 v3, v1;
	_ =	sdelay $0x1  }
0x177: {  	v1 =	vadd.f32 v63, v1;
	_ =	sdelay $0x1  }
0x178: {  	s20 =	sadd.s32 $0x1, s20;
	v1 =	vadd.f32 v2, v1  }
0x179: {  	p1 =	sne.s32 s20, s11  }
.Ltmp5:
0x17a: {  	[tilespmem:s23+$0x6D80] =	vst v1;
	(pc) =	sbr.rel @p1 .LBB2_1-.Ltmp5, $4  }
0x17b: {  	[hbm4b:s10+s16] =	stream.strided.scatter [tilespmem:s18], [sflag:$0x3], $0x300, s17, s16, $0x38;
	[tilespmem:$0x7080] =	vst v63  }
0x17c: {  	_ =	swait.ge [sflag:s19], $0x300  }
0x17d: {  	[sflag:s19] =	ssyncset.done $0x0  }
0x17e: {  	[sflag:s19] =	ssyncadd.s32 $0xFFFFFD00  }
0x17f: {  	_ =	sfence.sel $0x180000  }
0x180: {  	[bflag:$0x0] =	sbarrier.arrive $0xFFFF  }
0x181: {  	p0 =	sne.s32 s0, $0x0;
	_ =	strace $0x9000004A  }
0x182: {  	s0 =	sadd.s32 @!p0 $0x100000, s1;
	[bflag:$0x2] =	sbarrier.arrive $0xFFFF  }
0x183: {  	[sflag:s0] =	ssyncadd.tile.s32 @!p0 $0x1;
	_ =	shalt  }
.Lfunc_end2:
_tile_overlayer_lowered:
.L_overlay_start_2:
0x184: {  	(tag) =	ssettag $0x2  }
0x185: {  	s0 =	rddreg [dreg:$0x0];
	s2 =	stileid.u32  }
0x186: {  	s1 =	rddreg [dreg:$0x1];
	p0 =	sne.s32 s2, $0x0  }
0x187: {  	s3 =	rddreg [dreg:$0x2];
	[bflag:$0x3] =	sbarrier.arrive $0xFFFF;
	s2 =	simm.s32 @!p0 $0x1C03  }
0x188: {  	[timem:s3], [sflag:s2] =	dma.local @!p0 [hbm:s0], s1  }
0x189: {  	s0 =	simm.s32 @!p0 $0x3  }
0x18a: {  	_ =	swait.ge @!p0 [sflag:s0], s1  }
0x18b: {  	s1 =	ssub.s32 @!p0 $0x0, s1;
	[sflag:s0] =	ssyncset.done @!p0 $0x0  }
0x18c: {  	[sflag:s0] =	ssyncadd.s32 @!p0 s1  }
0x18d: {  	[bflag:$0x3] =	sbarrier.arrive $0xFFFF  }
0x18e: {  	_ =	shalt  }

</sc_bundles>
